<compile_context>
chip_gen: v7x
topology: tpu7x:2x2x1
jax: 0.10.2.dev20260603
libtpu: 0.0.44.dev20260713+nightly
codegen_flags: <defaults>
</compile_context>

<pallas_src>
import functools

import jax
import jax.numpy as jnp
from jax import lax
from jax.experimental import pallas as pl
from jax.experimental.pallas import tpu as pltpu
from jax.experimental.pallas import tpu_sc as plsc

N_USER = 5000
N = 10000
D = 128
E = 320000
NUM_LAYERS = 3

NC, NS = 2, 16
NW = NC * NS
W = 128
NWIN = 80
NSUB = 4
SUBW = W // NSUB
EW_PAD = NWIN * W
E_PAD = NW * EW_PAD
N_ACC = 10240
DEG_W = 128
ROWS_PER_SUB = N_ACC // NS

_mesh = lambda: plsc.VectorSubcoreMesh(core_axis_name="c", subcore_axis_name="s")


def _fill_buf(buf, rows, width, value):
    chunks = width // 16

    def body(r, _):
        for c in range(chunks):
            buf[r, pl.ds(c * 16, 16)] = jnp.full((16,), value, jnp.float32)
        return 0

    lax.fori_loop(0, rows, body, 0)


def _zero_acc(acc, gbuf, sid):
    base = sid * ROWS_PER_SUB
    for k in range(ROWS_PER_SUB // W):
        pltpu.sync_copy(gbuf, acc.at[pl.ds(base + k * W, W)])


def _copy_out(acc, out_hbm, cid, sid):
    base = sid * ROWS_PER_SUB
    pltpu.sync_copy(acc.at[pl.ds(base, ROWS_PER_SUB)],
                    out_hbm.at[cid, pl.ds(base, ROWS_PER_SUB)])


def _unpack_win(packed_v, j, row_win, col_win):
    for c in range(W // 16):
        v = packed_v[j, pl.ds(c * 16, 16)]
        if row_win is not None:
            row_win[0, pl.ds(c * 16, 16)] = lax.shift_right_logical(v, 14)
        col_win[0, pl.ds(c * 16, 16)] = lax.bitwise_and(
            v, jnp.full((16,), 16383, jnp.int32))


def _make_scatter_kernel(gather):
    if gather:
        @functools.partial(
            pl.kernel,
            out_type=jax.ShapeDtypeStruct((NC, N_ACC, D), jnp.float32),
            mesh=_mesh(),
            scratch_types=[
                pltpu.VMEM((NWIN, W), jnp.int32),
                pltpu.VMEM((1, W), jnp.int32),
                pltpu.VMEM((1, W), jnp.int32),
                pltpu.VMEM((1, W), jnp.int32),
                pltpu.VMEM((1, W), jnp.int32),
                pltpu.VMEM((W, D), jnp.float32),
                pltpu.VMEM((W, D), jnp.float32),
                pltpu.VMEM_SHARED((N_ACC, D), jnp.float32),
                pltpu.SemaphoreType.DMA,
                pltpu.SemaphoreType.DMA,
            ],
        )
        def prop_kernel(y_hbm, packed_hbm, out_hbm,
                        packed_v, row0, row1, col0, col1, g0, g1, acc,
                        sem0, sem1):
            cid = lax.axis_index("c")
            sid = lax.axis_index("s")
            wid = cid * NS + sid
            pltpu.sync_copy(packed_hbm.at[wid], packed_v)
            _fill_buf(g0, W, D, 0.0)
            _zero_acc(acc, g0, sid)
            plsc.subcore_barrier()

            def gsub(row_win, buf, sem, q):
                return pltpu.make_async_copy(
                    y_hbm.at[row_win.at[0, pl.ds(q * SUBW, SUBW)]],
                    buf.at[pl.ds(q * SUBW, SUBW)], sem)

            def gstart(row_win, buf, sem):
                for q in range(NSUB):
                    gsub(row_win, buf, sem, q).start()

            def gwait(row_win, buf, sem):
                for q in range(NSUB):
                    gsub(row_win, buf, sem, q).wait()

            _unpack_win(packed_v, 0, row0, col0)
            _unpack_win(packed_v, 1, row1, col1)
            gstart(row0, g0, sem0)
            gstart(row1, g1, sem1)

            def body(t, _):
                j0 = 2 * t
                gwait(row0, g0, sem0)
                pltpu.sync_copy(g0, acc.at[col0.at[0]], add=True)

                @pl.when(t < NWIN // 2 - 1)
                def _():
                    _unpack_win(packed_v, j0 + 2, row0, col0)
                    gstart(row0, g0, sem0)

                gwait(row1, g1, sem1)
                pltpu.sync_copy(g1, acc.at[col1.at[0]], add=True)

                @pl.when(t < NWIN // 2 - 1)
                def _():
                    _unpack_win(packed_v, j0 + 3, row1, col1)
                    gstart(row1, g1, sem1)

                return 0

            lax.fori_loop(0, NWIN // 2, body, 0)
            plsc.subcore_barrier()
            _copy_out(acc, out_hbm, cid, sid)

        return prop_kernel

    @functools.partial(
        pl.kernel,
        out_type=jax.ShapeDtypeStruct((NC, N_ACC, DEG_W), jnp.float32),
        mesh=_mesh(),
        scratch_types=[
            pltpu.VMEM((NWIN, W), jnp.int32),
            pltpu.VMEM((1, W), jnp.int32),
            pltpu.VMEM((W, DEG_W), jnp.float32),
            pltpu.VMEM_SHARED((N_ACC, DEG_W), jnp.float32),
        ],
    )
    def deg_kernel(packed_hbm, out_hbm, packed_v, col0, gbuf, acc):
        cid = lax.axis_index("c")
        sid = lax.axis_index("s")
        wid = cid * NS + sid
        pltpu.sync_copy(packed_hbm.at[wid], packed_v)
        _fill_buf(gbuf, W, DEG_W, 0.0)
        base = sid * ROWS_PER_SUB
        for k in range(ROWS_PER_SUB // W):
            pltpu.sync_copy(gbuf, acc.at[pl.ds(base + k * W, W)])
        _fill_buf(gbuf, W, DEG_W, 1.0)
        plsc.subcore_barrier()

        def body(j, _):
            _unpack_win(packed_v, j, None, col0)
            pltpu.sync_copy(gbuf, acc.at[col0.at[0]], add=True)
            return 0

        lax.fori_loop(0, NWIN, body, 0)
        plsc.subcore_barrier()
        _copy_out(acc, out_hbm, cid, sid)

    return deg_kernel


_BN = 2000


def _tc_dinv_y0(deg2, emb):

    def body(deg_ref, emb_ref, dinv_ref, y0_ref):
        d = deg_ref[0, :, 0:1] + deg_ref[1, :, 0:1]
        dv = jnp.where(d > 0, lax.rsqrt(jnp.maximum(d, 1.0)), 0.0)
        dinv_ref[...] = dv
        y0_ref[...] = emb_ref[...] * dv

    return pl.pallas_call(
        body,
        grid=(N // _BN,),
        in_specs=[
            pl.BlockSpec((NC, _BN, DEG_W), lambda i: (0, i, 0)),
            pl.BlockSpec((_BN, D), lambda i: (i, 0)),
        ],
        out_specs=[
            pl.BlockSpec((_BN, 1), lambda i: (i, 0)),
            pl.BlockSpec((_BN, D), lambda i: (i, 0)),
        ],
        out_shape=[
            jax.ShapeDtypeStruct((N, 1), jnp.float32),
            jax.ShapeDtypeStruct((N, D), jnp.float32),
        ],
    )(deg2, emb)


def _tc_layer(acc2, dinv, xout, last):

    def body_mid(acc_ref, dinv_ref, xout_ref, y_ref, xo_ref):
        dv = dinv_ref[...]
        x = (acc_ref[0] + acc_ref[1]) * dv
        xo_ref[...] = xout_ref[...] + x
        y_ref[...] = x * dv

    def body_last(acc_ref, dinv_ref, xout_ref, out_ref):
        dv = dinv_ref[...]
        x = (acc_ref[0] + acc_ref[1]) * dv
        out_ref[...] = (xout_ref[...] + x) * (1.0 / (1 + NUM_LAYERS))

    in_specs = [
        pl.BlockSpec((NC, _BN, D), lambda i: (0, i, 0)),
        pl.BlockSpec((_BN, 1), lambda i: (i, 0)),
        pl.BlockSpec((_BN, D), lambda i: (i, 0)),
    ]
    if last:
        return pl.pallas_call(
            body_last,
            grid=(N // _BN,),
            in_specs=in_specs,
            out_specs=pl.BlockSpec((_BN, D), lambda i: (i, 0)),
            out_shape=jax.ShapeDtypeStruct((N, D), jnp.float32),
        )(acc2, dinv, xout)
    return pl.pallas_call(
        body_mid,
        grid=(N // _BN,),
        in_specs=in_specs,
        out_specs=[
            pl.BlockSpec((_BN, D), lambda i: (i, 0)),
            pl.BlockSpec((_BN, D), lambda i: (i, 0)),
        ],
        out_shape=[
            jax.ShapeDtypeStruct((N, D), jnp.float32),
            jax.ShapeDtypeStruct((N, D), jnp.float32),
        ],
    )(acc2, dinv, xout)


def kernel(edge_index, emb):
    row = edge_index[0]
    col = edge_index[1]
    pad = E_PAD - E
    prow = (jnp.arange(pad, dtype=jnp.int32) * 131) % N
    pcol = N + (jnp.arange(pad, dtype=jnp.int32) % (N_ACC - N))
    rowp = jnp.concatenate([row, prow])
    colp = jnp.concatenate([col, pcol])
    packed = (rowp * 16384 + colp).reshape(NW, NWIN, W)

    deg2 = _make_scatter_kernel(gather=False)(packed)
    dinv, y = _tc_dinv_y0(deg2, emb)

    prop = _make_scatter_kernel(gather=True)
    xout = emb
    final = None
    for l in range(NUM_LAYERS):
        acc2 = prop(y, packed)
        if l < NUM_LAYERS - 1:
            y, xout = _tc_layer(acc2, dinv, xout, last=False)
        else:
            final = _tc_layer(acc2, dinv, xout, last=True)
    return final[:N_USER], final[N_USER:]

# --- scband reference (transcript-rebuilt; emitter-appended) ---
"""Pipeline reference for scband-light-gcn-38912403702076 (READ-ONLY COPY).

The authoritative reference and input builder live on the scoring server;
editing this copy changes nothing except your own understanding.
"""

import jax, jax.numpy as jnp
import numpy as np

N_USER = 5000
M_ITEM = 5000
N_NODES = N_USER + M_ITEM
LATENT_DIM = 128
NUM_LAYERS = 3
N_EDGES = 320000


def setup_inputs(seed: int = 0) -> dict:
    key = jax.random.key(seed)
    k1, k2 = jax.random.split(key)
    edge_index = jax.random.randint(k1, (2, N_EDGES), 0, N_NODES).astype(jnp.int32)
    # learned parameter: node embedding table, init normal std=0.1 (matches nn.init.normal_(std=0.1))
    emb = jax.random.normal(k2, (N_NODES, LATENT_DIM), dtype=jnp.float32) * 0.1
    return {"edge_index": edge_index, "emb": emb}


def _lgconv(x, row, col, n):
    # symmetric-normalized propagation: out[j] = sum_{(i,j) in E} x[i] / sqrt(deg(i)*deg(j))
    ones = jnp.ones(row.shape[0], dtype=x.dtype)
    deg = jax.ops.segment_sum(ones, col, num_segments=n)
    deg_inv_sqrt = jnp.where(deg > 0, jax.lax.rsqrt(jnp.maximum(deg, 1.0)), 0.0)
    norm = deg_inv_sqrt[row] * deg_inv_sqrt[col]
    msg = x[row] * norm[:, None]
    return jax.ops.segment_sum(msg, col, num_segments=n)


def reference(edge_index, emb):
    row = edge_index[0]
    col = edge_index[1]
    x = emb
    x_out = x
    for _ in range(NUM_LAYERS):
        x = _lgconv(x, row, col, N_NODES)
        x_out = x_out + x
    x_out = x_out / (1 + NUM_LAYERS)
    user_out = x_out[:N_USER]
    item_out = x_out[N_USER:]
    return (user_out, item_out)

if __name__ == "__main__":
    import jax
    _d = setup_inputs()
    print(jax.jit(kernel)(*tuple(_d.values())))

</pallas_src>

<mosaic_0001>
#map = affine_map<(d0, d1) -> (0, 0, 0)>
module attributes {stable_mosaic.version = 14 : i64} {
  func.func @deg_kernel(%arg0: i32, %arg1: i32, %arg2: memref<32x80x128xi32, #tpu.memory_space<hbm>>, %arg3: memref<2x10240x128xf32, #tpu.memory_space<hbm>>, %arg4: memref<80x128xi32, #tpu.memory_space<vmem>>, %arg5: memref<1x128xi32, #tpu.memory_space<vmem>>, %arg6: memref<128x128xf32, #tpu.memory_space<vmem>>, %arg7: memref<10240x128xf32, #tpu.memory_space<vmem_shared>>) attributes {dimension_semantics = [#tpu.dimension_semantics<core_parallel>, #tpu.dimension_semantics<subcore_parallel>], iteration_bounds = array<i64: 2, 16>, scalar_prefetch = 0 : i64, scratch_operands = 4 : i64, tpu.core_type = #tpu.core_type<sc_vector_subcore>, window_params = [{transform_indices = #map}, {transform_indices = #map}]} {
    %mul3A = arith.constant 16 : i32
    %mul3A_0 = arith.muli %arg0, %mul3A : i32
    %add3A = arith.addi %mul3A_0, %arg1 : i32
    "tpu.region"() ({
      %run_scoped3A = tpu.sem_alloc : memref<!tpu.dma_semaphore, #tpu.memory_space<semaphore_mem>>
      %dma_start3A = arith.constant 0 : i32
      %dma_start3A_36 = arith.constant 0 : i32
      %dma_start3A_37 = tpu.memref_slice %arg2[%add3A, %dma_start3A, %dma_start3A_36] : memref<32x80x128xi32, #tpu.memory_space<hbm>> -> memref<1x80x128xi32, #tpu.memory_space<hbm>>
      %dma_start3A_38 = tpu.memref_squeeze %dma_start3A_37 : memref<1x80x128xi32, #tpu.memory_space<hbm>> -> memref<80x128xi32, #tpu.memory_space<hbm>>
      %dma_start3A_39 = arith.constant 0 : i32
      %dma_start3A_40 = arith.constant 0 : i32
      %dma_start3A_41 = tpu.memref_slice %arg2[%add3A, %dma_start3A_39, %dma_start3A_40] : memref<32x80x128xi32, #tpu.memory_space<hbm>> -> memref<1x80x128xi32, #tpu.memory_space<hbm>>
      %dma_start3A_42 = tpu.memref_squeeze %dma_start3A_41 : memref<1x80x128xi32, #tpu.memory_space<hbm>> -> memref<80x128xi32, #tpu.memory_space<hbm>>
      tpu.enqueue_dma source(%dma_start3A_42 : memref<80x128xi32, #tpu.memory_space<hbm>>) target(%arg4 : memref<80x128xi32, #tpu.memory_space<vmem>>) target_semaphore(%run_scoped3A : memref<!tpu.dma_semaphore, #tpu.memory_space<semaphore_mem>>)
      %dma_wait3A = arith.constant 0 : i32
      %dma_wait3A_43 = arith.constant 0 : i32
      %dma_wait3A_44 = tpu.memref_slice %arg2[%add3A, %dma_wait3A, %dma_wait3A_43] : memref<32x80x128xi32, #tpu.memory_space<hbm>> -> memref<1x80x128xi32, #tpu.memory_space<hbm>>
      %dma_wait3A_45 = tpu.memref_squeeze %dma_wait3A_44 : memref<1x80x128xi32, #tpu.memory_space<hbm>> -> memref<80x128xi32, #tpu.memory_space<hbm>>
      %dma_wait3A_46 = arith.constant 0 : i32
      %dma_wait3A_47 = arith.constant 0 : i32
      %dma_wait3A_48 = tpu.memref_slice %arg2[%add3A, %dma_wait3A_46, %dma_wait3A_47] : memref<32x80x128xi32, #tpu.memory_space<hbm>> -> memref<1x80x128xi32, #tpu.memory_space<hbm>>
      %dma_wait3A_49 = tpu.memref_squeeze %dma_wait3A_48 : memref<1x80x128xi32, #tpu.memory_space<hbm>> -> memref<80x128xi32, #tpu.memory_space<hbm>>
      tpu.wait_dma2 semaphore(%run_scoped3A : memref<!tpu.dma_semaphore, #tpu.memory_space<semaphore_mem>>) src(%dma_wait3A_49 : memref<80x128xi32, #tpu.memory_space<hbm>>) dst(%arg4 : memref<80x128xi32, #tpu.memory_space<vmem>>)
      tpu.yield
    }) : () -> ()
    %scan3A = arith.constant 0 : i32
    %scan3A_1 = arith.constant 0 : i32
    %scan3A_2 = arith.constant 128 : i32
    %scan3A_3 = arith.addi %scan3A_1, %scan3A_2 : i32
    %scan3A_4 = arith.constant 1 : i32
    %scan3A_5 = scf.for %scan3A_36 = %scan3A_1 to %scan3A_3 step %scan3A_4 iter_args(%scan3A_37 = %scan3A) -> (i32)  : i32 {
      %broadcast_in_dim3A = arith.constant 0.000000e+00 : f32
      %broadcast_in_dim3A_38 = vector.broadcast %broadcast_in_dim3A : f32 to vector<16xf32>
      %swap3A = arith.index_cast %scan3A_36 : i32 to index
      %swap3A_39 = arith.constant 0 : index
      %swap3A_40 = tpu.vector_load %arg6[%swap3A, %swap3A_39] {strides = array<i32>} : memref<128x128xf32, #tpu.memory_space<vmem>>, vector<1x16xf32>,
      %swap3A_41 = vector.shape_cast %swap3A_40 : vector<1x16xf32> to vector<16xf32>
      %swap3A_42 = vector.shape_cast %broadcast_in_dim3A_38 : vector<16xf32> to vector<1x16xf32>
      tpu.vector_store %arg6[%swap3A, %swap3A_39], %swap3A_42 {strides = array<i32>} : memref<128x128xf32, #tpu.memory_space<vmem>>, vector<1x16xf32>,
      %broadcast_in_dim3A_43 = arith.constant 0.000000e+00 : f32
      %broadcast_in_dim3A_44 = vector.broadcast %broadcast_in_dim3A_43 : f32 to vector<16xf32>
      %swap3A_45 = arith.index_cast %scan3A_36 : i32 to index
      %swap3A_46 = arith.constant 16 : index
      %swap3A_47 = tpu.vector_load %arg6[%swap3A_45, %swap3A_46] {strides = array<i32>} : memref<128x128xf32, #tpu.memory_space<vmem>>, vector<1x16xf32>,
      %swap3A_48 = vector.shape_cast %swap3A_47 : vector<1x16xf32> to vector<16xf32>
      %swap3A_49 = vector.shape_cast %broadcast_in_dim3A_44 : vector<16xf32> to vector<1x16xf32>
      tpu.vector_store %arg6[%swap3A_45, %swap3A_46], %swap3A_49 {strides = array<i32>} : memref<128x128xf32, #tpu.memory_space<vmem>>, vector<1x16xf32>,
      %broadcast_in_dim3A_50 = arith.constant 0.000000e+00 : f32
      %broadcast_in_dim3A_51 = vector.broadcast %broadcast_in_dim3A_50 : f32 to vector<16xf32>
      %swap3A_52 = arith.index_cast %scan3A_36 : i32 to index
      %swap3A_53 = arith.constant 32 : index
      %swap3A_54 = tpu.vector_load %arg6[%swap3A_52, %swap3A_53] {strides = array<i32>} : memref<128x128xf32, #tpu.memory_space<vmem>>, vector<1x16xf32>,
      %swap3A_55 = vector.shape_cast %swap3A_54 : vector<1x16xf32> to vector<16xf32>
      %swap3A_56 = vector.shape_cast %broadcast_in_dim3A_51 : vector<16xf32> to vector<1x16xf32>
      tpu.vector_store %arg6[%swap3A_52, %swap3A_53], %swap3A_56 {strides = array<i32>} : memref<128x128xf32, #tpu.memory_space<vmem>>, vector<1x16xf32>,
      %broadcast_in_dim3A_57 = arith.constant 0.000000e+00 : f32
      %broadcast_in_dim3A_58 = vector.broadcast %broadcast_in_dim3A_57 : f32 to vector<16xf32>
      %swap3A_59 = arith.index_cast %scan3A_36 : i32 to index
      %swap3A_60 = arith.constant 48 : index
      %swap3A_61 = tpu.vector_load %arg6[%swap3A_59, %swap3A_60] {strides = array<i32>} : memref<128x128xf32, #tpu.memory_space<vmem>>, vector<1x16xf32>,
      %swap3A_62 = vector.shape_cast %swap3A_61 : vector<1x16xf32> to vector<16xf32>
      %swap3A_63 = vector.shape_cast %broadcast_in_dim3A_58 : vector<16xf32> to vector<1x16xf32>
      tpu.vector_store %arg6[%swap3A_59, %swap3A_60], %swap3A_63 {strides = array<i32>} : memref<128x128xf32, #tpu.memory_space<vmem>>, vector<1x16xf32>,
      %broadcast_in_dim3A_64 = arith.constant 0.000000e+00 : f32
      %broadcast_in_dim3A_65 = vector.broadcast %broadcast_in_dim3A_64 : f32 to vector<16xf32>
      %swap3A_66 = arith.index_cast %scan3A_36 : i32 to index
      %swap3A_67 = arith.constant 64 : index
      %swap3A_68 = tpu.vector_load %arg6[%swap3A_66, %swap3A_67] {strides = array<i32>} : memref<128x128xf32, #tpu.memory_space<vmem>>, vector<1x16xf32>,
      %swap3A_69 = vector.shape_cast %swap3A_68 : vector<1x16xf32> to vector<16xf32>
      %swap3A_70 = vector.shape_cast %broadcast_in_dim3A_65 : vector<16xf32> to vector<1x16xf32>
      tpu.vector_store %arg6[%swap3A_66, %swap3A_67], %swap3A_70 {strides = array<i32>} : memref<128x128xf32, #tpu.memory_space<vmem>>, vector<1x16xf32>,
      %broadcast_in_dim3A_71 = arith.constant 0.000000e+00 : f32
      %broadcast_in_dim3A_72 = vector.broadcast %broadcast_in_dim3A_71 : f32 to vector<16xf32>
      %swap3A_73 = arith.index_cast %scan3A_36 : i32 to index
      %swap3A_74 = arith.constant 80 : index
      %swap3A_75 = tpu.vector_load %arg6[%swap3A_73, %swap3A_74] {strides = array<i32>} : memref<128x128xf32, #tpu.memory_space<vmem>>, vector<1x16xf32>,
      %swap3A_76 = vector.shape_cast %swap3A_75 : vector<1x16xf32> to vector<16xf32>
      %swap3A_77 = vector.shape_cast %broadcast_in_dim3A_72 : vector<16xf32> to vector<1x16xf32>
      tpu.vector_store %arg6[%swap3A_73, %swap3A_74], %swap3A_77 {strides = array<i32>} : memref<128x128xf32, #tpu.memory_space<vmem>>, vector<1x16xf32>,
      %broadcast_in_dim3A_78 = arith.constant 0.000000e+00 : f32
      %broadcast_in_dim3A_79 = vector.broadcast %broadcast_in_dim3A_78 : f32 to vector<16xf32>
      %swap3A_80 = arith.index_cast %scan3A_36 : i32 to index
      %swap3A_81 = arith.constant 96 : index
      %swap3A_82 = tpu.vector_load %arg6[%swap3A_80, %swap3A_81] {strides = array<i32>} : memref<128x128xf32, #tpu.memory_space<vmem>>, vector<1x16xf32>,
      %swap3A_83 = vector.shape_cast %swap3A_82 : vector<1x16xf32> to vector<16xf32>
      %swap3A_84 = vector.shape_cast %broadcast_in_dim3A_79 : vector<16xf32> to vector<1x16xf32>
      tpu.vector_store %arg6[%swap3A_80, %swap3A_81], %swap3A_84 {strides = array<i32>} : memref<128x128xf32, #tpu.memory_space<vmem>>, vector<1x16xf32>,
      %broadcast_in_dim3A_85 = arith.constant 0.000000e+00 : f32
      %broadcast_in_dim3A_86 = vector.broadcast %broadcast_in_dim3A_85 : f32 to vector<16xf32>
      %swap3A_87 = arith.index_cast %scan3A_36 : i32 to index
      %swap3A_88 = arith.constant 112 : index
      %swap3A_89 = tpu.vector_load %arg6[%swap3A_87, %swap3A_88] {strides = array<i32>} : memref<128x128xf32, #tpu.memory_space<vmem>>, vector<1x16xf32>,
      %swap3A_90 = vector.shape_cast %swap3A_89 : vector<1x16xf32> to vector<16xf32>
      %swap3A_91 = vector.shape_cast %broadcast_in_dim3A_86 : vector<16xf32> to vector<1x16xf32>
      tpu.vector_store %arg6[%swap3A_87, %swap3A_88], %swap3A_91 {strides = array<i32>} : memref<128x128xf32, #tpu.memory_space<vmem>>, vector<1x16xf32>,
      %scan3A_92 = arith.constant 0 : i32
      scf.yield %scan3A_92 : i32
    }
    %scan3A_6 = arith.constant 128 : i32
    %mul3A_7 = arith.constant 640 : i32
    %mul3A_8 = arith.muli %arg1, %mul3A_7 : i32
    %add3A_9 = arith.constant 0 : i32
    %add3A_10 = arith.addi %mul3A_8, %add3A_9 : i32
    "tpu.region"() ({
      %run_scoped3A = tpu.sem_alloc : memref<!tpu.dma_semaphore, #tpu.memory_space<semaphore_mem>>
      %dma_start3A = arith.constant 0 : i32
      %dma_start3A_36 = tpu.memref_slice %arg7[%add3A_10, %dma_start3A] : memref<10240x128xf32, #tpu.memory_space<vmem_shared>> -> memref<128x128xf32, #tpu.memory_space<vmem_shared>>
      %dma_start3A_37 = arith.constant 0 : i32
      %dma_start3A_38 = tpu.memref_slice %arg7[%add3A_10, %dma_start3A_37] : memref<10240x128xf32, #tpu.memory_space<vmem_shared>> -> memref<128x128xf32, #tpu.memory_space<vmem_shared>>
      tpu.enqueue_dma source(%arg6 : memref<128x128xf32, #tpu.memory_space<vmem>>) target(%dma_start3A_38 : memref<128x128xf32, #tpu.memory_space<vmem_shared>>) target_semaphore(%run_scoped3A : memref<!tpu.dma_semaphore, #tpu.memory_space<semaphore_mem>>)
      %dma_wait3A = arith.constant 0 : i32
      %dma_wait3A_39 = tpu.memref_slice %arg7[%add3A_10, %dma_wait3A] : memref<10240x128xf32, #tpu.memory_space<vmem_shared>> -> memref<128x128xf32, #tpu.memory_space<vmem_shared>>
      %dma_wait3A_40 = arith.constant 0 : i32
      %dma_wait3A_41 = tpu.memref_slice %arg7[%add3A_10, %dma_wait3A_40] : memref<10240x128xf32, #tpu.memory_space<vmem_shared>> -> memref<128x128xf32, #tpu.memory_space<vmem_shared>>
      tpu.wait_dma2 semaphore(%run_scoped3A : memref<!tpu.dma_semaphore, #tpu.memory_space<semaphore_mem>>) src(%arg6 : memref<128x128xf32, #tpu.memory_space<vmem>>) dst(%dma_wait3A_41 : memref<128x128xf32, #tpu.memory_space<vmem_shared>>)
      tpu.yield
    }) : () -> ()
    %add3A_11 = arith.constant 128 : i32
    %add3A_12 = arith.addi %mul3A_8, %add3A_11 : i32
    "tpu.region"() ({
      %run_scoped3A = tpu.sem_alloc : memref<!tpu.dma_semaphore, #tpu.memory_space<semaphore_mem>>
      %dma_start3A = arith.constant 0 : i32
      %dma_start3A_36 = tpu.memref_slice %arg7[%add3A_12, %dma_start3A] : memref<10240x128xf32, #tpu.memory_space<vmem_shared>> -> memref<128x128xf32, #tpu.memory_space<vmem_shared>>
      %dma_start3A_37 = arith.constant 0 : i32
      %dma_start3A_38 = tpu.memref_slice %arg7[%add3A_12, %dma_start3A_37] : memref<10240x128xf32, #tpu.memory_space<vmem_shared>> -> memref<128x128xf32, #tpu.memory_space<vmem_shared>>
      tpu.enqueue_dma source(%arg6 : memref<128x128xf32, #tpu.memory_space<vmem>>) target(%dma_start3A_38 : memref<128x128xf32, #tpu.memory_space<vmem_shared>>) target_semaphore(%run_scoped3A : memref<!tpu.dma_semaphore, #tpu.memory_space<semaphore_mem>>)
      %dma_wait3A = arith.constant 0 : i32
      %dma_wait3A_39 = tpu.memref_slice %arg7[%add3A_12, %dma_wait3A] : memref<10240x128xf32, #tpu.memory_space<vmem_shared>> -> memref<128x128xf32, #tpu.memory_space<vmem_shared>>
      %dma_wait3A_40 = arith.constant 0 : i32
      %dma_wait3A_41 = tpu.memref_slice %arg7[%add3A_12, %dma_wait3A_40] : memref<10240x128xf32, #tpu.memory_space<vmem_shared>> -> memref<128x128xf32, #tpu.memory_space<vmem_shared>>
      tpu.wait_dma2 semaphore(%run_scoped3A : memref<!tpu.dma_semaphore, #tpu.memory_space<semaphore_mem>>) src(%arg6 : memref<128x128xf32, #tpu.memory_space<vmem>>) dst(%dma_wait3A_41 : memref<128x128xf32, #tpu.memory_space<vmem_shared>>)
      tpu.yield
    }) : () -> ()
    %add3A_13 = arith.constant 256 : i32
    %add3A_14 = arith.addi %mul3A_8, %add3A_13 : i32
    "tpu.region"() ({
      %run_scoped3A = tpu.sem_alloc : memref<!tpu.dma_semaphore, #tpu.memory_space<semaphore_mem>>
      %dma_start3A = arith.constant 0 : i32
      %dma_start3A_36 = tpu.memref_slice %arg7[%add3A_14, %dma_start3A] : memref<10240x128xf32, #tpu.memory_space<vmem_shared>> -> memref<128x128xf32, #tpu.memory_space<vmem_shared>>
      %dma_start3A_37 = arith.constant 0 : i32
      %dma_start3A_38 = tpu.memref_slice %arg7[%add3A_14, %dma_start3A_37] : memref<10240x128xf32, #tpu.memory_space<vmem_shared>> -> memref<128x128xf32, #tpu.memory_space<vmem_shared>>
      tpu.enqueue_dma source(%arg6 : memref<128x128xf32, #tpu.memory_space<vmem>>) target(%dma_start3A_38 : memref<128x128xf32, #tpu.memory_space<vmem_shared>>) target_semaphore(%run_scoped3A : memref<!tpu.dma_semaphore, #tpu.memory_space<semaphore_mem>>)
      %dma_wait3A = arith.constant 0 : i32
      %dma_wait3A_39 = tpu.memref_slice %arg7[%add3A_14, %dma_wait3A] : memref<10240x128xf32, #tpu.memory_space<vmem_shared>> -> memref<128x128xf32, #tpu.memory_space<vmem_shared>>
      %dma_wait3A_40 = arith.constant 0 : i32
      %dma_wait3A_41 = tpu.memref_slice %arg7[%add3A_14, %dma_wait3A_40] : memref<10240x128xf32, #tpu.memory_space<vmem_shared>> -> memref<128x128xf32, #tpu.memory_space<vmem_shared>>
      tpu.wait_dma2 semaphore(%run_scoped3A : memref<!tpu.dma_semaphore, #tpu.memory_space<semaphore_mem>>) src(%arg6 : memref<128x128xf32, #tpu.memory_space<vmem>>) dst(%dma_wait3A_41 : memref<128x128xf32, #tpu.memory_space<vmem_shared>>)
      tpu.yield
    }) : () -> ()
    %add3A_15 = arith.constant 384 : i32
    %add3A_16 = arith.addi %mul3A_8, %add3A_15 : i32
    "tpu.region"() ({
      %run_scoped3A = tpu.sem_alloc : memref<!tpu.dma_semaphore, #tpu.memory_space<semaphore_mem>>
      %dma_start3A = arith.constant 0 : i32
      %dma_start3A_36 = tpu.memref_slice %arg7[%add3A_16, %dma_start3A] : memref<10240x128xf32, #tpu.memory_space<vmem_shared>> -> memref<128x128xf32, #tpu.memory_space<vmem_shared>>
      %dma_start3A_37 = arith.constant 0 : i32
      %dma_start3A_38 = tpu.memref_slice %arg7[%add3A_16, %dma_start3A_37] : memref<10240x128xf32, #tpu.memory_space<vmem_shared>> -> memref<128x128xf32, #tpu.memory_space<vmem_shared>>
      tpu.enqueue_dma source(%arg6 : memref<128x128xf32, #tpu.memory_space<vmem>>) target(%dma_start3A_38 : memref<128x128xf32, #tpu.memory_space<vmem_shared>>) target_semaphore(%run_scoped3A : memref<!tpu.dma_semaphore, #tpu.memory_space<semaphore_mem>>)
      %dma_wait3A = arith.constant 0 : i32
      %dma_wait3A_39 = tpu.memref_slice %arg7[%add3A_16, %dma_wait3A] : memref<10240x128xf32, #tpu.memory_space<vmem_shared>> -> memref<128x128xf32, #tpu.memory_space<vmem_shared>>
      %dma_wait3A_40 = arith.constant 0 : i32
      %dma_wait3A_41 = tpu.memref_slice %arg7[%add3A_16, %dma_wait3A_40] : memref<10240x128xf32, #tpu.memory_space<vmem_shared>> -> memref<128x128xf32, #tpu.memory_space<vmem_shared>>
      tpu.wait_dma2 semaphore(%run_scoped3A : memref<!tpu.dma_semaphore, #tpu.memory_space<semaphore_mem>>) src(%arg6 : memref<128x128xf32, #tpu.memory_space<vmem>>) dst(%dma_wait3A_41 : memref<128x128xf32, #tpu.memory_space<vmem_shared>>)
      tpu.yield
    }) : () -> ()
    %add3A_17 = arith.constant 512 : i32
    %add3A_18 = arith.addi %mul3A_8, %add3A_17 : i32
    "tpu.region"() ({
      %run_scoped3A = tpu.sem_alloc : memref<!tpu.dma_semaphore, #tpu.memory_space<semaphore_mem>>
      %dma_start3A = arith.constant 0 : i32
      %dma_start3A_36 = tpu.memref_slice %arg7[%add3A_18, %dma_start3A] : memref<10240x128xf32, #tpu.memory_space<vmem_shared>> -> memref<128x128xf32, #tpu.memory_space<vmem_shared>>
      %dma_start3A_37 = arith.constant 0 : i32
      %dma_start3A_38 = tpu.memref_slice %arg7[%add3A_18, %dma_start3A_37] : memref<10240x128xf32, #tpu.memory_space<vmem_shared>> -> memref<128x128xf32, #tpu.memory_space<vmem_shared>>
      tpu.enqueue_dma source(%arg6 : memref<128x128xf32, #tpu.memory_space<vmem>>) target(%dma_start3A_38 : memref<128x128xf32, #tpu.memory_space<vmem_shared>>) target_semaphore(%run_scoped3A : memref<!tpu.dma_semaphore, #tpu.memory_space<semaphore_mem>>)
      %dma_wait3A = arith.constant 0 : i32
      %dma_wait3A_39 = tpu.memref_slice %arg7[%add3A_18, %dma_wait3A] : memref<10240x128xf32, #tpu.memory_space<vmem_shared>> -> memref<128x128xf32, #tpu.memory_space<vmem_shared>>
      %dma_wait3A_40 = arith.constant 0 : i32
      %dma_wait3A_41 = tpu.memref_slice %arg7[%add3A_18, %dma_wait3A_40] : memref<10240x128xf32, #tpu.memory_space<vmem_shared>> -> memref<128x128xf32, #tpu.memory_space<vmem_shared>>
      tpu.wait_dma2 semaphore(%run_scoped3A : memref<!tpu.dma_semaphore, #tpu.memory_space<semaphore_mem>>) src(%arg6 : memref<128x128xf32, #tpu.memory_space<vmem>>) dst(%dma_wait3A_41 : memref<128x128xf32, #tpu.memory_space<vmem_shared>>)
      tpu.yield
    }) : () -> ()
    %scan3A_19 = arith.constant 0 : i32
    %scan3A_20 = arith.constant 0 : i32
    %scan3A_21 = arith.constant 128 : i32
    %scan3A_22 = arith.addi %scan3A_20, %scan3A_21 : i32
    %scan3A_23 = arith.constant 1 : i32
    %scan3A_24 = scf.for %scan3A_36 = %scan3A_20 to %scan3A_22 step %scan3A_23 iter_args(%scan3A_37 = %scan3A_19) -> (i32)  : i32 {
      %broadcast_in_dim3A = arith.constant 1.000000e+00 : f32
      %broadcast_in_dim3A_38 = vector.broadcast %broadcast_in_dim3A : f32 to vector<16xf32>
      %swap3A = arith.index_cast %scan3A_36 : i32 to index
      %swap3A_39 = arith.constant 0 : index
      %swap3A_40 = tpu.vector_load %arg6[%swap3A, %swap3A_39] {strides = array<i32>} : memref<128x128xf32, #tpu.memory_space<vmem>>, vector<1x16xf32>,
      %swap3A_41 = vector.shape_cast %swap3A_40 : vector<1x16xf32> to vector<16xf32>
      %swap3A_42 = vector.shape_cast %broadcast_in_dim3A_38 : vector<16xf32> to vector<1x16xf32>
      tpu.vector_store %arg6[%swap3A, %swap3A_39], %swap3A_42 {strides = array<i32>} : memref<128x128xf32, #tpu.memory_space<vmem>>, vector<1x16xf32>,
      %broadcast_in_dim3A_43 = arith.constant 1.000000e+00 : f32
      %broadcast_in_dim3A_44 = vector.broadcast %broadcast_in_dim3A_43 : f32 to vector<16xf32>
      %swap3A_45 = arith.index_cast %scan3A_36 : i32 to index
      %swap3A_46 = arith.constant 16 : index
      %swap3A_47 = tpu.vector_load %arg6[%swap3A_45, %swap3A_46] {strides = array<i32>} : memref<128x128xf32, #tpu.memory_space<vmem>>, vector<1x16xf32>,
      %swap3A_48 = vector.shape_cast %swap3A_47 : vector<1x16xf32> to vector<16xf32>
      %swap3A_49 = vector.shape_cast %broadcast_in_dim3A_44 : vector<16xf32> to vector<1x16xf32>
      tpu.vector_store %arg6[%swap3A_45, %swap3A_46], %swap3A_49 {strides = array<i32>} : memref<128x128xf32, #tpu.memory_space<vmem>>, vector<1x16xf32>,
      %broadcast_in_dim3A_50 = arith.constant 1.000000e+00 : f32
      %broadcast_in_dim3A_51 = vector.broadcast %broadcast_in_dim3A_50 : f32 to vector<16xf32>
      %swap3A_52 = arith.index_cast %scan3A_36 : i32 to index
      %swap3A_53 = arith.constant 32 : index
      %swap3A_54 = tpu.vector_load %arg6[%swap3A_52, %swap3A_53] {strides = array<i32>} : memref<128x128xf32, #tpu.memory_space<vmem>>, vector<1x16xf32>,
      %swap3A_55 = vector.shape_cast %swap3A_54 : vector<1x16xf32> to vector<16xf32>
      %swap3A_56 = vector.shape_cast %broadcast_in_dim3A_51 : vector<16xf32> to vector<1x16xf32>
      tpu.vector_store %arg6[%swap3A_52, %swap3A_53], %swap3A_56 {strides = array<i32>} : memref<128x128xf32, #tpu.memory_space<vmem>>, vector<1x16xf32>,
      %broadcast_in_dim3A_57 = arith.constant 1.000000e+00 : f32
      %broadcast_in_dim3A_58 = vector.broadcast %broadcast_in_dim3A_57 : f32 to vector<16xf32>
      %swap3A_59 = arith.index_cast %scan3A_36 : i32 to index
      %swap3A_60 = arith.constant 48 : index
      %swap3A_61 = tpu.vector_load %arg6[%swap3A_59, %swap3A_60] {strides = array<i32>} : memref<128x128xf32, #tpu.memory_space<vmem>>, vector<1x16xf32>,
      %swap3A_62 = vector.shape_cast %swap3A_61 : vector<1x16xf32> to vector<16xf32>
      %swap3A_63 = vector.shape_cast %broadcast_in_dim3A_58 : vector<16xf32> to vector<1x16xf32>
      tpu.vector_store %arg6[%swap3A_59, %swap3A_60], %swap3A_63 {strides = array<i32>} : memref<128x128xf32, #tpu.memory_space<vmem>>, vector<1x16xf32>,
      %broadcast_in_dim3A_64 = arith.constant 1.000000e+00 : f32
      %broadcast_in_dim3A_65 = vector.broadcast %broadcast_in_dim3A_64 : f32 to vector<16xf32>
      %swap3A_66 = arith.index_cast %scan3A_36 : i32 to index
      %swap3A_67 = arith.constant 64 : index
      %swap3A_68 = tpu.vector_load %arg6[%swap3A_66, %swap3A_67] {strides = array<i32>} : memref<128x128xf32, #tpu.memory_space<vmem>>, vector<1x16xf32>,
      %swap3A_69 = vector.shape_cast %swap3A_68 : vector<1x16xf32> to vector<16xf32>
      %swap3A_70 = vector.shape_cast %broadcast_in_dim3A_65 : vector<16xf32> to vector<1x16xf32>
      tpu.vector_store %arg6[%swap3A_66, %swap3A_67], %swap3A_70 {strides = array<i32>} : memref<128x128xf32, #tpu.memory_space<vmem>>, vector<1x16xf32>,
      %broadcast_in_dim3A_71 = arith.constant 1.000000e+00 : f32
      %broadcast_in_dim3A_72 = vector.broadcast %broadcast_in_dim3A_71 : f32 to vector<16xf32>
      %swap3A_73 = arith.index_cast %scan3A_36 : i32 to index
      %swap3A_74 = arith.constant 80 : index
      %swap3A_75 = tpu.vector_load %arg6[%swap3A_73, %swap3A_74] {strides = array<i32>} : memref<128x128xf32, #tpu.memory_space<vmem>>, vector<1x16xf32>,
      %swap3A_76 = vector.shape_cast %swap3A_75 : vector<1x16xf32> to vector<16xf32>
      %swap3A_77 = vector.shape_cast %broadcast_in_dim3A_72 : vector<16xf32> to vector<1x16xf32>
      tpu.vector_store %arg6[%swap3A_73, %swap3A_74], %swap3A_77 {strides = array<i32>} : memref<128x128xf32, #tpu.memory_space<vmem>>, vector<1x16xf32>,
      %broadcast_in_dim3A_78 = arith.constant 1.000000e+00 : f32
      %broadcast_in_dim3A_79 = vector.broadcast %broadcast_in_dim3A_78 : f32 to vector<16xf32>
      %swap3A_80 = arith.index_cast %scan3A_36 : i32 to index
      %swap3A_81 = arith.constant 96 : index
      %swap3A_82 = tpu.vector_load %arg6[%swap3A_80, %swap3A_81] {strides = array<i32>} : memref<128x128xf32, #tpu.memory_space<vmem>>, vector<1x16xf32>,
      %swap3A_83 = vector.shape_cast %swap3A_82 : vector<1x16xf32> to vector<16xf32>
      %swap3A_84 = vector.shape_cast %broadcast_in_dim3A_79 : vector<16xf32> to vector<1x16xf32>
      tpu.vector_store %arg6[%swap3A_80, %swap3A_81], %swap3A_84 {strides = array<i32>} : memref<128x128xf32, #tpu.memory_space<vmem>>, vector<1x16xf32>,
      %broadcast_in_dim3A_85 = arith.constant 1.000000e+00 : f32
      %broadcast_in_dim3A_86 = vector.broadcast %broadcast_in_dim3A_85 : f32 to vector<16xf32>
      %swap3A_87 = arith.index_cast %scan3A_36 : i32 to index
      %swap3A_88 = arith.constant 112 : index
      %swap3A_89 = tpu.vector_load %arg6[%swap3A_87, %swap3A_88] {strides = array<i32>} : memref<128x128xf32, #tpu.memory_space<vmem>>, vector<1x16xf32>,
      %swap3A_90 = vector.shape_cast %swap3A_89 : vector<1x16xf32> to vector<16xf32>
      %swap3A_91 = vector.shape_cast %broadcast_in_dim3A_86 : vector<16xf32> to vector<1x16xf32>
      tpu.vector_store %arg6[%swap3A_87, %swap3A_88], %swap3A_91 {strides = array<i32>} : memref<128x128xf32, #tpu.memory_space<vmem>>, vector<1x16xf32>,
      %scan3A_92 = arith.constant 0 : i32
      scf.yield %scan3A_92 : i32
    }
    %scan3A_25 = arith.constant 128 : i32
    %barrier3A = arith.constant 0 : index
    tpu.barrier barrier_id(%barrier3A)
    %scan3A_26 = arith.constant 0 : i32
    %scan3A_27 = arith.constant 0 : i32
    %scan3A_28 = arith.constant 80 : i32
    %scan3A_29 = arith.addi %scan3A_27, %scan3A_28 : i32
    %scan3A_30 = arith.constant 1 : i32
    %scan3A_31 = scf.for %scan3A_36 = %scan3A_27 to %scan3A_29 step %scan3A_30 iter_args(%scan3A_37 = %scan3A_26) -> (i32)  : i32 {
      %get3A = arith.index_cast %scan3A_36 : i32 to index
      %get3A_38 = arith.constant 0 : index
      %get3A_39 = tpu.vector_load %arg4[%get3A, %get3A_38] {strides = array<i32>} : memref<80x128xi32, #tpu.memory_space<vmem>>, vector<1x16xi32>,
      %get3A_40 = vector.shape_cast %get3A_39 : vector<1x16xi32> to vector<16xi32>
      %broadcast_in_dim3A = arith.constant 16383 : i32
      %broadcast_in_dim3A_41 = vector.broadcast %broadcast_in_dim3A : i32 to vector<16xi32>
      %and3A = arith.andi %get3A_40, %broadcast_in_dim3A_41 : vector<16xi32>
      %swap3A = arith.constant 0 : i32
      %swap3A_42 = arith.index_cast %swap3A : i32 to index
      %swap3A_43 = arith.constant 0 : index
      %swap3A_44 = tpu.vector_load %arg5[%swap3A_42, %swap3A_43] {strides = array<i32>} : memref<1x128xi32, #tpu.memory_space<vmem>>, vector<1x16xi32>,
      %swap3A_45 = vector.shape_cast %swap3A_44 : vector<1x16xi32> to vector<16xi32>
      %swap3A_46 = vector.shape_cast %and3A : vector<16xi32> to vector<1x16xi32>
      tpu.vector_store %arg5[%swap3A_42, %swap3A_43], %swap3A_46 {strides = array<i32>} : memref<1x128xi32, #tpu.memory_space<vmem>>, vector<1x16xi32>,
      %get3A_47 = arith.index_cast %scan3A_36 : i32 to index
      %get3A_48 = arith.constant 16 : index
      %get3A_49 = tpu.vector_load %arg4[%get3A_47, %get3A_48] {strides = array<i32>} : memref<80x128xi32, #tpu.memory_space<vmem>>, vector<1x16xi32>,
      %get3A_50 = vector.shape_cast %get3A_49 : vector<1x16xi32> to vector<16xi32>
      %broadcast_in_dim3A_51 = arith.constant 16383 : i32
      %broadcast_in_dim3A_52 = vector.broadcast %broadcast_in_dim3A_51 : i32 to vector<16xi32>
      %and3A_53 = arith.andi %get3A_50, %broadcast_in_dim3A_52 : vector<16xi32>
      %swap3A_54 = arith.constant 0 : i32
      %swap3A_55 = arith.index_cast %swap3A_54 : i32 to index
      %swap3A_56 = arith.constant 16 : index
      %swap3A_57 = tpu.vector_load %arg5[%swap3A_55, %swap3A_56] {strides = array<i32>} : memref<1x128xi32, #tpu.memory_space<vmem>>, vector<1x16xi32>,
      %swap3A_58 = vector.shape_cast %swap3A_57 : vector<1x16xi32> to vector<16xi32>
      %swap3A_59 = vector.shape_cast %and3A_53 : vector<16xi32> to vector<1x16xi32>
      tpu.vector_store %arg5[%swap3A_55, %swap3A_56], %swap3A_59 {strides = array<i32>} : memref<1x128xi32, #tpu.memory_space<vmem>>, vector<1x16xi32>,
      %get3A_60 = arith.index_cast %scan3A_36 : i32 to index
      %get3A_61 = arith.constant 32 : index
      %get3A_62 = tpu.vector_load %arg4[%get3A_60, %get3A_61] {strides = array<i32>} : memref<80x128xi32, #tpu.memory_space<vmem>>, vector<1x16xi32>,
      %get3A_63 = vector.shape_cast %get3A_62 : vector<1x16xi32> to vector<16xi32>
      %broadcast_in_dim3A_64 = arith.constant 16383 : i32
      %broadcast_in_dim3A_65 = vector.broadcast %broadcast_in_dim3A_64 : i32 to vector<16xi32>
      %and3A_66 = arith.andi %get3A_63, %broadcast_in_dim3A_65 : vector<16xi32>
      %swap3A_67 = arith.constant 0 : i32
      %swap3A_68 = arith.index_cast %swap3A_67 : i32 to index
      %swap3A_69 = arith.constant 32 : index
      %swap3A_70 = tpu.vector_load %arg5[%swap3A_68, %swap3A_69] {strides = array<i32>} : memref<1x128xi32, #tpu.memory_space<vmem>>, vector<1x16xi32>,
      %swap3A_71 = vector.shape_cast %swap3A_70 : vector<1x16xi32> to vector<16xi32>
      %swap3A_72 = vector.shape_cast %and3A_66 : vector<16xi32> to vector<1x16xi32>
      tpu.vector_store %arg5[%swap3A_68, %swap3A_69], %swap3A_72 {strides = array<i32>} : memref<1x128xi32, #tpu.memory_space<vmem>>, vector<1x16xi32>,
      %get3A_73 = arith.index_cast %scan3A_36 : i32 to index
      %get3A_74 = arith.constant 48 : index
      %get3A_75 = tpu.vector_load %arg4[%get3A_73, %get3A_74] {strides = array<i32>} : memref<80x128xi32, #tpu.memory_space<vmem>>, vector<1x16xi32>,
      %get3A_76 = vector.shape_cast %get3A_75 : vector<1x16xi32> to vector<16xi32>
      %broadcast_in_dim3A_77 = arith.constant 16383 : i32
      %broadcast_in_dim3A_78 = vector.broadcast %broadcast_in_dim3A_77 : i32 to vector<16xi32>
      %and3A_79 = arith.andi %get3A_76, %broadcast_in_dim3A_78 : vector<16xi32>
      %swap3A_80 = arith.constant 0 : i32
      %swap3A_81 = arith.index_cast %swap3A_80 : i32 to index
      %swap3A_82 = arith.constant 48 : index
      %swap3A_83 = tpu.vector_load %arg5[%swap3A_81, %swap3A_82] {strides = array<i32>} : memref<1x128xi32, #tpu.memory_space<vmem>>, vector<1x16xi32>,
      %swap3A_84 = vector.shape_cast %swap3A_83 : vector<1x16xi32> to vector<16xi32>
      %swap3A_85 = vector.shape_cast %and3A_79 : vector<16xi32> to vector<1x16xi32>
      tpu.vector_store %arg5[%swap3A_81, %swap3A_82], %swap3A_85 {strides = array<i32>} : memref<1x128xi32, #tpu.memory_space<vmem>>, vector<1x16xi32>,
      %get3A_86 = arith.index_cast %scan3A_36 : i32 to index
      %get3A_87 = arith.constant 64 : index
      %get3A_88 = tpu.vector_load %arg4[%get3A_86, %get3A_87] {strides = array<i32>} : memref<80x128xi32, #tpu.memory_space<vmem>>, vector<1x16xi32>,
      %get3A_89 = vector.shape_cast %get3A_88 : vector<1x16xi32> to vector<16xi32>
      %broadcast_in_dim3A_90 = arith.constant 16383 : i32
      %broadcast_in_dim3A_91 = vector.broadcast %broadcast_in_dim3A_90 : i32 to vector<16xi32>
      %and3A_92 = arith.andi %get3A_89, %broadcast_in_dim3A_91 : vector<16xi32>
      %swap3A_93 = arith.constant 0 : i32
      %swap3A_94 = arith.index_cast %swap3A_93 : i32 to index
      %swap3A_95 = arith.constant 64 : index
      %swap3A_96 = tpu.vector_load %arg5[%swap3A_94, %swap3A_95] {strides = array<i32>} : memref<1x128xi32, #tpu.memory_space<vmem>>, vector<1x16xi32>,
      %swap3A_97 = vector.shape_cast %swap3A_96 : vector<1x16xi32> to vector<16xi32>
      %swap3A_98 = vector.shape_cast %and3A_92 : vector<16xi32> to vector<1x16xi32>
      tpu.vector_store %arg5[%swap3A_94, %swap3A_95], %swap3A_98 {strides = array<i32>} : memref<1x128xi32, #tpu.memory_space<vmem>>, vector<1x16xi32>,
      %get3A_99 = arith.index_cast %scan3A_36 : i32 to index
      %get3A_100 = arith.constant 80 : index
      %get3A_101 = tpu.vector_load %arg4[%get3A_99, %get3A_100] {strides = array<i32>} : memref<80x128xi32, #tpu.memory_space<vmem>>, vector<1x16xi32>,
      %get3A_102 = vector.shape_cast %get3A_101 : vector<1x16xi32> to vector<16xi32>
      %broadcast_in_dim3A_103 = arith.constant 16383 : i32
      %broadcast_in_dim3A_104 = vector.broadcast %broadcast_in_dim3A_103 : i32 to vector<16xi32>
      %and3A_105 = arith.andi %get3A_102, %broadcast_in_dim3A_104 : vector<16xi32>
      %swap3A_106 = arith.constant 0 : i32
      %swap3A_107 = arith.index_cast %swap3A_106 : i32 to index
      %swap3A_108 = arith.constant 80 : index
      %swap3A_109 = tpu.vector_load %arg5[%swap3A_107, %swap3A_108] {strides = array<i32>} : memref<1x128xi32, #tpu.memory_space<vmem>>, vector<1x16xi32>,
      %swap3A_110 = vector.shape_cast %swap3A_109 : vector<1x16xi32> to vector<16xi32>
      %swap3A_111 = vector.shape_cast %and3A_105 : vector<16xi32> to vector<1x16xi32>
      tpu.vector_store %arg5[%swap3A_107, %swap3A_108], %swap3A_111 {strides = array<i32>} : memref<1x128xi32, #tpu.memory_space<vmem>>, vector<1x16xi32>,
      %get3A_112 = arith.index_cast %scan3A_36 : i32 to index
      %get3A_113 = arith.constant 96 : index
      %get3A_114 = tpu.vector_load %arg4[%get3A_112, %get3A_113] {strides = array<i32>} : memref<80x128xi32, #tpu.memory_space<vmem>>, vector<1x16xi32>,
      %get3A_115 = vector.shape_cast %get3A_114 : vector<1x16xi32> to vector<16xi32>
      %broadcast_in_dim3A_116 = arith.constant 16383 : i32
      %broadcast_in_dim3A_117 = vector.broadcast %broadcast_in_dim3A_116 : i32 to vector<16xi32>
      %and3A_118 = arith.andi %get3A_115, %broadcast_in_dim3A_117 : vector<16xi32>
      %swap3A_119 = arith.constant 0 : i32
      %swap3A_120 = arith.index_cast %swap3A_119 : i32 to index
      %swap3A_121 = arith.constant 96 : index
      %swap3A_122 = tpu.vector_load %arg5[%swap3A_120, %swap3A_121] {strides = array<i32>} : memref<1x128xi32, #tpu.memory_space<vmem>>, vector<1x16xi32>,
      %swap3A_123 = vector.shape_cast %swap3A_122 : vector<1x16xi32> to vector<16xi32>
      %swap3A_124 = vector.shape_cast %and3A_118 : vector<16xi32> to vector<1x16xi32>
      tpu.vector_store %arg5[%swap3A_120, %swap3A_121], %swap3A_124 {strides = array<i32>} : memref<1x128xi32, #tpu.memory_space<vmem>>, vector<1x16xi32>,
      %get3A_125 = arith.index_cast %scan3A_36 : i32 to index
      %get3A_126 = arith.constant 112 : index
      %get3A_127 = tpu.vector_load %arg4[%get3A_125, %get3A_126] {strides = array<i32>} : memref<80x128xi32, #tpu.memory_space<vmem>>, vector<1x16xi32>,
      %get3A_128 = vector.shape_cast %get3A_127 : vector<1x16xi32> to vector<16xi32>
      %broadcast_in_dim3A_129 = arith.constant 16383 : i32
      %broadcast_in_dim3A_130 = vector.broadcast %broadcast_in_dim3A_129 : i32 to vector<16xi32>
      %and3A_131 = arith.andi %get3A_128, %broadcast_in_dim3A_130 : vector<16xi32>
      %swap3A_132 = arith.constant 0 : i32
      %swap3A_133 = arith.index_cast %swap3A_132 : i32 to index
      %swap3A_134 = arith.constant 112 : index
      %swap3A_135 = tpu.vector_load %arg5[%swap3A_133, %swap3A_134] {strides = array<i32>} : memref<1x128xi32, #tpu.memory_space<vmem>>, vector<1x16xi32>,
      %swap3A_136 = vector.shape_cast %swap3A_135 : vector<1x16xi32> to vector<16xi32>
      %swap3A_137 = vector.shape_cast %and3A_131 : vector<16xi32> to vector<1x16xi32>
      tpu.vector_store %arg5[%swap3A_133, %swap3A_134], %swap3A_137 {strides = array<i32>} : memref<1x128xi32, #tpu.memory_space<vmem>>, vector<1x16xi32>,
      %run_scoped3A = arith.constant 0 : i32
      "tpu.region"() ({
        %run_scoped3A_139 = tpu.sem_alloc : memref<!tpu.dma_semaphore, #tpu.memory_space<semaphore_mem>>
        %dma_start3A = arith.constant 0 : i32
        %dma_start3A_140 = tpu.memref_slice %arg5[%run_scoped3A, %dma_start3A] : memref<1x128xi32, #tpu.memory_space<vmem>> -> memref<1x128xi32, #tpu.memory_space<vmem>>
        %dma_start3A_141 = tpu.memref_squeeze %dma_start3A_140 : memref<1x128xi32, #tpu.memory_space<vmem>> -> memref<128xi32, #tpu.memory_space<vmem>>
        %dma_start3A_142 = arith.constant 0 : i32
        %dma_start3A_143 = arith.constant 0 : i32
        %dma_start3A_144 = tpu.memref_slice %arg7[%dma_start3A_142, %dma_start3A_143] : memref<10240x128xf32, #tpu.memory_space<vmem_shared>> -> memref<10240x128xf32, #tpu.memory_space<vmem_shared>>
        tpu.enqueue_indirect_dma source(%arg6 : memref<128x128xf32, #tpu.memory_space<vmem>>) target(%dma_start3A_144 : memref<10240x128xf32, #tpu.memory_space<vmem_shared>>) offsets(%dma_start3A_141 : memref<128xi32, #tpu.memory_space<vmem>>) semaphore(%run_scoped3A_139 : memref<!tpu.dma_semaphore, #tpu.memory_space<semaphore_mem>>) {add = true}
        %dma_wait3A = arith.constant 0 : i32
        %dma_wait3A_145 = tpu.memref_slice %arg5[%run_scoped3A, %dma_wait3A] : memref<1x128xi32, #tpu.memory_space<vmem>> -> memref<1x128xi32, #tpu.memory_space<vmem>>
        %dma_wait3A_146 = tpu.memref_squeeze %dma_wait3A_145 : memref<1x128xi32, #tpu.memory_space<vmem>> -> memref<128xi32, #tpu.memory_space<vmem>>
        %dma_wait3A_147 = arith.constant 0 : i32
        %dma_wait3A_148 = arith.constant 0 : i32
        %dma_wait3A_149 = tpu.memref_slice %arg7[%dma_wait3A_147, %dma_wait3A_148] : memref<10240x128xf32, #tpu.memory_space<vmem_shared>> -> memref<10240x128xf32, #tpu.memory_space<vmem_shared>>
        tpu.wait_indirect_dma semaphore(%run_scoped3A_139 : memref<!tpu.dma_semaphore, #tpu.memory_space<semaphore_mem>>) src(%arg6 : memref<128x128xf32, #tpu.memory_space<vmem>>) dst(%dma_wait3A_149 : memref<10240x128xf32, #tpu.memory_space<vmem_shared>>)
        tpu.yield
      }) : () -> ()
      %scan3A_138 = arith.constant 0 : i32
      scf.yield %scan3A_138 : i32
    }
    %scan3A_32 = arith.constant 80 : i32
    %barrier3A_33 = arith.constant 0 : index
    tpu.barrier barrier_id(%barrier3A_33)
    %mul3A_34 = arith.constant 640 : i32
    %mul3A_35 = arith.muli %arg1, %mul3A_34 : i32
    "tpu.region"() ({
      %run_scoped3A = tpu.sem_alloc : memref<!tpu.dma_semaphore, #tpu.memory_space<semaphore_mem>>
      %dma_start3A = arith.constant 0 : i32
      %dma_start3A_36 = tpu.memref_slice %arg3[%arg0, %mul3A_35, %dma_start3A] : memref<2x10240x128xf32, #tpu.memory_space<hbm>> -> memref<1x640x128xf32, #tpu.memory_space<hbm>>
      %dma_start3A_37 = tpu.memref_squeeze %dma_start3A_36 : memref<1x640x128xf32, #tpu.memory_space<hbm>> -> memref<640x128xf32, #tpu.memory_space<hbm>>
      %dma_start3A_38 = arith.constant 0 : i32
      %dma_start3A_39 = tpu.memref_slice %arg7[%mul3A_35, %dma_start3A_38] : memref<10240x128xf32, #tpu.memory_space<vmem_shared>> -> memref<640x128xf32, #tpu.memory_space<vmem_shared>>
      tpu.enqueue_dma source(%dma_start3A_39 : memref<640x128xf32, #tpu.memory_space<vmem_shared>>) target(%dma_start3A_37 : memref<640x128xf32, #tpu.memory_space<hbm>>) target_semaphore(%run_scoped3A : memref<!tpu.dma_semaphore, #tpu.memory_space<semaphore_mem>>)
      %dma_wait3A = arith.constant 0 : i32
      %dma_wait3A_40 = tpu.memref_slice %arg3[%arg0, %mul3A_35, %dma_wait3A] : memref<2x10240x128xf32, #tpu.memory_space<hbm>> -> memref<1x640x128xf32, #tpu.memory_space<hbm>>
      %dma_wait3A_41 = tpu.memref_squeeze %dma_wait3A_40 : memref<1x640x128xf32, #tpu.memory_space<hbm>> -> memref<640x128xf32, #tpu.memory_space<hbm>>
      %dma_wait3A_42 = arith.constant 0 : i32
      %dma_wait3A_43 = tpu.memref_slice %arg7[%mul3A_35, %dma_wait3A_42] : memref<10240x128xf32, #tpu.memory_space<vmem_shared>> -> memref<640x128xf32, #tpu.memory_space<vmem_shared>>
      tpu.wait_dma2 semaphore(%run_scoped3A : memref<!tpu.dma_semaphore, #tpu.memory_space<semaphore_mem>>) src(%dma_wait3A_43 : memref<640x128xf32, #tpu.memory_space<vmem_shared>>) dst(%dma_wait3A_41 : memref<640x128xf32, #tpu.memory_space<hbm>>)
      tpu.yield
    }) : () -> ()
    return
  }
}

#map = affine_map<(d0, d1) -> (0, 0)>
#map1 = affine_map<(d0, d1) -> (0, 0, 0)>
module attributes {stable_mosaic.version = 14 : i64} {
  func.func @prop_kernel(%arg0: i32, %arg1: i32, %arg2: memref<10000x128xf32, #tpu.memory_space<hbm>>, %arg3: memref<32x80x128xi32, #tpu.memory_space<hbm>>, %arg4: memref<2x10240x128xf32, #tpu.memory_space<hbm>>, %arg5: memref<80x128xi32, #tpu.memory_space<vmem>>, %arg6: memref<1x128xi32, #tpu.memory_space<vmem>>, %arg7: memref<1x128xi32, #tpu.memory_space<vmem>>, %arg8: memref<1x128xi32, #tpu.memory_space<vmem>>, %arg9: memref<1x128xi32, #tpu.memory_space<vmem>>, %arg10: memref<128x128xf32, #tpu.memory_space<vmem>>, %arg11: memref<128x128xf32, #tpu.memory_space<vmem>>, %arg12: memref<10240x128xf32, #tpu.memory_space<vmem_shared>>, %arg13: memref<!tpu.dma_semaphore, #tpu.memory_space<semaphore_mem>>, %arg14: memref<!tpu.dma_semaphore, #tpu.memory_space<semaphore_mem>>) attributes {dimension_semantics = [#tpu.dimension_semantics<core_parallel>, #tpu.dimension_semantics<subcore_parallel>], iteration_bounds = array<i64: 2, 16>, scalar_prefetch = 0 : i64, scratch_operands = 10 : i64, tpu.core_type = #tpu.core_type<sc_vector_subcore>, window_params = [{transform_indices = #map}, {transform_indices = #map1}, {transform_indices = #map1}]} {
    %mul3A = arith.constant 16 : i32
    %mul3A_0 = arith.muli %arg0, %mul3A : i32
    %add3A = arith.addi %mul3A_0, %arg1 : i32
    "tpu.region"() ({
      %run_scoped3A = tpu.sem_alloc : memref<!tpu.dma_semaphore, #tpu.memory_space<semaphore_mem>>
      %dma_start3A_471 = arith.constant 0 : i32
      %dma_start3A_472 = arith.constant 0 : i32
      %dma_start3A_473 = tpu.memref_slice %arg3[%add3A, %dma_start3A_471, %dma_start3A_472] : memref<32x80x128xi32, #tpu.memory_space<hbm>> -> memref<1x80x128xi32, #tpu.memory_space<hbm>>
      %dma_start3A_474 = tpu.memref_squeeze %dma_start3A_473 : memref<1x80x128xi32, #tpu.memory_space<hbm>> -> memref<80x128xi32, #tpu.memory_space<hbm>>
      %dma_start3A_475 = arith.constant 0 : i32
      %dma_start3A_476 = arith.constant 0 : i32
      %dma_start3A_477 = tpu.memref_slice %arg3[%add3A, %dma_start3A_475, %dma_start3A_476] : memref<32x80x128xi32, #tpu.memory_space<hbm>> -> memref<1x80x128xi32, #tpu.memory_space<hbm>>
      %dma_start3A_478 = tpu.memref_squeeze %dma_start3A_477 : memref<1x80x128xi32, #tpu.memory_space<hbm>> -> memref<80x128xi32, #tpu.memory_space<hbm>>
      tpu.enqueue_dma source(%dma_start3A_478 : memref<80x128xi32, #tpu.memory_space<hbm>>) target(%arg5 : memref<80x128xi32, #tpu.memory_space<vmem>>) target_semaphore(%run_scoped3A : memref<!tpu.dma_semaphore, #tpu.memory_space<semaphore_mem>>)
      %dma_wait3A = arith.constant 0 : i32
      %dma_wait3A_479 = arith.constant 0 : i32
      %dma_wait3A_480 = tpu.memref_slice %arg3[%add3A, %dma_wait3A, %dma_wait3A_479] : memref<32x80x128xi32, #tpu.memory_space<hbm>> -> memref<1x80x128xi32, #tpu.memory_space<hbm>>
      %dma_wait3A_481 = tpu.memref_squeeze %dma_wait3A_480 : memref<1x80x128xi32, #tpu.memory_space<hbm>> -> memref<80x128xi32, #tpu.memory_space<hbm>>
      %dma_wait3A_482 = arith.constant 0 : i32
      %dma_wait3A_483 = arith.constant 0 : i32
      %dma_wait3A_484 = tpu.memref_slice %arg3[%add3A, %dma_wait3A_482, %dma_wait3A_483] : memref<32x80x128xi32, #tpu.memory_space<hbm>> -> memref<1x80x128xi32, #tpu.memory_space<hbm>>
      %dma_wait3A_485 = tpu.memref_squeeze %dma_wait3A_484 : memref<1x80x128xi32, #tpu.memory_space<hbm>> -> memref<80x128xi32, #tpu.memory_space<hbm>>
      tpu.wait_dma2 semaphore(%run_scoped3A : memref<!tpu.dma_semaphore, #tpu.memory_space<semaphore_mem>>) src(%dma_wait3A_485 : memref<80x128xi32, #tpu.memory_space<hbm>>) dst(%arg5 : memref<80x128xi32, #tpu.memory_space<vmem>>)
      tpu.yield
    }) : () -> ()
    %scan3A = arith.constant 0 : i32
    %scan3A_1 = arith.constant 0 : i32
    %scan3A_2 = arith.constant 128 : i32
    %scan3A_3 = arith.addi %scan3A_1, %scan3A_2 : i32
    %scan3A_4 = arith.constant 1 : i32
    %scan3A_5 = scf.for %scan3A_471 = %scan3A_1 to %scan3A_3 step %scan3A_4 iter_args(%scan3A_472 = %scan3A) -> (i32)  : i32 {
      %broadcast_in_dim3A_473 = arith.constant 0.000000e+00 : f32
      %broadcast_in_dim3A_474 = vector.broadcast %broadcast_in_dim3A_473 : f32 to vector<16xf32>
      %swap3A_475 = arith.index_cast %scan3A_471 : i32 to index
      %swap3A_476 = arith.constant 0 : index
      %swap3A_477 = tpu.vector_load %arg10[%swap3A_475, %swap3A_476] {strides = array<i32>} : memref<128x128xf32, #tpu.memory_space<vmem>>, vector<1x16xf32>,
      %swap3A_478 = vector.shape_cast %swap3A_477 : vector<1x16xf32> to vector<16xf32>
      %swap3A_479 = vector.shape_cast %broadcast_in_dim3A_474 : vector<16xf32> to vector<1x16xf32>
      tpu.vector_store %arg10[%swap3A_475, %swap3A_476], %swap3A_479 {strides = array<i32>} : memref<128x128xf32, #tpu.memory_space<vmem>>, vector<1x16xf32>,
      %broadcast_in_dim3A_480 = arith.constant 0.000000e+00 : f32
      %broadcast_in_dim3A_481 = vector.broadcast %broadcast_in_dim3A_480 : f32 to vector<16xf32>
      %swap3A_482 = arith.index_cast %scan3A_471 : i32 to index
      %swap3A_483 = arith.constant 16 : index
      %swap3A_484 = tpu.vector_load %arg10[%swap3A_482, %swap3A_483] {strides = array<i32>} : memref<128x128xf32, #tpu.memory_space<vmem>>, vector<1x16xf32>,
      %swap3A_485 = vector.shape_cast %swap3A_484 : vector<1x16xf32> to vector<16xf32>
      %swap3A_486 = vector.shape_cast %broadcast_in_dim3A_481 : vector<16xf32> to vector<1x16xf32>
      tpu.vector_store %arg10[%swap3A_482, %swap3A_483], %swap3A_486 {strides = array<i32>} : memref<128x128xf32, #tpu.memory_space<vmem>>, vector<1x16xf32>,
      %broadcast_in_dim3A_487 = arith.constant 0.000000e+00 : f32
      %broadcast_in_dim3A_488 = vector.broadcast %broadcast_in_dim3A_487 : f32 to vector<16xf32>
      %swap3A_489 = arith.index_cast %scan3A_471 : i32 to index
      %swap3A_490 = arith.constant 32 : index
      %swap3A_491 = tpu.vector_load %arg10[%swap3A_489, %swap3A_490] {strides = array<i32>} : memref<128x128xf32, #tpu.memory_space<vmem>>, vector<1x16xf32>,
      %swap3A_492 = vector.shape_cast %swap3A_491 : vector<1x16xf32> to vector<16xf32>
      %swap3A_493 = vector.shape_cast %broadcast_in_dim3A_488 : vector<16xf32> to vector<1x16xf32>
      tpu.vector_store %arg10[%swap3A_489, %swap3A_490], %swap3A_493 {strides = array<i32>} : memref<128x128xf32, #tpu.memory_space<vmem>>, vector<1x16xf32>,
      %broadcast_in_dim3A_494 = arith.constant 0.000000e+00 : f32
      %broadcast_in_dim3A_495 = vector.broadcast %broadcast_in_dim3A_494 : f32 to vector<16xf32>
      %swap3A_496 = arith.index_cast %scan3A_471 : i32 to index
      %swap3A_497 = arith.constant 48 : index
      %swap3A_498 = tpu.vector_load %arg10[%swap3A_496, %swap3A_497] {strides = array<i32>} : memref<128x128xf32, #tpu.memory_space<vmem>>, vector<1x16xf32>,
      %swap3A_499 = vector.shape_cast %swap3A_498 : vector<1x16xf32> to vector<16xf32>
      %swap3A_500 = vector.shape_cast %broadcast_in_dim3A_495 : vector<16xf32> to vector<1x16xf32>
      tpu.vector_store %arg10[%swap3A_496, %swap3A_497], %swap3A_500 {strides = array<i32>} : memref<128x128xf32, #tpu.memory_space<vmem>>, vector<1x16xf32>,
      %broadcast_in_dim3A_501 = arith.constant 0.000000e+00 : f32
      %broadcast_in_dim3A_502 = vector.broadcast %broadcast_in_dim3A_501 : f32 to vector<16xf32>
      %swap3A_503 = arith.index_cast %scan3A_471 : i32 to index
      %swap3A_504 = arith.constant 64 : index
      %swap3A_505 = tpu.vector_load %arg10[%swap3A_503, %swap3A_504] {strides = array<i32>} : memref<128x128xf32, #tpu.memory_space<vmem>>, vector<1x16xf32>,
      %swap3A_506 = vector.shape_cast %swap3A_505 : vector<1x16xf32> to vector<16xf32>
      %swap3A_507 = vector.shape_cast %broadcast_in_dim3A_502 : vector<16xf32> to vector<1x16xf32>
      tpu.vector_store %arg10[%swap3A_503, %swap3A_504], %swap3A_507 {strides = array<i32>} : memref<128x128xf32, #tpu.memory_space<vmem>>, vector<1x16xf32>,
      %broadcast_in_dim3A_508 = arith.constant 0.000000e+00 : f32
      %broadcast_in_dim3A_509 = vector.broadcast %broadcast_in_dim3A_508 : f32 to vector<16xf32>
      %swap3A_510 = arith.index_cast %scan3A_471 : i32 to index
      %swap3A_511 = arith.constant 80 : index
      %swap3A_512 = tpu.vector_load %arg10[%swap3A_510, %swap3A_511] {strides = array<i32>} : memref<128x128xf32, #tpu.memory_space<vmem>>, vector<1x16xf32>,
      %swap3A_513 = vector.shape_cast %swap3A_512 : vector<1x16xf32> to vector<16xf32>
      %swap3A_514 = vector.shape_cast %broadcast_in_dim3A_509 : vector<16xf32> to vector<1x16xf32>
      tpu.vector_store %arg10[%swap3A_510, %swap3A_511], %swap3A_514 {strides = array<i32>} : memref<128x128xf32, #tpu.memory_space<vmem>>, vector<1x16xf32>,
      %broadcast_in_dim3A_515 = arith.constant 0.000000e+00 : f32
      %broadcast_in_dim3A_516 = vector.broadcast %broadcast_in_dim3A_515 : f32 to vector<16xf32>
      %swap3A_517 = arith.index_cast %scan3A_471 : i32 to index
      %swap3A_518 = arith.constant 96 : index
      %swap3A_519 = tpu.vector_load %arg10[%swap3A_517, %swap3A_518] {strides = array<i32>} : memref<128x128xf32, #tpu.memory_space<vmem>>, vector<1x16xf32>,
      %swap3A_520 = vector.shape_cast %swap3A_519 : vector<1x16xf32> to vector<16xf32>
      %swap3A_521 = vector.shape_cast %broadcast_in_dim3A_516 : vector<16xf32> to vector<1x16xf32>
      tpu.vector_store %arg10[%swap3A_517, %swap3A_518], %swap3A_521 {strides = array<i32>} : memref<128x128xf32, #tpu.memory_space<vmem>>, vector<1x16xf32>,
      %broadcast_in_dim3A_522 = arith.constant 0.000000e+00 : f32
      %broadcast_in_dim3A_523 = vector.broadcast %broadcast_in_dim3A_522 : f32 to vector<16xf32>
      %swap3A_524 = arith.index_cast %scan3A_471 : i32 to index
      %swap3A_525 = arith.constant 112 : index
      %swap3A_526 = tpu.vector_load %arg10[%swap3A_524, %swap3A_525] {strides = array<i32>} : memref<128x128xf32, #tpu.memory_space<vmem>>, vector<1x16xf32>,
      %swap3A_527 = vector.shape_cast %swap3A_526 : vector<1x16xf32> to vector<16xf32>
      %swap3A_528 = vector.shape_cast %broadcast_in_dim3A_523 : vector<16xf32> to vector<1x16xf32>
      tpu.vector_store %arg10[%swap3A_524, %swap3A_525], %swap3A_528 {strides = array<i32>} : memref<128x128xf32, #tpu.memory_space<vmem>>, vector<1x16xf32>,
      %scan3A_529 = arith.constant 0 : i32
      scf.yield %scan3A_529 : i32
    }
    %scan3A_6 = arith.constant 128 : i32
    %mul3A_7 = arith.constant 640 : i32
    %mul3A_8 = arith.muli %arg1, %mul3A_7 : i32
    %add3A_9 = arith.constant 0 : i32
    %add3A_10 = arith.addi %mul3A_8, %add3A_9 : i32
    "tpu.region"() ({
      %run_scoped3A = tpu.sem_alloc : memref<!tpu.dma_semaphore, #tpu.memory_space<semaphore_mem>>
      %dma_start3A_471 = arith.constant 0 : i32
      %dma_start3A_472 = tpu.memref_slice %arg12[%add3A_10, %dma_start3A_471] : memref<10240x128xf32, #tpu.memory_space<vmem_shared>> -> memref<128x128xf32, #tpu.memory_space<vmem_shared>>
      %dma_start3A_473 = arith.constant 0 : i32
      %dma_start3A_474 = tpu.memref_slice %arg12[%add3A_10, %dma_start3A_473] : memref<10240x128xf32, #tpu.memory_space<vmem_shared>> -> memref<128x128xf32, #tpu.memory_space<vmem_shared>>
      tpu.enqueue_dma source(%arg10 : memref<128x128xf32, #tpu.memory_space<vmem>>) target(%dma_start3A_474 : memref<128x128xf32, #tpu.memory_space<vmem_shared>>) target_semaphore(%run_scoped3A : memref<!tpu.dma_semaphore, #tpu.memory_space<semaphore_mem>>)
      %dma_wait3A = arith.constant 0 : i32
      %dma_wait3A_475 = tpu.memref_slice %arg12[%add3A_10, %dma_wait3A] : memref<10240x128xf32, #tpu.memory_space<vmem_shared>> -> memref<128x128xf32, #tpu.memory_space<vmem_shared>>
      %dma_wait3A_476 = arith.constant 0 : i32
      %dma_wait3A_477 = tpu.memref_slice %arg12[%add3A_10, %dma_wait3A_476] : memref<10240x128xf32, #tpu.memory_space<vmem_shared>> -> memref<128x128xf32, #tpu.memory_space<vmem_shared>>
      tpu.wait_dma2 semaphore(%run_scoped3A : memref<!tpu.dma_semaphore, #tpu.memory_space<semaphore_mem>>) src(%arg10 : memref<128x128xf32, #tpu.memory_space<vmem>>) dst(%dma_wait3A_477 : memref<128x128xf32, #tpu.memory_space<vmem_shared>>)
      tpu.yield
    }) : () -> ()
    %add3A_11 = arith.constant 128 : i32
    %add3A_12 = arith.addi %mul3A_8, %add3A_11 : i32
    "tpu.region"() ({
      %run_scoped3A = tpu.sem_alloc : memref<!tpu.dma_semaphore, #tpu.memory_space<semaphore_mem>>
      %dma_start3A_471 = arith.constant 0 : i32
      %dma_start3A_472 = tpu.memref_slice %arg12[%add3A_12, %dma_start3A_471] : memref<10240x128xf32, #tpu.memory_space<vmem_shared>> -> memref<128x128xf32, #tpu.memory_space<vmem_shared>>
      %dma_start3A_473 = arith.constant 0 : i32
      %dma_start3A_474 = tpu.memref_slice %arg12[%add3A_12, %dma_start3A_473] : memref<10240x128xf32, #tpu.memory_space<vmem_shared>> -> memref<128x128xf32, #tpu.memory_space<vmem_shared>>
      tpu.enqueue_dma source(%arg10 : memref<128x128xf32, #tpu.memory_space<vmem>>) target(%dma_start3A_474 : memref<128x128xf32, #tpu.memory_space<vmem_shared>>) target_semaphore(%run_scoped3A : memref<!tpu.dma_semaphore, #tpu.memory_space<semaphore_mem>>)
      %dma_wait3A = arith.constant 0 : i32
      %dma_wait3A_475 = tpu.memref_slice %arg12[%add3A_12, %dma_wait3A] : memref<10240x128xf32, #tpu.memory_space<vmem_shared>> -> memref<128x128xf32, #tpu.memory_space<vmem_shared>>
      %dma_wait3A_476 = arith.constant 0 : i32
      %dma_wait3A_477 = tpu.memref_slice %arg12[%add3A_12, %dma_wait3A_476] : memref<10240x128xf32, #tpu.memory_space<vmem_shared>> -> memref<128x128xf32, #tpu.memory_space<vmem_shared>>
      tpu.wait_dma2 semaphore(%run_scoped3A : memref<!tpu.dma_semaphore, #tpu.memory_space<semaphore_mem>>) src(%arg10 : memref<128x128xf32, #tpu.memory_space<vmem>>) dst(%dma_wait3A_477 : memref<128x128xf32, #tpu.memory_space<vmem_shared>>)
      tpu.yield
    }) : () -> ()
    %add3A_13 = arith.constant 256 : i32
    %add3A_14 = arith.addi %mul3A_8, %add3A_13 : i32
    "tpu.region"() ({
      %run_scoped3A = tpu.sem_alloc : memref<!tpu.dma_semaphore, #tpu.memory_space<semaphore_mem>>
      %dma_start3A_471 = arith.constant 0 : i32
      %dma_start3A_472 = tpu.memref_slice %arg12[%add3A_14, %dma_start3A_471] : memref<10240x128xf32, #tpu.memory_space<vmem_shared>> -> memref<128x128xf32, #tpu.memory_space<vmem_shared>>
      %dma_start3A_473 = arith.constant 0 : i32
      %dma_start3A_474 = tpu.memref_slice %arg12[%add3A_14, %dma_start3A_473] : memref<10240x128xf32, #tpu.memory_space<vmem_shared>> -> memref<128x128xf32, #tpu.memory_space<vmem_shared>>
      tpu.enqueue_dma source(%arg10 : memref<128x128xf32, #tpu.memory_space<vmem>>) target(%dma_start3A_474 : memref<128x128xf32, #tpu.memory_space<vmem_shared>>) target_semaphore(%run_scoped3A : memref<!tpu.dma_semaphore, #tpu.memory_space<semaphore_mem>>)
      %dma_wait3A = arith.constant 0 : i32
      %dma_wait3A_475 = tpu.memref_slice %arg12[%add3A_14, %dma_wait3A] : memref<10240x128xf32, #tpu.memory_space<vmem_shared>> -> memref<128x128xf32, #tpu.memory_space<vmem_shared>>
      %dma_wait3A_476 = arith.constant 0 : i32
      %dma_wait3A_477 = tpu.memref_slice %arg12[%add3A_14, %dma_wait3A_476] : memref<10240x128xf32, #tpu.memory_space<vmem_shared>> -> memref<128x128xf32, #tpu.memory_space<vmem_shared>>
      tpu.wait_dma2 semaphore(%run_scoped3A : memref<!tpu.dma_semaphore, #tpu.memory_space<semaphore_mem>>) src(%arg10 : memref<128x128xf32, #tpu.memory_space<vmem>>) dst(%dma_wait3A_477 : memref<128x128xf32, #tpu.memory_space<vmem_shared>>)
      tpu.yield
    }) : () -> ()
    %add3A_15 = arith.constant 384 : i32
    %add3A_16 = arith.addi %mul3A_8, %add3A_15 : i32
    "tpu.region"() ({
      %run_scoped3A = tpu.sem_alloc : memref<!tpu.dma_semaphore, #tpu.memory_space<semaphore_mem>>
      %dma_start3A_471 = arith.constant 0 : i32
      %dma_start3A_472 = tpu.memref_slice %arg12[%add3A_16, %dma_start3A_471] : memref<10240x128xf32, #tpu.memory_space<vmem_shared>> -> memref<128x128xf32, #tpu.memory_space<vmem_shared>>
      %dma_start3A_473 = arith.constant 0 : i32
      %dma_start3A_474 = tpu.memref_slice %arg12[%add3A_16, %dma_start3A_473] : memref<10240x128xf32, #tpu.memory_space<vmem_shared>> -> memref<128x128xf32, #tpu.memory_space<vmem_shared>>
      tpu.enqueue_dma source(%arg10 : memref<128x128xf32, #tpu.memory_space<vmem>>) target(%dma_start3A_474 : memref<128x128xf32, #tpu.memory_space<vmem_shared>>) target_semaphore(%run_scoped3A : memref<!tpu.dma_semaphore, #tpu.memory_space<semaphore_mem>>)
      %dma_wait3A = arith.constant 0 : i32
      %dma_wait3A_475 = tpu.memref_slice %arg12[%add3A_16, %dma_wait3A] : memref<10240x128xf32, #tpu.memory_space<vmem_shared>> -> memref<128x128xf32, #tpu.memory_space<vmem_shared>>
      %dma_wait3A_476 = arith.constant 0 : i32
      %dma_wait3A_477 = tpu.memref_slice %arg12[%add3A_16, %dma_wait3A_476] : memref<10240x128xf32, #tpu.memory_space<vmem_shared>> -> memref<128x128xf32, #tpu.memory_space<vmem_shared>>
      tpu.wait_dma2 semaphore(%run_scoped3A : memref<!tpu.dma_semaphore, #tpu.memory_space<semaphore_mem>>) src(%arg10 : memref<128x128xf32, #tpu.memory_space<vmem>>) dst(%dma_wait3A_477 : memref<128x128xf32, #tpu.memory_space<vmem_shared>>)
      tpu.yield
    }) : () -> ()
    %add3A_17 = arith.constant 512 : i32
    %add3A_18 = arith.addi %mul3A_8, %add3A_17 : i32
    "tpu.region"() ({
      %run_scoped3A = tpu.sem_alloc : memref<!tpu.dma_semaphore, #tpu.memory_space<semaphore_mem>>
      %dma_start3A_471 = arith.constant 0 : i32
      %dma_start3A_472 = tpu.memref_slice %arg12[%add3A_18, %dma_start3A_471] : memref<10240x128xf32, #tpu.memory_space<vmem_shared>> -> memref<128x128xf32, #tpu.memory_space<vmem_shared>>
      %dma_start3A_473 = arith.constant 0 : i32
      %dma_start3A_474 = tpu.memref_slice %arg12[%add3A_18, %dma_start3A_473] : memref<10240x128xf32, #tpu.memory_space<vmem_shared>> -> memref<128x128xf32, #tpu.memory_space<vmem_shared>>
      tpu.enqueue_dma source(%arg10 : memref<128x128xf32, #tpu.memory_space<vmem>>) target(%dma_start3A_474 : memref<128x128xf32, #tpu.memory_space<vmem_shared>>) target_semaphore(%run_scoped3A : memref<!tpu.dma_semaphore, #tpu.memory_space<semaphore_mem>>)
      %dma_wait3A = arith.constant 0 : i32
      %dma_wait3A_475 = tpu.memref_slice %arg12[%add3A_18, %dma_wait3A] : memref<10240x128xf32, #tpu.memory_space<vmem_shared>> -> memref<128x128xf32, #tpu.memory_space<vmem_shared>>
      %dma_wait3A_476 = arith.constant 0 : i32
      %dma_wait3A_477 = tpu.memref_slice %arg12[%add3A_18, %dma_wait3A_476] : memref<10240x128xf32, #tpu.memory_space<vmem_shared>> -> memref<128x128xf32, #tpu.memory_space<vmem_shared>>
      tpu.wait_dma2 semaphore(%run_scoped3A : memref<!tpu.dma_semaphore, #tpu.memory_space<semaphore_mem>>) src(%arg10 : memref<128x128xf32, #tpu.memory_space<vmem>>) dst(%dma_wait3A_477 : memref<128x128xf32, #tpu.memory_space<vmem_shared>>)
      tpu.yield
    }) : () -> ()
    %barrier3A = arith.constant 0 : index
    tpu.barrier barrier_id(%barrier3A)
    %get3A = arith.constant 0 : i32
    %get3A_19 = arith.index_cast %get3A : i32 to index
    %get3A_20 = arith.constant 0 : index
    %get3A_21 = tpu.vector_load %arg5[%get3A_19, %get3A_20] {strides = array<i32>} : memref<80x128xi32, #tpu.memory_space<vmem>>, vector<1x16xi32>,
    %get3A_22 = vector.shape_cast %get3A_21 : vector<1x16xi32> to vector<16xi32>
    %shift_right_logical3A = arith.constant 14 : i32
    %shift_right_logical3A_23 = vector.broadcast %shift_right_logical3A : i32 to vector<16xi32>
    %shift_right_logical3A_24 = arith.shrui %get3A_22, %shift_right_logical3A_23 : vector<16xi32>
    %swap3A = arith.constant 0 : i32
    %swap3A_25 = arith.index_cast %swap3A : i32 to index
    %swap3A_26 = arith.constant 0 : index
    %swap3A_27 = tpu.vector_load %arg6[%swap3A_25, %swap3A_26] {strides = array<i32>} : memref<1x128xi32, #tpu.memory_space<vmem>>, vector<1x16xi32>,
    %swap3A_28 = vector.shape_cast %swap3A_27 : vector<1x16xi32> to vector<16xi32>
    %swap3A_29 = vector.shape_cast %shift_right_logical3A_24 : vector<16xi32> to vector<1x16xi32>
    tpu.vector_store %arg6[%swap3A_25, %swap3A_26], %swap3A_29 {strides = array<i32>} : memref<1x128xi32, #tpu.memory_space<vmem>>, vector<1x16xi32>,
    %broadcast_in_dim3A = arith.constant 16383 : i32
    %broadcast_in_dim3A_30 = vector.broadcast %broadcast_in_dim3A : i32 to vector<16xi32>
    %and3A = arith.andi %get3A_22, %broadcast_in_dim3A_30 : vector<16xi32>
    %swap3A_31 = arith.constant 0 : i32
    %swap3A_32 = arith.index_cast %swap3A_31 : i32 to index
    %swap3A_33 = arith.constant 0 : index
    %swap3A_34 = tpu.vector_load %arg8[%swap3A_32, %swap3A_33] {strides = array<i32>} : memref<1x128xi32, #tpu.memory_space<vmem>>, vector<1x16xi32>,
    %swap3A_35 = vector.shape_cast %swap3A_34 : vector<1x16xi32> to vector<16xi32>
    %swap3A_36 = vector.shape_cast %and3A : vector<16xi32> to vector<1x16xi32>
    tpu.vector_store %arg8[%swap3A_32, %swap3A_33], %swap3A_36 {strides = array<i32>} : memref<1x128xi32, #tpu.memory_space<vmem>>, vector<1x16xi32>,
    %get3A_37 = arith.constant 0 : i32
    %get3A_38 = arith.index_cast %get3A_37 : i32 to index
    %get3A_39 = arith.constant 16 : index
    %get3A_40 = tpu.vector_load %arg5[%get3A_38, %get3A_39] {strides = array<i32>} : memref<80x128xi32, #tpu.memory_space<vmem>>, vector<1x16xi32>,
    %get3A_41 = vector.shape_cast %get3A_40 : vector<1x16xi32> to vector<16xi32>
    %shift_right_logical3A_42 = arith.constant 14 : i32
    %shift_right_logical3A_43 = vector.broadcast %shift_right_logical3A_42 : i32 to vector<16xi32>
    %shift_right_logical3A_44 = arith.shrui %get3A_41, %shift_right_logical3A_43 : vector<16xi32>
    %swap3A_45 = arith.constant 0 : i32
    %swap3A_46 = arith.index_cast %swap3A_45 : i32 to index
    %swap3A_47 = arith.constant 16 : index
    %swap3A_48 = tpu.vector_load %arg6[%swap3A_46, %swap3A_47] {strides = array<i32>} : memref<1x128xi32, #tpu.memory_space<vmem>>, vector<1x16xi32>,
    %swap3A_49 = vector.shape_cast %swap3A_48 : vector<1x16xi32> to vector<16xi32>
    %swap3A_50 = vector.shape_cast %shift_right_logical3A_44 : vector<16xi32> to vector<1x16xi32>
    tpu.vector_store %arg6[%swap3A_46, %swap3A_47], %swap3A_50 {strides = array<i32>} : memref<1x128xi32, #tpu.memory_space<vmem>>, vector<1x16xi32>,
    %broadcast_in_dim3A_51 = arith.constant 16383 : i32
    %broadcast_in_dim3A_52 = vector.broadcast %broadcast_in_dim3A_51 : i32 to vector<16xi32>
    %and3A_53 = arith.andi %get3A_41, %broadcast_in_dim3A_52 : vector<16xi32>
    %swap3A_54 = arith.constant 0 : i32
    %swap3A_55 = arith.index_cast %swap3A_54 : i32 to index
    %swap3A_56 = arith.constant 16 : index
    %swap3A_57 = tpu.vector_load %arg8[%swap3A_55, %swap3A_56] {strides = array<i32>} : memref<1x128xi32, #tpu.memory_space<vmem>>, vector<1x16xi32>,
    %swap3A_58 = vector.shape_cast %swap3A_57 : vector<1x16xi32> to vector<16xi32>
    %swap3A_59 = vector.shape_cast %and3A_53 : vector<16xi32> to vector<1x16xi32>
    tpu.vector_store %arg8[%swap3A_55, %swap3A_56], %swap3A_59 {strides = array<i32>} : memref<1x128xi32, #tpu.memory_space<vmem>>, vector<1x16xi32>,
    %get3A_60 = arith.constant 0 : i32
    %get3A_61 = arith.index_cast %get3A_60 : i32 to index
    %get3A_62 = arith.constant 32 : index
    %get3A_63 = tpu.vector_load %arg5[%get3A_61, %get3A_62] {strides = array<i32>} : memref<80x128xi32, #tpu.memory_space<vmem>>, vector<1x16xi32>,
    %get3A_64 = vector.shape_cast %get3A_63 : vector<1x16xi32> to vector<16xi32>
    %shift_right_logical3A_65 = arith.constant 14 : i32
    %shift_right_logical3A_66 = vector.broadcast %shift_right_logical3A_65 : i32 to vector<16xi32>
    %shift_right_logical3A_67 = arith.shrui %get3A_64, %shift_right_logical3A_66 : vector<16xi32>
    %swap3A_68 = arith.constant 0 : i32
    %swap3A_69 = arith.index_cast %swap3A_68 : i32 to index
    %swap3A_70 = arith.constant 32 : index
    %swap3A_71 = tpu.vector_load %arg6[%swap3A_69, %swap3A_70] {strides = array<i32>} : memref<1x128xi32, #tpu.memory_space<vmem>>, vector<1x16xi32>,
    %swap3A_72 = vector.shape_cast %swap3A_71 : vector<1x16xi32> to vector<16xi32>
    %swap3A_73 = vector.shape_cast %shift_right_logical3A_67 : vector<16xi32> to vector<1x16xi32>
    tpu.vector_store %arg6[%swap3A_69, %swap3A_70], %swap3A_73 {strides = array<i32>} : memref<1x128xi32, #tpu.memory_space<vmem>>, vector<1x16xi32>,
    %broadcast_in_dim3A_74 = arith.constant 16383 : i32
    %broadcast_in_dim3A_75 = vector.broadcast %broadcast_in_dim3A_74 : i32 to vector<16xi32>
    %and3A_76 = arith.andi %get3A_64, %broadcast_in_dim3A_75 : vector<16xi32>
    %swap3A_77 = arith.constant 0 : i32
    %swap3A_78 = arith.index_cast %swap3A_77 : i32 to index
    %swap3A_79 = arith.constant 32 : index
    %swap3A_80 = tpu.vector_load %arg8[%swap3A_78, %swap3A_79] {strides = array<i32>} : memref<1x128xi32, #tpu.memory_space<vmem>>, vector<1x16xi32>,
    %swap3A_81 = vector.shape_cast %swap3A_80 : vector<1x16xi32> to vector<16xi32>
    %swap3A_82 = vector.shape_cast %and3A_76 : vector<16xi32> to vector<1x16xi32>
    tpu.vector_store %arg8[%swap3A_78, %swap3A_79], %swap3A_82 {strides = array<i32>} : memref<1x128xi32, #tpu.memory_space<vmem>>, vector<1x16xi32>,
    %get3A_83 = arith.constant 0 : i32
    %get3A_84 = arith.index_cast %get3A_83 : i32 to index
    %get3A_85 = arith.constant 48 : index
    %get3A_86 = tpu.vector_load %arg5[%get3A_84, %get3A_85] {strides = array<i32>} : memref<80x128xi32, #tpu.memory_space<vmem>>, vector<1x16xi32>,
    %get3A_87 = vector.shape_cast %get3A_86 : vector<1x16xi32> to vector<16xi32>
    %shift_right_logical3A_88 = arith.constant 14 : i32
    %shift_right_logical3A_89 = vector.broadcast %shift_right_logical3A_88 : i32 to vector<16xi32>
    %shift_right_logical3A_90 = arith.shrui %get3A_87, %shift_right_logical3A_89 : vector<16xi32>
    %swap3A_91 = arith.constant 0 : i32
    %swap3A_92 = arith.index_cast %swap3A_91 : i32 to index
    %swap3A_93 = arith.constant 48 : index
    %swap3A_94 = tpu.vector_load %arg6[%swap3A_92, %swap3A_93] {strides = array<i32>} : memref<1x128xi32, #tpu.memory_space<vmem>>, vector<1x16xi32>,
    %swap3A_95 = vector.shape_cast %swap3A_94 : vector<1x16xi32> to vector<16xi32>
    %swap3A_96 = vector.shape_cast %shift_right_logical3A_90 : vector<16xi32> to vector<1x16xi32>
    tpu.vector_store %arg6[%swap3A_92, %swap3A_93], %swap3A_96 {strides = array<i32>} : memref<1x128xi32, #tpu.memory_space<vmem>>, vector<1x16xi32>,
    %broadcast_in_dim3A_97 = arith.constant 16383 : i32
    %broadcast_in_dim3A_98 = vector.broadcast %broadcast_in_dim3A_97 : i32 to vector<16xi32>
    %and3A_99 = arith.andi %get3A_87, %broadcast_in_dim3A_98 : vector<16xi32>
    %swap3A_100 = arith.constant 0 : i32
    %swap3A_101 = arith.index_cast %swap3A_100 : i32 to index
    %swap3A_102 = arith.constant 48 : index
    %swap3A_103 = tpu.vector_load %arg8[%swap3A_101, %swap3A_102] {strides = array<i32>} : memref<1x128xi32, #tpu.memory_space<vmem>>, vector<1x16xi32>,
    %swap3A_104 = vector.shape_cast %swap3A_103 : vector<1x16xi32> to vector<16xi32>
    %swap3A_105 = vector.shape_cast %and3A_99 : vector<16xi32> to vector<1x16xi32>
    tpu.vector_store %arg8[%swap3A_101, %swap3A_102], %swap3A_105 {strides = array<i32>} : memref<1x128xi32, #tpu.memory_space<vmem>>, vector<1x16xi32>,
    %get3A_106 = arith.constant 0 : i32
    %get3A_107 = arith.index_cast %get3A_106 : i32 to index
    %get3A_108 = arith.constant 64 : index
    %get3A_109 = tpu.vector_load %arg5[%get3A_107, %get3A_108] {strides = array<i32>} : memref<80x128xi32, #tpu.memory_space<vmem>>, vector<1x16xi32>,
    %get3A_110 = vector.shape_cast %get3A_109 : vector<1x16xi32> to vector<16xi32>
    %shift_right_logical3A_111 = arith.constant 14 : i32
    %shift_right_logical3A_112 = vector.broadcast %shift_right_logical3A_111 : i32 to vector<16xi32>
    %shift_right_logical3A_113 = arith.shrui %get3A_110, %shift_right_logical3A_112 : vector<16xi32>
    %swap3A_114 = arith.constant 0 : i32
    %swap3A_115 = arith.index_cast %swap3A_114 : i32 to index
    %swap3A_116 = arith.constant 64 : index
    %swap3A_117 = tpu.vector_load %arg6[%swap3A_115, %swap3A_116] {strides = array<i32>} : memref<1x128xi32, #tpu.memory_space<vmem>>, vector<1x16xi32>,
    %swap3A_118 = vector.shape_cast %swap3A_117 : vector<1x16xi32> to vector<16xi32>
    %swap3A_119 = vector.shape_cast %shift_right_logical3A_113 : vector<16xi32> to vector<1x16xi32>
    tpu.vector_store %arg6[%swap3A_115, %swap3A_116], %swap3A_119 {strides = array<i32>} : memref<1x128xi32, #tpu.memory_space<vmem>>, vector<1x16xi32>,
    %broadcast_in_dim3A_120 = arith.constant 16383 : i32
    %broadcast_in_dim3A_121 = vector.broadcast %broadcast_in_dim3A_120 : i32 to vector<16xi32>
    %and3A_122 = arith.andi %get3A_110, %broadcast_in_dim3A_121 : vector<16xi32>
    %swap3A_123 = arith.constant 0 : i32
    %swap3A_124 = arith.index_cast %swap3A_123 : i32 to index
    %swap3A_125 = arith.constant 64 : index
    %swap3A_126 = tpu.vector_load %arg8[%swap3A_124, %swap3A_125] {strides = array<i32>} : memref<1x128xi32, #tpu.memory_space<vmem>>, vector<1x16xi32>,
    %swap3A_127 = vector.shape_cast %swap3A_126 : vector<1x16xi32> to vector<16xi32>
    %swap3A_128 = vector.shape_cast %and3A_122 : vector<16xi32> to vector<1x16xi32>
    tpu.vector_store %arg8[%swap3A_124, %swap3A_125], %swap3A_128 {strides = array<i32>} : memref<1x128xi32, #tpu.memory_space<vmem>>, vector<1x16xi32>,
    %get3A_129 = arith.constant 0 : i32
    %get3A_130 = arith.index_cast %get3A_129 : i32 to index
    %get3A_131 = arith.constant 80 : index
    %get3A_132 = tpu.vector_load %arg5[%get3A_130, %get3A_131] {strides = array<i32>} : memref<80x128xi32, #tpu.memory_space<vmem>>, vector<1x16xi32>,
    %get3A_133 = vector.shape_cast %get3A_132 : vector<1x16xi32> to vector<16xi32>
    %shift_right_logical3A_134 = arith.constant 14 : i32
    %shift_right_logical3A_135 = vector.broadcast %shift_right_logical3A_134 : i32 to vector<16xi32>
    %shift_right_logical3A_136 = arith.shrui %get3A_133, %shift_right_logical3A_135 : vector<16xi32>
    %swap3A_137 = arith.constant 0 : i32
    %swap3A_138 = arith.index_cast %swap3A_137 : i32 to index
    %swap3A_139 = arith.constant 80 : index
    %swap3A_140 = tpu.vector_load %arg6[%swap3A_138, %swap3A_139] {strides = array<i32>} : memref<1x128xi32, #tpu.memory_space<vmem>>, vector<1x16xi32>,
    %swap3A_141 = vector.shape_cast %swap3A_140 : vector<1x16xi32> to vector<16xi32>
    %swap3A_142 = vector.shape_cast %shift_right_logical3A_136 : vector<16xi32> to vector<1x16xi32>
    tpu.vector_store %arg6[%swap3A_138, %swap3A_139], %swap3A_142 {strides = array<i32>} : memref<1x128xi32, #tpu.memory_space<vmem>>, vector<1x16xi32>,
    %broadcast_in_dim3A_143 = arith.constant 16383 : i32
    %broadcast_in_dim3A_144 = vector.broadcast %broadcast_in_dim3A_143 : i32 to vector<16xi32>
    %and3A_145 = arith.andi %get3A_133, %broadcast_in_dim3A_144 : vector<16xi32>
    %swap3A_146 = arith.constant 0 : i32
    %swap3A_147 = arith.index_cast %swap3A_146 : i32 to index
    %swap3A_148 = arith.constant 80 : index
    %swap3A_149 = tpu.vector_load %arg8[%swap3A_147, %swap3A_148] {strides = array<i32>} : memref<1x128xi32, #tpu.memory_space<vmem>>, vector<1x16xi32>,
    %swap3A_150 = vector.shape_cast %swap3A_149 : vector<1x16xi32> to vector<16xi32>
    %swap3A_151 = vector.shape_cast %and3A_145 : vector<16xi32> to vector<1x16xi32>
    tpu.vector_store %arg8[%swap3A_147, %swap3A_148], %swap3A_151 {strides = array<i32>} : memref<1x128xi32, #tpu.memory_space<vmem>>, vector<1x16xi32>,
    %get3A_152 = arith.constant 0 : i32
    %get3A_153 = arith.index_cast %get3A_152 : i32 to index
    %get3A_154 = arith.constant 96 : index
    %get3A_155 = tpu.vector_load %arg5[%get3A_153, %get3A_154] {strides = array<i32>} : memref<80x128xi32, #tpu.memory_space<vmem>>, vector<1x16xi32>,
    %get3A_156 = vector.shape_cast %get3A_155 : vector<1x16xi32> to vector<16xi32>
    %shift_right_logical3A_157 = arith.constant 14 : i32
    %shift_right_logical3A_158 = vector.broadcast %shift_right_logical3A_157 : i32 to vector<16xi32>
    %shift_right_logical3A_159 = arith.shrui %get3A_156, %shift_right_logical3A_158 : vector<16xi32>
    %swap3A_160 = arith.constant 0 : i32
    %swap3A_161 = arith.index_cast %swap3A_160 : i32 to index
    %swap3A_162 = arith.constant 96 : index
    %swap3A_163 = tpu.vector_load %arg6[%swap3A_161, %swap3A_162] {strides = array<i32>} : memref<1x128xi32, #tpu.memory_space<vmem>>, vector<1x16xi32>,
    %swap3A_164 = vector.shape_cast %swap3A_163 : vector<1x16xi32> to vector<16xi32>
    %swap3A_165 = vector.shape_cast %shift_right_logical3A_159 : vector<16xi32> to vector<1x16xi32>
    tpu.vector_store %arg6[%swap3A_161, %swap3A_162], %swap3A_165 {strides = array<i32>} : memref<1x128xi32, #tpu.memory_space<vmem>>, vector<1x16xi32>,
    %broadcast_in_dim3A_166 = arith.constant 16383 : i32
    %broadcast_in_dim3A_167 = vector.broadcast %broadcast_in_dim3A_166 : i32 to vector<16xi32>
    %and3A_168 = arith.andi %get3A_156, %broadcast_in_dim3A_167 : vector<16xi32>
    %swap3A_169 = arith.constant 0 : i32
    %swap3A_170 = arith.index_cast %swap3A_169 : i32 to index
    %swap3A_171 = arith.constant 96 : index
    %swap3A_172 = tpu.vector_load %arg8[%swap3A_170, %swap3A_171] {strides = array<i32>} : memref<1x128xi32, #tpu.memory_space<vmem>>, vector<1x16xi32>,
    %swap3A_173 = vector.shape_cast %swap3A_172 : vector<1x16xi32> to vector<16xi32>
    %swap3A_174 = vector.shape_cast %and3A_168 : vector<16xi32> to vector<1x16xi32>
    tpu.vector_store %arg8[%swap3A_170, %swap3A_171], %swap3A_174 {strides = array<i32>} : memref<1x128xi32, #tpu.memory_space<vmem>>, vector<1x16xi32>,
    %get3A_175 = arith.constant 0 : i32
    %get3A_176 = arith.index_cast %get3A_175 : i32 to index
    %get3A_177 = arith.constant 112 : index
    %get3A_178 = tpu.vector_load %arg5[%get3A_176, %get3A_177] {strides = array<i32>} : memref<80x128xi32, #tpu.memory_space<vmem>>, vector<1x16xi32>,
    %get3A_179 = vector.shape_cast %get3A_178 : vector<1x16xi32> to vector<16xi32>
    %shift_right_logical3A_180 = arith.constant 14 : i32
    %shift_right_logical3A_181 = vector.broadcast %shift_right_logical3A_180 : i32 to vector<16xi32>
    %shift_right_logical3A_182 = arith.shrui %get3A_179, %shift_right_logical3A_181 : vector<16xi32>
    %swap3A_183 = arith.constant 0 : i32
    %swap3A_184 = arith.index_cast %swap3A_183 : i32 to index
    %swap3A_185 = arith.constant 112 : index
    %swap3A_186 = tpu.vector_load %arg6[%swap3A_184, %swap3A_185] {strides = array<i32>} : memref<1x128xi32, #tpu.memory_space<vmem>>, vector<1x16xi32>,
    %swap3A_187 = vector.shape_cast %swap3A_186 : vector<1x16xi32> to vector<16xi32>
    %swap3A_188 = vector.shape_cast %shift_right_logical3A_182 : vector<16xi32> to vector<1x16xi32>
    tpu.vector_store %arg6[%swap3A_184, %swap3A_185], %swap3A_188 {strides = array<i32>} : memref<1x128xi32, #tpu.memory_space<vmem>>, vector<1x16xi32>,
    %broadcast_in_dim3A_189 = arith.constant 16383 : i32
    %broadcast_in_dim3A_190 = vector.broadcast %broadcast_in_dim3A_189 : i32 to vector<16xi32>
    %and3A_191 = arith.andi %get3A_179, %broadcast_in_dim3A_190 : vector<16xi32>
    %swap3A_192 = arith.constant 0 : i32
    %swap3A_193 = arith.index_cast %swap3A_192 : i32 to index
    %swap3A_194 = arith.constant 112 : index
    %swap3A_195 = tpu.vector_load %arg8[%swap3A_193, %swap3A_194] {strides = array<i32>} : memref<1x128xi32, #tpu.memory_space<vmem>>, vector<1x16xi32>,
    %swap3A_196 = vector.shape_cast %swap3A_195 : vector<1x16xi32> to vector<16xi32>
    %swap3A_197 = vector.shape_cast %and3A_191 : vector<16xi32> to vector<1x16xi32>
    tpu.vector_store %arg8[%swap3A_193, %swap3A_194], %swap3A_197 {strides = array<i32>} : memref<1x128xi32, #tpu.memory_space<vmem>>, vector<1x16xi32>,
    %get3A_198 = arith.constant 1 : i32
    %get3A_199 = arith.index_cast %get3A_198 : i32 to index
    %get3A_200 = arith.constant 0 : index
    %get3A_201 = tpu.vector_load %arg5[%get3A_199, %get3A_200] {strides = array<i32>} : memref<80x128xi32, #tpu.memory_space<vmem>>, vector<1x16xi32>,
    %get3A_202 = vector.shape_cast %get3A_201 : vector<1x16xi32> to vector<16xi32>
    %shift_right_logical3A_203 = arith.constant 14 : i32
    %shift_right_logical3A_204 = vector.broadcast %shift_right_logical3A_203 : i32 to vector<16xi32>
    %shift_right_logical3A_205 = arith.shrui %get3A_202, %shift_right_logical3A_204 : vector<16xi32>
    %swap3A_206 = arith.constant 0 : i32
    %swap3A_207 = arith.index_cast %swap3A_206 : i32 to index
    %swap3A_208 = arith.constant 0 : index
    %swap3A_209 = tpu.vector_load %arg7[%swap3A_207, %swap3A_208] {strides = array<i32>} : memref<1x128xi32, #tpu.memory_space<vmem>>, vector<1x16xi32>,
    %swap3A_210 = vector.shape_cast %swap3A_209 : vector<1x16xi32> to vector<16xi32>
    %swap3A_211 = vector.shape_cast %shift_right_logical3A_205 : vector<16xi32> to vector<1x16xi32>
    tpu.vector_store %arg7[%swap3A_207, %swap3A_208], %swap3A_211 {strides = array<i32>} : memref<1x128xi32, #tpu.memory_space<vmem>>, vector<1x16xi32>,
    %broadcast_in_dim3A_212 = arith.constant 16383 : i32
    %broadcast_in_dim3A_213 = vector.broadcast %broadcast_in_dim3A_212 : i32 to vector<16xi32>
    %and3A_214 = arith.andi %get3A_202, %broadcast_in_dim3A_213 : vector<16xi32>
    %swap3A_215 = arith.constant 0 : i32
    %swap3A_216 = arith.index_cast %swap3A_215 : i32 to index
    %swap3A_217 = arith.constant 0 : index
    %swap3A_218 = tpu.vector_load %arg9[%swap3A_216, %swap3A_217] {strides = array<i32>} : memref<1x128xi32, #tpu.memory_space<vmem>>, vector<1x16xi32>,
    %swap3A_219 = vector.shape_cast %swap3A_218 : vector<1x16xi32> to vector<16xi32>
    %swap3A_220 = vector.shape_cast %and3A_214 : vector<16xi32> to vector<1x16xi32>
    tpu.vector_store %arg9[%swap3A_216, %swap3A_217], %swap3A_220 {strides = array<i32>} : memref<1x128xi32, #tpu.memory_space<vmem>>, vector<1x16xi32>,
    %get3A_221 = arith.constant 1 : i32
    %get3A_222 = arith.index_cast %get3A_221 : i32 to index
    %get3A_223 = arith.constant 16 : index
    %get3A_224 = tpu.vector_load %arg5[%get3A_222, %get3A_223] {strides = array<i32>} : memref<80x128xi32, #tpu.memory_space<vmem>>, vector<1x16xi32>,
    %get3A_225 = vector.shape_cast %get3A_224 : vector<1x16xi32> to vector<16xi32>
    %shift_right_logical3A_226 = arith.constant 14 : i32
    %shift_right_logical3A_227 = vector.broadcast %shift_right_logical3A_226 : i32 to vector<16xi32>
    %shift_right_logical3A_228 = arith.shrui %get3A_225, %shift_right_logical3A_227 : vector<16xi32>
    %swap3A_229 = arith.constant 0 : i32
    %swap3A_230 = arith.index_cast %swap3A_229 : i32 to index
    %swap3A_231 = arith.constant 16 : index
    %swap3A_232 = tpu.vector_load %arg7[%swap3A_230, %swap3A_231] {strides = array<i32>} : memref<1x128xi32, #tpu.memory_space<vmem>>, vector<1x16xi32>,
    %swap3A_233 = vector.shape_cast %swap3A_232 : vector<1x16xi32> to vector<16xi32>
    %swap3A_234 = vector.shape_cast %shift_right_logical3A_228 : vector<16xi32> to vector<1x16xi32>
    tpu.vector_store %arg7[%swap3A_230, %swap3A_231], %swap3A_234 {strides = array<i32>} : memref<1x128xi32, #tpu.memory_space<vmem>>, vector<1x16xi32>,
    %broadcast_in_dim3A_235 = arith.constant 16383 : i32
    %broadcast_in_dim3A_236 = vector.broadcast %broadcast_in_dim3A_235 : i32 to vector<16xi32>
    %and3A_237 = arith.andi %get3A_225, %broadcast_in_dim3A_236 : vector<16xi32>
    %swap3A_238 = arith.constant 0 : i32
    %swap3A_239 = arith.index_cast %swap3A_238 : i32 to index
    %swap3A_240 = arith.constant 16 : index
    %swap3A_241 = tpu.vector_load %arg9[%swap3A_239, %swap3A_240] {strides = array<i32>} : memref<1x128xi32, #tpu.memory_space<vmem>>, vector<1x16xi32>,
    %swap3A_242 = vector.shape_cast %swap3A_241 : vector<1x16xi32> to vector<16xi32>
    %swap3A_243 = vector.shape_cast %and3A_237 : vector<16xi32> to vector<1x16xi32>
    tpu.vector_store %arg9[%swap3A_239, %swap3A_240], %swap3A_243 {strides = array<i32>} : memref<1x128xi32, #tpu.memory_space<vmem>>, vector<1x16xi32>,
    %get3A_244 = arith.constant 1 : i32
    %get3A_245 = arith.index_cast %get3A_244 : i32 to index
    %get3A_246 = arith.constant 32 : index
    %get3A_247 = tpu.vector_load %arg5[%get3A_245, %get3A_246] {strides = array<i32>} : memref<80x128xi32, #tpu.memory_space<vmem>>, vector<1x16xi32>,
    %get3A_248 = vector.shape_cast %get3A_247 : vector<1x16xi32> to vector<16xi32>
    %shift_right_logical3A_249 = arith.constant 14 : i32
    %shift_right_logical3A_250 = vector.broadcast %shift_right_logical3A_249 : i32 to vector<16xi32>
    %shift_right_logical3A_251 = arith.shrui %get3A_248, %shift_right_logical3A_250 : vector<16xi32>
    %swap3A_252 = arith.constant 0 : i32
    %swap3A_253 = arith.index_cast %swap3A_252 : i32 to index
    %swap3A_254 = arith.constant 32 : index
    %swap3A_255 = tpu.vector_load %arg7[%swap3A_253, %swap3A_254] {strides = array<i32>} : memref<1x128xi32, #tpu.memory_space<vmem>>, vector<1x16xi32>,
    %swap3A_256 = vector.shape_cast %swap3A_255 : vector<1x16xi32> to vector<16xi32>
    %swap3A_257 = vector.shape_cast %shift_right_logical3A_251 : vector<16xi32> to vector<1x16xi32>
    tpu.vector_store %arg7[%swap3A_253, %swap3A_254], %swap3A_257 {strides = array<i32>} : memref<1x128xi32, #tpu.memory_space<vmem>>, vector<1x16xi32>,
    %broadcast_in_dim3A_258 = arith.constant 16383 : i32
    %broadcast_in_dim3A_259 = vector.broadcast %broadcast_in_dim3A_258 : i32 to vector<16xi32>
    %and3A_260 = arith.andi %get3A_248, %broadcast_in_dim3A_259 : vector<16xi32>
    %swap3A_261 = arith.constant 0 : i32
    %swap3A_262 = arith.index_cast %swap3A_261 : i32 to index
    %swap3A_263 = arith.constant 32 : index
    %swap3A_264 = tpu.vector_load %arg9[%swap3A_262, %swap3A_263] {strides = array<i32>} : memref<1x128xi32, #tpu.memory_space<vmem>>, vector<1x16xi32>,
    %swap3A_265 = vector.shape_cast %swap3A_264 : vector<1x16xi32> to vector<16xi32>
    %swap3A_266 = vector.shape_cast %and3A_260 : vector<16xi32> to vector<1x16xi32>
    tpu.vector_store %arg9[%swap3A_262, %swap3A_263], %swap3A_266 {strides = array<i32>} : memref<1x128xi32, #tpu.memory_space<vmem>>, vector<1x16xi32>,
    %get3A_267 = arith.constant 1 : i32
    %get3A_268 = arith.index_cast %get3A_267 : i32 to index
    %get3A_269 = arith.constant 48 : index
    %get3A_270 = tpu.vector_load %arg5[%get3A_268, %get3A_269] {strides = array<i32>} : memref<80x128xi32, #tpu.memory_space<vmem>>, vector<1x16xi32>,
    %get3A_271 = vector.shape_cast %get3A_270 : vector<1x16xi32> to vector<16xi32>
    %shift_right_logical3A_272 = arith.constant 14 : i32
    %shift_right_logical3A_273 = vector.broadcast %shift_right_logical3A_272 : i32 to vector<16xi32>
    %shift_right_logical3A_274 = arith.shrui %get3A_271, %shift_right_logical3A_273 : vector<16xi32>
    %swap3A_275 = arith.constant 0 : i32
    %swap3A_276 = arith.index_cast %swap3A_275 : i32 to index
    %swap3A_277 = arith.constant 48 : index
    %swap3A_278 = tpu.vector_load %arg7[%swap3A_276, %swap3A_277] {strides = array<i32>} : memref<1x128xi32, #tpu.memory_space<vmem>>, vector<1x16xi32>,
    %swap3A_279 = vector.shape_cast %swap3A_278 : vector<1x16xi32> to vector<16xi32>
    %swap3A_280 = vector.shape_cast %shift_right_logical3A_274 : vector<16xi32> to vector<1x16xi32>
    tpu.vector_store %arg7[%swap3A_276, %swap3A_277], %swap3A_280 {strides = array<i32>} : memref<1x128xi32, #tpu.memory_space<vmem>>, vector<1x16xi32>,
    %broadcast_in_dim3A_281 = arith.constant 16383 : i32
    %broadcast_in_dim3A_282 = vector.broadcast %broadcast_in_dim3A_281 : i32 to vector<16xi32>
    %and3A_283 = arith.andi %get3A_271, %broadcast_in_dim3A_282 : vector<16xi32>
    %swap3A_284 = arith.constant 0 : i32
    %swap3A_285 = arith.index_cast %swap3A_284 : i32 to index
    %swap3A_286 = arith.constant 48 : index
    %swap3A_287 = tpu.vector_load %arg9[%swap3A_285, %swap3A_286] {strides = array<i32>} : memref<1x128xi32, #tpu.memory_space<vmem>>, vector<1x16xi32>,
    %swap3A_288 = vector.shape_cast %swap3A_287 : vector<1x16xi32> to vector<16xi32>
    %swap3A_289 = vector.shape_cast %and3A_283 : vector<16xi32> to vector<1x16xi32>
    tpu.vector_store %arg9[%swap3A_285, %swap3A_286], %swap3A_289 {strides = array<i32>} : memref<1x128xi32, #tpu.memory_space<vmem>>, vector<1x16xi32>,
    %get3A_290 = arith.constant 1 : i32
    %get3A_291 = arith.index_cast %get3A_290 : i32 to index
    %get3A_292 = arith.constant 64 : index
    %get3A_293 = tpu.vector_load %arg5[%get3A_291, %get3A_292] {strides = array<i32>} : memref<80x128xi32, #tpu.memory_space<vmem>>, vector<1x16xi32>,
    %get3A_294 = vector.shape_cast %get3A_293 : vector<1x16xi32> to vector<16xi32>
    %shift_right_logical3A_295 = arith.constant 14 : i32
    %shift_right_logical3A_296 = vector.broadcast %shift_right_logical3A_295 : i32 to vector<16xi32>
    %shift_right_logical3A_297 = arith.shrui %get3A_294, %shift_right_logical3A_296 : vector<16xi32>
    %swap3A_298 = arith.constant 0 : i32
    %swap3A_299 = arith.index_cast %swap3A_298 : i32 to index
    %swap3A_300 = arith.constant 64 : index
    %swap3A_301 = tpu.vector_load %arg7[%swap3A_299, %swap3A_300] {strides = array<i32>} : memref<1x128xi32, #tpu.memory_space<vmem>>, vector<1x16xi32>,
    %swap3A_302 = vector.shape_cast %swap3A_301 : vector<1x16xi32> to vector<16xi32>
    %swap3A_303 = vector.shape_cast %shift_right_logical3A_297 : vector<16xi32> to vector<1x16xi32>
    tpu.vector_store %arg7[%swap3A_299, %swap3A_300], %swap3A_303 {strides = array<i32>} : memref<1x128xi32, #tpu.memory_space<vmem>>, vector<1x16xi32>,
    %broadcast_in_dim3A_304 = arith.constant 16383 : i32
    %broadcast_in_dim3A_305 = vector.broadcast %broadcast_in_dim3A_304 : i32 to vector<16xi32>
    %and3A_306 = arith.andi %get3A_294, %broadcast_in_dim3A_305 : vector<16xi32>
    %swap3A_307 = arith.constant 0 : i32
    %swap3A_308 = arith.index_cast %swap3A_307 : i32 to index
    %swap3A_309 = arith.constant 64 : index
    %swap3A_310 = tpu.vector_load %arg9[%swap3A_308, %swap3A_309] {strides = array<i32>} : memref<1x128xi32, #tpu.memory_space<vmem>>, vector<1x16xi32>,
    %swap3A_311 = vector.shape_cast %swap3A_310 : vector<1x16xi32> to vector<16xi32>
    %swap3A_312 = vector.shape_cast %and3A_306 : vector<16xi32> to vector<1x16xi32>
    tpu.vector_store %arg9[%swap3A_308, %swap3A_309], %swap3A_312 {strides = array<i32>} : memref<1x128xi32, #tpu.memory_space<vmem>>, vector<1x16xi32>,
    %get3A_313 = arith.constant 1 : i32
    %get3A_314 = arith.index_cast %get3A_313 : i32 to index
    %get3A_315 = arith.constant 80 : index
    %get3A_316 = tpu.vector_load %arg5[%get3A_314, %get3A_315] {strides = array<i32>} : memref<80x128xi32, #tpu.memory_space<vmem>>, vector<1x16xi32>,
    %get3A_317 = vector.shape_cast %get3A_316 : vector<1x16xi32> to vector<16xi32>
    %shift_right_logical3A_318 = arith.constant 14 : i32
    %shift_right_logical3A_319 = vector.broadcast %shift_right_logical3A_318 : i32 to vector<16xi32>
    %shift_right_logical3A_320 = arith.shrui %get3A_317, %shift_right_logical3A_319 : vector<16xi32>
    %swap3A_321 = arith.constant 0 : i32
    %swap3A_322 = arith.index_cast %swap3A_321 : i32 to index
    %swap3A_323 = arith.constant 80 : index
    %swap3A_324 = tpu.vector_load %arg7[%swap3A_322, %swap3A_323] {strides = array<i32>} : memref<1x128xi32, #tpu.memory_space<vmem>>, vector<1x16xi32>,
    %swap3A_325 = vector.shape_cast %swap3A_324 : vector<1x16xi32> to vector<16xi32>
    %swap3A_326 = vector.shape_cast %shift_right_logical3A_320 : vector<16xi32> to vector<1x16xi32>
    tpu.vector_store %arg7[%swap3A_322, %swap3A_323], %swap3A_326 {strides = array<i32>} : memref<1x128xi32, #tpu.memory_space<vmem>>, vector<1x16xi32>,
    %broadcast_in_dim3A_327 = arith.constant 16383 : i32
    %broadcast_in_dim3A_328 = vector.broadcast %broadcast_in_dim3A_327 : i32 to vector<16xi32>
    %and3A_329 = arith.andi %get3A_317, %broadcast_in_dim3A_328 : vector<16xi32>
    %swap3A_330 = arith.constant 0 : i32
    %swap3A_331 = arith.index_cast %swap3A_330 : i32 to index
    %swap3A_332 = arith.constant 80 : index
    %swap3A_333 = tpu.vector_load %arg9[%swap3A_331, %swap3A_332] {strides = array<i32>} : memref<1x128xi32, #tpu.memory_space<vmem>>, vector<1x16xi32>,
    %swap3A_334 = vector.shape_cast %swap3A_333 : vector<1x16xi32> to vector<16xi32>
    %swap3A_335 = vector.shape_cast %and3A_329 : vector<16xi32> to vector<1x16xi32>
    tpu.vector_store %arg9[%swap3A_331, %swap3A_332], %swap3A_335 {strides = array<i32>} : memref<1x128xi32, #tpu.memory_space<vmem>>, vector<1x16xi32>,
    %get3A_336 = arith.constant 1 : i32
    %get3A_337 = arith.index_cast %get3A_336 : i32 to index
    %get3A_338 = arith.constant 96 : index
    %get3A_339 = tpu.vector_load %arg5[%get3A_337, %get3A_338] {strides = array<i32>} : memref<80x128xi32, #tpu.memory_space<vmem>>, vector<1x16xi32>,
    %get3A_340 = vector.shape_cast %get3A_339 : vector<1x16xi32> to vector<16xi32>
    %shift_right_logical3A_341 = arith.constant 14 : i32
    %shift_right_logical3A_342 = vector.broadcast %shift_right_logical3A_341 : i32 to vector<16xi32>
    %shift_right_logical3A_343 = arith.shrui %get3A_340, %shift_right_logical3A_342 : vector<16xi32>
    %swap3A_344 = arith.constant 0 : i32
    %swap3A_345 = arith.index_cast %swap3A_344 : i32 to index
    %swap3A_346 = arith.constant 96 : index
    %swap3A_347 = tpu.vector_load %arg7[%swap3A_345, %swap3A_346] {strides = array<i32>} : memref<1x128xi32, #tpu.memory_space<vmem>>, vector<1x16xi32>,
    %swap3A_348 = vector.shape_cast %swap3A_347 : vector<1x16xi32> to vector<16xi32>
    %swap3A_349 = vector.shape_cast %shift_right_logical3A_343 : vector<16xi32> to vector<1x16xi32>
    tpu.vector_store %arg7[%swap3A_345, %swap3A_346], %swap3A_349 {strides = array<i32>} : memref<1x128xi32, #tpu.memory_space<vmem>>, vector<1x16xi32>,
    %broadcast_in_dim3A_350 = arith.constant 16383 : i32
    %broadcast_in_dim3A_351 = vector.broadcast %broadcast_in_dim3A_350 : i32 to vector<16xi32>
    %and3A_352 = arith.andi %get3A_340, %broadcast_in_dim3A_351 : vector<16xi32>
    %swap3A_353 = arith.constant 0 : i32
    %swap3A_354 = arith.index_cast %swap3A_353 : i32 to index
    %swap3A_355 = arith.constant 96 : index
    %swap3A_356 = tpu.vector_load %arg9[%swap3A_354, %swap3A_355] {strides = array<i32>} : memref<1x128xi32, #tpu.memory_space<vmem>>, vector<1x16xi32>,
    %swap3A_357 = vector.shape_cast %swap3A_356 : vector<1x16xi32> to vector<16xi32>
    %swap3A_358 = vector.shape_cast %and3A_352 : vector<16xi32> to vector<1x16xi32>
    tpu.vector_store %arg9[%swap3A_354, %swap3A_355], %swap3A_358 {strides = array<i32>} : memref<1x128xi32, #tpu.memory_space<vmem>>, vector<1x16xi32>,
    %get3A_359 = arith.constant 1 : i32
    %get3A_360 = arith.index_cast %get3A_359 : i32 to index
    %get3A_361 = arith.constant 112 : index
    %get3A_362 = tpu.vector_load %arg5[%get3A_360, %get3A_361] {strides = array<i32>} : memref<80x128xi32, #tpu.memory_space<vmem>>, vector<1x16xi32>,
    %get3A_363 = vector.shape_cast %get3A_362 : vector<1x16xi32> to vector<16xi32>
    %shift_right_logical3A_364 = arith.constant 14 : i32
    %shift_right_logical3A_365 = vector.broadcast %shift_right_logical3A_364 : i32 to vector<16xi32>
    %shift_right_logical3A_366 = arith.shrui %get3A_363, %shift_right_logical3A_365 : vector<16xi32>
    %swap3A_367 = arith.constant 0 : i32
    %swap3A_368 = arith.index_cast %swap3A_367 : i32 to index
    %swap3A_369 = arith.constant 112 : index
    %swap3A_370 = tpu.vector_load %arg7[%swap3A_368, %swap3A_369] {strides = array<i32>} : memref<1x128xi32, #tpu.memory_space<vmem>>, vector<1x16xi32>,
    %swap3A_371 = vector.shape_cast %swap3A_370 : vector<1x16xi32> to vector<16xi32>
    %swap3A_372 = vector.shape_cast %shift_right_logical3A_366 : vector<16xi32> to vector<1x16xi32>
    tpu.vector_store %arg7[%swap3A_368, %swap3A_369], %swap3A_372 {strides = array<i32>} : memref<1x128xi32, #tpu.memory_space<vmem>>, vector<1x16xi32>,
    %broadcast_in_dim3A_373 = arith.constant 16383 : i32
    %broadcast_in_dim3A_374 = vector.broadcast %broadcast_in_dim3A_373 : i32 to vector<16xi32>
    %and3A_375 = arith.andi %get3A_363, %broadcast_in_dim3A_374 : vector<16xi32>
    %swap3A_376 = arith.constant 0 : i32
    %swap3A_377 = arith.index_cast %swap3A_376 : i32 to index
    %swap3A_378 = arith.constant 112 : index
    %swap3A_379 = tpu.vector_load %arg9[%swap3A_377, %swap3A_378] {strides = array<i32>} : memref<1x128xi32, #tpu.memory_space<vmem>>, vector<1x16xi32>,
    %swap3A_380 = vector.shape_cast %swap3A_379 : vector<1x16xi32> to vector<16xi32>
    %swap3A_381 = vector.shape_cast %and3A_375 : vector<16xi32> to vector<1x16xi32>
    tpu.vector_store %arg9[%swap3A_377, %swap3A_378], %swap3A_381 {strides = array<i32>} : memref<1x128xi32, #tpu.memory_space<vmem>>, vector<1x16xi32>,
    %dma_start3A = arith.constant 0 : i32
    %dma_start3A_382 = arith.constant 0 : i32
    %dma_start3A_383 = arith.constant 0 : i32
    %dma_start3A_384 = tpu.memref_slice %arg10[%dma_start3A_382, %dma_start3A_383] : memref<128x128xf32, #tpu.memory_space<vmem>> -> memref<32x128xf32, #tpu.memory_space<vmem>>
    %dma_start3A_385 = arith.constant 0 : i32
    %dma_start3A_386 = tpu.memref_slice %arg6[%dma_start3A, %dma_start3A_385] : memref<1x128xi32, #tpu.memory_space<vmem>> -> memref<1x32xi32, #tpu.memory_space<vmem>>
    %dma_start3A_387 = tpu.memref_squeeze %dma_start3A_386 : memref<1x32xi32, #tpu.memory_space<vmem>> -> memref<32xi32, #tpu.memory_space<vmem>>
    %dma_start3A_388 = arith.constant 0 : i32
    %dma_start3A_389 = arith.constant 0 : i32
    %dma_start3A_390 = tpu.memref_slice %arg2[%dma_start3A_388, %dma_start3A_389] : memref<10000x128xf32, #tpu.memory_space<hbm>> -> memref<10000x128xf32, #tpu.memory_space<hbm>>
    tpu.enqueue_indirect_dma source(%dma_start3A_390 : memref<10000x128xf32, #tpu.memory_space<hbm>>) target(%dma_start3A_384 : memref<32x128xf32, #tpu.memory_space<vmem>>) offsets(%dma_start3A_387 : memref<32xi32, #tpu.memory_space<vmem>>) semaphore(%arg13 : memref<!tpu.dma_semaphore, #tpu.memory_space<semaphore_mem>>)
    %dma_start3A_391 = arith.constant 0 : i32
    %dma_start3A_392 = arith.constant 32 : i32
    %dma_start3A_393 = arith.constant 0 : i32
    %dma_start3A_394 = tpu.memref_slice %arg10[%dma_start3A_392, %dma_start3A_393] : memref<128x128xf32, #tpu.memory_space<vmem>> -> memref<32x128xf32, #tpu.memory_space<vmem>>
    %dma_start3A_395 = arith.constant 32 : i32
    %dma_start3A_396 = tpu.memref_slice %arg6[%dma_start3A_391, %dma_start3A_395] : memref<1x128xi32, #tpu.memory_space<vmem>> -> memref<1x32xi32, #tpu.memory_space<vmem>>
    %dma_start3A_397 = tpu.memref_squeeze %dma_start3A_396 : memref<1x32xi32, #tpu.memory_space<vmem>> -> memref<32xi32, #tpu.memory_space<vmem>>
    %dma_start3A_398 = arith.constant 0 : i32
    %dma_start3A_399 = arith.constant 0 : i32
    %dma_start3A_400 = tpu.memref_slice %arg2[%dma_start3A_398, %dma_start3A_399] : memref<10000x128xf32, #tpu.memory_space<hbm>> -> memref<10000x128xf32, #tpu.memory_space<hbm>>
    tpu.enqueue_indirect_dma source(%dma_start3A_400 : memref<10000x128xf32, #tpu.memory_space<hbm>>) target(%dma_start3A_394 : memref<32x128xf32, #tpu.memory_space<vmem>>) offsets(%dma_start3A_397 : memref<32xi32, #tpu.memory_space<vmem>>) semaphore(%arg13 : memref<!tpu.dma_semaphore, #tpu.memory_space<semaphore_mem>>)
    %dma_start3A_401 = arith.constant 0 : i32
    %dma_start3A_402 = arith.constant 64 : i32
    %dma_start3A_403 = arith.constant 0 : i32
    %dma_start3A_404 = tpu.memref_slice %arg10[%dma_start3A_402, %dma_start3A_403] : memref<128x128xf32, #tpu.memory_space<vmem>> -> memref<32x128xf32, #tpu.memory_space<vmem>>
    %dma_start3A_405 = arith.constant 64 : i32
    %dma_start3A_406 = tpu.memref_slice %arg6[%dma_start3A_401, %dma_start3A_405] : memref<1x128xi32, #tpu.memory_space<vmem>> -> memref<1x32xi32, #tpu.memory_space<vmem>>
    %dma_start3A_407 = tpu.memref_squeeze %dma_start3A_406 : memref<1x32xi32, #tpu.memory_space<vmem>> -> memref<32xi32, #tpu.memory_space<vmem>>
    %dma_start3A_408 = arith.constant 0 : i32
    %dma_start3A_409 = arith.constant 0 : i32
    %dma_start3A_410 = tpu.memref_slice %arg2[%dma_start3A_408, %dma_start3A_409] : memref<10000x128xf32, #tpu.memory_space<hbm>> -> memref<10000x128xf32, #tpu.memory_space<hbm>>
    tpu.enqueue_indirect_dma source(%dma_start3A_410 : memref<10000x128xf32, #tpu.memory_space<hbm>>) target(%dma_start3A_404 : memref<32x128xf32, #tpu.memory_space<vmem>>) offsets(%dma_start3A_407 : memref<32xi32, #tpu.memory_space<vmem>>) semaphore(%arg13 : memref<!tpu.dma_semaphore, #tpu.memory_space<semaphore_mem>>)
    %dma_start3A_411 = arith.constant 0 : i32
    %dma_start3A_412 = arith.constant 96 : i32
    %dma_start3A_413 = arith.constant 0 : i32
    %dma_start3A_414 = tpu.memref_slice %arg10[%dma_start3A_412, %dma_start3A_413] : memref<128x128xf32, #tpu.memory_space<vmem>> -> memref<32x128xf32, #tpu.memory_space<vmem>>
    %dma_start3A_415 = arith.constant 96 : i32
    %dma_start3A_416 = tpu.memref_slice %arg6[%dma_start3A_411, %dma_start3A_415] : memref<1x128xi32, #tpu.memory_space<vmem>> -> memref<1x32xi32, #tpu.memory_space<vmem>>
    %dma_start3A_417 = tpu.memref_squeeze %dma_start3A_416 : memref<1x32xi32, #tpu.memory_space<vmem>> -> memref<32xi32, #tpu.memory_space<vmem>>
    %dma_start3A_418 = arith.constant 0 : i32
    %dma_start3A_419 = arith.constant 0 : i32
    %dma_start3A_420 = tpu.memref_slice %arg2[%dma_start3A_418, %dma_start3A_419] : memref<10000x128xf32, #tpu.memory_space<hbm>> -> memref<10000x128xf32, #tpu.memory_space<hbm>>
    tpu.enqueue_indirect_dma source(%dma_start3A_420 : memref<10000x128xf32, #tpu.memory_space<hbm>>) target(%dma_start3A_414 : memref<32x128xf32, #tpu.memory_space<vmem>>) offsets(%dma_start3A_417 : memref<32xi32, #tpu.memory_space<vmem>>) semaphore(%arg13 : memref<!tpu.dma_semaphore, #tpu.memory_space<semaphore_mem>>)
    %dma_start3A_421 = arith.constant 0 : i32
    %dma_start3A_422 = arith.constant 0 : i32
    %dma_start3A_423 = arith.constant 0 : i32
    %dma_start3A_424 = tpu.memref_slice %arg11[%dma_start3A_422, %dma_start3A_423] : memref<128x128xf32, #tpu.memory_space<vmem>> -> memref<32x128xf32, #tpu.memory_space<vmem>>
    %dma_start3A_425 = arith.constant 0 : i32
    %dma_start3A_426 = tpu.memref_slice %arg7[%dma_start3A_421, %dma_start3A_425] : memref<1x128xi32, #tpu.memory_space<vmem>> -> memref<1x32xi32, #tpu.memory_space<vmem>>
    %dma_start3A_427 = tpu.memref_squeeze %dma_start3A_426 : memref<1x32xi32, #tpu.memory_space<vmem>> -> memref<32xi32, #tpu.memory_space<vmem>>
    %dma_start3A_428 = arith.constant 0 : i32
    %dma_start3A_429 = arith.constant 0 : i32
    %dma_start3A_430 = tpu.memref_slice %arg2[%dma_start3A_428, %dma_start3A_429] : memref<10000x128xf32, #tpu.memory_space<hbm>> -> memref<10000x128xf32, #tpu.memory_space<hbm>>
    tpu.enqueue_indirect_dma source(%dma_start3A_430 : memref<10000x128xf32, #tpu.memory_space<hbm>>) target(%dma_start3A_424 : memref<32x128xf32, #tpu.memory_space<vmem>>) offsets(%dma_start3A_427 : memref<32xi32, #tpu.memory_space<vmem>>) semaphore(%arg14 : memref<!tpu.dma_semaphore, #tpu.memory_space<semaphore_mem>>)
    %dma_start3A_431 = arith.constant 0 : i32
    %dma_start3A_432 = arith.constant 32 : i32
    %dma_start3A_433 = arith.constant 0 : i32
    %dma_start3A_434 = tpu.memref_slice %arg11[%dma_start3A_432, %dma_start3A_433] : memref<128x128xf32, #tpu.memory_space<vmem>> -> memref<32x128xf32, #tpu.memory_space<vmem>>
    %dma_start3A_435 = arith.constant 32 : i32
    %dma_start3A_436 = tpu.memref_slice %arg7[%dma_start3A_431, %dma_start3A_435] : memref<1x128xi32, #tpu.memory_space<vmem>> -> memref<1x32xi32, #tpu.memory_space<vmem>>
    %dma_start3A_437 = tpu.memref_squeeze %dma_start3A_436 : memref<1x32xi32, #tpu.memory_space<vmem>> -> memref<32xi32, #tpu.memory_space<vmem>>
    %dma_start3A_438 = arith.constant 0 : i32
    %dma_start3A_439 = arith.constant 0 : i32
    %dma_start3A_440 = tpu.memref_slice %arg2[%dma_start3A_438, %dma_start3A_439] : memref<10000x128xf32, #tpu.memory_space<hbm>> -> memref<10000x128xf32, #tpu.memory_space<hbm>>
    tpu.enqueue_indirect_dma source(%dma_start3A_440 : memref<10000x128xf32, #tpu.memory_space<hbm>>) target(%dma_start3A_434 : memref<32x128xf32, #tpu.memory_space<vmem>>) offsets(%dma_start3A_437 : memref<32xi32, #tpu.memory_space<vmem>>) semaphore(%arg14 : memref<!tpu.dma_semaphore, #tpu.memory_space<semaphore_mem>>)
    %dma_start3A_441 = arith.constant 0 : i32
    %dma_start3A_442 = arith.constant 64 : i32
    %dma_start3A_443 = arith.constant 0 : i32
    %dma_start3A_444 = tpu.memref_slice %arg11[%dma_start3A_442, %dma_start3A_443] : memref<128x128xf32, #tpu.memory_space<vmem>> -> memref<32x128xf32, #tpu.memory_space<vmem>>
    %dma_start3A_445 = arith.constant 64 : i32
    %dma_start3A_446 = tpu.memref_slice %arg7[%dma_start3A_441, %dma_start3A_445] : memref<1x128xi32, #tpu.memory_space<vmem>> -> memref<1x32xi32, #tpu.memory_space<vmem>>
    %dma_start3A_447 = tpu.memref_squeeze %dma_start3A_446 : memref<1x32xi32, #tpu.memory_space<vmem>> -> memref<32xi32, #tpu.memory_space<vmem>>
    %dma_start3A_448 = arith.constant 0 : i32
    %dma_start3A_449 = arith.constant 0 : i32
    %dma_start3A_450 = tpu.memref_slice %arg2[%dma_start3A_448, %dma_start3A_449] : memref<10000x128xf32, #tpu.memory_space<hbm>> -> memref<10000x128xf32, #tpu.memory_space<hbm>>
    tpu.enqueue_indirect_dma source(%dma_start3A_450 : memref<10000x128xf32, #tpu.memory_space<hbm>>) target(%dma_start3A_444 : memref<32x128xf32, #tpu.memory_space<vmem>>) offsets(%dma_start3A_447 : memref<32xi32, #tpu.memory_space<vmem>>) semaphore(%arg14 : memref<!tpu.dma_semaphore, #tpu.memory_space<semaphore_mem>>)
    %dma_start3A_451 = arith.constant 0 : i32
    %dma_start3A_452 = arith.constant 96 : i32
    %dma_start3A_453 = arith.constant 0 : i32
    %dma_start3A_454 = tpu.memref_slice %arg11[%dma_start3A_452, %dma_start3A_453] : memref<128x128xf32, #tpu.memory_space<vmem>> -> memref<32x128xf32, #tpu.memory_space<vmem>>
    %dma_start3A_455 = arith.constant 96 : i32
    %dma_start3A_456 = tpu.memref_slice %arg7[%dma_start3A_451, %dma_start3A_455] : memref<1x128xi32, #tpu.memory_space<vmem>> -> memref<1x32xi32, #tpu.memory_space<vmem>>
    %dma_start3A_457 = tpu.memref_squeeze %dma_start3A_456 : memref<1x32xi32, #tpu.memory_space<vmem>> -> memref<32xi32, #tpu.memory_space<vmem>>
    %dma_start3A_458 = arith.constant 0 : i32
    %dma_start3A_459 = arith.constant 0 : i32
    %dma_start3A_460 = tpu.memref_slice %arg2[%dma_start3A_458, %dma_start3A_459] : memref<10000x128xf32, #tpu.memory_space<hbm>> -> memref<10000x128xf32, #tpu.memory_space<hbm>>
    tpu.enqueue_indirect_dma source(%dma_start3A_460 : memref<10000x128xf32, #tpu.memory_space<hbm>>) target(%dma_start3A_454 : memref<32x128xf32, #tpu.memory_space<vmem>>) offsets(%dma_start3A_457 : memref<32xi32, #tpu.memory_space<vmem>>) semaphore(%arg14 : memref<!tpu.dma_semaphore, #tpu.memory_space<semaphore_mem>>)
    %scan3A_461 = arith.constant 0 : i32
    %scan3A_462 = arith.constant 0 : i32
    %scan3A_463 = arith.constant 40 : i32
    %scan3A_464 = arith.addi %scan3A_462, %scan3A_463 : i32
    %scan3A_465 = arith.constant 1 : i32
    %scan3A_466 = scf.for %scan3A_471 = %scan3A_462 to %scan3A_464 step %scan3A_465 iter_args(%scan3A_472 = %scan3A_461) -> (i32)  : i32 {
      %mul3A_473 = arith.constant 2 : i32
      %mul3A_474 = arith.muli %mul3A_473, %scan3A_471 : i32
      %dma_wait3A = arith.constant 0 : i32
      %dma_wait3A_475 = arith.constant 0 : i32
      %dma_wait3A_476 = arith.constant 0 : i32
      %dma_wait3A_477 = tpu.memref_slice %arg10[%dma_wait3A_475, %dma_wait3A_476] : memref<128x128xf32, #tpu.memory_space<vmem>> -> memref<32x128xf32, #tpu.memory_space<vmem>>
      %dma_wait3A_478 = arith.constant 0 : i32
      %dma_wait3A_479 = tpu.memref_slice %arg6[%dma_wait3A, %dma_wait3A_478] : memref<1x128xi32, #tpu.memory_space<vmem>> -> memref<1x32xi32, #tpu.memory_space<vmem>>
      %dma_wait3A_480 = tpu.memref_squeeze %dma_wait3A_479 : memref<1x32xi32, #tpu.memory_space<vmem>> -> memref<32xi32, #tpu.memory_space<vmem>>
      %dma_wait3A_481 = arith.constant 0 : i32
      %dma_wait3A_482 = arith.constant 0 : i32
      %dma_wait3A_483 = tpu.memref_slice %arg2[%dma_wait3A_481, %dma_wait3A_482] : memref<10000x128xf32, #tpu.memory_space<hbm>> -> memref<10000x128xf32, #tpu.memory_space<hbm>>
      tpu.wait_indirect_dma semaphore(%arg13 : memref<!tpu.dma_semaphore, #tpu.memory_space<semaphore_mem>>) src(%dma_wait3A_483 : memref<10000x128xf32, #tpu.memory_space<hbm>>) dst(%dma_wait3A_477 : memref<32x128xf32, #tpu.memory_space<vmem>>)
      %dma_wait3A_484 = arith.constant 0 : i32
      %dma_wait3A_485 = arith.constant 32 : i32
      %dma_wait3A_486 = arith.constant 0 : i32
      %dma_wait3A_487 = tpu.memref_slice %arg10[%dma_wait3A_485, %dma_wait3A_486] : memref<128x128xf32, #tpu.memory_space<vmem>> -> memref<32x128xf32, #tpu.memory_space<vmem>>
      %dma_wait3A_488 = arith.constant 32 : i32
      %dma_wait3A_489 = tpu.memref_slice %arg6[%dma_wait3A_484, %dma_wait3A_488] : memref<1x128xi32, #tpu.memory_space<vmem>> -> memref<1x32xi32, #tpu.memory_space<vmem>>
      %dma_wait3A_490 = tpu.memref_squeeze %dma_wait3A_489 : memref<1x32xi32, #tpu.memory_space<vmem>> -> memref<32xi32, #tpu.memory_space<vmem>>
      %dma_wait3A_491 = arith.constant 0 : i32
      %dma_wait3A_492 = arith.constant 0 : i32
      %dma_wait3A_493 = tpu.memref_slice %arg2[%dma_wait3A_491, %dma_wait3A_492] : memref<10000x128xf32, #tpu.memory_space<hbm>> -> memref<10000x128xf32, #tpu.memory_space<hbm>>
      tpu.wait_indirect_dma semaphore(%arg13 : memref<!tpu.dma_semaphore, #tpu.memory_space<semaphore_mem>>) src(%dma_wait3A_493 : memref<10000x128xf32, #tpu.memory_space<hbm>>) dst(%dma_wait3A_487 : memref<32x128xf32, #tpu.memory_space<vmem>>)
      %dma_wait3A_494 = arith.constant 0 : i32
      %dma_wait3A_495 = arith.constant 64 : i32
      %dma_wait3A_496 = arith.constant 0 : i32
      %dma_wait3A_497 = tpu.memref_slice %arg10[%dma_wait3A_495, %dma_wait3A_496] : memref<128x128xf32, #tpu.memory_space<vmem>> -> memref<32x128xf32, #tpu.memory_space<vmem>>
      %dma_wait3A_498 = arith.constant 64 : i32
      %dma_wait3A_499 = tpu.memref_slice %arg6[%dma_wait3A_494, %dma_wait3A_498] : memref<1x128xi32, #tpu.memory_space<vmem>> -> memref<1x32xi32, #tpu.memory_space<vmem>>
      %dma_wait3A_500 = tpu.memref_squeeze %dma_wait3A_499 : memref<1x32xi32, #tpu.memory_space<vmem>> -> memref<32xi32, #tpu.memory_space<vmem>>
      %dma_wait3A_501 = arith.constant 0 : i32
      %dma_wait3A_502 = arith.constant 0 : i32
      %dma_wait3A_503 = tpu.memref_slice %arg2[%dma_wait3A_501, %dma_wait3A_502] : memref<10000x128xf32, #tpu.memory_space<hbm>> -> memref<10000x128xf32, #tpu.memory_space<hbm>>
      tpu.wait_indirect_dma semaphore(%arg13 : memref<!tpu.dma_semaphore, #tpu.memory_space<semaphore_mem>>) src(%dma_wait3A_503 : memref<10000x128xf32, #tpu.memory_space<hbm>>) dst(%dma_wait3A_497 : memref<32x128xf32, #tpu.memory_space<vmem>>)
      %dma_wait3A_504 = arith.constant 0 : i32
      %dma_wait3A_505 = arith.constant 96 : i32
      %dma_wait3A_506 = arith.constant 0 : i32
      %dma_wait3A_507 = tpu.memref_slice %arg10[%dma_wait3A_505, %dma_wait3A_506] : memref<128x128xf32, #tpu.memory_space<vmem>> -> memref<32x128xf32, #tpu.memory_space<vmem>>
      %dma_wait3A_508 = arith.constant 96 : i32
      %dma_wait3A_509 = tpu.memref_slice %arg6[%dma_wait3A_504, %dma_wait3A_508] : memref<1x128xi32, #tpu.memory_space<vmem>> -> memref<1x32xi32, #tpu.memory_space<vmem>>
      %dma_wait3A_510 = tpu.memref_squeeze %dma_wait3A_509 : memref<1x32xi32, #tpu.memory_space<vmem>> -> memref<32xi32, #tpu.memory_space<vmem>>
      %dma_wait3A_511 = arith.constant 0 : i32
      %dma_wait3A_512 = arith.constant 0 : i32
      %dma_wait3A_513 = tpu.memref_slice %arg2[%dma_wait3A_511, %dma_wait3A_512] : memref<10000x128xf32, #tpu.memory_space<hbm>> -> memref<10000x128xf32, #tpu.memory_space<hbm>>
      tpu.wait_indirect_dma semaphore(%arg13 : memref<!tpu.dma_semaphore, #tpu.memory_space<semaphore_mem>>) src(%dma_wait3A_513 : memref<10000x128xf32, #tpu.memory_space<hbm>>) dst(%dma_wait3A_507 : memref<32x128xf32, #tpu.memory_space<vmem>>)
      %run_scoped3A = arith.constant 0 : i32
      "tpu.region"() ({
        %run_scoped3A_563 = tpu.sem_alloc : memref<!tpu.dma_semaphore, #tpu.memory_space<semaphore_mem>>
        %dma_start3A_564 = arith.constant 0 : i32
        %dma_start3A_565 = tpu.memref_slice %arg8[%run_scoped3A, %dma_start3A_564] : memref<1x128xi32, #tpu.memory_space<vmem>> -> memref<1x128xi32, #tpu.memory_space<vmem>>
        %dma_start3A_566 = tpu.memref_squeeze %dma_start3A_565 : memref<1x128xi32, #tpu.memory_space<vmem>> -> memref<128xi32, #tpu.memory_space<vmem>>
        %dma_start3A_567 = arith.constant 0 : i32
        %dma_start3A_568 = arith.constant 0 : i32
        %dma_start3A_569 = tpu.memref_slice %arg12[%dma_start3A_567, %dma_start3A_568] : memref<10240x128xf32, #tpu.memory_space<vmem_shared>> -> memref<10240x128xf32, #tpu.memory_space<vmem_shared>>
        tpu.enqueue_indirect_dma source(%arg10 : memref<128x128xf32, #tpu.memory_space<vmem>>) target(%dma_start3A_569 : memref<10240x128xf32, #tpu.memory_space<vmem_shared>>) offsets(%dma_start3A_566 : memref<128xi32, #tpu.memory_space<vmem>>) semaphore(%run_scoped3A_563 : memref<!tpu.dma_semaphore, #tpu.memory_space<semaphore_mem>>) {add = true}
        %dma_wait3A_570 = arith.constant 0 : i32
        %dma_wait3A_571 = tpu.memref_slice %arg8[%run_scoped3A, %dma_wait3A_570] : memref<1x128xi32, #tpu.memory_space<vmem>> -> memref<1x128xi32, #tpu.memory_space<vmem>>
        %dma_wait3A_572 = tpu.memref_squeeze %dma_wait3A_571 : memref<1x128xi32, #tpu.memory_space<vmem>> -> memref<128xi32, #tpu.memory_space<vmem>>
        %dma_wait3A_573 = arith.constant 0 : i32
        %dma_wait3A_574 = arith.constant 0 : i32
        %dma_wait3A_575 = tpu.memref_slice %arg12[%dma_wait3A_573, %dma_wait3A_574] : memref<10240x128xf32, #tpu.memory_space<vmem_shared>> -> memref<10240x128xf32, #tpu.memory_space<vmem_shared>>
        tpu.wait_indirect_dma semaphore(%run_scoped3A_563 : memref<!tpu.dma_semaphore, #tpu.memory_space<semaphore_mem>>) src(%arg10 : memref<128x128xf32, #tpu.memory_space<vmem>>) dst(%dma_wait3A_575 : memref<10240x128xf32, #tpu.memory_space<vmem_shared>>)
        tpu.yield
      }) : () -> ()
      %lt3A = arith.constant 39 : i32
      %lt3A_514 = arith.cmpi slt, %scan3A_471, %lt3A : i32
      %convert_element_type3A = arith.extui %lt3A_514 : i1 to i32
      %cond3A = arith.constant 0 : i32
      %cond3A_515 = arith.cmpi ne, %convert_element_type3A, %cond3A : i32
      scf.if %cond3A_515 {
        %add3A_563 = arith.constant 2 : i32
        %add3A_564 = arith.addi %mul3A_474, %add3A_563 : i32
        %get3A_565 = arith.index_cast %add3A_564 : i32 to index
        %get3A_566 = arith.constant 0 : index
        %get3A_567 = tpu.vector_load %arg5[%get3A_565, %get3A_566] {strides = array<i32>} : memref<80x128xi32, #tpu.memory_space<vmem>>, vector<1x16xi32>,
        %get3A_568 = vector.shape_cast %get3A_567 : vector<1x16xi32> to vector<16xi32>
        %shift_right_logical3A_569 = arith.constant 14 : i32
        %shift_right_logical3A_570 = vector.broadcast %shift_right_logical3A_569 : i32 to vector<16xi32>
        %shift_right_logical3A_571 = arith.shrui %get3A_568, %shift_right_logical3A_570 : vector<16xi32>
        %swap3A_572 = arith.constant 0 : i32
        %swap3A_573 = arith.index_cast %swap3A_572 : i32 to index
        %swap3A_574 = arith.constant 0 : index
        %swap3A_575 = tpu.vector_load %arg6[%swap3A_573, %swap3A_574] {strides = array<i32>} : memref<1x128xi32, #tpu.memory_space<vmem>>, vector<1x16xi32>,
        %swap3A_576 = vector.shape_cast %swap3A_575 : vector<1x16xi32> to vector<16xi32>
        %swap3A_577 = vector.shape_cast %shift_right_logical3A_571 : vector<16xi32> to vector<1x16xi32>
        tpu.vector_store %arg6[%swap3A_573, %swap3A_574], %swap3A_577 {strides = array<i32>} : memref<1x128xi32, #tpu.memory_space<vmem>>, vector<1x16xi32>,
        %broadcast_in_dim3A_578 = arith.constant 16383 : i32
        %broadcast_in_dim3A_579 = vector.broadcast %broadcast_in_dim3A_578 : i32 to vector<16xi32>
        %and3A_580 = arith.andi %get3A_568, %broadcast_in_dim3A_579 : vector<16xi32>
        %swap3A_581 = arith.constant 0 : i32
        %swap3A_582 = arith.index_cast %swap3A_581 : i32 to index
        %swap3A_583 = arith.constant 0 : index
        %swap3A_584 = tpu.vector_load %arg8[%swap3A_582, %swap3A_583] {strides = array<i32>} : memref<1x128xi32, #tpu.memory_space<vmem>>, vector<1x16xi32>,
        %swap3A_585 = vector.shape_cast %swap3A_584 : vector<1x16xi32> to vector<16xi32>
        %swap3A_586 = vector.shape_cast %and3A_580 : vector<16xi32> to vector<1x16xi32>
        tpu.vector_store %arg8[%swap3A_582, %swap3A_583], %swap3A_586 {strides = array<i32>} : memref<1x128xi32, #tpu.memory_space<vmem>>, vector<1x16xi32>,
        %get3A_587 = arith.index_cast %add3A_564 : i32 to index
        %get3A_588 = arith.constant 16 : index
        %get3A_589 = tpu.vector_load %arg5[%get3A_587, %get3A_588] {strides = array<i32>} : memref<80x128xi32, #tpu.memory_space<vmem>>, vector<1x16xi32>,
        %get3A_590 = vector.shape_cast %get3A_589 : vector<1x16xi32> to vector<16xi32>
        %shift_right_logical3A_591 = arith.constant 14 : i32
        %shift_right_logical3A_592 = vector.broadcast %shift_right_logical3A_591 : i32 to vector<16xi32>
        %shift_right_logical3A_593 = arith.shrui %get3A_590, %shift_right_logical3A_592 : vector<16xi32>
        %swap3A_594 = arith.constant 0 : i32
        %swap3A_595 = arith.index_cast %swap3A_594 : i32 to index
        %swap3A_596 = arith.constant 16 : index
        %swap3A_597 = tpu.vector_load %arg6[%swap3A_595, %swap3A_596] {strides = array<i32>} : memref<1x128xi32, #tpu.memory_space<vmem>>, vector<1x16xi32>,
        %swap3A_598 = vector.shape_cast %swap3A_597 : vector<1x16xi32> to vector<16xi32>
        %swap3A_599 = vector.shape_cast %shift_right_logical3A_593 : vector<16xi32> to vector<1x16xi32>
        tpu.vector_store %arg6[%swap3A_595, %swap3A_596], %swap3A_599 {strides = array<i32>} : memref<1x128xi32, #tpu.memory_space<vmem>>, vector<1x16xi32>,
        %broadcast_in_dim3A_600 = arith.constant 16383 : i32
        %broadcast_in_dim3A_601 = vector.broadcast %broadcast_in_dim3A_600 : i32 to vector<16xi32>
        %and3A_602 = arith.andi %get3A_590, %broadcast_in_dim3A_601 : vector<16xi32>
        %swap3A_603 = arith.constant 0 : i32
        %swap3A_604 = arith.index_cast %swap3A_603 : i32 to index
        %swap3A_605 = arith.constant 16 : index
        %swap3A_606 = tpu.vector_load %arg8[%swap3A_604, %swap3A_605] {strides = array<i32>} : memref<1x128xi32, #tpu.memory_space<vmem>>, vector<1x16xi32>,
        %swap3A_607 = vector.shape_cast %swap3A_606 : vector<1x16xi32> to vector<16xi32>
        %swap3A_608 = vector.shape_cast %and3A_602 : vector<16xi32> to vector<1x16xi32>
        tpu.vector_store %arg8[%swap3A_604, %swap3A_605], %swap3A_608 {strides = array<i32>} : memref<1x128xi32, #tpu.memory_space<vmem>>, vector<1x16xi32>,
        %get3A_609 = arith.index_cast %add3A_564 : i32 to index
        %get3A_610 = arith.constant 32 : index
        %get3A_611 = tpu.vector_load %arg5[%get3A_609, %get3A_610] {strides = array<i32>} : memref<80x128xi32, #tpu.memory_space<vmem>>, vector<1x16xi32>,
        %get3A_612 = vector.shape_cast %get3A_611 : vector<1x16xi32> to vector<16xi32>
        %shift_right_logical3A_613 = arith.constant 14 : i32
        %shift_right_logical3A_614 = vector.broadcast %shift_right_logical3A_613 : i32 to vector<16xi32>
        %shift_right_logical3A_615 = arith.shrui %get3A_612, %shift_right_logical3A_614 : vector<16xi32>
        %swap3A_616 = arith.constant 0 : i32
        %swap3A_617 = arith.index_cast %swap3A_616 : i32 to index
        %swap3A_618 = arith.constant 32 : index
        %swap3A_619 = tpu.vector_load %arg6[%swap3A_617, %swap3A_618] {strides = array<i32>} : memref<1x128xi32, #tpu.memory_space<vmem>>, vector<1x16xi32>,
        %swap3A_620 = vector.shape_cast %swap3A_619 : vector<1x16xi32> to vector<16xi32>
        %swap3A_621 = vector.shape_cast %shift_right_logical3A_615 : vector<16xi32> to vector<1x16xi32>
        tpu.vector_store %arg6[%swap3A_617, %swap3A_618], %swap3A_621 {strides = array<i32>} : memref<1x128xi32, #tpu.memory_space<vmem>>, vector<1x16xi32>,
        %broadcast_in_dim3A_622 = arith.constant 16383 : i32
        %broadcast_in_dim3A_623 = vector.broadcast %broadcast_in_dim3A_622 : i32 to vector<16xi32>
        %and3A_624 = arith.andi %get3A_612, %broadcast_in_dim3A_623 : vector<16xi32>
        %swap3A_625 = arith.constant 0 : i32
        %swap3A_626 = arith.index_cast %swap3A_625 : i32 to index
        %swap3A_627 = arith.constant 32 : index
        %swap3A_628 = tpu.vector_load %arg8[%swap3A_626, %swap3A_627] {strides = array<i32>} : memref<1x128xi32, #tpu.memory_space<vmem>>, vector<1x16xi32>,
        %swap3A_629 = vector.shape_cast %swap3A_628 : vector<1x16xi32> to vector<16xi32>
        %swap3A_630 = vector.shape_cast %and3A_624 : vector<16xi32> to vector<1x16xi32>
        tpu.vector_store %arg8[%swap3A_626, %swap3A_627], %swap3A_630 {strides = array<i32>} : memref<1x128xi32, #tpu.memory_space<vmem>>, vector<1x16xi32>,
        %get3A_631 = arith.index_cast %add3A_564 : i32 to index
        %get3A_632 = arith.constant 48 : index
        %get3A_633 = tpu.vector_load %arg5[%get3A_631, %get3A_632] {strides = array<i32>} : memref<80x128xi32, #tpu.memory_space<vmem>>, vector<1x16xi32>,
        %get3A_634 = vector.shape_cast %get3A_633 : vector<1x16xi32> to vector<16xi32>
        %shift_right_logical3A_635 = arith.constant 14 : i32
        %shift_right_logical3A_636 = vector.broadcast %shift_right_logical3A_635 : i32 to vector<16xi32>
        %shift_right_logical3A_637 = arith.shrui %get3A_634, %shift_right_logical3A_636 : vector<16xi32>
        %swap3A_638 = arith.constant 0 : i32
        %swap3A_639 = arith.index_cast %swap3A_638 : i32 to index
        %swap3A_640 = arith.constant 48 : index
        %swap3A_641 = tpu.vector_load %arg6[%swap3A_639, %swap3A_640] {strides = array<i32>} : memref<1x128xi32, #tpu.memory_space<vmem>>, vector<1x16xi32>,
        %swap3A_642 = vector.shape_cast %swap3A_641 : vector<1x16xi32> to vector<16xi32>
        %swap3A_643 = vector.shape_cast %shift_right_logical3A_637 : vector<16xi32> to vector<1x16xi32>
        tpu.vector_store %arg6[%swap3A_639, %swap3A_640], %swap3A_643 {strides = array<i32>} : memref<1x128xi32, #tpu.memory_space<vmem>>, vector<1x16xi32>,
        %broadcast_in_dim3A_644 = arith.constant 16383 : i32
        %broadcast_in_dim3A_645 = vector.broadcast %broadcast_in_dim3A_644 : i32 to vector<16xi32>
        %and3A_646 = arith.andi %get3A_634, %broadcast_in_dim3A_645 : vector<16xi32>
        %swap3A_647 = arith.constant 0 : i32
        %swap3A_648 = arith.index_cast %swap3A_647 : i32 to index
        %swap3A_649 = arith.constant 48 : index
        %swap3A_650 = tpu.vector_load %arg8[%swap3A_648, %swap3A_649] {strides = array<i32>} : memref<1x128xi32, #tpu.memory_space<vmem>>, vector<1x16xi32>,
        %swap3A_651 = vector.shape_cast %swap3A_650 : vector<1x16xi32> to vector<16xi32>
        %swap3A_652 = vector.shape_cast %and3A_646 : vector<16xi32> to vector<1x16xi32>
        tpu.vector_store %arg8[%swap3A_648, %swap3A_649], %swap3A_652 {strides = array<i32>} : memref<1x128xi32, #tpu.memory_space<vmem>>, vector<1x16xi32>,
        %get3A_653 = arith.index_cast %add3A_564 : i32 to index
        %get3A_654 = arith.constant 64 : index
        %get3A_655 = tpu.vector_load %arg5[%get3A_653, %get3A_654] {strides = array<i32>} : memref<80x128xi32, #tpu.memory_space<vmem>>, vector<1x16xi32>,
        %get3A_656 = vector.shape_cast %get3A_655 : vector<1x16xi32> to vector<16xi32>
        %shift_right_logical3A_657 = arith.constant 14 : i32
        %shift_right_logical3A_658 = vector.broadcast %shift_right_logical3A_657 : i32 to vector<16xi32>
        %shift_right_logical3A_659 = arith.shrui %get3A_656, %shift_right_logical3A_658 : vector<16xi32>
        %swap3A_660 = arith.constant 0 : i32
        %swap3A_661 = arith.index_cast %swap3A_660 : i32 to index
        %swap3A_662 = arith.constant 64 : index
        %swap3A_663 = tpu.vector_load %arg6[%swap3A_661, %swap3A_662] {strides = array<i32>} : memref<1x128xi32, #tpu.memory_space<vmem>>, vector<1x16xi32>,
        %swap3A_664 = vector.shape_cast %swap3A_663 : vector<1x16xi32> to vector<16xi32>
        %swap3A_665 = vector.shape_cast %shift_right_logical3A_659 : vector<16xi32> to vector<1x16xi32>
        tpu.vector_store %arg6[%swap3A_661, %swap3A_662], %swap3A_665 {strides = array<i32>} : memref<1x128xi32, #tpu.memory_space<vmem>>, vector<1x16xi32>,
        %broadcast_in_dim3A_666 = arith.constant 16383 : i32
        %broadcast_in_dim3A_667 = vector.broadcast %broadcast_in_dim3A_666 : i32 to vector<16xi32>
        %and3A_668 = arith.andi %get3A_656, %broadcast_in_dim3A_667 : vector<16xi32>
        %swap3A_669 = arith.constant 0 : i32
        %swap3A_670 = arith.index_cast %swap3A_669 : i32 to index
        %swap3A_671 = arith.constant 64 : index
        %swap3A_672 = tpu.vector_load %arg8[%swap3A_670, %swap3A_671] {strides = array<i32>} : memref<1x128xi32, #tpu.memory_space<vmem>>, vector<1x16xi32>,
        %swap3A_673 = vector.shape_cast %swap3A_672 : vector<1x16xi32> to vector<16xi32>
        %swap3A_674 = vector.shape_cast %and3A_668 : vector<16xi32> to vector<1x16xi32>
        tpu.vector_store %arg8[%swap3A_670, %swap3A_671], %swap3A_674 {strides = array<i32>} : memref<1x128xi32, #tpu.memory_space<vmem>>, vector<1x16xi32>,
        %get3A_675 = arith.index_cast %add3A_564 : i32 to index
        %get3A_676 = arith.constant 80 : index
        %get3A_677 = tpu.vector_load %arg5[%get3A_675, %get3A_676] {strides = array<i32>} : memref<80x128xi32, #tpu.memory_space<vmem>>, vector<1x16xi32>,
        %get3A_678 = vector.shape_cast %get3A_677 : vector<1x16xi32> to vector<16xi32>
        %shift_right_logical3A_679 = arith.constant 14 : i32
        %shift_right_logical3A_680 = vector.broadcast %shift_right_logical3A_679 : i32 to vector<16xi32>
        %shift_right_logical3A_681 = arith.shrui %get3A_678, %shift_right_logical3A_680 : vector<16xi32>
        %swap3A_682 = arith.constant 0 : i32
        %swap3A_683 = arith.index_cast %swap3A_682 : i32 to index
        %swap3A_684 = arith.constant 80 : index
        %swap3A_685 = tpu.vector_load %arg6[%swap3A_683, %swap3A_684] {strides = array<i32>} : memref<1x128xi32, #tpu.memory_space<vmem>>, vector<1x16xi32>,
        %swap3A_686 = vector.shape_cast %swap3A_685 : vector<1x16xi32> to vector<16xi32>
        %swap3A_687 = vector.shape_cast %shift_right_logical3A_681 : vector<16xi32> to vector<1x16xi32>
        tpu.vector_store %arg6[%swap3A_683, %swap3A_684], %swap3A_687 {strides = array<i32>} : memref<1x128xi32, #tpu.memory_space<vmem>>, vector<1x16xi32>,
        %broadcast_in_dim3A_688 = arith.constant 16383 : i32
        %broadcast_in_dim3A_689 = vector.broadcast %broadcast_in_dim3A_688 : i32 to vector<16xi32>
        %and3A_690 = arith.andi %get3A_678, %broadcast_in_dim3A_689 : vector<16xi32>
        %swap3A_691 = arith.constant 0 : i32
        %swap3A_692 = arith.index_cast %swap3A_691 : i32 to index
        %swap3A_693 = arith.constant 80 : index
        %swap3A_694 = tpu.vector_load %arg8[%swap3A_692, %swap3A_693] {strides = array<i32>} : memref<1x128xi32, #tpu.memory_space<vmem>>, vector<1x16xi32>,
        %swap3A_695 = vector.shape_cast %swap3A_694 : vector<1x16xi32> to vector<16xi32>
        %swap3A_696 = vector.shape_cast %and3A_690 : vector<16xi32> to vector<1x16xi32>
        tpu.vector_store %arg8[%swap3A_692, %swap3A_693], %swap3A_696 {strides = array<i32>} : memref<1x128xi32, #tpu.memory_space<vmem>>, vector<1x16xi32>,
        %get3A_697 = arith.index_cast %add3A_564 : i32 to index
        %get3A_698 = arith.constant 96 : index
        %get3A_699 = tpu.vector_load %arg5[%get3A_697, %get3A_698] {strides = array<i32>} : memref<80x128xi32, #tpu.memory_space<vmem>>, vector<1x16xi32>,
        %get3A_700 = vector.shape_cast %get3A_699 : vector<1x16xi32> to vector<16xi32>
        %shift_right_logical3A_701 = arith.constant 14 : i32
        %shift_right_logical3A_702 = vector.broadcast %shift_right_logical3A_701 : i32 to vector<16xi32>
        %shift_right_logical3A_703 = arith.shrui %get3A_700, %shift_right_logical3A_702 : vector<16xi32>
        %swap3A_704 = arith.constant 0 : i32
        %swap3A_705 = arith.index_cast %swap3A_704 : i32 to index
        %swap3A_706 = arith.constant 96 : index
        %swap3A_707 = tpu.vector_load %arg6[%swap3A_705, %swap3A_706] {strides = array<i32>} : memref<1x128xi32, #tpu.memory_space<vmem>>, vector<1x16xi32>,
        %swap3A_708 = vector.shape_cast %swap3A_707 : vector<1x16xi32> to vector<16xi32>
        %swap3A_709 = vector.shape_cast %shift_right_logical3A_703 : vector<16xi32> to vector<1x16xi32>
        tpu.vector_store %arg6[%swap3A_705, %swap3A_706], %swap3A_709 {strides = array<i32>} : memref<1x128xi32, #tpu.memory_space<vmem>>, vector<1x16xi32>,
        %broadcast_in_dim3A_710 = arith.constant 16383 : i32
        %broadcast_in_dim3A_711 = vector.broadcast %broadcast_in_dim3A_710 : i32 to vector<16xi32>
        %and3A_712 = arith.andi %get3A_700, %broadcast_in_dim3A_711 : vector<16xi32>
        %swap3A_713 = arith.constant 0 : i32
        %swap3A_714 = arith.index_cast %swap3A_713 : i32 to index
        %swap3A_715 = arith.constant 96 : index
        %swap3A_716 = tpu.vector_load %arg8[%swap3A_714, %swap3A_715] {strides = array<i32>} : memref<1x128xi32, #tpu.memory_space<vmem>>, vector<1x16xi32>,
        %swap3A_717 = vector.shape_cast %swap3A_716 : vector<1x16xi32> to vector<16xi32>
        %swap3A_718 = vector.shape_cast %and3A_712 : vector<16xi32> to vector<1x16xi32>
        tpu.vector_store %arg8[%swap3A_714, %swap3A_715], %swap3A_718 {strides = array<i32>} : memref<1x128xi32, #tpu.memory_space<vmem>>, vector<1x16xi32>,
        %get3A_719 = arith.index_cast %add3A_564 : i32 to index
        %get3A_720 = arith.constant 112 : index
        %get3A_721 = tpu.vector_load %arg5[%get3A_719, %get3A_720] {strides = array<i32>} : memref<80x128xi32, #tpu.memory_space<vmem>>, vector<1x16xi32>,
        %get3A_722 = vector.shape_cast %get3A_721 : vector<1x16xi32> to vector<16xi32>
        %shift_right_logical3A_723 = arith.constant 14 : i32
        %shift_right_logical3A_724 = vector.broadcast %shift_right_logical3A_723 : i32 to vector<16xi32>
        %shift_right_logical3A_725 = arith.shrui %get3A_722, %shift_right_logical3A_724 : vector<16xi32>
        %swap3A_726 = arith.constant 0 : i32
        %swap3A_727 = arith.index_cast %swap3A_726 : i32 to index
        %swap3A_728 = arith.constant 112 : index
        %swap3A_729 = tpu.vector_load %arg6[%swap3A_727, %swap3A_728] {strides = array<i32>} : memref<1x128xi32, #tpu.memory_space<vmem>>, vector<1x16xi32>,
        %swap3A_730 = vector.shape_cast %swap3A_729 : vector<1x16xi32> to vector<16xi32>
        %swap3A_731 = vector.shape_cast %shift_right_logical3A_725 : vector<16xi32> to vector<1x16xi32>
        tpu.vector_store %arg6[%swap3A_727, %swap3A_728], %swap3A_731 {strides = array<i32>} : memref<1x128xi32, #tpu.memory_space<vmem>>, vector<1x16xi32>,
        %broadcast_in_dim3A_732 = arith.constant 16383 : i32
        %broadcast_in_dim3A_733 = vector.broadcast %broadcast_in_dim3A_732 : i32 to vector<16xi32>
        %and3A_734 = arith.andi %get3A_722, %broadcast_in_dim3A_733 : vector<16xi32>
        %swap3A_735 = arith.constant 0 : i32
        %swap3A_736 = arith.index_cast %swap3A_735 : i32 to index
        %swap3A_737 = arith.constant 112 : index
        %swap3A_738 = tpu.vector_load %arg8[%swap3A_736, %swap3A_737] {strides = array<i32>} : memref<1x128xi32, #tpu.memory_space<vmem>>, vector<1x16xi32>,
        %swap3A_739 = vector.shape_cast %swap3A_738 : vector<1x16xi32> to vector<16xi32>
        %swap3A_740 = vector.shape_cast %and3A_734 : vector<16xi32> to vector<1x16xi32>
        tpu.vector_store %arg8[%swap3A_736, %swap3A_737], %swap3A_740 {strides = array<i32>} : memref<1x128xi32, #tpu.memory_space<vmem>>, vector<1x16xi32>,
        %dma_start3A_741 = arith.constant 0 : i32
        %dma_start3A_742 = arith.constant 0 : i32
        %dma_start3A_743 = arith.constant 0 : i32
        %dma_start3A_744 = tpu.memref_slice %arg10[%dma_start3A_742, %dma_start3A_743] : memref<128x128xf32, #tpu.memory_space<vmem>> -> memref<32x128xf32, #tpu.memory_space<vmem>>
        %dma_start3A_745 = arith.constant 0 : i32
        %dma_start3A_746 = tpu.memref_slice %arg6[%dma_start3A_741, %dma_start3A_745] : memref<1x128xi32, #tpu.memory_space<vmem>> -> memref<1x32xi32, #tpu.memory_space<vmem>>
        %dma_start3A_747 = tpu.memref_squeeze %dma_start3A_746 : memref<1x32xi32, #tpu.memory_space<vmem>> -> memref<32xi32, #tpu.memory_space<vmem>>
        %dma_start3A_748 = arith.constant 0 : i32
        %dma_start3A_749 = arith.constant 0 : i32
        %dma_start3A_750 = tpu.memref_slice %arg2[%dma_start3A_748, %dma_start3A_749] : memref<10000x128xf32, #tpu.memory_space<hbm>> -> memref<10000x128xf32, #tpu.memory_space<hbm>>
        tpu.enqueue_indirect_dma source(%dma_start3A_750 : memref<10000x128xf32, #tpu.memory_space<hbm>>) target(%dma_start3A_744 : memref<32x128xf32, #tpu.memory_space<vmem>>) offsets(%dma_start3A_747 : memref<32xi32, #tpu.memory_space<vmem>>) semaphore(%arg13 : memref<!tpu.dma_semaphore, #tpu.memory_space<semaphore_mem>>)
        %dma_start3A_751 = arith.constant 0 : i32
        %dma_start3A_752 = arith.constant 32 : i32
        %dma_start3A_753 = arith.constant 0 : i32
        %dma_start3A_754 = tpu.memref_slice %arg10[%dma_start3A_752, %dma_start3A_753] : memref<128x128xf32, #tpu.memory_space<vmem>> -> memref<32x128xf32, #tpu.memory_space<vmem>>
        %dma_start3A_755 = arith.constant 32 : i32
        %dma_start3A_756 = tpu.memref_slice %arg6[%dma_start3A_751, %dma_start3A_755] : memref<1x128xi32, #tpu.memory_space<vmem>> -> memref<1x32xi32, #tpu.memory_space<vmem>>
        %dma_start3A_757 = tpu.memref_squeeze %dma_start3A_756 : memref<1x32xi32, #tpu.memory_space<vmem>> -> memref<32xi32, #tpu.memory_space<vmem>>
        %dma_start3A_758 = arith.constant 0 : i32
        %dma_start3A_759 = arith.constant 0 : i32
        %dma_start3A_760 = tpu.memref_slice %arg2[%dma_start3A_758, %dma_start3A_759] : memref<10000x128xf32, #tpu.memory_space<hbm>> -> memref<10000x128xf32, #tpu.memory_space<hbm>>
        tpu.enqueue_indirect_dma source(%dma_start3A_760 : memref<10000x128xf32, #tpu.memory_space<hbm>>) target(%dma_start3A_754 : memref<32x128xf32, #tpu.memory_space<vmem>>) offsets(%dma_start3A_757 : memref<32xi32, #tpu.memory_space<vmem>>) semaphore(%arg13 : memref<!tpu.dma_semaphore, #tpu.memory_space<semaphore_mem>>)
        %dma_start3A_761 = arith.constant 0 : i32
        %dma_start3A_762 = arith.constant 64 : i32
        %dma_start3A_763 = arith.constant 0 : i32
        %dma_start3A_764 = tpu.memref_slice %arg10[%dma_start3A_762, %dma_start3A_763] : memref<128x128xf32, #tpu.memory_space<vmem>> -> memref<32x128xf32, #tpu.memory_space<vmem>>
        %dma_start3A_765 = arith.constant 64 : i32
        %dma_start3A_766 = tpu.memref_slice %arg6[%dma_start3A_761, %dma_start3A_765] : memref<1x128xi32, #tpu.memory_space<vmem>> -> memref<1x32xi32, #tpu.memory_space<vmem>>
        %dma_start3A_767 = tpu.memref_squeeze %dma_start3A_766 : memref<1x32xi32, #tpu.memory_space<vmem>> -> memref<32xi32, #tpu.memory_space<vmem>>
        %dma_start3A_768 = arith.constant 0 : i32
        %dma_start3A_769 = arith.constant 0 : i32
        %dma_start3A_770 = tpu.memref_slice %arg2[%dma_start3A_768, %dma_start3A_769] : memref<10000x128xf32, #tpu.memory_space<hbm>> -> memref<10000x128xf32, #tpu.memory_space<hbm>>
        tpu.enqueue_indirect_dma source(%dma_start3A_770 : memref<10000x128xf32, #tpu.memory_space<hbm>>) target(%dma_start3A_764 : memref<32x128xf32, #tpu.memory_space<vmem>>) offsets(%dma_start3A_767 : memref<32xi32, #tpu.memory_space<vmem>>) semaphore(%arg13 : memref<!tpu.dma_semaphore, #tpu.memory_space<semaphore_mem>>)
        %dma_start3A_771 = arith.constant 0 : i32
        %dma_start3A_772 = arith.constant 96 : i32
        %dma_start3A_773 = arith.constant 0 : i32
        %dma_start3A_774 = tpu.memref_slice %arg10[%dma_start3A_772, %dma_start3A_773] : memref<128x128xf32, #tpu.memory_space<vmem>> -> memref<32x128xf32, #tpu.memory_space<vmem>>
        %dma_start3A_775 = arith.constant 96 : i32
        %dma_start3A_776 = tpu.memref_slice %arg6[%dma_start3A_771, %dma_start3A_775] : memref<1x128xi32, #tpu.memory_space<vmem>> -> memref<1x32xi32, #tpu.memory_space<vmem>>
        %dma_start3A_777 = tpu.memref_squeeze %dma_start3A_776 : memref<1x32xi32, #tpu.memory_space<vmem>> -> memref<32xi32, #tpu.memory_space<vmem>>
        %dma_start3A_778 = arith.constant 0 : i32
        %dma_start3A_779 = arith.constant 0 : i32
        %dma_start3A_780 = tpu.memref_slice %arg2[%dma_start3A_778, %dma_start3A_779] : memref<10000x128xf32, #tpu.memory_space<hbm>> -> memref<10000x128xf32, #tpu.memory_space<hbm>>
        tpu.enqueue_indirect_dma source(%dma_start3A_780 : memref<10000x128xf32, #tpu.memory_space<hbm>>) target(%dma_start3A_774 : memref<32x128xf32, #tpu.memory_space<vmem>>) offsets(%dma_start3A_777 : memref<32xi32, #tpu.memory_space<vmem>>) semaphore(%arg13 : memref<!tpu.dma_semaphore, #tpu.memory_space<semaphore_mem>>)
      } else {
      }
      %dma_wait3A_516 = arith.constant 0 : i32
      %dma_wait3A_517 = arith.constant 0 : i32
      %dma_wait3A_518 = arith.constant 0 : i32
      %dma_wait3A_519 = tpu.memref_slice %arg11[%dma_wait3A_517, %dma_wait3A_518] : memref<128x128xf32, #tpu.memory_space<vmem>> -> memref<32x128xf32, #tpu.memory_space<vmem>>
      %dma_wait3A_520 = arith.constant 0 : i32
      %dma_wait3A_521 = tpu.memref_slice %arg7[%dma_wait3A_516, %dma_wait3A_520] : memref<1x128xi32, #tpu.memory_space<vmem>> -> memref<1x32xi32, #tpu.memory_space<vmem>>
      %dma_wait3A_522 = tpu.memref_squeeze %dma_wait3A_521 : memref<1x32xi32, #tpu.memory_space<vmem>> -> memref<32xi32, #tpu.memory_space<vmem>>
      %dma_wait3A_523 = arith.constant 0 : i32
      %dma_wait3A_524 = arith.constant 0 : i32
      %dma_wait3A_525 = tpu.memref_slice %arg2[%dma_wait3A_523, %dma_wait3A_524] : memref<10000x128xf32, #tpu.memory_space<hbm>> -> memref<10000x128xf32, #tpu.memory_space<hbm>>
      tpu.wait_indirect_dma semaphore(%arg14 : memref<!tpu.dma_semaphore, #tpu.memory_space<semaphore_mem>>) src(%dma_wait3A_525 : memref<10000x128xf32, #tpu.memory_space<hbm>>) dst(%dma_wait3A_519 : memref<32x128xf32, #tpu.memory_space<vmem>>)
      %dma_wait3A_526 = arith.constant 0 : i32
      %dma_wait3A_527 = arith.constant 32 : i32
      %dma_wait3A_528 = arith.constant 0 : i32
      %dma_wait3A_529 = tpu.memref_slice %arg11[%dma_wait3A_527, %dma_wait3A_528] : memref<128x128xf32, #tpu.memory_space<vmem>> -> memref<32x128xf32, #tpu.memory_space<vmem>>
      %dma_wait3A_530 = arith.constant 32 : i32
      %dma_wait3A_531 = tpu.memref_slice %arg7[%dma_wait3A_526, %dma_wait3A_530] : memref<1x128xi32, #tpu.memory_space<vmem>> -> memref<1x32xi32, #tpu.memory_space<vmem>>
      %dma_wait3A_532 = tpu.memref_squeeze %dma_wait3A_531 : memref<1x32xi32, #tpu.memory_space<vmem>> -> memref<32xi32, #tpu.memory_space<vmem>>
      %dma_wait3A_533 = arith.constant 0 : i32
      %dma_wait3A_534 = arith.constant 0 : i32
      %dma_wait3A_535 = tpu.memref_slice %arg2[%dma_wait3A_533, %dma_wait3A_534] : memref<10000x128xf32, #tpu.memory_space<hbm>> -> memref<10000x128xf32, #tpu.memory_space<hbm>>
      tpu.wait_indirect_dma semaphore(%arg14 : memref<!tpu.dma_semaphore, #tpu.memory_space<semaphore_mem>>) src(%dma_wait3A_535 : memref<10000x128xf32, #tpu.memory_space<hbm>>) dst(%dma_wait3A_529 : memref<32x128xf32, #tpu.memory_space<vmem>>)
      %dma_wait3A_536 = arith.constant 0 : i32
      %dma_wait3A_537 = arith.constant 64 : i32
      %dma_wait3A_538 = arith.constant 0 : i32
      %dma_wait3A_539 = tpu.memref_slice %arg11[%dma_wait3A_537, %dma_wait3A_538] : memref<128x128xf32, #tpu.memory_space<vmem>> -> memref<32x128xf32, #tpu.memory_space<vmem>>
      %dma_wait3A_540 = arith.constant 64 : i32
      %dma_wait3A_541 = tpu.memref_slice %arg7[%dma_wait3A_536, %dma_wait3A_540] : memref<1x128xi32, #tpu.memory_space<vmem>> -> memref<1x32xi32, #tpu.memory_space<vmem>>
      %dma_wait3A_542 = tpu.memref_squeeze %dma_wait3A_541 : memref<1x32xi32, #tpu.memory_space<vmem>> -> memref<32xi32, #tpu.memory_space<vmem>>
      %dma_wait3A_543 = arith.constant 0 : i32
      %dma_wait3A_544 = arith.constant 0 : i32
      %dma_wait3A_545 = tpu.memref_slice %arg2[%dma_wait3A_543, %dma_wait3A_544] : memref<10000x128xf32, #tpu.memory_space<hbm>> -> memref<10000x128xf32, #tpu.memory_space<hbm>>
      tpu.wait_indirect_dma semaphore(%arg14 : memref<!tpu.dma_semaphore, #tpu.memory_space<semaphore_mem>>) src(%dma_wait3A_545 : memref<10000x128xf32, #tpu.memory_space<hbm>>) dst(%dma_wait3A_539 : memref<32x128xf32, #tpu.memory_space<vmem>>)
      %dma_wait3A_546 = arith.constant 0 : i32
      %dma_wait3A_547 = arith.constant 96 : i32
      %dma_wait3A_548 = arith.constant 0 : i32
      %dma_wait3A_549 = tpu.memref_slice %arg11[%dma_wait3A_547, %dma_wait3A_548] : memref<128x128xf32, #tpu.memory_space<vmem>> -> memref<32x128xf32, #tpu.memory_space<vmem>>
      %dma_wait3A_550 = arith.constant 96 : i32
      %dma_wait3A_551 = tpu.memref_slice %arg7[%dma_wait3A_546, %dma_wait3A_550] : memref<1x128xi32, #tpu.memory_space<vmem>> -> memref<1x32xi32, #tpu.memory_space<vmem>>
      %dma_wait3A_552 = tpu.memref_squeeze %dma_wait3A_551 : memref<1x32xi32, #tpu.memory_space<vmem>> -> memref<32xi32, #tpu.memory_space<vmem>>
      %dma_wait3A_553 = arith.constant 0 : i32
      %dma_wait3A_554 = arith.constant 0 : i32
      %dma_wait3A_555 = tpu.memref_slice %arg2[%dma_wait3A_553, %dma_wait3A_554] : memref<10000x128xf32, #tpu.memory_space<hbm>> -> memref<10000x128xf32, #tpu.memory_space<hbm>>
      tpu.wait_indirect_dma semaphore(%arg14 : memref<!tpu.dma_semaphore, #tpu.memory_space<semaphore_mem>>) src(%dma_wait3A_555 : memref<10000x128xf32, #tpu.memory_space<hbm>>) dst(%dma_wait3A_549 : memref<32x128xf32, #tpu.memory_space<vmem>>)
      %run_scoped3A_556 = arith.constant 0 : i32
      "tpu.region"() ({
        %run_scoped3A_563 = tpu.sem_alloc : memref<!tpu.dma_semaphore, #tpu.memory_space<semaphore_mem>>
        %dma_start3A_564 = arith.constant 0 : i32
        %dma_start3A_565 = tpu.memref_slice %arg9[%run_scoped3A_556, %dma_start3A_564] : memref<1x128xi32, #tpu.memory_space<vmem>> -> memref<1x128xi32, #tpu.memory_space<vmem>>
        %dma_start3A_566 = tpu.memref_squeeze %dma_start3A_565 : memref<1x128xi32, #tpu.memory_space<vmem>> -> memref<128xi32, #tpu.memory_space<vmem>>
        %dma_start3A_567 = arith.constant 0 : i32
        %dma_start3A_568 = arith.constant 0 : i32
        %dma_start3A_569 = tpu.memref_slice %arg12[%dma_start3A_567, %dma_start3A_568] : memref<10240x128xf32, #tpu.memory_space<vmem_shared>> -> memref<10240x128xf32, #tpu.memory_space<vmem_shared>>
        tpu.enqueue_indirect_dma source(%arg11 : memref<128x128xf32, #tpu.memory_space<vmem>>) target(%dma_start3A_569 : memref<10240x128xf32, #tpu.memory_space<vmem_shared>>) offsets(%dma_start3A_566 : memref<128xi32, #tpu.memory_space<vmem>>) semaphore(%run_scoped3A_563 : memref<!tpu.dma_semaphore, #tpu.memory_space<semaphore_mem>>) {add = true}
        %dma_wait3A_570 = arith.constant 0 : i32
        %dma_wait3A_571 = tpu.memref_slice %arg9[%run_scoped3A_556, %dma_wait3A_570] : memref<1x128xi32, #tpu.memory_space<vmem>> -> memref<1x128xi32, #tpu.memory_space<vmem>>
        %dma_wait3A_572 = tpu.memref_squeeze %dma_wait3A_571 : memref<1x128xi32, #tpu.memory_space<vmem>> -> memref<128xi32, #tpu.memory_space<vmem>>
        %dma_wait3A_573 = arith.constant 0 : i32
        %dma_wait3A_574 = arith.constant 0 : i32
        %dma_wait3A_575 = tpu.memref_slice %arg12[%dma_wait3A_573, %dma_wait3A_574] : memref<10240x128xf32, #tpu.memory_space<vmem_shared>> -> memref<10240x128xf32, #tpu.memory_space<vmem_shared>>
        tpu.wait_indirect_dma semaphore(%run_scoped3A_563 : memref<!tpu.dma_semaphore, #tpu.memory_space<semaphore_mem>>) src(%arg11 : memref<128x128xf32, #tpu.memory_space<vmem>>) dst(%dma_wait3A_575 : memref<10240x128xf32, #tpu.memory_space<vmem_shared>>)
        tpu.yield
      }) : () -> ()
      %lt3A_557 = arith.constant 39 : i32
      %lt3A_558 = arith.cmpi slt, %scan3A_471, %lt3A_557 : i32
      %convert_element_type3A_559 = arith.extui %lt3A_558 : i1 to i32
      %cond3A_560 = arith.constant 0 : i32
      %cond3A_561 = arith.cmpi ne, %convert_element_type3A_559, %cond3A_560 : i32
      scf.if %cond3A_561 {
        %add3A_563 = arith.constant 3 : i32
        %add3A_564 = arith.addi %mul3A_474, %add3A_563 : i32
        %get3A_565 = arith.index_cast %add3A_564 : i32 to index
        %get3A_566 = arith.constant 0 : index
        %get3A_567 = tpu.vector_load %arg5[%get3A_565, %get3A_566] {strides = array<i32>} : memref<80x128xi32, #tpu.memory_space<vmem>>, vector<1x16xi32>,
        %get3A_568 = vector.shape_cast %get3A_567 : vector<1x16xi32> to vector<16xi32>
        %shift_right_logical3A_569 = arith.constant 14 : i32
        %shift_right_logical3A_570 = vector.broadcast %shift_right_logical3A_569 : i32 to vector<16xi32>
        %shift_right_logical3A_571 = arith.shrui %get3A_568, %shift_right_logical3A_570 : vector<16xi32>
        %swap3A_572 = arith.constant 0 : i32
        %swap3A_573 = arith.index_cast %swap3A_572 : i32 to index
        %swap3A_574 = arith.constant 0 : index
        %swap3A_575 = tpu.vector_load %arg7[%swap3A_573, %swap3A_574] {strides = array<i32>} : memref<1x128xi32, #tpu.memory_space<vmem>>, vector<1x16xi32>,
        %swap3A_576 = vector.shape_cast %swap3A_575 : vector<1x16xi32> to vector<16xi32>
        %swap3A_577 = vector.shape_cast %shift_right_logical3A_571 : vector<16xi32> to vector<1x16xi32>
        tpu.vector_store %arg7[%swap3A_573, %swap3A_574], %swap3A_577 {strides = array<i32>} : memref<1x128xi32, #tpu.memory_space<vmem>>, vector<1x16xi32>,
        %broadcast_in_dim3A_578 = arith.constant 16383 : i32
        %broadcast_in_dim3A_579 = vector.broadcast %broadcast_in_dim3A_578 : i32 to vector<16xi32>
        %and3A_580 = arith.andi %get3A_568, %broadcast_in_dim3A_579 : vector<16xi32>
        %swap3A_581 = arith.constant 0 : i32
        %swap3A_582 = arith.index_cast %swap3A_581 : i32 to index
        %swap3A_583 = arith.constant 0 : index
        %swap3A_584 = tpu.vector_load %arg9[%swap3A_582, %swap3A_583] {strides = array<i32>} : memref<1x128xi32, #tpu.memory_space<vmem>>, vector<1x16xi32>,
        %swap3A_585 = vector.shape_cast %swap3A_584 : vector<1x16xi32> to vector<16xi32>
        %swap3A_586 = vector.shape_cast %and3A_580 : vector<16xi32> to vector<1x16xi32>
        tpu.vector_store %arg9[%swap3A_582, %swap3A_583], %swap3A_586 {strides = array<i32>} : memref<1x128xi32, #tpu.memory_space<vmem>>, vector<1x16xi32>,
        %get3A_587 = arith.index_cast %add3A_564 : i32 to index
        %get3A_588 = arith.constant 16 : index
        %get3A_589 = tpu.vector_load %arg5[%get3A_587, %get3A_588] {strides = array<i32>} : memref<80x128xi32, #tpu.memory_space<vmem>>, vector<1x16xi32>,
        %get3A_590 = vector.shape_cast %get3A_589 : vector<1x16xi32> to vector<16xi32>
        %shift_right_logical3A_591 = arith.constant 14 : i32
        %shift_right_logical3A_592 = vector.broadcast %shift_right_logical3A_591 : i32 to vector<16xi32>
        %shift_right_logical3A_593 = arith.shrui %get3A_590, %shift_right_logical3A_592 : vector<16xi32>
        %swap3A_594 = arith.constant 0 : i32
        %swap3A_595 = arith.index_cast %swap3A_594 : i32 to index
        %swap3A_596 = arith.constant 16 : index
        %swap3A_597 = tpu.vector_load %arg7[%swap3A_595, %swap3A_596] {strides = array<i32>} : memref<1x128xi32, #tpu.memory_space<vmem>>, vector<1x16xi32>,
        %swap3A_598 = vector.shape_cast %swap3A_597 : vector<1x16xi32> to vector<16xi32>
        %swap3A_599 = vector.shape_cast %shift_right_logical3A_593 : vector<16xi32> to vector<1x16xi32>
        tpu.vector_store %arg7[%swap3A_595, %swap3A_596], %swap3A_599 {strides = array<i32>} : memref<1x128xi32, #tpu.memory_space<vmem>>, vector<1x16xi32>,
        %broadcast_in_dim3A_600 = arith.constant 16383 : i32
        %broadcast_in_dim3A_601 = vector.broadcast %broadcast_in_dim3A_600 : i32 to vector<16xi32>
        %and3A_602 = arith.andi %get3A_590, %broadcast_in_dim3A_601 : vector<16xi32>
        %swap3A_603 = arith.constant 0 : i32
        %swap3A_604 = arith.index_cast %swap3A_603 : i32 to index
        %swap3A_605 = arith.constant 16 : index
        %swap3A_606 = tpu.vector_load %arg9[%swap3A_604, %swap3A_605] {strides = array<i32>} : memref<1x128xi32, #tpu.memory_space<vmem>>, vector<1x16xi32>,
        %swap3A_607 = vector.shape_cast %swap3A_606 : vector<1x16xi32> to vector<16xi32>
        %swap3A_608 = vector.shape_cast %and3A_602 : vector<16xi32> to vector<1x16xi32>
        tpu.vector_store %arg9[%swap3A_604, %swap3A_605], %swap3A_608 {strides = array<i32>} : memref<1x128xi32, #tpu.memory_space<vmem>>, vector<1x16xi32>,
        %get3A_609 = arith.index_cast %add3A_564 : i32 to index
        %get3A_610 = arith.constant 32 : index
        %get3A_611 = tpu.vector_load %arg5[%get3A_609, %get3A_610] {strides = array<i32>} : memref<80x128xi32, #tpu.memory_space<vmem>>, vector<1x16xi32>,
        %get3A_612 = vector.shape_cast %get3A_611 : vector<1x16xi32> to vector<16xi32>
        %shift_right_logical3A_613 = arith.constant 14 : i32
        %shift_right_logical3A_614 = vector.broadcast %shift_right_logical3A_613 : i32 to vector<16xi32>
        %shift_right_logical3A_615 = arith.shrui %get3A_612, %shift_right_logical3A_614 : vector<16xi32>
        %swap3A_616 = arith.constant 0 : i32
        %swap3A_617 = arith.index_cast %swap3A_616 : i32 to index
        %swap3A_618 = arith.constant 32 : index
        %swap3A_619 = tpu.vector_load %arg7[%swap3A_617, %swap3A_618] {strides = array<i32>} : memref<1x128xi32, #tpu.memory_space<vmem>>, vector<1x16xi32>,
        %swap3A_620 = vector.shape_cast %swap3A_619 : vector<1x16xi32> to vector<16xi32>
        %swap3A_621 = vector.shape_cast %shift_right_logical3A_615 : vector<16xi32> to vector<1x16xi32>
        tpu.vector_store %arg7[%swap3A_617, %swap3A_618], %swap3A_621 {strides = array<i32>} : memref<1x128xi32, #tpu.memory_space<vmem>>, vector<1x16xi32>,
        %broadcast_in_dim3A_622 = arith.constant 16383 : i32
        %broadcast_in_dim3A_623 = vector.broadcast %broadcast_in_dim3A_622 : i32 to vector<16xi32>
        %and3A_624 = arith.andi %get3A_612, %broadcast_in_dim3A_623 : vector<16xi32>
        %swap3A_625 = arith.constant 0 : i32
        %swap3A_626 = arith.index_cast %swap3A_625 : i32 to index
        %swap3A_627 = arith.constant 32 : index
        %swap3A_628 = tpu.vector_load %arg9[%swap3A_626, %swap3A_627] {strides = array<i32>} : memref<1x128xi32, #tpu.memory_space<vmem>>, vector<1x16xi32>,
        %swap3A_629 = vector.shape_cast %swap3A_628 : vector<1x16xi32> to vector<16xi32>
        %swap3A_630 = vector.shape_cast %and3A_624 : vector<16xi32> to vector<1x16xi32>
        tpu.vector_store %arg9[%swap3A_626, %swap3A_627], %swap3A_630 {strides = array<i32>} : memref<1x128xi32, #tpu.memory_space<vmem>>, vector<1x16xi32>,
        %get3A_631 = arith.index_cast %add3A_564 : i32 to index
        %get3A_632 = arith.constant 48 : index
        %get3A_633 = tpu.vector_load %arg5[%get3A_631, %get3A_632] {strides = array<i32>} : memref<80x128xi32, #tpu.memory_space<vmem>>, vector<1x16xi32>,
        %get3A_634 = vector.shape_cast %get3A_633 : vector<1x16xi32> to vector<16xi32>
        %shift_right_logical3A_635 = arith.constant 14 : i32
        %shift_right_logical3A_636 = vector.broadcast %shift_right_logical3A_635 : i32 to vector<16xi32>
        %shift_right_logical3A_637 = arith.shrui %get3A_634, %shift_right_logical3A_636 : vector<16xi32>
        %swap3A_638 = arith.constant 0 : i32
        %swap3A_639 = arith.index_cast %swap3A_638 : i32 to index
        %swap3A_640 = arith.constant 48 : index
        %swap3A_641 = tpu.vector_load %arg7[%swap3A_639, %swap3A_640] {strides = array<i32>} : memref<1x128xi32, #tpu.memory_space<vmem>>, vector<1x16xi32>,
        %swap3A_642 = vector.shape_cast %swap3A_641 : vector<1x16xi32> to vector<16xi32>
        %swap3A_643 = vector.shape_cast %shift_right_logical3A_637 : vector<16xi32> to vector<1x16xi32>
        tpu.vector_store %arg7[%swap3A_639, %swap3A_640], %swap3A_643 {strides = array<i32>} : memref<1x128xi32, #tpu.memory_space<vmem>>, vector<1x16xi32>,
        %broadcast_in_dim3A_644 = arith.constant 16383 : i32
        %broadcast_in_dim3A_645 = vector.broadcast %broadcast_in_dim3A_644 : i32 to vector<16xi32>
        %and3A_646 = arith.andi %get3A_634, %broadcast_in_dim3A_645 : vector<16xi32>
        %swap3A_647 = arith.constant 0 : i32
        %swap3A_648 = arith.index_cast %swap3A_647 : i32 to index
        %swap3A_649 = arith.constant 48 : index
        %swap3A_650 = tpu.vector_load %arg9[%swap3A_648, %swap3A_649] {strides = array<i32>} : memref<1x128xi32, #tpu.memory_space<vmem>>, vector<1x16xi32>,
        %swap3A_651 = vector.shape_cast %swap3A_650 : vector<1x16xi32> to vector<16xi32>
        %swap3A_652 = vector.shape_cast %and3A_646 : vector<16xi32> to vector<1x16xi32>
        tpu.vector_store %arg9[%swap3A_648, %swap3A_649], %swap3A_652 {strides = array<i32>} : memref<1x128xi32, #tpu.memory_space<vmem>>, vector<1x16xi32>,
        %get3A_653 = arith.index_cast %add3A_564 : i32 to index
        %get3A_654 = arith.constant 64 : index
        %get3A_655 = tpu.vector_load %arg5[%get3A_653, %get3A_654] {strides = array<i32>} : memref<80x128xi32, #tpu.memory_space<vmem>>, vector<1x16xi32>,
        %get3A_656 = vector.shape_cast %get3A_655 : vector<1x16xi32> to vector<16xi32>
        %shift_right_logical3A_657 = arith.constant 14 : i32
        %shift_right_logical3A_658 = vector.broadcast %shift_right_logical3A_657 : i32 to vector<16xi32>
        %shift_right_logical3A_659 = arith.shrui %get3A_656, %shift_right_logical3A_658 : vector<16xi32>
        %swap3A_660 = arith.constant 0 : i32
        %swap3A_661 = arith.index_cast %swap3A_660 : i32 to index
        %swap3A_662 = arith.constant 64 : index
        %swap3A_663 = tpu.vector_load %arg7[%swap3A_661, %swap3A_662] {strides = array<i32>} : memref<1x128xi32, #tpu.memory_space<vmem>>, vector<1x16xi32>,
        %swap3A_664 = vector.shape_cast %swap3A_663 : vector<1x16xi32> to vector<16xi32>
        %swap3A_665 = vector.shape_cast %shift_right_logical3A_659 : vector<16xi32> to vector<1x16xi32>
        tpu.vector_store %arg7[%swap3A_661, %swap3A_662], %swap3A_665 {strides = array<i32>} : memref<1x128xi32, #tpu.memory_space<vmem>>, vector<1x16xi32>,
        %broadcast_in_dim3A_666 = arith.constant 16383 : i32
        %broadcast_in_dim3A_667 = vector.broadcast %broadcast_in_dim3A_666 : i32 to vector<16xi32>
        %and3A_668 = arith.andi %get3A_656, %broadcast_in_dim3A_667 : vector<16xi32>
        %swap3A_669 = arith.constant 0 : i32
        %swap3A_670 = arith.index_cast %swap3A_669 : i32 to index
        %swap3A_671 = arith.constant 64 : index
        %swap3A_672 = tpu.vector_load %arg9[%swap3A_670, %swap3A_671] {strides = array<i32>} : memref<1x128xi32, #tpu.memory_space<vmem>>, vector<1x16xi32>,
        %swap3A_673 = vector.shape_cast %swap3A_672 : vector<1x16xi32> to vector<16xi32>
        %swap3A_674 = vector.shape_cast %and3A_668 : vector<16xi32> to vector<1x16xi32>
        tpu.vector_store %arg9[%swap3A_670, %swap3A_671], %swap3A_674 {strides = array<i32>} : memref<1x128xi32, #tpu.memory_space<vmem>>, vector<1x16xi32>,
        %get3A_675 = arith.index_cast %add3A_564 : i32 to index
        %get3A_676 = arith.constant 80 : index
        %get3A_677 = tpu.vector_load %arg5[%get3A_675, %get3A_676] {strides = array<i32>} : memref<80x128xi32, #tpu.memory_space<vmem>>, vector<1x16xi32>,
        %get3A_678 = vector.shape_cast %get3A_677 : vector<1x16xi32> to vector<16xi32>
        %shift_right_logical3A_679 = arith.constant 14 : i32
        %shift_right_logical3A_680 = vector.broadcast %shift_right_logical3A_679 : i32 to vector<16xi32>
        %shift_right_logical3A_681 = arith.shrui %get3A_678, %shift_right_logical3A_680 : vector<16xi32>
        %swap3A_682 = arith.constant 0 : i32
        %swap3A_683 = arith.index_cast %swap3A_682 : i32 to index
        %swap3A_684 = arith.constant 80 : index
        %swap3A_685 = tpu.vector_load %arg7[%swap3A_683, %swap3A_684] {strides = array<i32>} : memref<1x128xi32, #tpu.memory_space<vmem>>, vector<1x16xi32>,
        %swap3A_686 = vector.shape_cast %swap3A_685 : vector<1x16xi32> to vector<16xi32>
        %swap3A_687 = vector.shape_cast %shift_right_logical3A_681 : vector<16xi32> to vector<1x16xi32>
        tpu.vector_store %arg7[%swap3A_683, %swap3A_684], %swap3A_687 {strides = array<i32>} : memref<1x128xi32, #tpu.memory_space<vmem>>, vector<1x16xi32>,
        %broadcast_in_dim3A_688 = arith.constant 16383 : i32
        %broadcast_in_dim3A_689 = vector.broadcast %broadcast_in_dim3A_688 : i32 to vector<16xi32>
        %and3A_690 = arith.andi %get3A_678, %broadcast_in_dim3A_689 : vector<16xi32>
        %swap3A_691 = arith.constant 0 : i32
        %swap3A_692 = arith.index_cast %swap3A_691 : i32 to index
        %swap3A_693 = arith.constant 80 : index
        %swap3A_694 = tpu.vector_load %arg9[%swap3A_692, %swap3A_693] {strides = array<i32>} : memref<1x128xi32, #tpu.memory_space<vmem>>, vector<1x16xi32>,
        %swap3A_695 = vector.shape_cast %swap3A_694 : vector<1x16xi32> to vector<16xi32>
        %swap3A_696 = vector.shape_cast %and3A_690 : vector<16xi32> to vector<1x16xi32>
        tpu.vector_store %arg9[%swap3A_692, %swap3A_693], %swap3A_696 {strides = array<i32>} : memref<1x128xi32, #tpu.memory_space<vmem>>, vector<1x16xi32>,
        %get3A_697 = arith.index_cast %add3A_564 : i32 to index
        %get3A_698 = arith.constant 96 : index
        %get3A_699 = tpu.vector_load %arg5[%get3A_697, %get3A_698] {strides = array<i32>} : memref<80x128xi32, #tpu.memory_space<vmem>>, vector<1x16xi32>,
        %get3A_700 = vector.shape_cast %get3A_699 : vector<1x16xi32> to vector<16xi32>
        %shift_right_logical3A_701 = arith.constant 14 : i32
        %shift_right_logical3A_702 = vector.broadcast %shift_right_logical3A_701 : i32 to vector<16xi32>
        %shift_right_logical3A_703 = arith.shrui %get3A_700, %shift_right_logical3A_702 : vector<16xi32>
        %swap3A_704 = arith.constant 0 : i32
        %swap3A_705 = arith.index_cast %swap3A_704 : i32 to index
        %swap3A_706 = arith.constant 96 : index
        %swap3A_707 = tpu.vector_load %arg7[%swap3A_705, %swap3A_706] {strides = array<i32>} : memref<1x128xi32, #tpu.memory_space<vmem>>, vector<1x16xi32>,
        %swap3A_708 = vector.shape_cast %swap3A_707 : vector<1x16xi32> to vector<16xi32>
        %swap3A_709 = vector.shape_cast %shift_right_logical3A_703 : vector<16xi32> to vector<1x16xi32>
        tpu.vector_store %arg7[%swap3A_705, %swap3A_706], %swap3A_709 {strides = array<i32>} : memref<1x128xi32, #tpu.memory_space<vmem>>, vector<1x16xi32>,
        %broadcast_in_dim3A_710 = arith.constant 16383 : i32
        %broadcast_in_dim3A_711 = vector.broadcast %broadcast_in_dim3A_710 : i32 to vector<16xi32>
        %and3A_712 = arith.andi %get3A_700, %broadcast_in_dim3A_711 : vector<16xi32>
        %swap3A_713 = arith.constant 0 : i32
        %swap3A_714 = arith.index_cast %swap3A_713 : i32 to index
        %swap3A_715 = arith.constant 96 : index
        %swap3A_716 = tpu.vector_load %arg9[%swap3A_714, %swap3A_715] {strides = array<i32>} : memref<1x128xi32, #tpu.memory_space<vmem>>, vector<1x16xi32>,
        %swap3A_717 = vector.shape_cast %swap3A_716 : vector<1x16xi32> to vector<16xi32>
        %swap3A_718 = vector.shape_cast %and3A_712 : vector<16xi32> to vector<1x16xi32>
        tpu.vector_store %arg9[%swap3A_714, %swap3A_715], %swap3A_718 {strides = array<i32>} : memref<1x128xi32, #tpu.memory_space<vmem>>, vector<1x16xi32>,
        %get3A_719 = arith.index_cast %add3A_564 : i32 to index
        %get3A_720 = arith.constant 112 : index
        %get3A_721 = tpu.vector_load %arg5[%get3A_719, %get3A_720] {strides = array<i32>} : memref<80x128xi32, #tpu.memory_space<vmem>>, vector<1x16xi32>,
        %get3A_722 = vector.shape_cast %get3A_721 : vector<1x16xi32> to vector<16xi32>
        %shift_right_logical3A_723 = arith.constant 14 : i32
        %shift_right_logical3A_724 = vector.broadcast %shift_right_logical3A_723 : i32 to vector<16xi32>
        %shift_right_logical3A_725 = arith.shrui %get3A_722, %shift_right_logical3A_724 : vector<16xi32>
        %swap3A_726 = arith.constant 0 : i32
        %swap3A_727 = arith.index_cast %swap3A_726 : i32 to index
        %swap3A_728 = arith.constant 112 : index
        %swap3A_729 = tpu.vector_load %arg7[%swap3A_727, %swap3A_728] {strides = array<i32>} : memref<1x128xi32, #tpu.memory_space<vmem>>, vector<1x16xi32>,
        %swap3A_730 = vector.shape_cast %swap3A_729 : vector<1x16xi32> to vector<16xi32>
        %swap3A_731 = vector.shape_cast %shift_right_logical3A_725 : vector<16xi32> to vector<1x16xi32>
        tpu.vector_store %arg7[%swap3A_727, %swap3A_728], %swap3A_731 {strides = array<i32>} : memref<1x128xi32, #tpu.memory_space<vmem>>, vector<1x16xi32>,
        %broadcast_in_dim3A_732 = arith.constant 16383 : i32
        %broadcast_in_dim3A_733 = vector.broadcast %broadcast_in_dim3A_732 : i32 to vector<16xi32>
        %and3A_734 = arith.andi %get3A_722, %broadcast_in_dim3A_733 : vector<16xi32>
        %swap3A_735 = arith.constant 0 : i32
        %swap3A_736 = arith.index_cast %swap3A_735 : i32 to index
        %swap3A_737 = arith.constant 112 : index
        %swap3A_738 = tpu.vector_load %arg9[%swap3A_736, %swap3A_737] {strides = array<i32>} : memref<1x128xi32, #tpu.memory_space<vmem>>, vector<1x16xi32>,
        %swap3A_739 = vector.shape_cast %swap3A_738 : vector<1x16xi32> to vector<16xi32>
        %swap3A_740 = vector.shape_cast %and3A_734 : vector<16xi32> to vector<1x16xi32>
        tpu.vector_store %arg9[%swap3A_736, %swap3A_737], %swap3A_740 {strides = array<i32>} : memref<1x128xi32, #tpu.memory_space<vmem>>, vector<1x16xi32>,
        %dma_start3A_741 = arith.constant 0 : i32
        %dma_start3A_742 = arith.constant 0 : i32
        %dma_start3A_743 = arith.constant 0 : i32
        %dma_start3A_744 = tpu.memref_slice %arg11[%dma_start3A_742, %dma_start3A_743] : memref<128x128xf32, #tpu.memory_space<vmem>> -> memref<32x128xf32, #tpu.memory_space<vmem>>
        %dma_start3A_745 = arith.constant 0 : i32
        %dma_start3A_746 = tpu.memref_slice %arg7[%dma_start3A_741, %dma_start3A_745] : memref<1x128xi32, #tpu.memory_space<vmem>> -> memref<1x32xi32, #tpu.memory_space<vmem>>
        %dma_start3A_747 = tpu.memref_squeeze %dma_start3A_746 : memref<1x32xi32, #tpu.memory_space<vmem>> -> memref<32xi32, #tpu.memory_space<vmem>>
        %dma_start3A_748 = arith.constant 0 : i32
        %dma_start3A_749 = arith.constant 0 : i32
        %dma_start3A_750 = tpu.memref_slice %arg2[%dma_start3A_748, %dma_start3A_749] : memref<10000x128xf32, #tpu.memory_space<hbm>> -> memref<10000x128xf32, #tpu.memory_space<hbm>>
        tpu.enqueue_indirect_dma source(%dma_start3A_750 : memref<10000x128xf32, #tpu.memory_space<hbm>>) target(%dma_start3A_744 : memref<32x128xf32, #tpu.memory_space<vmem>>) offsets(%dma_start3A_747 : memref<32xi32, #tpu.memory_space<vmem>>) semaphore(%arg14 : memref<!tpu.dma_semaphore, #tpu.memory_space<semaphore_mem>>)
        %dma_start3A_751 = arith.constant 0 : i32
        %dma_start3A_752 = arith.constant 32 : i32
        %dma_start3A_753 = arith.constant 0 : i32
        %dma_start3A_754 = tpu.memref_slice %arg11[%dma_start3A_752, %dma_start3A_753] : memref<128x128xf32, #tpu.memory_space<vmem>> -> memref<32x128xf32, #tpu.memory_space<vmem>>
        %dma_start3A_755 = arith.constant 32 : i32
        %dma_start3A_756 = tpu.memref_slice %arg7[%dma_start3A_751, %dma_start3A_755] : memref<1x128xi32, #tpu.memory_space<vmem>> -> memref<1x32xi32, #tpu.memory_space<vmem>>
        %dma_start3A_757 = tpu.memref_squeeze %dma_start3A_756 : memref<1x32xi32, #tpu.memory_space<vmem>> -> memref<32xi32, #tpu.memory_space<vmem>>
        %dma_start3A_758 = arith.constant 0 : i32
        %dma_start3A_759 = arith.constant 0 : i32
        %dma_start3A_760 = tpu.memref_slice %arg2[%dma_start3A_758, %dma_start3A_759] : memref<10000x128xf32, #tpu.memory_space<hbm>> -> memref<10000x128xf32, #tpu.memory_space<hbm>>
        tpu.enqueue_indirect_dma source(%dma_start3A_760 : memref<10000x128xf32, #tpu.memory_space<hbm>>) target(%dma_start3A_754 : memref<32x128xf32, #tpu.memory_space<vmem>>) offsets(%dma_start3A_757 : memref<32xi32, #tpu.memory_space<vmem>>) semaphore(%arg14 : memref<!tpu.dma_semaphore, #tpu.memory_space<semaphore_mem>>)
        %dma_start3A_761 = arith.constant 0 : i32
        %dma_start3A_762 = arith.constant 64 : i32
        %dma_start3A_763 = arith.constant 0 : i32
        %dma_start3A_764 = tpu.memref_slice %arg11[%dma_start3A_762, %dma_start3A_763] : memref<128x128xf32, #tpu.memory_space<vmem>> -> memref<32x128xf32, #tpu.memory_space<vmem>>
        %dma_start3A_765 = arith.constant 64 : i32
        %dma_start3A_766 = tpu.memref_slice %arg7[%dma_start3A_761, %dma_start3A_765] : memref<1x128xi32, #tpu.memory_space<vmem>> -> memref<1x32xi32, #tpu.memory_space<vmem>>
        %dma_start3A_767 = tpu.memref_squeeze %dma_start3A_766 : memref<1x32xi32, #tpu.memory_space<vmem>> -> memref<32xi32, #tpu.memory_space<vmem>>
        %dma_start3A_768 = arith.constant 0 : i32
        %dma_start3A_769 = arith.constant 0 : i32
        %dma_start3A_770 = tpu.memref_slice %arg2[%dma_start3A_768, %dma_start3A_769] : memref<10000x128xf32, #tpu.memory_space<hbm>> -> memref<10000x128xf32, #tpu.memory_space<hbm>>
        tpu.enqueue_indirect_dma source(%dma_start3A_770 : memref<10000x128xf32, #tpu.memory_space<hbm>>) target(%dma_start3A_764 : memref<32x128xf32, #tpu.memory_space<vmem>>) offsets(%dma_start3A_767 : memref<32xi32, #tpu.memory_space<vmem>>) semaphore(%arg14 : memref<!tpu.dma_semaphore, #tpu.memory_space<semaphore_mem>>)
        %dma_start3A_771 = arith.constant 0 : i32
        %dma_start3A_772 = arith.constant 96 : i32
        %dma_start3A_773 = arith.constant 0 : i32
        %dma_start3A_774 = tpu.memref_slice %arg11[%dma_start3A_772, %dma_start3A_773] : memref<128x128xf32, #tpu.memory_space<vmem>> -> memref<32x128xf32, #tpu.memory_space<vmem>>
        %dma_start3A_775 = arith.constant 96 : i32
        %dma_start3A_776 = tpu.memref_slice %arg7[%dma_start3A_771, %dma_start3A_775] : memref<1x128xi32, #tpu.memory_space<vmem>> -> memref<1x32xi32, #tpu.memory_space<vmem>>
        %dma_start3A_777 = tpu.memref_squeeze %dma_start3A_776 : memref<1x32xi32, #tpu.memory_space<vmem>> -> memref<32xi32, #tpu.memory_space<vmem>>
        %dma_start3A_778 = arith.constant 0 : i32
        %dma_start3A_779 = arith.constant 0 : i32
        %dma_start3A_780 = tpu.memref_slice %arg2[%dma_start3A_778, %dma_start3A_779] : memref<10000x128xf32, #tpu.memory_space<hbm>> -> memref<10000x128xf32, #tpu.memory_space<hbm>>
        tpu.enqueue_indirect_dma source(%dma_start3A_780 : memref<10000x128xf32, #tpu.memory_space<hbm>>) target(%dma_start3A_774 : memref<32x128xf32, #tpu.memory_space<vmem>>) offsets(%dma_start3A_777 : memref<32xi32, #tpu.memory_space<vmem>>) semaphore(%arg14 : memref<!tpu.dma_semaphore, #tpu.memory_space<semaphore_mem>>)
      } else {
      }
      %scan3A_562 = arith.constant 0 : i32
      scf.yield %scan3A_562 : i32
    }
    %scan3A_467 = arith.constant 40 : i32
    %barrier3A_468 = arith.constant 0 : index
    tpu.barrier barrier_id(%barrier3A_468)
    %mul3A_469 = arith.constant 640 : i32
    %mul3A_470 = arith.muli %arg1, %mul3A_469 : i32
    "tpu.region"() ({
      %run_scoped3A = tpu.sem_alloc : memref<!tpu.dma_semaphore, #tpu.memory_space<semaphore_mem>>
      %dma_start3A_471 = arith.constant 0 : i32
      %dma_start3A_472 = tpu.memref_slice %arg4[%arg0, %mul3A_470, %dma_start3A_471] : memref<2x10240x128xf32, #tpu.memory_space<hbm>> -> memref<1x640x128xf32, #tpu.memory_space<hbm>>
      %dma_start3A_473 = tpu.memref_squeeze %dma_start3A_472 : memref<1x640x128xf32, #tpu.memory_space<hbm>> -> memref<640x128xf32, #tpu.memory_space<hbm>>
      %dma_start3A_474 = arith.constant 0 : i32
      %dma_start3A_475 = tpu.memref_slice %arg12[%mul3A_470, %dma_start3A_474] : memref<10240x128xf32, #tpu.memory_space<vmem_shared>> -> memref<640x128xf32, #tpu.memory_space<vmem_shared>>
      tpu.enqueue_dma source(%dma_start3A_475 : memref<640x128xf32, #tpu.memory_space<vmem_shared>>) target(%dma_start3A_473 : memref<640x128xf32, #tpu.memory_space<hbm>>) target_semaphore(%run_scoped3A : memref<!tpu.dma_semaphore, #tpu.memory_space<semaphore_mem>>)
      %dma_wait3A = arith.constant 0 : i32
      %dma_wait3A_476 = tpu.memref_slice %arg4[%arg0, %mul3A_470, %dma_wait3A] : memref<2x10240x128xf32, #tpu.memory_space<hbm>> -> memref<1x640x128xf32, #tpu.memory_space<hbm>>
      %dma_wait3A_477 = tpu.memref_squeeze %dma_wait3A_476 : memref<1x640x128xf32, #tpu.memory_space<hbm>> -> memref<640x128xf32, #tpu.memory_space<hbm>>
      %dma_wait3A_478 = arith.constant 0 : i32
      %dma_wait3A_479 = tpu.memref_slice %arg12[%mul3A_470, %dma_wait3A_478] : memref<10240x128xf32, #tpu.memory_space<vmem_shared>> -> memref<640x128xf32, #tpu.memory_space<vmem_shared>>
      tpu.wait_dma2 semaphore(%run_scoped3A : memref<!tpu.dma_semaphore, #tpu.memory_space<semaphore_mem>>) src(%dma_wait3A_479 : memref<640x128xf32, #tpu.memory_space<vmem_shared>>) dst(%dma_wait3A_477 : memref<640x128xf32, #tpu.memory_space<hbm>>)
      tpu.yield
    }) : () -> ()
    return
  }
}

#map = affine_map<(d0, d1) -> (0, 0)>
#map1 = affine_map<(d0, d1) -> (0, 0, 0)>
module attributes {stable_mosaic.version = 14 : i64} {
  func.func @prop_kernel(%arg0: i32, %arg1: i32, %arg2: memref<10000x128xf32, #tpu.memory_space<hbm>>, %arg3: memref<32x80x128xi32, #tpu.memory_space<hbm>>, %arg4: memref<2x10240x128xf32, #tpu.memory_space<hbm>>, %arg5: memref<80x128xi32, #tpu.memory_space<vmem>>, %arg6: memref<1x128xi32, #tpu.memory_space<vmem>>, %arg7: memref<1x128xi32, #tpu.memory_space<vmem>>, %arg8: memref<1x128xi32, #tpu.memory_space<vmem>>, %arg9: memref<1x128xi32, #tpu.memory_space<vmem>>, %arg10: memref<128x128xf32, #tpu.memory_space<vmem>>, %arg11: memref<128x128xf32, #tpu.memory_space<vmem>>, %arg12: memref<10240x128xf32, #tpu.memory_space<vmem_shared>>, %arg13: memref<!tpu.dma_semaphore, #tpu.memory_space<semaphore_mem>>, %arg14: memref<!tpu.dma_semaphore, #tpu.memory_space<semaphore_mem>>) attributes {dimension_semantics = [#tpu.dimension_semantics<core_parallel>, #tpu.dimension_semantics<subcore_parallel>], iteration_bounds = array<i64: 2, 16>, scalar_prefetch = 0 : i64, scratch_operands = 10 : i64, tpu.core_type = #tpu.core_type<sc_vector_subcore>, window_params = [{transform_indices = #map}, {transform_indices = #map1}, {transform_indices = #map1}]} {
    %mul3A = arith.constant 16 : i32
    %mul3A_0 = arith.muli %arg0, %mul3A : i32
    %add3A = arith.addi %mul3A_0, %arg1 : i32
    "tpu.region"() ({
      %run_scoped3A = tpu.sem_alloc : memref<!tpu.dma_semaphore, #tpu.memory_space<semaphore_mem>>
      %dma_start3A_471 = arith.constant 0 : i32
      %dma_start3A_472 = arith.constant 0 : i32
      %dma_start3A_473 = tpu.memref_slice %arg3[%add3A, %dma_start3A_471, %dma_start3A_472] : memref<32x80x128xi32, #tpu.memory_space<hbm>> -> memref<1x80x128xi32, #tpu.memory_space<hbm>>
      %dma_start3A_474 = tpu.memref_squeeze %dma_start3A_473 : memref<1x80x128xi32, #tpu.memory_space<hbm>> -> memref<80x128xi32, #tpu.memory_space<hbm>>
      %dma_start3A_475 = arith.constant 0 : i32
      %dma_start3A_476 = arith.constant 0 : i32
      %dma_start3A_477 = tpu.memref_slice %arg3[%add3A, %dma_start3A_475, %dma_start3A_476] : memref<32x80x128xi32, #tpu.memory_space<hbm>> -> memref<1x80x128xi32, #tpu.memory_space<hbm>>
      %dma_start3A_478 = tpu.memref_squeeze %dma_start3A_477 : memref<1x80x128xi32, #tpu.memory_space<hbm>> -> memref<80x128xi32, #tpu.memory_space<hbm>>
      tpu.enqueue_dma source(%dma_start3A_478 : memref<80x128xi32, #tpu.memory_space<hbm>>) target(%arg5 : memref<80x128xi32, #tpu.memory_space<vmem>>) target_semaphore(%run_scoped3A : memref<!tpu.dma_semaphore, #tpu.memory_space<semaphore_mem>>)
      %dma_wait3A = arith.constant 0 : i32
      %dma_wait3A_479 = arith.constant 0 : i32
      %dma_wait3A_480 = tpu.memref_slice %arg3[%add3A, %dma_wait3A, %dma_wait3A_479] : memref<32x80x128xi32, #tpu.memory_space<hbm>> -> memref<1x80x128xi32, #tpu.memory_space<hbm>>
      %dma_wait3A_481 = tpu.memref_squeeze %dma_wait3A_480 : memref<1x80x128xi32, #tpu.memory_space<hbm>> -> memref<80x128xi32, #tpu.memory_space<hbm>>
      %dma_wait3A_482 = arith.constant 0 : i32
      %dma_wait3A_483 = arith.constant 0 : i32
      %dma_wait3A_484 = tpu.memref_slice %arg3[%add3A, %dma_wait3A_482, %dma_wait3A_483] : memref<32x80x128xi32, #tpu.memory_space<hbm>> -> memref<1x80x128xi32, #tpu.memory_space<hbm>>
      %dma_wait3A_485 = tpu.memref_squeeze %dma_wait3A_484 : memref<1x80x128xi32, #tpu.memory_space<hbm>> -> memref<80x128xi32, #tpu.memory_space<hbm>>
      tpu.wait_dma2 semaphore(%run_scoped3A : memref<!tpu.dma_semaphore, #tpu.memory_space<semaphore_mem>>) src(%dma_wait3A_485 : memref<80x128xi32, #tpu.memory_space<hbm>>) dst(%arg5 : memref<80x128xi32, #tpu.memory_space<vmem>>)
      tpu.yield
    }) : () -> ()
    %scan3A = arith.constant 0 : i32
    %scan3A_1 = arith.constant 0 : i32
    %scan3A_2 = arith.constant 128 : i32
    %scan3A_3 = arith.addi %scan3A_1, %scan3A_2 : i32
    %scan3A_4 = arith.constant 1 : i32
    %scan3A_5 = scf.for %scan3A_471 = %scan3A_1 to %scan3A_3 step %scan3A_4 iter_args(%scan3A_472 = %scan3A) -> (i32)  : i32 {
      %broadcast_in_dim3A_473 = arith.constant 0.000000e+00 : f32
      %broadcast_in_dim3A_474 = vector.broadcast %broadcast_in_dim3A_473 : f32 to vector<16xf32>
      %swap3A_475 = arith.index_cast %scan3A_471 : i32 to index
      %swap3A_476 = arith.constant 0 : index
      %swap3A_477 = tpu.vector_load %arg10[%swap3A_475, %swap3A_476] {strides = array<i32>} : memref<128x128xf32, #tpu.memory_space<vmem>>, vector<1x16xf32>,
      %swap3A_478 = vector.shape_cast %swap3A_477 : vector<1x16xf32> to vector<16xf32>
      %swap3A_479 = vector.shape_cast %broadcast_in_dim3A_474 : vector<16xf32> to vector<1x16xf32>
      tpu.vector_store %arg10[%swap3A_475, %swap3A_476], %swap3A_479 {strides = array<i32>} : memref<128x128xf32, #tpu.memory_space<vmem>>, vector<1x16xf32>,
      %broadcast_in_dim3A_480 = arith.constant 0.000000e+00 : f32
      %broadcast_in_dim3A_481 = vector.broadcast %broadcast_in_dim3A_480 : f32 to vector<16xf32>
      %swap3A_482 = arith.index_cast %scan3A_471 : i32 to index
      %swap3A_483 = arith.constant 16 : index
      %swap3A_484 = tpu.vector_load %arg10[%swap3A_482, %swap3A_483] {strides = array<i32>} : memref<128x128xf32, #tpu.memory_space<vmem>>, vector<1x16xf32>,
      %swap3A_485 = vector.shape_cast %swap3A_484 : vector<1x16xf32> to vector<16xf32>
      %swap3A_486 = vector.shape_cast %broadcast_in_dim3A_481 : vector<16xf32> to vector<1x16xf32>
      tpu.vector_store %arg10[%swap3A_482, %swap3A_483], %swap3A_486 {strides = array<i32>} : memref<128x128xf32, #tpu.memory_space<vmem>>, vector<1x16xf32>,
      %broadcast_in_dim3A_487 = arith.constant 0.000000e+00 : f32
      %broadcast_in_dim3A_488 = vector.broadcast %broadcast_in_dim3A_487 : f32 to vector<16xf32>
      %swap3A_489 = arith.index_cast %scan3A_471 : i32 to index
      %swap3A_490 = arith.constant 32 : index
      %swap3A_491 = tpu.vector_load %arg10[%swap3A_489, %swap3A_490] {strides = array<i32>} : memref<128x128xf32, #tpu.memory_space<vmem>>, vector<1x16xf32>,
      %swap3A_492 = vector.shape_cast %swap3A_491 : vector<1x16xf32> to vector<16xf32>
      %swap3A_493 = vector.shape_cast %broadcast_in_dim3A_488 : vector<16xf32> to vector<1x16xf32>
      tpu.vector_store %arg10[%swap3A_489, %swap3A_490], %swap3A_493 {strides = array<i32>} : memref<128x128xf32, #tpu.memory_space<vmem>>, vector<1x16xf32>,
      %broadcast_in_dim3A_494 = arith.constant 0.000000e+00 : f32
      %broadcast_in_dim3A_495 = vector.broadcast %broadcast_in_dim3A_494 : f32 to vector<16xf32>
      %swap3A_496 = arith.index_cast %scan3A_471 : i32 to index
      %swap3A_497 = arith.constant 48 : index
      %swap3A_498 = tpu.vector_load %arg10[%swap3A_496, %swap3A_497] {strides = array<i32>} : memref<128x128xf32, #tpu.memory_space<vmem>>, vector<1x16xf32>,
      %swap3A_499 = vector.shape_cast %swap3A_498 : vector<1x16xf32> to vector<16xf32>
      %swap3A_500 = vector.shape_cast %broadcast_in_dim3A_495 : vector<16xf32> to vector<1x16xf32>
      tpu.vector_store %arg10[%swap3A_496, %swap3A_497], %swap3A_500 {strides = array<i32>} : memref<128x128xf32, #tpu.memory_space<vmem>>, vector<1x16xf32>,
      %broadcast_in_dim3A_501 = arith.constant 0.000000e+00 : f32
      %broadcast_in_dim3A_502 = vector.broadcast %broadcast_in_dim3A_501 : f32 to vector<16xf32>
      %swap3A_503 = arith.index_cast %scan3A_471 : i32 to index
      %swap3A_504 = arith.constant 64 : index
      %swap3A_505 = tpu.vector_load %arg10[%swap3A_503, %swap3A_504] {strides = array<i32>} : memref<128x128xf32, #tpu.memory_space<vmem>>, vector<1x16xf32>,
      %swap3A_506 = vector.shape_cast %swap3A_505 : vector<1x16xf32> to vector<16xf32>
      %swap3A_507 = vector.shape_cast %broadcast_in_dim3A_502 : vector<16xf32> to vector<1x16xf32>
      tpu.vector_store %arg10[%swap3A_503, %swap3A_504], %swap3A_507 {strides = array<i32>} : memref<128x128xf32, #tpu.memory_space<vmem>>, vector<1x16xf32>,
      %broadcast_in_dim3A_508 = arith.constant 0.000000e+00 : f32
      %broadcast_in_dim3A_509 = vector.broadcast %broadcast_in_dim3A_508 : f32 to vector<16xf32>
      %swap3A_510 = arith.index_cast %scan3A_471 : i32 to index
      %swap3A_511 = arith.constant 80 : index
      %swap3A_512 = tpu.vector_load %arg10[%swap3A_510, %swap3A_511] {strides = array<i32>} : memref<128x128xf32, #tpu.memory_space<vmem>>, vector<1x16xf32>,
      %swap3A_513 = vector.shape_cast %swap3A_512 : vector<1x16xf32> to vector<16xf32>
      %swap3A_514 = vector.shape_cast %broadcast_in_dim3A_509 : vector<16xf32> to vector<1x16xf32>
      tpu.vector_store %arg10[%swap3A_510, %swap3A_511], %swap3A_514 {strides = array<i32>} : memref<128x128xf32, #tpu.memory_space<vmem>>, vector<1x16xf32>,
      %broadcast_in_dim3A_515 = arith.constant 0.000000e+00 : f32
      %broadcast_in_dim3A_516 = vector.broadcast %broadcast_in_dim3A_515 : f32 to vector<16xf32>
      %swap3A_517 = arith.index_cast %scan3A_471 : i32 to index
      %swap3A_518 = arith.constant 96 : index
      %swap3A_519 = tpu.vector_load %arg10[%swap3A_517, %swap3A_518] {strides = array<i32>} : memref<128x128xf32, #tpu.memory_space<vmem>>, vector<1x16xf32>,
      %swap3A_520 = vector.shape_cast %swap3A_519 : vector<1x16xf32> to vector<16xf32>
      %swap3A_521 = vector.shape_cast %broadcast_in_dim3A_516 : vector<16xf32> to vector<1x16xf32>
      tpu.vector_store %arg10[%swap3A_517, %swap3A_518], %swap3A_521 {strides = array<i32>} : memref<128x128xf32, #tpu.memory_space<vmem>>, vector<1x16xf32>,
      %broadcast_in_dim3A_522 = arith.constant 0.000000e+00 : f32
      %broadcast_in_dim3A_523 = vector.broadcast %broadcast_in_dim3A_522 : f32 to vector<16xf32>
      %swap3A_524 = arith.index_cast %scan3A_471 : i32 to index
      %swap3A_525 = arith.constant 112 : index
      %swap3A_526 = tpu.vector_load %arg10[%swap3A_524, %swap3A_525] {strides = array<i32>} : memref<128x128xf32, #tpu.memory_space<vmem>>, vector<1x16xf32>,
      %swap3A_527 = vector.shape_cast %swap3A_526 : vector<1x16xf32> to vector<16xf32>
      %swap3A_528 = vector.shape_cast %broadcast_in_dim3A_523 : vector<16xf32> to vector<1x16xf32>
      tpu.vector_store %arg10[%swap3A_524, %swap3A_525], %swap3A_528 {strides = array<i32>} : memref<128x128xf32, #tpu.memory_space<vmem>>, vector<1x16xf32>,
      %scan3A_529 = arith.constant 0 : i32
      scf.yield %scan3A_529 : i32
    }
    %scan3A_6 = arith.constant 128 : i32
    %mul3A_7 = arith.constant 640 : i32
    %mul3A_8 = arith.muli %arg1, %mul3A_7 : i32
    %add3A_9 = arith.constant 0 : i32
    %add3A_10 = arith.addi %mul3A_8, %add3A_9 : i32
    "tpu.region"() ({
      %run_scoped3A = tpu.sem_alloc : memref<!tpu.dma_semaphore, #tpu.memory_space<semaphore_mem>>
      %dma_start3A_471 = arith.constant 0 : i32
      %dma_start3A_472 = tpu.memref_slice %arg12[%add3A_10, %dma_start3A_471] : memref<10240x128xf32, #tpu.memory_space<vmem_shared>> -> memref<128x128xf32, #tpu.memory_space<vmem_shared>>
      %dma_start3A_473 = arith.constant 0 : i32
      %dma_start3A_474 = tpu.memref_slice %arg12[%add3A_10, %dma_start3A_473] : memref<10240x128xf32, #tpu.memory_space<vmem_shared>> -> memref<128x128xf32, #tpu.memory_space<vmem_shared>>
      tpu.enqueue_dma source(%arg10 : memref<128x128xf32, #tpu.memory_space<vmem>>) target(%dma_start3A_474 : memref<128x128xf32, #tpu.memory_space<vmem_shared>>) target_semaphore(%run_scoped3A : memref<!tpu.dma_semaphore, #tpu.memory_space<semaphore_mem>>)
      %dma_wait3A = arith.constant 0 : i32
      %dma_wait3A_475 = tpu.memref_slice %arg12[%add3A_10, %dma_wait3A] : memref<10240x128xf32, #tpu.memory_space<vmem_shared>> -> memref<128x128xf32, #tpu.memory_space<vmem_shared>>
      %dma_wait3A_476 = arith.constant 0 : i32
      %dma_wait3A_477 = tpu.memref_slice %arg12[%add3A_10, %dma_wait3A_476] : memref<10240x128xf32, #tpu.memory_space<vmem_shared>> -> memref<128x128xf32, #tpu.memory_space<vmem_shared>>
      tpu.wait_dma2 semaphore(%run_scoped3A : memref<!tpu.dma_semaphore, #tpu.memory_space<semaphore_mem>>) src(%arg10 : memref<128x128xf32, #tpu.memory_space<vmem>>) dst(%dma_wait3A_477 : memref<128x128xf32, #tpu.memory_space<vmem_shared>>)
      tpu.yield
    }) : () -> ()
    %add3A_11 = arith.constant 128 : i32
    %add3A_12 = arith.addi %mul3A_8, %add3A_11 : i32
    "tpu.region"() ({
      %run_scoped3A = tpu.sem_alloc : memref<!tpu.dma_semaphore, #tpu.memory_space<semaphore_mem>>
      %dma_start3A_471 = arith.constant 0 : i32
      %dma_start3A_472 = tpu.memref_slice %arg12[%add3A_12, %dma_start3A_471] : memref<10240x128xf32, #tpu.memory_space<vmem_shared>> -> memref<128x128xf32, #tpu.memory_space<vmem_shared>>
      %dma_start3A_473 = arith.constant 0 : i32
      %dma_start3A_474 = tpu.memref_slice %arg12[%add3A_12, %dma_start3A_473] : memref<10240x128xf32, #tpu.memory_space<vmem_shared>> -> memref<128x128xf32, #tpu.memory_space<vmem_shared>>
      tpu.enqueue_dma source(%arg10 : memref<128x128xf32, #tpu.memory_space<vmem>>) target(%dma_start3A_474 : memref<128x128xf32, #tpu.memory_space<vmem_shared>>) target_semaphore(%run_scoped3A : memref<!tpu.dma_semaphore, #tpu.memory_space<semaphore_mem>>)
      %dma_wait3A = arith.constant 0 : i32
      %dma_wait3A_475 = tpu.memref_slice %arg12[%add3A_12, %dma_wait3A] : memref<10240x128xf32, #tpu.memory_space<vmem_shared>> -> memref<128x128xf32, #tpu.memory_space<vmem_shared>>
      %dma_wait3A_476 = arith.constant 0 : i32
      %dma_wait3A_477 = tpu.memref_slice %arg12[%add3A_12, %dma_wait3A_476] : memref<10240x128xf32, #tpu.memory_space<vmem_shared>> -> memref<128x128xf32, #tpu.memory_space<vmem_shared>>
      tpu.wait_dma2 semaphore(%run_scoped3A : memref<!tpu.dma_semaphore, #tpu.memory_space<semaphore_mem>>) src(%arg10 : memref<128x128xf32, #tpu.memory_space<vmem>>) dst(%dma_wait3A_477 : memref<128x128xf32, #tpu.memory_space<vmem_shared>>)
      tpu.yield
    }) : () -> ()
    %add3A_13 = arith.constant 256 : i32
    %add3A_14 = arith.addi %mul3A_8, %add3A_13 : i32
    "tpu.region"() ({
      %run_scoped3A = tpu.sem_alloc : memref<!tpu.dma_semaphore, #tpu.memory_space<semaphore_mem>>
      %dma_start3A_471 = arith.constant 0 : i32
      %dma_start3A_472 = tpu.memref_slice %arg12[%add3A_14, %dma_start3A_471] : memref<10240x128xf32, #tpu.memory_space<vmem_shared>> -> memref<128x128xf32, #tpu.memory_space<vmem_shared>>
      %dma_start3A_473 = arith.constant 0 : i32
      %dma_start3A_474 = tpu.memref_slice %arg12[%add3A_14, %dma_start3A_473] : memref<10240x128xf32, #tpu.memory_space<vmem_shared>> -> memref<128x128xf32, #tpu.memory_space<vmem_shared>>
      tpu.enqueue_dma source(%arg10 : memref<128x128xf32, #tpu.memory_space<vmem>>) target(%dma_start3A_474 : memref<128x128xf32, #tpu.memory_space<vmem_shared>>) target_semaphore(%run_scoped3A : memref<!tpu.dma_semaphore, #tpu.memory_space<semaphore_mem>>)
      %dma_wait3A = arith.constant 0 : i32
      %dma_wait3A_475 = tpu.memref_slice %arg12[%add3A_14, %dma_wait3A] : memref<10240x128xf32, #tpu.memory_space<vmem_shared>> -> memref<128x128xf32, #tpu.memory_space<vmem_shared>>
      %dma_wait3A_476 = arith.constant 0 : i32
      %dma_wait3A_477 = tpu.memref_slice %arg12[%add3A_14, %dma_wait3A_476] : memref<10240x128xf32, #tpu.memory_space<vmem_shared>> -> memref<128x128xf32, #tpu.memory_space<vmem_shared>>
      tpu.wait_dma2 semaphore(%run_scoped3A : memref<!tpu.dma_semaphore, #tpu.memory_space<semaphore_mem>>) src(%arg10 : memref<128x128xf32, #tpu.memory_space<vmem>>) dst(%dma_wait3A_477 : memref<128x128xf32, #tpu.memory_space<vmem_shared>>)
      tpu.yield
    }) : () -> ()
    %add3A_15 = arith.constant 384 : i32
    %add3A_16 = arith.addi %mul3A_8, %add3A_15 : i32
    "tpu.region"() ({
      %run_scoped3A = tpu.sem_alloc : memref<!tpu.dma_semaphore, #tpu.memory_space<semaphore_mem>>
      %dma_start3A_471 = arith.constant 0 : i32
      %dma_start3A_472 = tpu.memref_slice %arg12[%add3A_16, %dma_start3A_471] : memref<10240x128xf32, #tpu.memory_space<vmem_shared>> -> memref<128x128xf32, #tpu.memory_space<vmem_shared>>
      %dma_start3A_473 = arith.constant 0 : i32
      %dma_start3A_474 = tpu.memref_slice %arg12[%add3A_16, %dma_start3A_473] : memref<10240x128xf32, #tpu.memory_space<vmem_shared>> -> memref<128x128xf32, #tpu.memory_space<vmem_shared>>
      tpu.enqueue_dma source(%arg10 : memref<128x128xf32, #tpu.memory_space<vmem>>) target(%dma_start3A_474 : memref<128x128xf32, #tpu.memory_space<vmem_shared>>) target_semaphore(%run_scoped3A : memref<!tpu.dma_semaphore, #tpu.memory_space<semaphore_mem>>)
      %dma_wait3A = arith.constant 0 : i32
      %dma_wait3A_475 = tpu.memref_slice %arg12[%add3A_16, %dma_wait3A] : memref<10240x128xf32, #tpu.memory_space<vmem_shared>> -> memref<128x128xf32, #tpu.memory_space<vmem_shared>>
      %dma_wait3A_476 = arith.constant 0 : i32
      %dma_wait3A_477 = tpu.memref_slice %arg12[%add3A_16, %dma_wait3A_476] : memref<10240x128xf32, #tpu.memory_space<vmem_shared>> -> memref<128x128xf32, #tpu.memory_space<vmem_shared>>
      tpu.wait_dma2 semaphore(%run_scoped3A : memref<!tpu.dma_semaphore, #tpu.memory_space<semaphore_mem>>) src(%arg10 : memref<128x128xf32, #tpu.memory_space<vmem>>) dst(%dma_wait3A_477 : memref<128x128xf32, #tpu.memory_space<vmem_shared>>)
      tpu.yield
    }) : () -> ()
    %add3A_17 = arith.constant 512 : i32
    %add3A_18 = arith.addi %mul3A_8, %add3A_17 : i32
    "tpu.region"() ({
      %run_scoped3A = tpu.sem_alloc : memref<!tpu.dma_semaphore, #tpu.memory_space<semaphore_mem>>
      %dma_start3A_471 = arith.constant 0 : i32
      %dma_start3A_472 = tpu.memref_slice %arg12[%add3A_18, %dma_start3A_471] : memref<10240x128xf32, #tpu.memory_space<vmem_shared>> -> memref<128x128xf32, #tpu.memory_space<vmem_shared>>
      %dma_start3A_473 = arith.constant 0 : i32
      %dma_start3A_474 = tpu.memref_slice %arg12[%add3A_18, %dma_start3A_473] : memref<10240x128xf32, #tpu.memory_space<vmem_shared>> -> memref<128x128xf32, #tpu.memory_space<vmem_shared>>
      tpu.enqueue_dma source(%arg10 : memref<128x128xf32, #tpu.memory_space<vmem>>) target(%dma_start3A_474 : memref<128x128xf32, #tpu.memory_space<vmem_shared>>) target_semaphore(%run_scoped3A : memref<!tpu.dma_semaphore, #tpu.memory_space<semaphore_mem>>)
      %dma_wait3A = arith.constant 0 : i32
      %dma_wait3A_475 = tpu.memref_slice %arg12[%add3A_18, %dma_wait3A] : memref<10240x128xf32, #tpu.memory_space<vmem_shared>> -> memref<128x128xf32, #tpu.memory_space<vmem_shared>>
      %dma_wait3A_476 = arith.constant 0 : i32
      %dma_wait3A_477 = tpu.memref_slice %arg12[%add3A_18, %dma_wait3A_476] : memref<10240x128xf32, #tpu.memory_space<vmem_shared>> -> memref<128x128xf32, #tpu.memory_space<vmem_shared>>
      tpu.wait_dma2 semaphore(%run_scoped3A : memref<!tpu.dma_semaphore, #tpu.memory_space<semaphore_mem>>) src(%arg10 : memref<128x128xf32, #tpu.memory_space<vmem>>) dst(%dma_wait3A_477 : memref<128x128xf32, #tpu.memory_space<vmem_shared>>)
      tpu.yield
    }) : () -> ()
    %barrier3A = arith.constant 0 : index
    tpu.barrier barrier_id(%barrier3A)
    %get3A = arith.constant 0 : i32
    %get3A_19 = arith.index_cast %get3A : i32 to index
    %get3A_20 = arith.constant 0 : index
    %get3A_21 = tpu.vector_load %arg5[%get3A_19, %get3A_20] {strides = array<i32>} : memref<80x128xi32, #tpu.memory_space<vmem>>, vector<1x16xi32>,
    %get3A_22 = vector.shape_cast %get3A_21 : vector<1x16xi32> to vector<16xi32>
    %shift_right_logical3A = arith.constant 14 : i32
    %shift_right_logical3A_23 = vector.broadcast %shift_right_logical3A : i32 to vector<16xi32>
    %shift_right_logical3A_24 = arith.shrui %get3A_22, %shift_right_logical3A_23 : vector<16xi32>
    %swap3A = arith.constant 0 : i32
    %swap3A_25 = arith.index_cast %swap3A : i32 to index
    %swap3A_26 = arith.constant 0 : index
    %swap3A_27 = tpu.vector_load %arg6[%swap3A_25, %swap3A_26] {strides = array<i32>} : memref<1x128xi32, #tpu.memory_space<vmem>>, vector<1x16xi32>,
    %swap3A_28 = vector.shape_cast %swap3A_27 : vector<1x16xi32> to vector<16xi32>
    %swap3A_29 = vector.shape_cast %shift_right_logical3A_24 : vector<16xi32> to vector<1x16xi32>
    tpu.vector_store %arg6[%swap3A_25, %swap3A_26], %swap3A_29 {strides = array<i32>} : memref<1x128xi32, #tpu.memory_space<vmem>>, vector<1x16xi32>,
    %broadcast_in_dim3A = arith.constant 16383 : i32
    %broadcast_in_dim3A_30 = vector.broadcast %broadcast_in_dim3A : i32 to vector<16xi32>
    %and3A = arith.andi %get3A_22, %broadcast_in_dim3A_30 : vector<16xi32>
    %swap3A_31 = arith.constant 0 : i32
    %swap3A_32 = arith.index_cast %swap3A_31 : i32 to index
    %swap3A_33 = arith.constant 0 : index
    %swap3A_34 = tpu.vector_load %arg8[%swap3A_32, %swap3A_33] {strides = array<i32>} : memref<1x128xi32, #tpu.memory_space<vmem>>, vector<1x16xi32>,
    %swap3A_35 = vector.shape_cast %swap3A_34 : vector<1x16xi32> to vector<16xi32>
    %swap3A_36 = vector.shape_cast %and3A : vector<16xi32> to vector<1x16xi32>
    tpu.vector_store %arg8[%swap3A_32, %swap3A_33], %swap3A_36 {strides = array<i32>} : memref<1x128xi32, #tpu.memory_space<vmem>>, vector<1x16xi32>,
    %get3A_37 = arith.constant 0 : i32
    %get3A_38 = arith.index_cast %get3A_37 : i32 to index
    %get3A_39 = arith.constant 16 : index
    %get3A_40 = tpu.vector_load %arg5[%get3A_38, %get3A_39] {strides = array<i32>} : memref<80x128xi32, #tpu.memory_space<vmem>>, vector<1x16xi32>,
    %get3A_41 = vector.shape_cast %get3A_40 : vector<1x16xi32> to vector<16xi32>
    %shift_right_logical3A_42 = arith.constant 14 : i32
    %shift_right_logical3A_43 = vector.broadcast %shift_right_logical3A_42 : i32 to vector<16xi32>
    %shift_right_logical3A_44 = arith.shrui %get3A_41, %shift_right_logical3A_43 : vector<16xi32>
    %swap3A_45 = arith.constant 0 : i32
    %swap3A_46 = arith.index_cast %swap3A_45 : i32 to index
    %swap3A_47 = arith.constant 16 : index
    %swap3A_48 = tpu.vector_load %arg6[%swap3A_46, %swap3A_47] {strides = array<i32>} : memref<1x128xi32, #tpu.memory_space<vmem>>, vector<1x16xi32>,
    %swap3A_49 = vector.shape_cast %swap3A_48 : vector<1x16xi32> to vector<16xi32>
    %swap3A_50 = vector.shape_cast %shift_right_logical3A_44 : vector<16xi32> to vector<1x16xi32>
    tpu.vector_store %arg6[%swap3A_46, %swap3A_47], %swap3A_50 {strides = array<i32>} : memref<1x128xi32, #tpu.memory_space<vmem>>, vector<1x16xi32>,
    %broadcast_in_dim3A_51 = arith.constant 16383 : i32
    %broadcast_in_dim3A_52 = vector.broadcast %broadcast_in_dim3A_51 : i32 to vector<16xi32>
    %and3A_53 = arith.andi %get3A_41, %broadcast_in_dim3A_52 : vector<16xi32>
    %swap3A_54 = arith.constant 0 : i32
    %swap3A_55 = arith.index_cast %swap3A_54 : i32 to index
    %swap3A_56 = arith.constant 16 : index
    %swap3A_57 = tpu.vector_load %arg8[%swap3A_55, %swap3A_56] {strides = array<i32>} : memref<1x128xi32, #tpu.memory_space<vmem>>, vector<1x16xi32>,
    %swap3A_58 = vector.shape_cast %swap3A_57 : vector<1x16xi32> to vector<16xi32>
    %swap3A_59 = vector.shape_cast %and3A_53 : vector<16xi32> to vector<1x16xi32>
    tpu.vector_store %arg8[%swap3A_55, %swap3A_56], %swap3A_59 {strides = array<i32>} : memref<1x128xi32, #tpu.memory_space<vmem>>, vector<1x16xi32>,
    %get3A_60 = arith.constant 0 : i32
    %get3A_61 = arith.index_cast %get3A_60 : i32 to index
    %get3A_62 = arith.constant 32 : index
    %get3A_63 = tpu.vector_load %arg5[%get3A_61, %get3A_62] {strides = array<i32>} : memref<80x128xi32, #tpu.memory_space<vmem>>, vector<1x16xi32>,
    %get3A_64 = vector.shape_cast %get3A_63 : vector<1x16xi32> to vector<16xi32>
    %shift_right_logical3A_65 = arith.constant 14 : i32
    %shift_right_logical3A_66 = vector.broadcast %shift_right_logical3A_65 : i32 to vector<16xi32>
    %shift_right_logical3A_67 = arith.shrui %get3A_64, %shift_right_logical3A_66 : vector<16xi32>
    %swap3A_68 = arith.constant 0 : i32
    %swap3A_69 = arith.index_cast %swap3A_68 : i32 to index
    %swap3A_70 = arith.constant 32 : index
    %swap3A_71 = tpu.vector_load %arg6[%swap3A_69, %swap3A_70] {strides = array<i32>} : memref<1x128xi32, #tpu.memory_space<vmem>>, vector<1x16xi32>,
    %swap3A_72 = vector.shape_cast %swap3A_71 : vector<1x16xi32> to vector<16xi32>
    %swap3A_73 = vector.shape_cast %shift_right_logical3A_67 : vector<16xi32> to vector<1x16xi32>
    tpu.vector_store %arg6[%swap3A_69, %swap3A_70], %swap3A_73 {strides = array<i32>} : memref<1x128xi32, #tpu.memory_space<vmem>>, vector<1x16xi32>,
    %broadcast_in_dim3A_74 = arith.constant 16383 : i32
    %broadcast_in_dim3A_75 = vector.broadcast %broadcast_in_dim3A_74 : i32 to vector<16xi32>
    %and3A_76 = arith.andi %get3A_64, %broadcast_in_dim3A_75 : vector<16xi32>
    %swap3A_77 = arith.constant 0 : i32
    %swap3A_78 = arith.index_cast %swap3A_77 : i32 to index
    %swap3A_79 = arith.constant 32 : index
    %swap3A_80 = tpu.vector_load %arg8[%swap3A_78, %swap3A_79] {strides = array<i32>} : memref<1x128xi32, #tpu.memory_space<vmem>>, vector<1x16xi32>,
    %swap3A_81 = vector.shape_cast %swap3A_80 : vector<1x16xi32> to vector<16xi32>
    %swap3A_82 = vector.shape_cast %and3A_76 : vector<16xi32> to vector<1x16xi32>
    tpu.vector_store %arg8[%swap3A_78, %swap3A_79], %swap3A_82 {strides = array<i32>} : memref<1x128xi32, #tpu.memory_space<vmem>>, vector<1x16xi32>,
    %get3A_83 = arith.constant 0 : i32
    %get3A_84 = arith.index_cast %get3A_83 : i32 to index
    %get3A_85 = arith.constant 48 : index
    %get3A_86 = tpu.vector_load %arg5[%get3A_84, %get3A_85] {strides = array<i32>} : memref<80x128xi32, #tpu.memory_space<vmem>>, vector<1x16xi32>,
    %get3A_87 = vector.shape_cast %get3A_86 : vector<1x16xi32> to vector<16xi32>
    %shift_right_logical3A_88 = arith.constant 14 : i32
    %shift_right_logical3A_89 = vector.broadcast %shift_right_logical3A_88 : i32 to vector<16xi32>
    %shift_right_logical3A_90 = arith.shrui %get3A_87, %shift_right_logical3A_89 : vector<16xi32>
    %swap3A_91 = arith.constant 0 : i32
    %swap3A_92 = arith.index_cast %swap3A_91 : i32 to index
    %swap3A_93 = arith.constant 48 : index
    %swap3A_94 = tpu.vector_load %arg6[%swap3A_92, %swap3A_93] {strides = array<i32>} : memref<1x128xi32, #tpu.memory_space<vmem>>, vector<1x16xi32>,
    %swap3A_95 = vector.shape_cast %swap3A_94 : vector<1x16xi32> to vector<16xi32>
    %swap3A_96 = vector.shape_cast %shift_right_logical3A_90 : vector<16xi32> to vector<1x16xi32>
    tpu.vector_store %arg6[%swap3A_92, %swap3A_93], %swap3A_96 {strides = array<i32>} : memref<1x128xi32, #tpu.memory_space<vmem>>, vector<1x16xi32>,
    %broadcast_in_dim3A_97 = arith.constant 16383 : i32
    %broadcast_in_dim3A_98 = vector.broadcast %broadcast_in_dim3A_97 : i32 to vector<16xi32>
    %and3A_99 = arith.andi %get3A_87, %broadcast_in_dim3A_98 : vector<16xi32>
    %swap3A_100 = arith.constant 0 : i32
    %swap3A_101 = arith.index_cast %swap3A_100 : i32 to index
    %swap3A_102 = arith.constant 48 : index
    %swap3A_103 = tpu.vector_load %arg8[%swap3A_101, %swap3A_102] {strides = array<i32>} : memref<1x128xi32, #tpu.memory_space<vmem>>, vector<1x16xi32>,
    %swap3A_104 = vector.shape_cast %swap3A_103 : vector<1x16xi32> to vector<16xi32>
    %swap3A_105 = vector.shape_cast %and3A_99 : vector<16xi32> to vector<1x16xi32>
    tpu.vector_store %arg8[%swap3A_101, %swap3A_102], %swap3A_105 {strides = array<i32>} : memref<1x128xi32, #tpu.memory_space<vmem>>, vector<1x16xi32>,
    %get3A_106 = arith.constant 0 : i32
    %get3A_107 = arith.index_cast %get3A_106 : i32 to index
    %get3A_108 = arith.constant 64 : index
    %get3A_109 = tpu.vector_load %arg5[%get3A_107, %get3A_108] {strides = array<i32>} : memref<80x128xi32, #tpu.memory_space<vmem>>, vector<1x16xi32>,
    %get3A_110 = vector.shape_cast %get3A_109 : vector<1x16xi32> to vector<16xi32>
    %shift_right_logical3A_111 = arith.constant 14 : i32
    %shift_right_logical3A_112 = vector.broadcast %shift_right_logical3A_111 : i32 to vector<16xi32>
    %shift_right_logical3A_113 = arith.shrui %get3A_110, %shift_right_logical3A_112 : vector<16xi32>
    %swap3A_114 = arith.constant 0 : i32
    %swap3A_115 = arith.index_cast %swap3A_114 : i32 to index
    %swap3A_116 = arith.constant 64 : index
    %swap3A_117 = tpu.vector_load %arg6[%swap3A_115, %swap3A_116] {strides = array<i32>} : memref<1x128xi32, #tpu.memory_space<vmem>>, vector<1x16xi32>,
    %swap3A_118 = vector.shape_cast %swap3A_117 : vector<1x16xi32> to vector<16xi32>
    %swap3A_119 = vector.shape_cast %shift_right_logical3A_113 : vector<16xi32> to vector<1x16xi32>
    tpu.vector_store %arg6[%swap3A_115, %swap3A_116], %swap3A_119 {strides = array<i32>} : memref<1x128xi32, #tpu.memory_space<vmem>>, vector<1x16xi32>,
    %broadcast_in_dim3A_120 = arith.constant 16383 : i32
    %broadcast_in_dim3A_121 = vector.broadcast %broadcast_in_dim3A_120 : i32 to vector<16xi32>
    %and3A_122 = arith.andi %get3A_110, %broadcast_in_dim3A_121 : vector<16xi32>
    %swap3A_123 = arith.constant 0 : i32
    %swap3A_124 = arith.index_cast %swap3A_123 : i32 to index
    %swap3A_125 = arith.constant 64 : index
    %swap3A_126 = tpu.vector_load %arg8[%swap3A_124, %swap3A_125] {strides = array<i32>} : memref<1x128xi32, #tpu.memory_space<vmem>>, vector<1x16xi32>,
    %swap3A_127 = vector.shape_cast %swap3A_126 : vector<1x16xi32> to vector<16xi32>
    %swap3A_128 = vector.shape_cast %and3A_122 : vector<16xi32> to vector<1x16xi32>
    tpu.vector_store %arg8[%swap3A_124, %swap3A_125], %swap3A_128 {strides = array<i32>} : memref<1x128xi32, #tpu.memory_space<vmem>>, vector<1x16xi32>,
    %get3A_129 = arith.constant 0 : i32
    %get3A_130 = arith.index_cast %get3A_129 : i32 to index
    %get3A_131 = arith.constant 80 : index
    %get3A_132 = tpu.vector_load %arg5[%get3A_130, %get3A_131] {strides = array<i32>} : memref<80x128xi32, #tpu.memory_space<vmem>>, vector<1x16xi32>,
    %get3A_133 = vector.shape_cast %get3A_132 : vector<1x16xi32> to vector<16xi32>
    %shift_right_logical3A_134 = arith.constant 14 : i32
    %shift_right_logical3A_135 = vector.broadcast %shift_right_logical3A_134 : i32 to vector<16xi32>
    %shift_right_logical3A_136 = arith.shrui %get3A_133, %shift_right_logical3A_135 : vector<16xi32>
    %swap3A_137 = arith.constant 0 : i32
    %swap3A_138 = arith.index_cast %swap3A_137 : i32 to index
    %swap3A_139 = arith.constant 80 : index
    %swap3A_140 = tpu.vector_load %arg6[%swap3A_138, %swap3A_139] {strides = array<i32>} : memref<1x128xi32, #tpu.memory_space<vmem>>, vector<1x16xi32>,
    %swap3A_141 = vector.shape_cast %swap3A_140 : vector<1x16xi32> to vector<16xi32>
    %swap3A_142 = vector.shape_cast %shift_right_logical3A_136 : vector<16xi32> to vector<1x16xi32>
    tpu.vector_store %arg6[%swap3A_138, %swap3A_139], %swap3A_142 {strides = array<i32>} : memref<1x128xi32, #tpu.memory_space<vmem>>, vector<1x16xi32>,
    %broadcast_in_dim3A_143 = arith.constant 16383 : i32
    %broadcast_in_dim3A_144 = vector.broadcast %broadcast_in_dim3A_143 : i32 to vector<16xi32>
    %and3A_145 = arith.andi %get3A_133, %broadcast_in_dim3A_144 : vector<16xi32>
    %swap3A_146 = arith.constant 0 : i32
    %swap3A_147 = arith.index_cast %swap3A_146 : i32 to index
    %swap3A_148 = arith.constant 80 : index
    %swap3A_149 = tpu.vector_load %arg8[%swap3A_147, %swap3A_148] {strides = array<i32>} : memref<1x128xi32, #tpu.memory_space<vmem>>, vector<1x16xi32>,
    %swap3A_150 = vector.shape_cast %swap3A_149 : vector<1x16xi32> to vector<16xi32>
    %swap3A_151 = vector.shape_cast %and3A_145 : vector<16xi32> to vector<1x16xi32>
    tpu.vector_store %arg8[%swap3A_147, %swap3A_148], %swap3A_151 {strides = array<i32>} : memref<1x128xi32, #tpu.memory_space<vmem>>, vector<1x16xi32>,
    %get3A_152 = arith.constant 0 : i32
    %get3A_153 = arith.index_cast %get3A_152 : i32 to index
    %get3A_154 = arith.constant 96 : index
    %get3A_155 = tpu.vector_load %arg5[%get3A_153, %get3A_154] {strides = array<i32>} : memref<80x128xi32, #tpu.memory_space<vmem>>, vector<1x16xi32>,
    %get3A_156 = vector.shape_cast %get3A_155 : vector<1x16xi32> to vector<16xi32>
    %shift_right_logical3A_157 = arith.constant 14 : i32
    %shift_right_logical3A_158 = vector.broadcast %shift_right_logical3A_157 : i32 to vector<16xi32>
    %shift_right_logical3A_159 = arith.shrui %get3A_156, %shift_right_logical3A_158 : vector<16xi32>
    %swap3A_160 = arith.constant 0 : i32
    %swap3A_161 = arith.index_cast %swap3A_160 : i32 to index
    %swap3A_162 = arith.constant 96 : index
    %swap3A_163 = tpu.vector_load %arg6[%swap3A_161, %swap3A_162] {strides = array<i32>} : memref<1x128xi32, #tpu.memory_space<vmem>>, vector<1x16xi32>,
    %swap3A_164 = vector.shape_cast %swap3A_163 : vector<1x16xi32> to vector<16xi32>
    %swap3A_165 = vector.shape_cast %shift_right_logical3A_159 : vector<16xi32> to vector<1x16xi32>
    tpu.vector_store %arg6[%swap3A_161, %swap3A_162], %swap3A_165 {strides = array<i32>} : memref<1x128xi32, #tpu.memory_space<vmem>>, vector<1x16xi32>,
    %broadcast_in_dim3A_166 = arith.constant 16383 : i32
    %broadcast_in_dim3A_167 = vector.broadcast %broadcast_in_dim3A_166 : i32 to vector<16xi32>
    %and3A_168 = arith.andi %get3A_156, %broadcast_in_dim3A_167 : vector<16xi32>
    %swap3A_169 = arith.constant 0 : i32
    %swap3A_170 = arith.index_cast %swap3A_169 : i32 to index
    %swap3A_171 = arith.constant 96 : index
    %swap3A_172 = tpu.vector_load %arg8[%swap3A_170, %swap3A_171] {strides = array<i32>} : memref<1x128xi32, #tpu.memory_space<vmem>>, vector<1x16xi32>,
    %swap3A_173 = vector.shape_cast %swap3A_172 : vector<1x16xi32> to vector<16xi32>
    %swap3A_174 = vector.shape_cast %and3A_168 : vector<16xi32> to vector<1x16xi32>
    tpu.vector_store %arg8[%swap3A_170, %swap3A_171], %swap3A_174 {strides = array<i32>} : memref<1x128xi32, #tpu.memory_space<vmem>>, vector<1x16xi32>,
    %get3A_175 = arith.constant 0 : i32
    %get3A_176 = arith.index_cast %get3A_175 : i32 to index
    %get3A_177 = arith.constant 112 : index
    %get3A_178 = tpu.vector_load %arg5[%get3A_176, %get3A_177] {strides = array<i32>} : memref<80x128xi32, #tpu.memory_space<vmem>>, vector<1x16xi32>,
    %get3A_179 = vector.shape_cast %get3A_178 : vector<1x16xi32> to vector<16xi32>
    %shift_right_logical3A_180 = arith.constant 14 : i32
    %shift_right_logical3A_181 = vector.broadcast %shift_right_logical3A_180 : i32 to vector<16xi32>
    %shift_right_logical3A_182 = arith.shrui %get3A_179, %shift_right_logical3A_181 : vector<16xi32>
    %swap3A_183 = arith.constant 0 : i32
    %swap3A_184 = arith.index_cast %swap3A_183 : i32 to index
    %swap3A_185 = arith.constant 112 : index
    %swap3A_186 = tpu.vector_load %arg6[%swap3A_184, %swap3A_185] {strides = array<i32>} : memref<1x128xi32, #tpu.memory_space<vmem>>, vector<1x16xi32>,
    %swap3A_187 = vector.shape_cast %swap3A_186 : vector<1x16xi32> to vector<16xi32>
    %swap3A_188 = vector.shape_cast %shift_right_logical3A_182 : vector<16xi32> to vector<1x16xi32>
    tpu.vector_store %arg6[%swap3A_184, %swap3A_185], %swap3A_188 {strides = array<i32>} : memref<1x128xi32, #tpu.memory_space<vmem>>, vector<1x16xi32>,
    %broadcast_in_dim3A_189 = arith.constant 16383 : i32
    %broadcast_in_dim3A_190 = vector.broadcast %broadcast_in_dim3A_189 : i32 to vector<16xi32>
    %and3A_191 = arith.andi %get3A_179, %broadcast_in_dim3A_190 : vector<16xi32>
    %swap3A_192 = arith.constant 0 : i32
    %swap3A_193 = arith.index_cast %swap3A_192 : i32 to index
    %swap3A_194 = arith.constant 112 : index
    %swap3A_195 = tpu.vector_load %arg8[%swap3A_193, %swap3A_194] {strides = array<i32>} : memref<1x128xi32, #tpu.memory_space<vmem>>, vector<1x16xi32>,
    %swap3A_196 = vector.shape_cast %swap3A_195 : vector<1x16xi32> to vector<16xi32>
    %swap3A_197 = vector.shape_cast %and3A_191 : vector<16xi32> to vector<1x16xi32>
    tpu.vector_store %arg8[%swap3A_193, %swap3A_194], %swap3A_197 {strides = array<i32>} : memref<1x128xi32, #tpu.memory_space<vmem>>, vector<1x16xi32>,
    %get3A_198 = arith.constant 1 : i32
    %get3A_199 = arith.index_cast %get3A_198 : i32 to index
    %get3A_200 = arith.constant 0 : index
    %get3A_201 = tpu.vector_load %arg5[%get3A_199, %get3A_200] {strides = array<i32>} : memref<80x128xi32, #tpu.memory_space<vmem>>, vector<1x16xi32>,
    %get3A_202 = vector.shape_cast %get3A_201 : vector<1x16xi32> to vector<16xi32>
    %shift_right_logical3A_203 = arith.constant 14 : i32
    %shift_right_logical3A_204 = vector.broadcast %shift_right_logical3A_203 : i32 to vector<16xi32>
    %shift_right_logical3A_205 = arith.shrui %get3A_202, %shift_right_logical3A_204 : vector<16xi32>
    %swap3A_206 = arith.constant 0 : i32
    %swap3A_207 = arith.index_cast %swap3A_206 : i32 to index
    %swap3A_208 = arith.constant 0 : index
    %swap3A_209 = tpu.vector_load %arg7[%swap3A_207, %swap3A_208] {strides = array<i32>} : memref<1x128xi32, #tpu.memory_space<vmem>>, vector<1x16xi32>,
    %swap3A_210 = vector.shape_cast %swap3A_209 : vector<1x16xi32> to vector<16xi32>
    %swap3A_211 = vector.shape_cast %shift_right_logical3A_205 : vector<16xi32> to vector<1x16xi32>
    tpu.vector_store %arg7[%swap3A_207, %swap3A_208], %swap3A_211 {strides = array<i32>} : memref<1x128xi32, #tpu.memory_space<vmem>>, vector<1x16xi32>,
    %broadcast_in_dim3A_212 = arith.constant 16383 : i32
    %broadcast_in_dim3A_213 = vector.broadcast %broadcast_in_dim3A_212 : i32 to vector<16xi32>
    %and3A_214 = arith.andi %get3A_202, %broadcast_in_dim3A_213 : vector<16xi32>
    %swap3A_215 = arith.constant 0 : i32
    %swap3A_216 = arith.index_cast %swap3A_215 : i32 to index
    %swap3A_217 = arith.constant 0 : index
    %swap3A_218 = tpu.vector_load %arg9[%swap3A_216, %swap3A_217] {strides = array<i32>} : memref<1x128xi32, #tpu.memory_space<vmem>>, vector<1x16xi32>,
    %swap3A_219 = vector.shape_cast %swap3A_218 : vector<1x16xi32> to vector<16xi32>
    %swap3A_220 = vector.shape_cast %and3A_214 : vector<16xi32> to vector<1x16xi32>
    tpu.vector_store %arg9[%swap3A_216, %swap3A_217], %swap3A_220 {strides = array<i32>} : memref<1x128xi32, #tpu.memory_space<vmem>>, vector<1x16xi32>,
    %get3A_221 = arith.constant 1 : i32
    %get3A_222 = arith.index_cast %get3A_221 : i32 to index
    %get3A_223 = arith.constant 16 : index
    %get3A_224 = tpu.vector_load %arg5[%get3A_222, %get3A_223] {strides = array<i32>} : memref<80x128xi32, #tpu.memory_space<vmem>>, vector<1x16xi32>,
    %get3A_225 = vector.shape_cast %get3A_224 : vector<1x16xi32> to vector<16xi32>
    %shift_right_logical3A_226 = arith.constant 14 : i32
    %shift_right_logical3A_227 = vector.broadcast %shift_right_logical3A_226 : i32 to vector<16xi32>
    %shift_right_logical3A_228 = arith.shrui %get3A_225, %shift_right_logical3A_227 : vector<16xi32>
    %swap3A_229 = arith.constant 0 : i32
    %swap3A_230 = arith.index_cast %swap3A_229 : i32 to index
    %swap3A_231 = arith.constant 16 : index
    %swap3A_232 = tpu.vector_load %arg7[%swap3A_230, %swap3A_231] {strides = array<i32>} : memref<1x128xi32, #tpu.memory_space<vmem>>, vector<1x16xi32>,
    %swap3A_233 = vector.shape_cast %swap3A_232 : vector<1x16xi32> to vector<16xi32>
    %swap3A_234 = vector.shape_cast %shift_right_logical3A_228 : vector<16xi32> to vector<1x16xi32>
    tpu.vector_store %arg7[%swap3A_230, %swap3A_231], %swap3A_234 {strides = array<i32>} : memref<1x128xi32, #tpu.memory_space<vmem>>, vector<1x16xi32>,
    %broadcast_in_dim3A_235 = arith.constant 16383 : i32
    %broadcast_in_dim3A_236 = vector.broadcast %broadcast_in_dim3A_235 : i32 to vector<16xi32>
    %and3A_237 = arith.andi %get3A_225, %broadcast_in_dim3A_236 : vector<16xi32>
    %swap3A_238 = arith.constant 0 : i32
    %swap3A_239 = arith.index_cast %swap3A_238 : i32 to index
    %swap3A_240 = arith.constant 16 : index
    %swap3A_241 = tpu.vector_load %arg9[%swap3A_239, %swap3A_240] {strides = array<i32>} : memref<1x128xi32, #tpu.memory_space<vmem>>, vector<1x16xi32>,
    %swap3A_242 = vector.shape_cast %swap3A_241 : vector<1x16xi32> to vector<16xi32>
    %swap3A_243 = vector.shape_cast %and3A_237 : vector<16xi32> to vector<1x16xi32>
    tpu.vector_store %arg9[%swap3A_239, %swap3A_240], %swap3A_243 {strides = array<i32>} : memref<1x128xi32, #tpu.memory_space<vmem>>, vector<1x16xi32>,
    %get3A_244 = arith.constant 1 : i32
    %get3A_245 = arith.index_cast %get3A_244 : i32 to index
    %get3A_246 = arith.constant 32 : index
    %get3A_247 = tpu.vector_load %arg5[%get3A_245, %get3A_246] {strides = array<i32>} : memref<80x128xi32, #tpu.memory_space<vmem>>, vector<1x16xi32>,
    %get3A_248 = vector.shape_cast %get3A_247 : vector<1x16xi32> to vector<16xi32>
    %shift_right_logical3A_249 = arith.constant 14 : i32
    %shift_right_logical3A_250 = vector.broadcast %shift_right_logical3A_249 : i32 to vector<16xi32>
    %shift_right_logical3A_251 = arith.shrui %get3A_248, %shift_right_logical3A_250 : vector<16xi32>
    %swap3A_252 = arith.constant 0 : i32
    %swap3A_253 = arith.index_cast %swap3A_252 : i32 to index
    %swap3A_254 = arith.constant 32 : index
    %swap3A_255 = tpu.vector_load %arg7[%swap3A_253, %swap3A_254] {strides = array<i32>} : memref<1x128xi32, #tpu.memory_space<vmem>>, vector<1x16xi32>,
    %swap3A_256 = vector.shape_cast %swap3A_255 : vector<1x16xi32> to vector<16xi32>
    %swap3A_257 = vector.shape_cast %shift_right_logical3A_251 : vector<16xi32> to vector<1x16xi32>
    tpu.vector_store %arg7[%swap3A_253, %swap3A_254], %swap3A_257 {strides = array<i32>} : memref<1x128xi32, #tpu.memory_space<vmem>>, vector<1x16xi32>,
    %broadcast_in_dim3A_258 = arith.constant 16383 : i32
    %broadcast_in_dim3A_259 = vector.broadcast %broadcast_in_dim3A_258 : i32 to vector<16xi32>
    %and3A_260 = arith.andi %get3A_248, %broadcast_in_dim3A_259 : vector<16xi32>
    %swap3A_261 = arith.constant 0 : i32
    %swap3A_262 = arith.index_cast %swap3A_261 : i32 to index
    %swap3A_263 = arith.constant 32 : index
    %swap3A_264 = tpu.vector_load %arg9[%swap3A_262, %swap3A_263] {strides = array<i32>} : memref<1x128xi32, #tpu.memory_space<vmem>>, vector<1x16xi32>,
    %swap3A_265 = vector.shape_cast %swap3A_264 : vector<1x16xi32> to vector<16xi32>
    %swap3A_266 = vector.shape_cast %and3A_260 : vector<16xi32> to vector<1x16xi32>
    tpu.vector_store %arg9[%swap3A_262, %swap3A_263], %swap3A_266 {strides = array<i32>} : memref<1x128xi32, #tpu.memory_space<vmem>>, vector<1x16xi32>,
    %get3A_267 = arith.constant 1 : i32
    %get3A_268 = arith.index_cast %get3A_267 : i32 to index
    %get3A_269 = arith.constant 48 : index
    %get3A_270 = tpu.vector_load %arg5[%get3A_268, %get3A_269] {strides = array<i32>} : memref<80x128xi32, #tpu.memory_space<vmem>>, vector<1x16xi32>,
    %get3A_271 = vector.shape_cast %get3A_270 : vector<1x16xi32> to vector<16xi32>
    %shift_right_logical3A_272 = arith.constant 14 : i32
    %shift_right_logical3A_273 = vector.broadcast %shift_right_logical3A_272 : i32 to vector<16xi32>
    %shift_right_logical3A_274 = arith.shrui %get3A_271, %shift_right_logical3A_273 : vector<16xi32>
    %swap3A_275 = arith.constant 0 : i32
    %swap3A_276 = arith.index_cast %swap3A_275 : i32 to index
    %swap3A_277 = arith.constant 48 : index
    %swap3A_278 = tpu.vector_load %arg7[%swap3A_276, %swap3A_277] {strides = array<i32>} : memref<1x128xi32, #tpu.memory_space<vmem>>, vector<1x16xi32>,
    %swap3A_279 = vector.shape_cast %swap3A_278 : vector<1x16xi32> to vector<16xi32>
    %swap3A_280 = vector.shape_cast %shift_right_logical3A_274 : vector<16xi32> to vector<1x16xi32>
    tpu.vector_store %arg7[%swap3A_276, %swap3A_277], %swap3A_280 {strides = array<i32>} : memref<1x128xi32, #tpu.memory_space<vmem>>, vector<1x16xi32>,
    %broadcast_in_dim3A_281 = arith.constant 16383 : i32
    %broadcast_in_dim3A_282 = vector.broadcast %broadcast_in_dim3A_281 : i32 to vector<16xi32>
    %and3A_283 = arith.andi %get3A_271, %broadcast_in_dim3A_282 : vector<16xi32>
    %swap3A_284 = arith.constant 0 : i32
    %swap3A_285 = arith.index_cast %swap3A_284 : i32 to index
    %swap3A_286 = arith.constant 48 : index
    %swap3A_287 = tpu.vector_load %arg9[%swap3A_285, %swap3A_286] {strides = array<i32>} : memref<1x128xi32, #tpu.memory_space<vmem>>, vector<1x16xi32>,
    %swap3A_288 = vector.shape_cast %swap3A_287 : vector<1x16xi32> to vector<16xi32>
    %swap3A_289 = vector.shape_cast %and3A_283 : vector<16xi32> to vector<1x16xi32>
    tpu.vector_store %arg9[%swap3A_285, %swap3A_286], %swap3A_289 {strides = array<i32>} : memref<1x128xi32, #tpu.memory_space<vmem>>, vector<1x16xi32>,
    %get3A_290 = arith.constant 1 : i32
    %get3A_291 = arith.index_cast %get3A_290 : i32 to index
    %get3A_292 = arith.constant 64 : index
    %get3A_293 = tpu.vector_load %arg5[%get3A_291, %get3A_292] {strides = array<i32>} : memref<80x128xi32, #tpu.memory_space<vmem>>, vector<1x16xi32>,
    %get3A_294 = vector.shape_cast %get3A_293 : vector<1x16xi32> to vector<16xi32>
    %shift_right_logical3A_295 = arith.constant 14 : i32
    %shift_right_logical3A_296 = vector.broadcast %shift_right_logical3A_295 : i32 to vector<16xi32>
    %shift_right_logical3A_297 = arith.shrui %get3A_294, %shift_right_logical3A_296 : vector<16xi32>
    %swap3A_298 = arith.constant 0 : i32
    %swap3A_299 = arith.index_cast %swap3A_298 : i32 to index
    %swap3A_300 = arith.constant 64 : index
    %swap3A_301 = tpu.vector_load %arg7[%swap3A_299, %swap3A_300] {strides = array<i32>} : memref<1x128xi32, #tpu.memory_space<vmem>>, vector<1x16xi32>,
    %swap3A_302 = vector.shape_cast %swap3A_301 : vector<1x16xi32> to vector<16xi32>
    %swap3A_303 = vector.shape_cast %shift_right_logical3A_297 : vector<16xi32> to vector<1x16xi32>
    tpu.vector_store %arg7[%swap3A_299, %swap3A_300], %swap3A_303 {strides = array<i32>} : memref<1x128xi32, #tpu.memory_space<vmem>>, vector<1x16xi32>,
    %broadcast_in_dim3A_304 = arith.constant 16383 : i32
    %broadcast_in_dim3A_305 = vector.broadcast %broadcast_in_dim3A_304 : i32 to vector<16xi32>
    %and3A_306 = arith.andi %get3A_294, %broadcast_in_dim3A_305 : vector<16xi32>
    %swap3A_307 = arith.constant 0 : i32
    %swap3A_308 = arith.index_cast %swap3A_307 : i32 to index
    %swap3A_309 = arith.constant 64 : index
    %swap3A_310 = tpu.vector_load %arg9[%swap3A_308, %swap3A_309] {strides = array<i32>} : memref<1x128xi32, #tpu.memory_space<vmem>>, vector<1x16xi32>,
    %swap3A_311 = vector.shape_cast %swap3A_310 : vector<1x16xi32> to vector<16xi32>
    %swap3A_312 = vector.shape_cast %and3A_306 : vector<16xi32> to vector<1x16xi32>
    tpu.vector_store %arg9[%swap3A_308, %swap3A_309], %swap3A_312 {strides = array<i32>} : memref<1x128xi32, #tpu.memory_space<vmem>>, vector<1x16xi32>,
    %get3A_313 = arith.constant 1 : i32
    %get3A_314 = arith.index_cast %get3A_313 : i32 to index
    %get3A_315 = arith.constant 80 : index
    %get3A_316 = tpu.vector_load %arg5[%get3A_314, %get3A_315] {strides = array<i32>} : memref<80x128xi32, #tpu.memory_space<vmem>>, vector<1x16xi32>,
    %get3A_317 = vector.shape_cast %get3A_316 : vector<1x16xi32> to vector<16xi32>
    %shift_right_logical3A_318 = arith.constant 14 : i32
    %shift_right_logical3A_319 = vector.broadcast %shift_right_logical3A_318 : i32 to vector<16xi32>
    %shift_right_logical3A_320 = arith.shrui %get3A_317, %shift_right_logical3A_319 : vector<16xi32>
    %swap3A_321 = arith.constant 0 : i32
    %swap3A_322 = arith.index_cast %swap3A_321 : i32 to index
    %swap3A_323 = arith.constant 80 : index
    %swap3A_324 = tpu.vector_load %arg7[%swap3A_322, %swap3A_323] {strides = array<i32>} : memref<1x128xi32, #tpu.memory_space<vmem>>, vector<1x16xi32>,
    %swap3A_325 = vector.shape_cast %swap3A_324 : vector<1x16xi32> to vector<16xi32>
    %swap3A_326 = vector.shape_cast %shift_right_logical3A_320 : vector<16xi32> to vector<1x16xi32>
    tpu.vector_store %arg7[%swap3A_322, %swap3A_323], %swap3A_326 {strides = array<i32>} : memref<1x128xi32, #tpu.memory_space<vmem>>, vector<1x16xi32>,
    %broadcast_in_dim3A_327 = arith.constant 16383 : i32
    %broadcast_in_dim3A_328 = vector.broadcast %broadcast_in_dim3A_327 : i32 to vector<16xi32>
    %and3A_329 = arith.andi %get3A_317, %broadcast_in_dim3A_328 : vector<16xi32>
    %swap3A_330 = arith.constant 0 : i32
    %swap3A_331 = arith.index_cast %swap3A_330 : i32 to index
    %swap3A_332 = arith.constant 80 : index
    %swap3A_333 = tpu.vector_load %arg9[%swap3A_331, %swap3A_332] {strides = array<i32>} : memref<1x128xi32, #tpu.memory_space<vmem>>, vector<1x16xi32>,
    %swap3A_334 = vector.shape_cast %swap3A_333 : vector<1x16xi32> to vector<16xi32>
    %swap3A_335 = vector.shape_cast %and3A_329 : vector<16xi32> to vector<1x16xi32>
    tpu.vector_store %arg9[%swap3A_331, %swap3A_332], %swap3A_335 {strides = array<i32>} : memref<1x128xi32, #tpu.memory_space<vmem>>, vector<1x16xi32>,
    %get3A_336 = arith.constant 1 : i32
    %get3A_337 = arith.index_cast %get3A_336 : i32 to index
    %get3A_338 = arith.constant 96 : index
    %get3A_339 = tpu.vector_load %arg5[%get3A_337, %get3A_338] {strides = array<i32>} : memref<80x128xi32, #tpu.memory_space<vmem>>, vector<1x16xi32>,
    %get3A_340 = vector.shape_cast %get3A_339 : vector<1x16xi32> to vector<16xi32>
    %shift_right_logical3A_341 = arith.constant 14 : i32
    %shift_right_logical3A_342 = vector.broadcast %shift_right_logical3A_341 : i32 to vector<16xi32>
    %shift_right_logical3A_343 = arith.shrui %get3A_340, %shift_right_logical3A_342 : vector<16xi32>
    %swap3A_344 = arith.constant 0 : i32
    %swap3A_345 = arith.index_cast %swap3A_344 : i32 to index
    %swap3A_346 = arith.constant 96 : index
    %swap3A_347 = tpu.vector_load %arg7[%swap3A_345, %swap3A_346] {strides = array<i32>} : memref<1x128xi32, #tpu.memory_space<vmem>>, vector<1x16xi32>,
    %swap3A_348 = vector.shape_cast %swap3A_347 : vector<1x16xi32> to vector<16xi32>
    %swap3A_349 = vector.shape_cast %shift_right_logical3A_343 : vector<16xi32> to vector<1x16xi32>
    tpu.vector_store %arg7[%swap3A_345, %swap3A_346], %swap3A_349 {strides = array<i32>} : memref<1x128xi32, #tpu.memory_space<vmem>>, vector<1x16xi32>,
    %broadcast_in_dim3A_350 = arith.constant 16383 : i32
    %broadcast_in_dim3A_351 = vector.broadcast %broadcast_in_dim3A_350 : i32 to vector<16xi32>
    %and3A_352 = arith.andi %get3A_340, %broadcast_in_dim3A_351 : vector<16xi32>
    %swap3A_353 = arith.constant 0 : i32
    %swap3A_354 = arith.index_cast %swap3A_353 : i32 to index
    %swap3A_355 = arith.constant 96 : index
    %swap3A_356 = tpu.vector_load %arg9[%swap3A_354, %swap3A_355] {strides = array<i32>} : memref<1x128xi32, #tpu.memory_space<vmem>>, vector<1x16xi32>,
    %swap3A_357 = vector.shape_cast %swap3A_356 : vector<1x16xi32> to vector<16xi32>
    %swap3A_358 = vector.shape_cast %and3A_352 : vector<16xi32> to vector<1x16xi32>
    tpu.vector_store %arg9[%swap3A_354, %swap3A_355], %swap3A_358 {strides = array<i32>} : memref<1x128xi32, #tpu.memory_space<vmem>>, vector<1x16xi32>,
    %get3A_359 = arith.constant 1 : i32
    %get3A_360 = arith.index_cast %get3A_359 : i32 to index
    %get3A_361 = arith.constant 112 : index
    %get3A_362 = tpu.vector_load %arg5[%get3A_360, %get3A_361] {strides = array<i32>} : memref<80x128xi32, #tpu.memory_space<vmem>>, vector<1x16xi32>,
    %get3A_363 = vector.shape_cast %get3A_362 : vector<1x16xi32> to vector<16xi32>
    %shift_right_logical3A_364 = arith.constant 14 : i32
    %shift_right_logical3A_365 = vector.broadcast %shift_right_logical3A_364 : i32 to vector<16xi32>
    %shift_right_logical3A_366 = arith.shrui %get3A_363, %shift_right_logical3A_365 : vector<16xi32>
    %swap3A_367 = arith.constant 0 : i32
    %swap3A_368 = arith.index_cast %swap3A_367 : i32 to index
    %swap3A_369 = arith.constant 112 : index
    %swap3A_370 = tpu.vector_load %arg7[%swap3A_368, %swap3A_369] {strides = array<i32>} : memref<1x128xi32, #tpu.memory_space<vmem>>, vector<1x16xi32>,
    %swap3A_371 = vector.shape_cast %swap3A_370 : vector<1x16xi32> to vector<16xi32>
    %swap3A_372 = vector.shape_cast %shift_right_logical3A_366 : vector<16xi32> to vector<1x16xi32>
    tpu.vector_store %arg7[%swap3A_368, %swap3A_369], %swap3A_372 {strides = array<i32>} : memref<1x128xi32, #tpu.memory_space<vmem>>, vector<1x16xi32>,
    %broadcast_in_dim3A_373 = arith.constant 16383 : i32
    %broadcast_in_dim3A_374 = vector.broadcast %broadcast_in_dim3A_373 : i32 to vector<16xi32>
    %and3A_375 = arith.andi %get3A_363, %broadcast_in_dim3A_374 : vector<16xi32>
    %swap3A_376 = arith.constant 0 : i32
    %swap3A_377 = arith.index_cast %swap3A_376 : i32 to index
    %swap3A_378 = arith.constant 112 : index
    %swap3A_379 = tpu.vector_load %arg9[%swap3A_377, %swap3A_378] {strides = array<i32>} : memref<1x128xi32, #tpu.memory_space<vmem>>, vector<1x16xi32>,
    %swap3A_380 = vector.shape_cast %swap3A_379 : vector<1x16xi32> to vector<16xi32>
    %swap3A_381 = vector.shape_cast %and3A_375 : vector<16xi32> to vector<1x16xi32>
    tpu.vector_store %arg9[%swap3A_377, %swap3A_378], %swap3A_381 {strides = array<i32>} : memref<1x128xi32, #tpu.memory_space<vmem>>, vector<1x16xi32>,
    %dma_start3A = arith.constant 0 : i32
    %dma_start3A_382 = arith.constant 0 : i32
    %dma_start3A_383 = arith.constant 0 : i32
    %dma_start3A_384 = tpu.memref_slice %arg10[%dma_start3A_382, %dma_start3A_383] : memref<128x128xf32, #tpu.memory_space<vmem>> -> memref<32x128xf32, #tpu.memory_space<vmem>>
    %dma_start3A_385 = arith.constant 0 : i32
    %dma_start3A_386 = tpu.memref_slice %arg6[%dma_start3A, %dma_start3A_385] : memref<1x128xi32, #tpu.memory_space<vmem>> -> memref<1x32xi32, #tpu.memory_space<vmem>>
    %dma_start3A_387 = tpu.memref_squeeze %dma_start3A_386 : memref<1x32xi32, #tpu.memory_space<vmem>> -> memref<32xi32, #tpu.memory_space<vmem>>
    %dma_start3A_388 = arith.constant 0 : i32
    %dma_start3A_389 = arith.constant 0 : i32
    %dma_start3A_390 = tpu.memref_slice %arg2[%dma_start3A_388, %dma_start3A_389] : memref<10000x128xf32, #tpu.memory_space<hbm>> -> memref<10000x128xf32, #tpu.memory_space<hbm>>
    tpu.enqueue_indirect_dma source(%dma_start3A_390 : memref<10000x128xf32, #tpu.memory_space<hbm>>) target(%dma_start3A_384 : memref<32x128xf32, #tpu.memory_space<vmem>>) offsets(%dma_start3A_387 : memref<32xi32, #tpu.memory_space<vmem>>) semaphore(%arg13 : memref<!tpu.dma_semaphore, #tpu.memory_space<semaphore_mem>>)
    %dma_start3A_391 = arith.constant 0 : i32
    %dma_start3A_392 = arith.constant 32 : i32
    %dma_start3A_393 = arith.constant 0 : i32
    %dma_start3A_394 = tpu.memref_slice %arg10[%dma_start3A_392, %dma_start3A_393] : memref<128x128xf32, #tpu.memory_space<vmem>> -> memref<32x128xf32, #tpu.memory_space<vmem>>
    %dma_start3A_395 = arith.constant 32 : i32
    %dma_start3A_396 = tpu.memref_slice %arg6[%dma_start3A_391, %dma_start3A_395] : memref<1x128xi32, #tpu.memory_space<vmem>> -> memref<1x32xi32, #tpu.memory_space<vmem>>
    %dma_start3A_397 = tpu.memref_squeeze %dma_start3A_396 : memref<1x32xi32, #tpu.memory_space<vmem>> -> memref<32xi32, #tpu.memory_space<vmem>>
    %dma_start3A_398 = arith.constant 0 : i32
    %dma_start3A_399 = arith.constant 0 : i32
    %dma_start3A_400 = tpu.memref_slice %arg2[%dma_start3A_398, %dma_start3A_399] : memref<10000x128xf32, #tpu.memory_space<hbm>> -> memref<10000x128xf32, #tpu.memory_space<hbm>>
    tpu.enqueue_indirect_dma source(%dma_start3A_400 : memref<10000x128xf32, #tpu.memory_space<hbm>>) target(%dma_start3A_394 : memref<32x128xf32, #tpu.memory_space<vmem>>) offsets(%dma_start3A_397 : memref<32xi32, #tpu.memory_space<vmem>>) semaphore(%arg13 : memref<!tpu.dma_semaphore, #tpu.memory_space<semaphore_mem>>)
    %dma_start3A_401 = arith.constant 0 : i32
    %dma_start3A_402 = arith.constant 64 : i32
    %dma_start3A_403 = arith.constant 0 : i32
    %dma_start3A_404 = tpu.memref_slice %arg10[%dma_start3A_402, %dma_start3A_403] : memref<128x128xf32, #tpu.memory_space<vmem>> -> memref<32x128xf32, #tpu.memory_space<vmem>>
    %dma_start3A_405 = arith.constant 64 : i32
    %dma_start3A_406 = tpu.memref_slice %arg6[%dma_start3A_401, %dma_start3A_405] : memref<1x128xi32, #tpu.memory_space<vmem>> -> memref<1x32xi32, #tpu.memory_space<vmem>>
    %dma_start3A_407 = tpu.memref_squeeze %dma_start3A_406 : memref<1x32xi32, #tpu.memory_space<vmem>> -> memref<32xi32, #tpu.memory_space<vmem>>
    %dma_start3A_408 = arith.constant 0 : i32
    %dma_start3A_409 = arith.constant 0 : i32
    %dma_start3A_410 = tpu.memref_slice %arg2[%dma_start3A_408, %dma_start3A_409] : memref<10000x128xf32, #tpu.memory_space<hbm>> -> memref<10000x128xf32, #tpu.memory_space<hbm>>
    tpu.enqueue_indirect_dma source(%dma_start3A_410 : memref<10000x128xf32, #tpu.memory_space<hbm>>) target(%dma_start3A_404 : memref<32x128xf32, #tpu.memory_space<vmem>>) offsets(%dma_start3A_407 : memref<32xi32, #tpu.memory_space<vmem>>) semaphore(%arg13 : memref<!tpu.dma_semaphore, #tpu.memory_space<semaphore_mem>>)
    %dma_start3A_411 = arith.constant 0 : i32
    %dma_start3A_412 = arith.constant 96 : i32
    %dma_start3A_413 = arith.constant 0 : i32
    %dma_start3A_414 = tpu.memref_slice %arg10[%dma_start3A_412, %dma_start3A_413] : memref<128x128xf32, #tpu.memory_space<vmem>> -> memref<32x128xf32, #tpu.memory_space<vmem>>
    %dma_start3A_415 = arith.constant 96 : i32
    %dma_start3A_416 = tpu.memref_slice %arg6[%dma_start3A_411, %dma_start3A_415] : memref<1x128xi32, #tpu.memory_space<vmem>> -> memref<1x32xi32, #tpu.memory_space<vmem>>
    %dma_start3A_417 = tpu.memref_squeeze %dma_start3A_416 : memref<1x32xi32, #tpu.memory_space<vmem>> -> memref<32xi32, #tpu.memory_space<vmem>>
    %dma_start3A_418 = arith.constant 0 : i32
    %dma_start3A_419 = arith.constant 0 : i32
    %dma_start3A_420 = tpu.memref_slice %arg2[%dma_start3A_418, %dma_start3A_419] : memref<10000x128xf32, #tpu.memory_space<hbm>> -> memref<10000x128xf32, #tpu.memory_space<hbm>>
    tpu.enqueue_indirect_dma source(%dma_start3A_420 : memref<10000x128xf32, #tpu.memory_space<hbm>>) target(%dma_start3A_414 : memref<32x128xf32, #tpu.memory_space<vmem>>) offsets(%dma_start3A_417 : memref<32xi32, #tpu.memory_space<vmem>>) semaphore(%arg13 : memref<!tpu.dma_semaphore, #tpu.memory_space<semaphore_mem>>)
    %dma_start3A_421 = arith.constant 0 : i32
    %dma_start3A_422 = arith.constant 0 : i32
    %dma_start3A_423 = arith.constant 0 : i32
    %dma_start3A_424 = tpu.memref_slice %arg11[%dma_start3A_422, %dma_start3A_423] : memref<128x128xf32, #tpu.memory_space<vmem>> -> memref<32x128xf32, #tpu.memory_space<vmem>>
    %dma_start3A_425 = arith.constant 0 : i32
    %dma_start3A_426 = tpu.memref_slice %arg7[%dma_start3A_421, %dma_start3A_425] : memref<1x128xi32, #tpu.memory_space<vmem>> -> memref<1x32xi32, #tpu.memory_space<vmem>>
    %dma_start3A_427 = tpu.memref_squeeze %dma_start3A_426 : memref<1x32xi32, #tpu.memory_space<vmem>> -> memref<32xi32, #tpu.memory_space<vmem>>
    %dma_start3A_428 = arith.constant 0 : i32
    %dma_start3A_429 = arith.constant 0 : i32
    %dma_start3A_430 = tpu.memref_slice %arg2[%dma_start3A_428, %dma_start3A_429] : memref<10000x128xf32, #tpu.memory_space<hbm>> -> memref<10000x128xf32, #tpu.memory_space<hbm>>
    tpu.enqueue_indirect_dma source(%dma_start3A_430 : memref<10000x128xf32, #tpu.memory_space<hbm>>) target(%dma_start3A_424 : memref<32x128xf32, #tpu.memory_space<vmem>>) offsets(%dma_start3A_427 : memref<32xi32, #tpu.memory_space<vmem>>) semaphore(%arg14 : memref<!tpu.dma_semaphore, #tpu.memory_space<semaphore_mem>>)
    %dma_start3A_431 = arith.constant 0 : i32
    %dma_start3A_432 = arith.constant 32 : i32
    %dma_start3A_433 = arith.constant 0 : i32
    %dma_start3A_434 = tpu.memref_slice %arg11[%dma_start3A_432, %dma_start3A_433] : memref<128x128xf32, #tpu.memory_space<vmem>> -> memref<32x128xf32, #tpu.memory_space<vmem>>
    %dma_start3A_435 = arith.constant 32 : i32
    %dma_start3A_436 = tpu.memref_slice %arg7[%dma_start3A_431, %dma_start3A_435] : memref<1x128xi32, #tpu.memory_space<vmem>> -> memref<1x32xi32, #tpu.memory_space<vmem>>
    %dma_start3A_437 = tpu.memref_squeeze %dma_start3A_436 : memref<1x32xi32, #tpu.memory_space<vmem>> -> memref<32xi32, #tpu.memory_space<vmem>>
    %dma_start3A_438 = arith.constant 0 : i32
    %dma_start3A_439 = arith.constant 0 : i32
    %dma_start3A_440 = tpu.memref_slice %arg2[%dma_start3A_438, %dma_start3A_439] : memref<10000x128xf32, #tpu.memory_space<hbm>> -> memref<10000x128xf32, #tpu.memory_space<hbm>>
    tpu.enqueue_indirect_dma source(%dma_start3A_440 : memref<10000x128xf32, #tpu.memory_space<hbm>>) target(%dma_start3A_434 : memref<32x128xf32, #tpu.memory_space<vmem>>) offsets(%dma_start3A_437 : memref<32xi32, #tpu.memory_space<vmem>>) semaphore(%arg14 : memref<!tpu.dma_semaphore, #tpu.memory_space<semaphore_mem>>)
    %dma_start3A_441 = arith.constant 0 : i32
    %dma_start3A_442 = arith.constant 64 : i32
    %dma_start3A_443 = arith.constant 0 : i32
    %dma_start3A_444 = tpu.memref_slice %arg11[%dma_start3A_442, %dma_start3A_443] : memref<128x128xf32, #tpu.memory_space<vmem>> -> memref<32x128xf32, #tpu.memory_space<vmem>>
    %dma_start3A_445 = arith.constant 64 : i32
    %dma_start3A_446 = tpu.memref_slice %arg7[%dma_start3A_441, %dma_start3A_445] : memref<1x128xi32, #tpu.memory_space<vmem>> -> memref<1x32xi32, #tpu.memory_space<vmem>>
    %dma_start3A_447 = tpu.memref_squeeze %dma_start3A_446 : memref<1x32xi32, #tpu.memory_space<vmem>> -> memref<32xi32, #tpu.memory_space<vmem>>
    %dma_start3A_448 = arith.constant 0 : i32
    %dma_start3A_449 = arith.constant 0 : i32
    %dma_start3A_450 = tpu.memref_slice %arg2[%dma_start3A_448, %dma_start3A_449] : memref<10000x128xf32, #tpu.memory_space<hbm>> -> memref<10000x128xf32, #tpu.memory_space<hbm>>
    tpu.enqueue_indirect_dma source(%dma_start3A_450 : memref<10000x128xf32, #tpu.memory_space<hbm>>) target(%dma_start3A_444 : memref<32x128xf32, #tpu.memory_space<vmem>>) offsets(%dma_start3A_447 : memref<32xi32, #tpu.memory_space<vmem>>) semaphore(%arg14 : memref<!tpu.dma_semaphore, #tpu.memory_space<semaphore_mem>>)
    %dma_start3A_451 = arith.constant 0 : i32
    %dma_start3A_452 = arith.constant 96 : i32
    %dma_start3A_453 = arith.constant 0 : i32
    %dma_start3A_454 = tpu.memref_slice %arg11[%dma_start3A_452, %dma_start3A_453] : memref<128x128xf32, #tpu.memory_space<vmem>> -> memref<32x128xf32, #tpu.memory_space<vmem>>
    %dma_start3A_455 = arith.constant 96 : i32
    %dma_start3A_456 = tpu.memref_slice %arg7[%dma_start3A_451, %dma_start3A_455] : memref<1x128xi32, #tpu.memory_space<vmem>> -> memref<1x32xi32, #tpu.memory_space<vmem>>
    %dma_start3A_457 = tpu.memref_squeeze %dma_start3A_456 : memref<1x32xi32, #tpu.memory_space<vmem>> -> memref<32xi32, #tpu.memory_space<vmem>>
    %dma_start3A_458 = arith.constant 0 : i32
    %dma_start3A_459 = arith.constant 0 : i32
    %dma_start3A_460 = tpu.memref_slice %arg2[%dma_start3A_458, %dma_start3A_459] : memref<10000x128xf32, #tpu.memory_space<hbm>> -> memref<10000x128xf32, #tpu.memory_space<hbm>>
    tpu.enqueue_indirect_dma source(%dma_start3A_460 : memref<10000x128xf32, #tpu.memory_space<hbm>>) target(%dma_start3A_454 : memref<32x128xf32, #tpu.memory_space<vmem>>) offsets(%dma_start3A_457 : memref<32xi32, #tpu.memory_space<vmem>>) semaphore(%arg14 : memref<!tpu.dma_semaphore, #tpu.memory_space<semaphore_mem>>)
    %scan3A_461 = arith.constant 0 : i32
    %scan3A_462 = arith.constant 0 : i32
    %scan3A_463 = arith.constant 40 : i32
    %scan3A_464 = arith.addi %scan3A_462, %scan3A_463 : i32
    %scan3A_465 = arith.constant 1 : i32
    %scan3A_466 = scf.for %scan3A_471 = %scan3A_462 to %scan3A_464 step %scan3A_465 iter_args(%scan3A_472 = %scan3A_461) -> (i32)  : i32 {
      %mul3A_473 = arith.constant 2 : i32
      %mul3A_474 = arith.muli %mul3A_473, %scan3A_471 : i32
      %dma_wait3A = arith.constant 0 : i32
      %dma_wait3A_475 = arith.constant 0 : i32
      %dma_wait3A_476 = arith.constant 0 : i32
      %dma_wait3A_477 = tpu.memref_slice %arg10[%dma_wait3A_475, %dma_wait3A_476] : memref<128x128xf32, #tpu.memory_space<vmem>> -> memref<32x128xf32, #tpu.memory_space<vmem>>
      %dma_wait3A_478 = arith.constant 0 : i32
      %dma_wait3A_479 = tpu.memref_slice %arg6[%dma_wait3A, %dma_wait3A_478] : memref<1x128xi32, #tpu.memory_space<vmem>> -> memref<1x32xi32, #tpu.memory_space<vmem>>
      %dma_wait3A_480 = tpu.memref_squeeze %dma_wait3A_479 : memref<1x32xi32, #tpu.memory_space<vmem>> -> memref<32xi32, #tpu.memory_space<vmem>>
      %dma_wait3A_481 = arith.constant 0 : i32
      %dma_wait3A_482 = arith.constant 0 : i32
      %dma_wait3A_483 = tpu.memref_slice %arg2[%dma_wait3A_481, %dma_wait3A_482] : memref<10000x128xf32, #tpu.memory_space<hbm>> -> memref<10000x128xf32, #tpu.memory_space<hbm>>
      tpu.wait_indirect_dma semaphore(%arg13 : memref<!tpu.dma_semaphore, #tpu.memory_space<semaphore_mem>>) src(%dma_wait3A_483 : memref<10000x128xf32, #tpu.memory_space<hbm>>) dst(%dma_wait3A_477 : memref<32x128xf32, #tpu.memory_space<vmem>>)
      %dma_wait3A_484 = arith.constant 0 : i32
      %dma_wait3A_485 = arith.constant 32 : i32
      %dma_wait3A_486 = arith.constant 0 : i32
      %dma_wait3A_487 = tpu.memref_slice %arg10[%dma_wait3A_485, %dma_wait3A_486] : memref<128x128xf32, #tpu.memory_space<vmem>> -> memref<32x128xf32, #tpu.memory_space<vmem>>
      %dma_wait3A_488 = arith.constant 32 : i32
      %dma_wait3A_489 = tpu.memref_slice %arg6[%dma_wait3A_484, %dma_wait3A_488] : memref<1x128xi32, #tpu.memory_space<vmem>> -> memref<1x32xi32, #tpu.memory_space<vmem>>
      %dma_wait3A_490 = tpu.memref_squeeze %dma_wait3A_489 : memref<1x32xi32, #tpu.memory_space<vmem>> -> memref<32xi32, #tpu.memory_space<vmem>>
      %dma_wait3A_491 = arith.constant 0 : i32
      %dma_wait3A_492 = arith.constant 0 : i32
      %dma_wait3A_493 = tpu.memref_slice %arg2[%dma_wait3A_491, %dma_wait3A_492] : memref<10000x128xf32, #tpu.memory_space<hbm>> -> memref<10000x128xf32, #tpu.memory_space<hbm>>
      tpu.wait_indirect_dma semaphore(%arg13 : memref<!tpu.dma_semaphore, #tpu.memory_space<semaphore_mem>>) src(%dma_wait3A_493 : memref<10000x128xf32, #tpu.memory_space<hbm>>) dst(%dma_wait3A_487 : memref<32x128xf32, #tpu.memory_space<vmem>>)
      %dma_wait3A_494 = arith.constant 0 : i32
      %dma_wait3A_495 = arith.constant 64 : i32
      %dma_wait3A_496 = arith.constant 0 : i32
      %dma_wait3A_497 = tpu.memref_slice %arg10[%dma_wait3A_495, %dma_wait3A_496] : memref<128x128xf32, #tpu.memory_space<vmem>> -> memref<32x128xf32, #tpu.memory_space<vmem>>
      %dma_wait3A_498 = arith.constant 64 : i32
      %dma_wait3A_499 = tpu.memref_slice %arg6[%dma_wait3A_494, %dma_wait3A_498] : memref<1x128xi32, #tpu.memory_space<vmem>> -> memref<1x32xi32, #tpu.memory_space<vmem>>
      %dma_wait3A_500 = tpu.memref_squeeze %dma_wait3A_499 : memref<1x32xi32, #tpu.memory_space<vmem>> -> memref<32xi32, #tpu.memory_space<vmem>>
      %dma_wait3A_501 = arith.constant 0 : i32
      %dma_wait3A_502 = arith.constant 0 : i32
      %dma_wait3A_503 = tpu.memref_slice %arg2[%dma_wait3A_501, %dma_wait3A_502] : memref<10000x128xf32, #tpu.memory_space<hbm>> -> memref<10000x128xf32, #tpu.memory_space<hbm>>
      tpu.wait_indirect_dma semaphore(%arg13 : memref<!tpu.dma_semaphore, #tpu.memory_space<semaphore_mem>>) src(%dma_wait3A_503 : memref<10000x128xf32, #tpu.memory_space<hbm>>) dst(%dma_wait3A_497 : memref<32x128xf32, #tpu.memory_space<vmem>>)
      %dma_wait3A_504 = arith.constant 0 : i32
      %dma_wait3A_505 = arith.constant 96 : i32
      %dma_wait3A_506 = arith.constant 0 : i32
      %dma_wait3A_507 = tpu.memref_slice %arg10[%dma_wait3A_505, %dma_wait3A_506] : memref<128x128xf32, #tpu.memory_space<vmem>> -> memref<32x128xf32, #tpu.memory_space<vmem>>
      %dma_wait3A_508 = arith.constant 96 : i32
      %dma_wait3A_509 = tpu.memref_slice %arg6[%dma_wait3A_504, %dma_wait3A_508] : memref<1x128xi32, #tpu.memory_space<vmem>> -> memref<1x32xi32, #tpu.memory_space<vmem>>
      %dma_wait3A_510 = tpu.memref_squeeze %dma_wait3A_509 : memref<1x32xi32, #tpu.memory_space<vmem>> -> memref<32xi32, #tpu.memory_space<vmem>>
      %dma_wait3A_511 = arith.constant 0 : i32
      %dma_wait3A_512 = arith.constant 0 : i32
      %dma_wait3A_513 = tpu.memref_slice %arg2[%dma_wait3A_511, %dma_wait3A_512] : memref<10000x128xf32, #tpu.memory_space<hbm>> -> memref<10000x128xf32, #tpu.memory_space<hbm>>
      tpu.wait_indirect_dma semaphore(%arg13 : memref<!tpu.dma_semaphore, #tpu.memory_space<semaphore_mem>>) src(%dma_wait3A_513 : memref<10000x128xf32, #tpu.memory_space<hbm>>) dst(%dma_wait3A_507 : memref<32x128xf32, #tpu.memory_space<vmem>>)
      %run_scoped3A = arith.constant 0 : i32
      "tpu.region"() ({
        %run_scoped3A_563 = tpu.sem_alloc : memref<!tpu.dma_semaphore, #tpu.memory_space<semaphore_mem>>
        %dma_start3A_564 = arith.constant 0 : i32
        %dma_start3A_565 = tpu.memref_slice %arg8[%run_scoped3A, %dma_start3A_564] : memref<1x128xi32, #tpu.memory_space<vmem>> -> memref<1x128xi32, #tpu.memory_space<vmem>>
        %dma_start3A_566 = tpu.memref_squeeze %dma_start3A_565 : memref<1x128xi32, #tpu.memory_space<vmem>> -> memref<128xi32, #tpu.memory_space<vmem>>
        %dma_start3A_567 = arith.constant 0 : i32
        %dma_start3A_568 = arith.constant 0 : i32
        %dma_start3A_569 = tpu.memref_slice %arg12[%dma_start3A_567, %dma_start3A_568] : memref<10240x128xf32, #tpu.memory_space<vmem_shared>> -> memref<10240x128xf32, #tpu.memory_space<vmem_shared>>
        tpu.enqueue_indirect_dma source(%arg10 : memref<128x128xf32, #tpu.memory_space<vmem>>) target(%dma_start3A_569 : memref<10240x128xf32, #tpu.memory_space<vmem_shared>>) offsets(%dma_start3A_566 : memref<128xi32, #tpu.memory_space<vmem>>) semaphore(%run_scoped3A_563 : memref<!tpu.dma_semaphore, #tpu.memory_space<semaphore_mem>>) {add = true}
        %dma_wait3A_570 = arith.constant 0 : i32
        %dma_wait3A_571 = tpu.memref_slice %arg8[%run_scoped3A, %dma_wait3A_570] : memref<1x128xi32, #tpu.memory_space<vmem>> -> memref<1x128xi32, #tpu.memory_space<vmem>>
        %dma_wait3A_572 = tpu.memref_squeeze %dma_wait3A_571 : memref<1x128xi32, #tpu.memory_space<vmem>> -> memref<128xi32, #tpu.memory_space<vmem>>
        %dma_wait3A_573 = arith.constant 0 : i32
        %dma_wait3A_574 = arith.constant 0 : i32
        %dma_wait3A_575 = tpu.memref_slice %arg12[%dma_wait3A_573, %dma_wait3A_574] : memref<10240x128xf32, #tpu.memory_space<vmem_shared>> -> memref<10240x128xf32, #tpu.memory_space<vmem_shared>>
        tpu.wait_indirect_dma semaphore(%run_scoped3A_563 : memref<!tpu.dma_semaphore, #tpu.memory_space<semaphore_mem>>) src(%arg10 : memref<128x128xf32, #tpu.memory_space<vmem>>) dst(%dma_wait3A_575 : memref<10240x128xf32, #tpu.memory_space<vmem_shared>>)
        tpu.yield
      }) : () -> ()
      %lt3A = arith.constant 39 : i32
      %lt3A_514 = arith.cmpi slt, %scan3A_471, %lt3A : i32
      %convert_element_type3A = arith.extui %lt3A_514 : i1 to i32
      %cond3A = arith.constant 0 : i32
      %cond3A_515 = arith.cmpi ne, %convert_element_type3A, %cond3A : i32
      scf.if %cond3A_515 {
        %add3A_563 = arith.constant 2 : i32
        %add3A_564 = arith.addi %mul3A_474, %add3A_563 : i32
        %get3A_565 = arith.index_cast %add3A_564 : i32 to index
        %get3A_566 = arith.constant 0 : index
        %get3A_567 = tpu.vector_load %arg5[%get3A_565, %get3A_566] {strides = array<i32>} : memref<80x128xi32, #tpu.memory_space<vmem>>, vector<1x16xi32>,
        %get3A_568 = vector.shape_cast %get3A_567 : vector<1x16xi32> to vector<16xi32>
        %shift_right_logical3A_569 = arith.constant 14 : i32
        %shift_right_logical3A_570 = vector.broadcast %shift_right_logical3A_569 : i32 to vector<16xi32>
        %shift_right_logical3A_571 = arith.shrui %get3A_568, %shift_right_logical3A_570 : vector<16xi32>
        %swap3A_572 = arith.constant 0 : i32
        %swap3A_573 = arith.index_cast %swap3A_572 : i32 to index
        %swap3A_574 = arith.constant 0 : index
        %swap3A_575 = tpu.vector_load %arg6[%swap3A_573, %swap3A_574] {strides = array<i32>} : memref<1x128xi32, #tpu.memory_space<vmem>>, vector<1x16xi32>,
        %swap3A_576 = vector.shape_cast %swap3A_575 : vector<1x16xi32> to vector<16xi32>
        %swap3A_577 = vector.shape_cast %shift_right_logical3A_571 : vector<16xi32> to vector<1x16xi32>
        tpu.vector_store %arg6[%swap3A_573, %swap3A_574], %swap3A_577 {strides = array<i32>} : memref<1x128xi32, #tpu.memory_space<vmem>>, vector<1x16xi32>,
        %broadcast_in_dim3A_578 = arith.constant 16383 : i32
        %broadcast_in_dim3A_579 = vector.broadcast %broadcast_in_dim3A_578 : i32 to vector<16xi32>
        %and3A_580 = arith.andi %get3A_568, %broadcast_in_dim3A_579 : vector<16xi32>
        %swap3A_581 = arith.constant 0 : i32
        %swap3A_582 = arith.index_cast %swap3A_581 : i32 to index
        %swap3A_583 = arith.constant 0 : index
        %swap3A_584 = tpu.vector_load %arg8[%swap3A_582, %swap3A_583] {strides = array<i32>} : memref<1x128xi32, #tpu.memory_space<vmem>>, vector<1x16xi32>,
        %swap3A_585 = vector.shape_cast %swap3A_584 : vector<1x16xi32> to vector<16xi32>
        %swap3A_586 = vector.shape_cast %and3A_580 : vector<16xi32> to vector<1x16xi32>
        tpu.vector_store %arg8[%swap3A_582, %swap3A_583], %swap3A_586 {strides = array<i32>} : memref<1x128xi32, #tpu.memory_space<vmem>>, vector<1x16xi32>,
        %get3A_587 = arith.index_cast %add3A_564 : i32 to index
        %get3A_588 = arith.constant 16 : index
        %get3A_589 = tpu.vector_load %arg5[%get3A_587, %get3A_588] {strides = array<i32>} : memref<80x128xi32, #tpu.memory_space<vmem>>, vector<1x16xi32>,
        %get3A_590 = vector.shape_cast %get3A_589 : vector<1x16xi32> to vector<16xi32>
        %shift_right_logical3A_591 = arith.constant 14 : i32
        %shift_right_logical3A_592 = vector.broadcast %shift_right_logical3A_591 : i32 to vector<16xi32>
        %shift_right_logical3A_593 = arith.shrui %get3A_590, %shift_right_logical3A_592 : vector<16xi32>
        %swap3A_594 = arith.constant 0 : i32
        %swap3A_595 = arith.index_cast %swap3A_594 : i32 to index
        %swap3A_596 = arith.constant 16 : index
        %swap3A_597 = tpu.vector_load %arg6[%swap3A_595, %swap3A_596] {strides = array<i32>} : memref<1x128xi32, #tpu.memory_space<vmem>>, vector<1x16xi32>,
        %swap3A_598 = vector.shape_cast %swap3A_597 : vector<1x16xi32> to vector<16xi32>
        %swap3A_599 = vector.shape_cast %shift_right_logical3A_593 : vector<16xi32> to vector<1x16xi32>
        tpu.vector_store %arg6[%swap3A_595, %swap3A_596], %swap3A_599 {strides = array<i32>} : memref<1x128xi32, #tpu.memory_space<vmem>>, vector<1x16xi32>,
        %broadcast_in_dim3A_600 = arith.constant 16383 : i32
        %broadcast_in_dim3A_601 = vector.broadcast %broadcast_in_dim3A_600 : i32 to vector<16xi32>
        %and3A_602 = arith.andi %get3A_590, %broadcast_in_dim3A_601 : vector<16xi32>
        %swap3A_603 = arith.constant 0 : i32
        %swap3A_604 = arith.index_cast %swap3A_603 : i32 to index
        %swap3A_605 = arith.constant 16 : index
        %swap3A_606 = tpu.vector_load %arg8[%swap3A_604, %swap3A_605] {strides = array<i32>} : memref<1x128xi32, #tpu.memory_space<vmem>>, vector<1x16xi32>,
        %swap3A_607 = vector.shape_cast %swap3A_606 : vector<1x16xi32> to vector<16xi32>
        %swap3A_608 = vector.shape_cast %and3A_602 : vector<16xi32> to vector<1x16xi32>
        tpu.vector_store %arg8[%swap3A_604, %swap3A_605], %swap3A_608 {strides = array<i32>} : memref<1x128xi32, #tpu.memory_space<vmem>>, vector<1x16xi32>,
        %get3A_609 = arith.index_cast %add3A_564 : i32 to index
        %get3A_610 = arith.constant 32 : index
        %get3A_611 = tpu.vector_load %arg5[%get3A_609, %get3A_610] {strides = array<i32>} : memref<80x128xi32, #tpu.memory_space<vmem>>, vector<1x16xi32>,
        %get3A_612 = vector.shape_cast %get3A_611 : vector<1x16xi32> to vector<16xi32>
        %shift_right_logical3A_613 = arith.constant 14 : i32
        %shift_right_logical3A_614 = vector.broadcast %shift_right_logical3A_613 : i32 to vector<16xi32>
        %shift_right_logical3A_615 = arith.shrui %get3A_612, %shift_right_logical3A_614 : vector<16xi32>
        %swap3A_616 = arith.constant 0 : i32
        %swap3A_617 = arith.index_cast %swap3A_616 : i32 to index
        %swap3A_618 = arith.constant 32 : index
        %swap3A_619 = tpu.vector_load %arg6[%swap3A_617, %swap3A_618] {strides = array<i32>} : memref<1x128xi32, #tpu.memory_space<vmem>>, vector<1x16xi32>,
        %swap3A_620 = vector.shape_cast %swap3A_619 : vector<1x16xi32> to vector<16xi32>
        %swap3A_621 = vector.shape_cast %shift_right_logical3A_615 : vector<16xi32> to vector<1x16xi32>
        tpu.vector_store %arg6[%swap3A_617, %swap3A_618], %swap3A_621 {strides = array<i32>} : memref<1x128xi32, #tpu.memory_space<vmem>>, vector<1x16xi32>,
        %broadcast_in_dim3A_622 = arith.constant 16383 : i32
        %broadcast_in_dim3A_623 = vector.broadcast %broadcast_in_dim3A_622 : i32 to vector<16xi32>
        %and3A_624 = arith.andi %get3A_612, %broadcast_in_dim3A_623 : vector<16xi32>
        %swap3A_625 = arith.constant 0 : i32
        %swap3A_626 = arith.index_cast %swap3A_625 : i32 to index
        %swap3A_627 = arith.constant 32 : index
        %swap3A_628 = tpu.vector_load %arg8[%swap3A_626, %swap3A_627] {strides = array<i32>} : memref<1x128xi32, #tpu.memory_space<vmem>>, vector<1x16xi32>,
        %swap3A_629 = vector.shape_cast %swap3A_628 : vector<1x16xi32> to vector<16xi32>
        %swap3A_630 = vector.shape_cast %and3A_624 : vector<16xi32> to vector<1x16xi32>
        tpu.vector_store %arg8[%swap3A_626, %swap3A_627], %swap3A_630 {strides = array<i32>} : memref<1x128xi32, #tpu.memory_space<vmem>>, vector<1x16xi32>,
        %get3A_631 = arith.index_cast %add3A_564 : i32 to index
        %get3A_632 = arith.constant 48 : index
        %get3A_633 = tpu.vector_load %arg5[%get3A_631, %get3A_632] {strides = array<i32>} : memref<80x128xi32, #tpu.memory_space<vmem>>, vector<1x16xi32>,
        %get3A_634 = vector.shape_cast %get3A_633 : vector<1x16xi32> to vector<16xi32>
        %shift_right_logical3A_635 = arith.constant 14 : i32
        %shift_right_logical3A_636 = vector.broadcast %shift_right_logical3A_635 : i32 to vector<16xi32>
        %shift_right_logical3A_637 = arith.shrui %get3A_634, %shift_right_logical3A_636 : vector<16xi32>
        %swap3A_638 = arith.constant 0 : i32
        %swap3A_639 = arith.index_cast %swap3A_638 : i32 to index
        %swap3A_640 = arith.constant 48 : index
        %swap3A_641 = tpu.vector_load %arg6[%swap3A_639, %swap3A_640] {strides = array<i32>} : memref<1x128xi32, #tpu.memory_space<vmem>>, vector<1x16xi32>,
        %swap3A_642 = vector.shape_cast %swap3A_641 : vector<1x16xi32> to vector<16xi32>
        %swap3A_643 = vector.shape_cast %shift_right_logical3A_637 : vector<16xi32> to vector<1x16xi32>
        tpu.vector_store %arg6[%swap3A_639, %swap3A_640], %swap3A_643 {strides = array<i32>} : memref<1x128xi32, #tpu.memory_space<vmem>>, vector<1x16xi32>,
        %broadcast_in_dim3A_644 = arith.constant 16383 : i32
        %broadcast_in_dim3A_645 = vector.broadcast %broadcast_in_dim3A_644 : i32 to vector<16xi32>
        %and3A_646 = arith.andi %get3A_634, %broadcast_in_dim3A_645 : vector<16xi32>
        %swap3A_647 = arith.constant 0 : i32
        %swap3A_648 = arith.index_cast %swap3A_647 : i32 to index
        %swap3A_649 = arith.constant 48 : index
        %swap3A_650 = tpu.vector_load %arg8[%swap3A_648, %swap3A_649] {strides = array<i32>} : memref<1x128xi32, #tpu.memory_space<vmem>>, vector<1x16xi32>,
        %swap3A_651 = vector.shape_cast %swap3A_650 : vector<1x16xi32> to vector<16xi32>
        %swap3A_652 = vector.shape_cast %and3A_646 : vector<16xi32> to vector<1x16xi32>
        tpu.vector_store %arg8[%swap3A_648, %swap3A_649], %swap3A_652 {strides = array<i32>} : memref<1x128xi32, #tpu.memory_space<vmem>>, vector<1x16xi32>,
        %get3A_653 = arith.index_cast %add3A_564 : i32 to index
        %get3A_654 = arith.constant 64 : index
        %get3A_655 = tpu.vector_load %arg5[%get3A_653, %get3A_654] {strides = array<i32>} : memref<80x128xi32, #tpu.memory_space<vmem>>, vector<1x16xi32>,
        %get3A_656 = vector.shape_cast %get3A_655 : vector<1x16xi32> to vector<16xi32>
        %shift_right_logical3A_657 = arith.constant 14 : i32
        %shift_right_logical3A_658 = vector.broadcast %shift_right_logical3A_657 : i32 to vector<16xi32>
        %shift_right_logical3A_659 = arith.shrui %get3A_656, %shift_right_logical3A_658 : vector<16xi32>
        %swap3A_660 = arith.constant 0 : i32
        %swap3A_661 = arith.index_cast %swap3A_660 : i32 to index
        %swap3A_662 = arith.constant 64 : index
        %swap3A_663 = tpu.vector_load %arg6[%swap3A_661, %swap3A_662] {strides = array<i32>} : memref<1x128xi32, #tpu.memory_space<vmem>>, vector<1x16xi32>,
        %swap3A_664 = vector.shape_cast %swap3A_663 : vector<1x16xi32> to vector<16xi32>
        %swap3A_665 = vector.shape_cast %shift_right_logical3A_659 : vector<16xi32> to vector<1x16xi32>
        tpu.vector_store %arg6[%swap3A_661, %swap3A_662], %swap3A_665 {strides = array<i32>} : memref<1x128xi32, #tpu.memory_space<vmem>>, vector<1x16xi32>,
        %broadcast_in_dim3A_666 = arith.constant 16383 : i32
        %broadcast_in_dim3A_667 = vector.broadcast %broadcast_in_dim3A_666 : i32 to vector<16xi32>
        %and3A_668 = arith.andi %get3A_656, %broadcast_in_dim3A_667 : vector<16xi32>
        %swap3A_669 = arith.constant 0 : i32
        %swap3A_670 = arith.index_cast %swap3A_669 : i32 to index
        %swap3A_671 = arith.constant 64 : index
        %swap3A_672 = tpu.vector_load %arg8[%swap3A_670, %swap3A_671] {strides = array<i32>} : memref<1x128xi32, #tpu.memory_space<vmem>>, vector<1x16xi32>,
        %swap3A_673 = vector.shape_cast %swap3A_672 : vector<1x16xi32> to vector<16xi32>
        %swap3A_674 = vector.shape_cast %and3A_668 : vector<16xi32> to vector<1x16xi32>
        tpu.vector_store %arg8[%swap3A_670, %swap3A_671], %swap3A_674 {strides = array<i32>} : memref<1x128xi32, #tpu.memory_space<vmem>>, vector<1x16xi32>,
        %get3A_675 = arith.index_cast %add3A_564 : i32 to index
        %get3A_676 = arith.constant 80 : index
        %get3A_677 = tpu.vector_load %arg5[%get3A_675, %get3A_676] {strides = array<i32>} : memref<80x128xi32, #tpu.memory_space<vmem>>, vector<1x16xi32>,
        %get3A_678 = vector.shape_cast %get3A_677 : vector<1x16xi32> to vector<16xi32>
        %shift_right_logical3A_679 = arith.constant 14 : i32
        %shift_right_logical3A_680 = vector.broadcast %shift_right_logical3A_679 : i32 to vector<16xi32>
        %shift_right_logical3A_681 = arith.shrui %get3A_678, %shift_right_logical3A_680 : vector<16xi32>
        %swap3A_682 = arith.constant 0 : i32
        %swap3A_683 = arith.index_cast %swap3A_682 : i32 to index
        %swap3A_684 = arith.constant 80 : index
        %swap3A_685 = tpu.vector_load %arg6[%swap3A_683, %swap3A_684] {strides = array<i32>} : memref<1x128xi32, #tpu.memory_space<vmem>>, vector<1x16xi32>,
        %swap3A_686 = vector.shape_cast %swap3A_685 : vector<1x16xi32> to vector<16xi32>
        %swap3A_687 = vector.shape_cast %shift_right_logical3A_681 : vector<16xi32> to vector<1x16xi32>
        tpu.vector_store %arg6[%swap3A_683, %swap3A_684], %swap3A_687 {strides = array<i32>} : memref<1x128xi32, #tpu.memory_space<vmem>>, vector<1x16xi32>,
        %broadcast_in_dim3A_688 = arith.constant 16383 : i32
        %broadcast_in_dim3A_689 = vector.broadcast %broadcast_in_dim3A_688 : i32 to vector<16xi32>
        %and3A_690 = arith.andi %get3A_678, %broadcast_in_dim3A_689 : vector<16xi32>
        %swap3A_691 = arith.constant 0 : i32
        %swap3A_692 = arith.index_cast %swap3A_691 : i32 to index
        %swap3A_693 = arith.constant 80 : index
        %swap3A_694 = tpu.vector_load %arg8[%swap3A_692, %swap3A_693] {strides = array<i32>} : memref<1x128xi32, #tpu.memory_space<vmem>>, vector<1x16xi32>,
        %swap3A_695 = vector.shape_cast %swap3A_694 : vector<1x16xi32> to vector<16xi32>
        %swap3A_696 = vector.shape_cast %and3A_690 : vector<16xi32> to vector<1x16xi32>
        tpu.vector_store %arg8[%swap3A_692, %swap3A_693], %swap3A_696 {strides = array<i32>} : memref<1x128xi32, #tpu.memory_space<vmem>>, vector<1x16xi32>,
        %get3A_697 = arith.index_cast %add3A_564 : i32 to index
        %get3A_698 = arith.constant 96 : index
        %get3A_699 = tpu.vector_load %arg5[%get3A_697, %get3A_698] {strides = array<i32>} : memref<80x128xi32, #tpu.memory_space<vmem>>, vector<1x16xi32>,
        %get3A_700 = vector.shape_cast %get3A_699 : vector<1x16xi32> to vector<16xi32>
        %shift_right_logical3A_701 = arith.constant 14 : i32
        %shift_right_logical3A_702 = vector.broadcast %shift_right_logical3A_701 : i32 to vector<16xi32>
        %shift_right_logical3A_703 = arith.shrui %get3A_700, %shift_right_logical3A_702 : vector<16xi32>
        %swap3A_704 = arith.constant 0 : i32
        %swap3A_705 = arith.index_cast %swap3A_704 : i32 to index
        %swap3A_706 = arith.constant 96 : index
        %swap3A_707 = tpu.vector_load %arg6[%swap3A_705, %swap3A_706] {strides = array<i32>} : memref<1x128xi32, #tpu.memory_space<vmem>>, vector<1x16xi32>,
        %swap3A_708 = vector.shape_cast %swap3A_707 : vector<1x16xi32> to vector<16xi32>
        %swap3A_709 = vector.shape_cast %shift_right_logical3A_703 : vector<16xi32> to vector<1x16xi32>
        tpu.vector_store %arg6[%swap3A_705, %swap3A_706], %swap3A_709 {strides = array<i32>} : memref<1x128xi32, #tpu.memory_space<vmem>>, vector<1x16xi32>,
        %broadcast_in_dim3A_710 = arith.constant 16383 : i32
        %broadcast_in_dim3A_711 = vector.broadcast %broadcast_in_dim3A_710 : i32 to vector<16xi32>
        %and3A_712 = arith.andi %get3A_700, %broadcast_in_dim3A_711 : vector<16xi32>
        %swap3A_713 = arith.constant 0 : i32
        %swap3A_714 = arith.index_cast %swap3A_713 : i32 to index
        %swap3A_715 = arith.constant 96 : index
        %swap3A_716 = tpu.vector_load %arg8[%swap3A_714, %swap3A_715] {strides = array<i32>} : memref<1x128xi32, #tpu.memory_space<vmem>>, vector<1x16xi32>,
        %swap3A_717 = vector.shape_cast %swap3A_716 : vector<1x16xi32> to vector<16xi32>
        %swap3A_718 = vector.shape_cast %and3A_712 : vector<16xi32> to vector<1x16xi32>
        tpu.vector_store %arg8[%swap3A_714, %swap3A_715], %swap3A_718 {strides = array<i32>} : memref<1x128xi32, #tpu.memory_space<vmem>>, vector<1x16xi32>,
        %get3A_719 = arith.index_cast %add3A_564 : i32 to index
        %get3A_720 = arith.constant 112 : index
        %get3A_721 = tpu.vector_load %arg5[%get3A_719, %get3A_720] {strides = array<i32>} : memref<80x128xi32, #tpu.memory_space<vmem>>, vector<1x16xi32>,
        %get3A_722 = vector.shape_cast %get3A_721 : vector<1x16xi32> to vector<16xi32>
        %shift_right_logical3A_723 = arith.constant 14 : i32
        %shift_right_logical3A_724 = vector.broadcast %shift_right_logical3A_723 : i32 to vector<16xi32>
        %shift_right_logical3A_725 = arith.shrui %get3A_722, %shift_right_logical3A_724 : vector<16xi32>
        %swap3A_726 = arith.constant 0 : i32
        %swap3A_727 = arith.index_cast %swap3A_726 : i32 to index
        %swap3A_728 = arith.constant 112 : index
        %swap3A_729 = tpu.vector_load %arg6[%swap3A_727, %swap3A_728] {strides = array<i32>} : memref<1x128xi32, #tpu.memory_space<vmem>>, vector<1x16xi32>,
        %swap3A_730 = vector.shape_cast %swap3A_729 : vector<1x16xi32> to vector<16xi32>
        %swap3A_731 = vector.shape_cast %shift_right_logical3A_725 : vector<16xi32> to vector<1x16xi32>
        tpu.vector_store %arg6[%swap3A_727, %swap3A_728], %swap3A_731 {strides = array<i32>} : memref<1x128xi32, #tpu.memory_space<vmem>>, vector<1x16xi32>,
        %broadcast_in_dim3A_732 = arith.constant 16383 : i32
        %broadcast_in_dim3A_733 = vector.broadcast %broadcast_in_dim3A_732 : i32 to vector<16xi32>
        %and3A_734 = arith.andi %get3A_722, %broadcast_in_dim3A_733 : vector<16xi32>
        %swap3A_735 = arith.constant 0 : i32
        %swap3A_736 = arith.index_cast %swap3A_735 : i32 to index
        %swap3A_737 = arith.constant 112 : index
        %swap3A_738 = tpu.vector_load %arg8[%swap3A_736, %swap3A_737] {strides = array<i32>} : memref<1x128xi32, #tpu.memory_space<vmem>>, vector<1x16xi32>,
        %swap3A_739 = vector.shape_cast %swap3A_738 : vector<1x16xi32> to vector<16xi32>
        %swap3A_740 = vector.shape_cast %and3A_734 : vector<16xi32> to vector<1x16xi32>
        tpu.vector_store %arg8[%swap3A_736, %swap3A_737], %swap3A_740 {strides = array<i32>} : memref<1x128xi32, #tpu.memory_space<vmem>>, vector<1x16xi32>,
        %dma_start3A_741 = arith.constant 0 : i32
        %dma_start3A_742 = arith.constant 0 : i32
        %dma_start3A_743 = arith.constant 0 : i32
        %dma_start3A_744 = tpu.memref_slice %arg10[%dma_start3A_742, %dma_start3A_743] : memref<128x128xf32, #tpu.memory_space<vmem>> -> memref<32x128xf32, #tpu.memory_space<vmem>>
        %dma_start3A_745 = arith.constant 0 : i32
        %dma_start3A_746 = tpu.memref_slice %arg6[%dma_start3A_741, %dma_start3A_745] : memref<1x128xi32, #tpu.memory_space<vmem>> -> memref<1x32xi32, #tpu.memory_space<vmem>>
        %dma_start3A_747 = tpu.memref_squeeze %dma_start3A_746 : memref<1x32xi32, #tpu.memory_space<vmem>> -> memref<32xi32, #tpu.memory_space<vmem>>
        %dma_start3A_748 = arith.constant 0 : i32
        %dma_start3A_749 = arith.constant 0 : i32
        %dma_start3A_750 = tpu.memref_slice %arg2[%dma_start3A_748, %dma_start3A_749] : memref<10000x128xf32, #tpu.memory_space<hbm>> -> memref<10000x128xf32, #tpu.memory_space<hbm>>
        tpu.enqueue_indirect_dma source(%dma_start3A_750 : memref<10000x128xf32, #tpu.memory_space<hbm>>) target(%dma_start3A_744 : memref<32x128xf32, #tpu.memory_space<vmem>>) offsets(%dma_start3A_747 : memref<32xi32, #tpu.memory_space<vmem>>) semaphore(%arg13 : memref<!tpu.dma_semaphore, #tpu.memory_space<semaphore_mem>>)
        %dma_start3A_751 = arith.constant 0 : i32
        %dma_start3A_752 = arith.constant 32 : i32
        %dma_start3A_753 = arith.constant 0 : i32
        %dma_start3A_754 = tpu.memref_slice %arg10[%dma_start3A_752, %dma_start3A_753] : memref<128x128xf32, #tpu.memory_space<vmem>> -> memref<32x128xf32, #tpu.memory_space<vmem>>
        %dma_start3A_755 = arith.constant 32 : i32
        %dma_start3A_756 = tpu.memref_slice %arg6[%dma_start3A_751, %dma_start3A_755] : memref<1x128xi32, #tpu.memory_space<vmem>> -> memref<1x32xi32, #tpu.memory_space<vmem>>
        %dma_start3A_757 = tpu.memref_squeeze %dma_start3A_756 : memref<1x32xi32, #tpu.memory_space<vmem>> -> memref<32xi32, #tpu.memory_space<vmem>>
        %dma_start3A_758 = arith.constant 0 : i32
        %dma_start3A_759 = arith.constant 0 : i32
        %dma_start3A_760 = tpu.memref_slice %arg2[%dma_start3A_758, %dma_start3A_759] : memref<10000x128xf32, #tpu.memory_space<hbm>> -> memref<10000x128xf32, #tpu.memory_space<hbm>>
        tpu.enqueue_indirect_dma source(%dma_start3A_760 : memref<10000x128xf32, #tpu.memory_space<hbm>>) target(%dma_start3A_754 : memref<32x128xf32, #tpu.memory_space<vmem>>) offsets(%dma_start3A_757 : memref<32xi32, #tpu.memory_space<vmem>>) semaphore(%arg13 : memref<!tpu.dma_semaphore, #tpu.memory_space<semaphore_mem>>)
        %dma_start3A_761 = arith.constant 0 : i32
        %dma_start3A_762 = arith.constant 64 : i32
        %dma_start3A_763 = arith.constant 0 : i32
        %dma_start3A_764 = tpu.memref_slice %arg10[%dma_start3A_762, %dma_start3A_763] : memref<128x128xf32, #tpu.memory_space<vmem>> -> memref<32x128xf32, #tpu.memory_space<vmem>>
        %dma_start3A_765 = arith.constant 64 : i32
        %dma_start3A_766 = tpu.memref_slice %arg6[%dma_start3A_761, %dma_start3A_765] : memref<1x128xi32, #tpu.memory_space<vmem>> -> memref<1x32xi32, #tpu.memory_space<vmem>>
        %dma_start3A_767 = tpu.memref_squeeze %dma_start3A_766 : memref<1x32xi32, #tpu.memory_space<vmem>> -> memref<32xi32, #tpu.memory_space<vmem>>
        %dma_start3A_768 = arith.constant 0 : i32
        %dma_start3A_769 = arith.constant 0 : i32
        %dma_start3A_770 = tpu.memref_slice %arg2[%dma_start3A_768, %dma_start3A_769] : memref<10000x128xf32, #tpu.memory_space<hbm>> -> memref<10000x128xf32, #tpu.memory_space<hbm>>
        tpu.enqueue_indirect_dma source(%dma_start3A_770 : memref<10000x128xf32, #tpu.memory_space<hbm>>) target(%dma_start3A_764 : memref<32x128xf32, #tpu.memory_space<vmem>>) offsets(%dma_start3A_767 : memref<32xi32, #tpu.memory_space<vmem>>) semaphore(%arg13 : memref<!tpu.dma_semaphore, #tpu.memory_space<semaphore_mem>>)
        %dma_start3A_771 = arith.constant 0 : i32
        %dma_start3A_772 = arith.constant 96 : i32
        %dma_start3A_773 = arith.constant 0 : i32
        %dma_start3A_774 = tpu.memref_slice %arg10[%dma_start3A_772, %dma_start3A_773] : memref<128x128xf32, #tpu.memory_space<vmem>> -> memref<32x128xf32, #tpu.memory_space<vmem>>
        %dma_start3A_775 = arith.constant 96 : i32
        %dma_start3A_776 = tpu.memref_slice %arg6[%dma_start3A_771, %dma_start3A_775] : memref<1x128xi32, #tpu.memory_space<vmem>> -> memref<1x32xi32, #tpu.memory_space<vmem>>
        %dma_start3A_777 = tpu.memref_squeeze %dma_start3A_776 : memref<1x32xi32, #tpu.memory_space<vmem>> -> memref<32xi32, #tpu.memory_space<vmem>>
        %dma_start3A_778 = arith.constant 0 : i32
        %dma_start3A_779 = arith.constant 0 : i32
        %dma_start3A_780 = tpu.memref_slice %arg2[%dma_start3A_778, %dma_start3A_779] : memref<10000x128xf32, #tpu.memory_space<hbm>> -> memref<10000x128xf32, #tpu.memory_space<hbm>>
        tpu.enqueue_indirect_dma source(%dma_start3A_780 : memref<10000x128xf32, #tpu.memory_space<hbm>>) target(%dma_start3A_774 : memref<32x128xf32, #tpu.memory_space<vmem>>) offsets(%dma_start3A_777 : memref<32xi32, #tpu.memory_space<vmem>>) semaphore(%arg13 : memref<!tpu.dma_semaphore, #tpu.memory_space<semaphore_mem>>)
      } else {
      }
      %dma_wait3A_516 = arith.constant 0 : i32
      %dma_wait3A_517 = arith.constant 0 : i32
      %dma_wait3A_518 = arith.constant 0 : i32
      %dma_wait3A_519 = tpu.memref_slice %arg11[%dma_wait3A_517, %dma_wait3A_518] : memref<128x128xf32, #tpu.memory_space<vmem>> -> memref<32x128xf32, #tpu.memory_space<vmem>>
      %dma_wait3A_520 = arith.constant 0 : i32
      %dma_wait3A_521 = tpu.memref_slice %arg7[%dma_wait3A_516, %dma_wait3A_520] : memref<1x128xi32, #tpu.memory_space<vmem>> -> memref<1x32xi32, #tpu.memory_space<vmem>>
      %dma_wait3A_522 = tpu.memref_squeeze %dma_wait3A_521 : memref<1x32xi32, #tpu.memory_space<vmem>> -> memref<32xi32, #tpu.memory_space<vmem>>
      %dma_wait3A_523 = arith.constant 0 : i32
      %dma_wait3A_524 = arith.constant 0 : i32
      %dma_wait3A_525 = tpu.memref_slice %arg2[%dma_wait3A_523, %dma_wait3A_524] : memref<10000x128xf32, #tpu.memory_space<hbm>> -> memref<10000x128xf32, #tpu.memory_space<hbm>>
      tpu.wait_indirect_dma semaphore(%arg14 : memref<!tpu.dma_semaphore, #tpu.memory_space<semaphore_mem>>) src(%dma_wait3A_525 : memref<10000x128xf32, #tpu.memory_space<hbm>>) dst(%dma_wait3A_519 : memref<32x128xf32, #tpu.memory_space<vmem>>)
      %dma_wait3A_526 = arith.constant 0 : i32
      %dma_wait3A_527 = arith.constant 32 : i32
      %dma_wait3A_528 = arith.constant 0 : i32
      %dma_wait3A_529 = tpu.memref_slice %arg11[%dma_wait3A_527, %dma_wait3A_528] : memref<128x128xf32, #tpu.memory_space<vmem>> -> memref<32x128xf32, #tpu.memory_space<vmem>>
      %dma_wait3A_530 = arith.constant 32 : i32
      %dma_wait3A_531 = tpu.memref_slice %arg7[%dma_wait3A_526, %dma_wait3A_530] : memref<1x128xi32, #tpu.memory_space<vmem>> -> memref<1x32xi32, #tpu.memory_space<vmem>>
      %dma_wait3A_532 = tpu.memref_squeeze %dma_wait3A_531 : memref<1x32xi32, #tpu.memory_space<vmem>> -> memref<32xi32, #tpu.memory_space<vmem>>
      %dma_wait3A_533 = arith.constant 0 : i32
      %dma_wait3A_534 = arith.constant 0 : i32
      %dma_wait3A_535 = tpu.memref_slice %arg2[%dma_wait3A_533, %dma_wait3A_534] : memref<10000x128xf32, #tpu.memory_space<hbm>> -> memref<10000x128xf32, #tpu.memory_space<hbm>>
      tpu.wait_indirect_dma semaphore(%arg14 : memref<!tpu.dma_semaphore, #tpu.memory_space<semaphore_mem>>) src(%dma_wait3A_535 : memref<10000x128xf32, #tpu.memory_space<hbm>>) dst(%dma_wait3A_529 : memref<32x128xf32, #tpu.memory_space<vmem>>)
      %dma_wait3A_536 = arith.constant 0 : i32
      %dma_wait3A_537 = arith.constant 64 : i32
      %dma_wait3A_538 = arith.constant 0 : i32
      %dma_wait3A_539 = tpu.memref_slice %arg11[%dma_wait3A_537, %dma_wait3A_538] : memref<128x128xf32, #tpu.memory_space<vmem>> -> memref<32x128xf32, #tpu.memory_space<vmem>>
      %dma_wait3A_540 = arith.constant 64 : i32
      %dma_wait3A_541 = tpu.memref_slice %arg7[%dma_wait3A_536, %dma_wait3A_540] : memref<1x128xi32, #tpu.memory_space<vmem>> -> memref<1x32xi32, #tpu.memory_space<vmem>>
      %dma_wait3A_542 = tpu.memref_squeeze %dma_wait3A_541 : memref<1x32xi32, #tpu.memory_space<vmem>> -> memref<32xi32, #tpu.memory_space<vmem>>
      %dma_wait3A_543 = arith.constant 0 : i32
      %dma_wait3A_544 = arith.constant 0 : i32
      %dma_wait3A_545 = tpu.memref_slice %arg2[%dma_wait3A_543, %dma_wait3A_544] : memref<10000x128xf32, #tpu.memory_space<hbm>> -> memref<10000x128xf32, #tpu.memory_space<hbm>>
      tpu.wait_indirect_dma semaphore(%arg14 : memref<!tpu.dma_semaphore, #tpu.memory_space<semaphore_mem>>) src(%dma_wait3A_545 : memref<10000x128xf32, #tpu.memory_space<hbm>>) dst(%dma_wait3A_539 : memref<32x128xf32, #tpu.memory_space<vmem>>)
      %dma_wait3A_546 = arith.constant 0 : i32
      %dma_wait3A_547 = arith.constant 96 : i32
      %dma_wait3A_548 = arith.constant 0 : i32
      %dma_wait3A_549 = tpu.memref_slice %arg11[%dma_wait3A_547, %dma_wait3A_548] : memref<128x128xf32, #tpu.memory_space<vmem>> -> memref<32x128xf32, #tpu.memory_space<vmem>>
      %dma_wait3A_550 = arith.constant 96 : i32
      %dma_wait3A_551 = tpu.memref_slice %arg7[%dma_wait3A_546, %dma_wait3A_550] : memref<1x128xi32, #tpu.memory_space<vmem>> -> memref<1x32xi32, #tpu.memory_space<vmem>>
      %dma_wait3A_552 = tpu.memref_squeeze %dma_wait3A_551 : memref<1x32xi32, #tpu.memory_space<vmem>> -> memref<32xi32, #tpu.memory_space<vmem>>
      %dma_wait3A_553 = arith.constant 0 : i32
      %dma_wait3A_554 = arith.constant 0 : i32
      %dma_wait3A_555 = tpu.memref_slice %arg2[%dma_wait3A_553, %dma_wait3A_554] : memref<10000x128xf32, #tpu.memory_space<hbm>> -> memref<10000x128xf32, #tpu.memory_space<hbm>>
      tpu.wait_indirect_dma semaphore(%arg14 : memref<!tpu.dma_semaphore, #tpu.memory_space<semaphore_mem>>) src(%dma_wait3A_555 : memref<10000x128xf32, #tpu.memory_space<hbm>>) dst(%dma_wait3A_549 : memref<32x128xf32, #tpu.memory_space<vmem>>)
      %run_scoped3A_556 = arith.constant 0 : i32
      "tpu.region"() ({
        %run_scoped3A_563 = tpu.sem_alloc : memref<!tpu.dma_semaphore, #tpu.memory_space<semaphore_mem>>
        %dma_start3A_564 = arith.constant 0 : i32
        %dma_start3A_565 = tpu.memref_slice %arg9[%run_scoped3A_556, %dma_start3A_564] : memref<1x128xi32, #tpu.memory_space<vmem>> -> memref<1x128xi32, #tpu.memory_space<vmem>>
        %dma_start3A_566 = tpu.memref_squeeze %dma_start3A_565 : memref<1x128xi32, #tpu.memory_space<vmem>> -> memref<128xi32, #tpu.memory_space<vmem>>
        %dma_start3A_567 = arith.constant 0 : i32
        %dma_start3A_568 = arith.constant 0 : i32
        %dma_start3A_569 = tpu.memref_slice %arg12[%dma_start3A_567, %dma_start3A_568] : memref<10240x128xf32, #tpu.memory_space<vmem_shared>> -> memref<10240x128xf32, #tpu.memory_space<vmem_shared>>
        tpu.enqueue_indirect_dma source(%arg11 : memref<128x128xf32, #tpu.memory_space<vmem>>) target(%dma_start3A_569 : memref<10240x128xf32, #tpu.memory_space<vmem_shared>>) offsets(%dma_start3A_566 : memref<128xi32, #tpu.memory_space<vmem>>) semaphore(%run_scoped3A_563 : memref<!tpu.dma_semaphore, #tpu.memory_space<semaphore_mem>>) {add = true}
        %dma_wait3A_570 = arith.constant 0 : i32
        %dma_wait3A_571 = tpu.memref_slice %arg9[%run_scoped3A_556, %dma_wait3A_570] : memref<1x128xi32, #tpu.memory_space<vmem>> -> memref<1x128xi32, #tpu.memory_space<vmem>>
        %dma_wait3A_572 = tpu.memref_squeeze %dma_wait3A_571 : memref<1x128xi32, #tpu.memory_space<vmem>> -> memref<128xi32, #tpu.memory_space<vmem>>
        %dma_wait3A_573 = arith.constant 0 : i32
        %dma_wait3A_574 = arith.constant 0 : i32
        %dma_wait3A_575 = tpu.memref_slice %arg12[%dma_wait3A_573, %dma_wait3A_574] : memref<10240x128xf32, #tpu.memory_space<vmem_shared>> -> memref<10240x128xf32, #tpu.memory_space<vmem_shared>>
        tpu.wait_indirect_dma semaphore(%run_scoped3A_563 : memref<!tpu.dma_semaphore, #tpu.memory_space<semaphore_mem>>) src(%arg11 : memref<128x128xf32, #tpu.memory_space<vmem>>) dst(%dma_wait3A_575 : memref<10240x128xf32, #tpu.memory_space<vmem_shared>>)
        tpu.yield
      }) : () -> ()
      %lt3A_557 = arith.constant 39 : i32
      %lt3A_558 = arith.cmpi slt, %scan3A_471, %lt3A_557 : i32
      %convert_element_type3A_559 = arith.extui %lt3A_558 : i1 to i32
      %cond3A_560 = arith.constant 0 : i32
      %cond3A_561 = arith.cmpi ne, %convert_element_type3A_559, %cond3A_560 : i32
      scf.if %cond3A_561 {
        %add3A_563 = arith.constant 3 : i32
        %add3A_564 = arith.addi %mul3A_474, %add3A_563 : i32
        %get3A_565 = arith.index_cast %add3A_564 : i32 to index
        %get3A_566 = arith.constant 0 : index
        %get3A_567 = tpu.vector_load %arg5[%get3A_565, %get3A_566] {strides = array<i32>} : memref<80x128xi32, #tpu.memory_space<vmem>>, vector<1x16xi32>,
        %get3A_568 = vector.shape_cast %get3A_567 : vector<1x16xi32> to vector<16xi32>
        %shift_right_logical3A_569 = arith.constant 14 : i32
        %shift_right_logical3A_570 = vector.broadcast %shift_right_logical3A_569 : i32 to vector<16xi32>
        %shift_right_logical3A_571 = arith.shrui %get3A_568, %shift_right_logical3A_570 : vector<16xi32>
        %swap3A_572 = arith.constant 0 : i32
        %swap3A_573 = arith.index_cast %swap3A_572 : i32 to index
        %swap3A_574 = arith.constant 0 : index
        %swap3A_575 = tpu.vector_load %arg7[%swap3A_573, %swap3A_574] {strides = array<i32>} : memref<1x128xi32, #tpu.memory_space<vmem>>, vector<1x16xi32>,
        %swap3A_576 = vector.shape_cast %swap3A_575 : vector<1x16xi32> to vector<16xi32>
        %swap3A_577 = vector.shape_cast %shift_right_logical3A_571 : vector<16xi32> to vector<1x16xi32>
        tpu.vector_store %arg7[%swap3A_573, %swap3A_574], %swap3A_577 {strides = array<i32>} : memref<1x128xi32, #tpu.memory_space<vmem>>, vector<1x16xi32>,
        %broadcast_in_dim3A_578 = arith.constant 16383 : i32
        %broadcast_in_dim3A_579 = vector.broadcast %broadcast_in_dim3A_578 : i32 to vector<16xi32>
        %and3A_580 = arith.andi %get3A_568, %broadcast_in_dim3A_579 : vector<16xi32>
        %swap3A_581 = arith.constant 0 : i32
        %swap3A_582 = arith.index_cast %swap3A_581 : i32 to index
        %swap3A_583 = arith.constant 0 : index
        %swap3A_584 = tpu.vector_load %arg9[%swap3A_582, %swap3A_583] {strides = array<i32>} : memref<1x128xi32, #tpu.memory_space<vmem>>, vector<1x16xi32>,
        %swap3A_585 = vector.shape_cast %swap3A_584 : vector<1x16xi32> to vector<16xi32>
        %swap3A_586 = vector.shape_cast %and3A_580 : vector<16xi32> to vector<1x16xi32>
        tpu.vector_store %arg9[%swap3A_582, %swap3A_583], %swap3A_586 {strides = array<i32>} : memref<1x128xi32, #tpu.memory_space<vmem>>, vector<1x16xi32>,
        %get3A_587 = arith.index_cast %add3A_564 : i32 to index
        %get3A_588 = arith.constant 16 : index
        %get3A_589 = tpu.vector_load %arg5[%get3A_587, %get3A_588] {strides = array<i32>} : memref<80x128xi32, #tpu.memory_space<vmem>>, vector<1x16xi32>,
        %get3A_590 = vector.shape_cast %get3A_589 : vector<1x16xi32> to vector<16xi32>
        %shift_right_logical3A_591 = arith.constant 14 : i32
        %shift_right_logical3A_592 = vector.broadcast %shift_right_logical3A_591 : i32 to vector<16xi32>
        %shift_right_logical3A_593 = arith.shrui %get3A_590, %shift_right_logical3A_592 : vector<16xi32>
        %swap3A_594 = arith.constant 0 : i32
        %swap3A_595 = arith.index_cast %swap3A_594 : i32 to index
        %swap3A_596 = arith.constant 16 : index
        %swap3A_597 = tpu.vector_load %arg7[%swap3A_595, %swap3A_596] {strides = array<i32>} : memref<1x128xi32, #tpu.memory_space<vmem>>, vector<1x16xi32>,
        %swap3A_598 = vector.shape_cast %swap3A_597 : vector<1x16xi32> to vector<16xi32>
        %swap3A_599 = vector.shape_cast %shift_right_logical3A_593 : vector<16xi32> to vector<1x16xi32>
        tpu.vector_store %arg7[%swap3A_595, %swap3A_596], %swap3A_599 {strides = array<i32>} : memref<1x128xi32, #tpu.memory_space<vmem>>, vector<1x16xi32>,
        %broadcast_in_dim3A_600 = arith.constant 16383 : i32
        %broadcast_in_dim3A_601 = vector.broadcast %broadcast_in_dim3A_600 : i32 to vector<16xi32>
        %and3A_602 = arith.andi %get3A_590, %broadcast_in_dim3A_601 : vector<16xi32>
        %swap3A_603 = arith.constant 0 : i32
        %swap3A_604 = arith.index_cast %swap3A_603 : i32 to index
        %swap3A_605 = arith.constant 16 : index
        %swap3A_606 = tpu.vector_load %arg9[%swap3A_604, %swap3A_605] {strides = array<i32>} : memref<1x128xi32, #tpu.memory_space<vmem>>, vector<1x16xi32>,
        %swap3A_607 = vector.shape_cast %swap3A_606 : vector<1x16xi32> to vector<16xi32>
        %swap3A_608 = vector.shape_cast %and3A_602 : vector<16xi32> to vector<1x16xi32>
        tpu.vector_store %arg9[%swap3A_604, %swap3A_605], %swap3A_608 {strides = array<i32>} : memref<1x128xi32, #tpu.memory_space<vmem>>, vector<1x16xi32>,
        %get3A_609 = arith.index_cast %add3A_564 : i32 to index
        %get3A_610 = arith.constant 32 : index
        %get3A_611 = tpu.vector_load %arg5[%get3A_609, %get3A_610] {strides = array<i32>} : memref<80x128xi32, #tpu.memory_space<vmem>>, vector<1x16xi32>,
        %get3A_612 = vector.shape_cast %get3A_611 : vector<1x16xi32> to vector<16xi32>
        %shift_right_logical3A_613 = arith.constant 14 : i32
        %shift_right_logical3A_614 = vector.broadcast %shift_right_logical3A_613 : i32 to vector<16xi32>
        %shift_right_logical3A_615 = arith.shrui %get3A_612, %shift_right_logical3A_614 : vector<16xi32>
        %swap3A_616 = arith.constant 0 : i32
        %swap3A_617 = arith.index_cast %swap3A_616 : i32 to index
        %swap3A_618 = arith.constant 32 : index
        %swap3A_619 = tpu.vector_load %arg7[%swap3A_617, %swap3A_618] {strides = array<i32>} : memref<1x128xi32, #tpu.memory_space<vmem>>, vector<1x16xi32>,
        %swap3A_620 = vector.shape_cast %swap3A_619 : vector<1x16xi32> to vector<16xi32>
        %swap3A_621 = vector.shape_cast %shift_right_logical3A_615 : vector<16xi32> to vector<1x16xi32>
        tpu.vector_store %arg7[%swap3A_617, %swap3A_618], %swap3A_621 {strides = array<i32>} : memref<1x128xi32, #tpu.memory_space<vmem>>, vector<1x16xi32>,
        %broadcast_in_dim3A_622 = arith.constant 16383 : i32
        %broadcast_in_dim3A_623 = vector.broadcast %broadcast_in_dim3A_622 : i32 to vector<16xi32>
        %and3A_624 = arith.andi %get3A_612, %broadcast_in_dim3A_623 : vector<16xi32>
        %swap3A_625 = arith.constant 0 : i32
        %swap3A_626 = arith.index_cast %swap3A_625 : i32 to index
        %swap3A_627 = arith.constant 32 : index
        %swap3A_628 = tpu.vector_load %arg9[%swap3A_626, %swap3A_627] {strides = array<i32>} : memref<1x128xi32, #tpu.memory_space<vmem>>, vector<1x16xi32>,
        %swap3A_629 = vector.shape_cast %swap3A_628 : vector<1x16xi32> to vector<16xi32>
        %swap3A_630 = vector.shape_cast %and3A_624 : vector<16xi32> to vector<1x16xi32>
        tpu.vector_store %arg9[%swap3A_626, %swap3A_627], %swap3A_630 {strides = array<i32>} : memref<1x128xi32, #tpu.memory_space<vmem>>, vector<1x16xi32>,
        %get3A_631 = arith.index_cast %add3A_564 : i32 to index
        %get3A_632 = arith.constant 48 : index
        %get3A_633 = tpu.vector_load %arg5[%get3A_631, %get3A_632] {strides = array<i32>} : memref<80x128xi32, #tpu.memory_space<vmem>>, vector<1x16xi32>,
        %get3A_634 = vector.shape_cast %get3A_633 : vector<1x16xi32> to vector<16xi32>
        %shift_right_logical3A_635 = arith.constant 14 : i32
        %shift_right_logical3A_636 = vector.broadcast %shift_right_logical3A_635 : i32 to vector<16xi32>
        %shift_right_logical3A_637 = arith.shrui %get3A_634, %shift_right_logical3A_636 : vector<16xi32>
        %swap3A_638 = arith.constant 0 : i32
        %swap3A_639 = arith.index_cast %swap3A_638 : i32 to index
        %swap3A_640 = arith.constant 48 : index
        %swap3A_641 = tpu.vector_load %arg7[%swap3A_639, %swap3A_640] {strides = array<i32>} : memref<1x128xi32, #tpu.memory_space<vmem>>, vector<1x16xi32>,
        %swap3A_642 = vector.shape_cast %swap3A_641 : vector<1x16xi32> to vector<16xi32>
        %swap3A_643 = vector.shape_cast %shift_right_logical3A_637 : vector<16xi32> to vector<1x16xi32>
        tpu.vector_store %arg7[%swap3A_639, %swap3A_640], %swap3A_643 {strides = array<i32>} : memref<1x128xi32, #tpu.memory_space<vmem>>, vector<1x16xi32>,
        %broadcast_in_dim3A_644 = arith.constant 16383 : i32
        %broadcast_in_dim3A_645 = vector.broadcast %broadcast_in_dim3A_644 : i32 to vector<16xi32>
        %and3A_646 = arith.andi %get3A_634, %broadcast_in_dim3A_645 : vector<16xi32>
        %swap3A_647 = arith.constant 0 : i32
        %swap3A_648 = arith.index_cast %swap3A_647 : i32 to index
        %swap3A_649 = arith.constant 48 : index
        %swap3A_650 = tpu.vector_load %arg9[%swap3A_648, %swap3A_649] {strides = array<i32>} : memref<1x128xi32, #tpu.memory_space<vmem>>, vector<1x16xi32>,
        %swap3A_651 = vector.shape_cast %swap3A_650 : vector<1x16xi32> to vector<16xi32>
        %swap3A_652 = vector.shape_cast %and3A_646 : vector<16xi32> to vector<1x16xi32>
        tpu.vector_store %arg9[%swap3A_648, %swap3A_649], %swap3A_652 {strides = array<i32>} : memref<1x128xi32, #tpu.memory_space<vmem>>, vector<1x16xi32>,
        %get3A_653 = arith.index_cast %add3A_564 : i32 to index
        %get3A_654 = arith.constant 64 : index
        %get3A_655 = tpu.vector_load %arg5[%get3A_653, %get3A_654] {strides = array<i32>} : memref<80x128xi32, #tpu.memory_space<vmem>>, vector<1x16xi32>,
        %get3A_656 = vector.shape_cast %get3A_655 : vector<1x16xi32> to vector<16xi32>
        %shift_right_logical3A_657 = arith.constant 14 : i32
        %shift_right_logical3A_658 = vector.broadcast %shift_right_logical3A_657 : i32 to vector<16xi32>
        %shift_right_logical3A_659 = arith.shrui %get3A_656, %shift_right_logical3A_658 : vector<16xi32>
        %swap3A_660 = arith.constant 0 : i32
        %swap3A_661 = arith.index_cast %swap3A_660 : i32 to index
        %swap3A_662 = arith.constant 64 : index
        %swap3A_663 = tpu.vector_load %arg7[%swap3A_661, %swap3A_662] {strides = array<i32>} : memref<1x128xi32, #tpu.memory_space<vmem>>, vector<1x16xi32>,
        %swap3A_664 = vector.shape_cast %swap3A_663 : vector<1x16xi32> to vector<16xi32>
        %swap3A_665 = vector.shape_cast %shift_right_logical3A_659 : vector<16xi32> to vector<1x16xi32>
        tpu.vector_store %arg7[%swap3A_661, %swap3A_662], %swap3A_665 {strides = array<i32>} : memref<1x128xi32, #tpu.memory_space<vmem>>, vector<1x16xi32>,
        %broadcast_in_dim3A_666 = arith.constant 16383 : i32
        %broadcast_in_dim3A_667 = vector.broadcast %broadcast_in_dim3A_666 : i32 to vector<16xi32>
        %and3A_668 = arith.andi %get3A_656, %broadcast_in_dim3A_667 : vector<16xi32>
        %swap3A_669 = arith.constant 0 : i32
        %swap3A_670 = arith.index_cast %swap3A_669 : i32 to index
        %swap3A_671 = arith.constant 64 : index
        %swap3A_672 = tpu.vector_load %arg9[%swap3A_670, %swap3A_671] {strides = array<i32>} : memref<1x128xi32, #tpu.memory_space<vmem>>, vector<1x16xi32>,
        %swap3A_673 = vector.shape_cast %swap3A_672 : vector<1x16xi32> to vector<16xi32>
        %swap3A_674 = vector.shape_cast %and3A_668 : vector<16xi32> to vector<1x16xi32>
        tpu.vector_store %arg9[%swap3A_670, %swap3A_671], %swap3A_674 {strides = array<i32>} : memref<1x128xi32, #tpu.memory_space<vmem>>, vector<1x16xi32>,
        %get3A_675 = arith.index_cast %add3A_564 : i32 to index
        %get3A_676 = arith.constant 80 : index
        %get3A_677 = tpu.vector_load %arg5[%get3A_675, %get3A_676] {strides = array<i32>} : memref<80x128xi32, #tpu.memory_space<vmem>>, vector<1x16xi32>,
        %get3A_678 = vector.shape_cast %get3A_677 : vector<1x16xi32> to vector<16xi32>
        %shift_right_logical3A_679 = arith.constant 14 : i32
        %shift_right_logical3A_680 = vector.broadcast %shift_right_logical3A_679 : i32 to vector<16xi32>
        %shift_right_logical3A_681 = arith.shrui %get3A_678, %shift_right_logical3A_680 : vector<16xi32>
        %swap3A_682 = arith.constant 0 : i32
        %swap3A_683 = arith.index_cast %swap3A_682 : i32 to index
        %swap3A_684 = arith.constant 80 : index
        %swap3A_685 = tpu.vector_load %arg7[%swap3A_683, %swap3A_684] {strides = array<i32>} : memref<1x128xi32, #tpu.memory_space<vmem>>, vector<1x16xi32>,
        %swap3A_686 = vector.shape_cast %swap3A_685 : vector<1x16xi32> to vector<16xi32>
        %swap3A_687 = vector.shape_cast %shift_right_logical3A_681 : vector<16xi32> to vector<1x16xi32>
        tpu.vector_store %arg7[%swap3A_683, %swap3A_684], %swap3A_687 {strides = array<i32>} : memref<1x128xi32, #tpu.memory_space<vmem>>, vector<1x16xi32>,
        %broadcast_in_dim3A_688 = arith.constant 16383 : i32
        %broadcast_in_dim3A_689 = vector.broadcast %broadcast_in_dim3A_688 : i32 to vector<16xi32>
        %and3A_690 = arith.andi %get3A_678, %broadcast_in_dim3A_689 : vector<16xi32>
        %swap3A_691 = arith.constant 0 : i32
        %swap3A_692 = arith.index_cast %swap3A_691 : i32 to index
        %swap3A_693 = arith.constant 80 : index
        %swap3A_694 = tpu.vector_load %arg9[%swap3A_692, %swap3A_693] {strides = array<i32>} : memref<1x128xi32, #tpu.memory_space<vmem>>, vector<1x16xi32>,
        %swap3A_695 = vector.shape_cast %swap3A_694 : vector<1x16xi32> to vector<16xi32>
        %swap3A_696 = vector.shape_cast %and3A_690 : vector<16xi32> to vector<1x16xi32>
        tpu.vector_store %arg9[%swap3A_692, %swap3A_693], %swap3A_696 {strides = array<i32>} : memref<1x128xi32, #tpu.memory_space<vmem>>, vector<1x16xi32>,
        %get3A_697 = arith.index_cast %add3A_564 : i32 to index
        %get3A_698 = arith.constant 96 : index
        %get3A_699 = tpu.vector_load %arg5[%get3A_697, %get3A_698] {strides = array<i32>} : memref<80x128xi32, #tpu.memory_space<vmem>>, vector<1x16xi32>,
        %get3A_700 = vector.shape_cast %get3A_699 : vector<1x16xi32> to vector<16xi32>
        %shift_right_logical3A_701 = arith.constant 14 : i32
        %shift_right_logical3A_702 = vector.broadcast %shift_right_logical3A_701 : i32 to vector<16xi32>
        %shift_right_logical3A_703 = arith.shrui %get3A_700, %shift_right_logical3A_702 : vector<16xi32>
        %swap3A_704 = arith.constant 0 : i32
        %swap3A_705 = arith.index_cast %swap3A_704 : i32 to index
        %swap3A_706 = arith.constant 96 : index
        %swap3A_707 = tpu.vector_load %arg7[%swap3A_705, %swap3A_706] {strides = array<i32>} : memref<1x128xi32, #tpu.memory_space<vmem>>, vector<1x16xi32>,
        %swap3A_708 = vector.shape_cast %swap3A_707 : vector<1x16xi32> to vector<16xi32>
        %swap3A_709 = vector.shape_cast %shift_right_logical3A_703 : vector<16xi32> to vector<1x16xi32>
        tpu.vector_store %arg7[%swap3A_705, %swap3A_706], %swap3A_709 {strides = array<i32>} : memref<1x128xi32, #tpu.memory_space<vmem>>, vector<1x16xi32>,
        %broadcast_in_dim3A_710 = arith.constant 16383 : i32
        %broadcast_in_dim3A_711 = vector.broadcast %broadcast_in_dim3A_710 : i32 to vector<16xi32>
        %and3A_712 = arith.andi %get3A_700, %broadcast_in_dim3A_711 : vector<16xi32>
        %swap3A_713 = arith.constant 0 : i32
        %swap3A_714 = arith.index_cast %swap3A_713 : i32 to index
        %swap3A_715 = arith.constant 96 : index
        %swap3A_716 = tpu.vector_load %arg9[%swap3A_714, %swap3A_715] {strides = array<i32>} : memref<1x128xi32, #tpu.memory_space<vmem>>, vector<1x16xi32>,
        %swap3A_717 = vector.shape_cast %swap3A_716 : vector<1x16xi32> to vector<16xi32>
        %swap3A_718 = vector.shape_cast %and3A_712 : vector<16xi32> to vector<1x16xi32>
        tpu.vector_store %arg9[%swap3A_714, %swap3A_715], %swap3A_718 {strides = array<i32>} : memref<1x128xi32, #tpu.memory_space<vmem>>, vector<1x16xi32>,
        %get3A_719 = arith.index_cast %add3A_564 : i32 to index
        %get3A_720 = arith.constant 112 : index
        %get3A_721 = tpu.vector_load %arg5[%get3A_719, %get3A_720] {strides = array<i32>} : memref<80x128xi32, #tpu.memory_space<vmem>>, vector<1x16xi32>,
        %get3A_722 = vector.shape_cast %get3A_721 : vector<1x16xi32> to vector<16xi32>
        %shift_right_logical3A_723 = arith.constant 14 : i32
        %shift_right_logical3A_724 = vector.broadcast %shift_right_logical3A_723 : i32 to vector<16xi32>
        %shift_right_logical3A_725 = arith.shrui %get3A_722, %shift_right_logical3A_724 : vector<16xi32>
        %swap3A_726 = arith.constant 0 : i32
        %swap3A_727 = arith.index_cast %swap3A_726 : i32 to index
        %swap3A_728 = arith.constant 112 : index
        %swap3A_729 = tpu.vector_load %arg7[%swap3A_727, %swap3A_728] {strides = array<i32>} : memref<1x128xi32, #tpu.memory_space<vmem>>, vector<1x16xi32>,
        %swap3A_730 = vector.shape_cast %swap3A_729 : vector<1x16xi32> to vector<16xi32>
        %swap3A_731 = vector.shape_cast %shift_right_logical3A_725 : vector<16xi32> to vector<1x16xi32>
        tpu.vector_store %arg7[%swap3A_727, %swap3A_728], %swap3A_731 {strides = array<i32>} : memref<1x128xi32, #tpu.memory_space<vmem>>, vector<1x16xi32>,
        %broadcast_in_dim3A_732 = arith.constant 16383 : i32
        %broadcast_in_dim3A_733 = vector.broadcast %broadcast_in_dim3A_732 : i32 to vector<16xi32>
        %and3A_734 = arith.andi %get3A_722, %broadcast_in_dim3A_733 : vector<16xi32>
        %swap3A_735 = arith.constant 0 : i32
        %swap3A_736 = arith.index_cast %swap3A_735 : i32 to index
        %swap3A_737 = arith.constant 112 : index
        %swap3A_738 = tpu.vector_load %arg9[%swap3A_736, %swap3A_737] {strides = array<i32>} : memref<1x128xi32, #tpu.memory_space<vmem>>, vector<1x16xi32>,
        %swap3A_739 = vector.shape_cast %swap3A_738 : vector<1x16xi32> to vector<16xi32>
        %swap3A_740 = vector.shape_cast %and3A_734 : vector<16xi32> to vector<1x16xi32>
        tpu.vector_store %arg9[%swap3A_736, %swap3A_737], %swap3A_740 {strides = array<i32>} : memref<1x128xi32, #tpu.memory_space<vmem>>, vector<1x16xi32>,
        %dma_start3A_741 = arith.constant 0 : i32
        %dma_start3A_742 = arith.constant 0 : i32
        %dma_start3A_743 = arith.constant 0 : i32
        %dma_start3A_744 = tpu.memref_slice %arg11[%dma_start3A_742, %dma_start3A_743] : memref<128x128xf32, #tpu.memory_space<vmem>> -> memref<32x128xf32, #tpu.memory_space<vmem>>
        %dma_start3A_745 = arith.constant 0 : i32
        %dma_start3A_746 = tpu.memref_slice %arg7[%dma_start3A_741, %dma_start3A_745] : memref<1x128xi32, #tpu.memory_space<vmem>> -> memref<1x32xi32, #tpu.memory_space<vmem>>
        %dma_start3A_747 = tpu.memref_squeeze %dma_start3A_746 : memref<1x32xi32, #tpu.memory_space<vmem>> -> memref<32xi32, #tpu.memory_space<vmem>>
        %dma_start3A_748 = arith.constant 0 : i32
        %dma_start3A_749 = arith.constant 0 : i32
        %dma_start3A_750 = tpu.memref_slice %arg2[%dma_start3A_748, %dma_start3A_749] : memref<10000x128xf32, #tpu.memory_space<hbm>> -> memref<10000x128xf32, #tpu.memory_space<hbm>>
        tpu.enqueue_indirect_dma source(%dma_start3A_750 : memref<10000x128xf32, #tpu.memory_space<hbm>>) target(%dma_start3A_744 : memref<32x128xf32, #tpu.memory_space<vmem>>) offsets(%dma_start3A_747 : memref<32xi32, #tpu.memory_space<vmem>>) semaphore(%arg14 : memref<!tpu.dma_semaphore, #tpu.memory_space<semaphore_mem>>)
        %dma_start3A_751 = arith.constant 0 : i32
        %dma_start3A_752 = arith.constant 32 : i32
        %dma_start3A_753 = arith.constant 0 : i32
        %dma_start3A_754 = tpu.memref_slice %arg11[%dma_start3A_752, %dma_start3A_753] : memref<128x128xf32, #tpu.memory_space<vmem>> -> memref<32x128xf32, #tpu.memory_space<vmem>>
        %dma_start3A_755 = arith.constant 32 : i32
        %dma_start3A_756 = tpu.memref_slice %arg7[%dma_start3A_751, %dma_start3A_755] : memref<1x128xi32, #tpu.memory_space<vmem>> -> memref<1x32xi32, #tpu.memory_space<vmem>>
        %dma_start3A_757 = tpu.memref_squeeze %dma_start3A_756 : memref<1x32xi32, #tpu.memory_space<vmem>> -> memref<32xi32, #tpu.memory_space<vmem>>
        %dma_start3A_758 = arith.constant 0 : i32
        %dma_start3A_759 = arith.constant 0 : i32
        %dma_start3A_760 = tpu.memref_slice %arg2[%dma_start3A_758, %dma_start3A_759] : memref<10000x128xf32, #tpu.memory_space<hbm>> -> memref<10000x128xf32, #tpu.memory_space<hbm>>
        tpu.enqueue_indirect_dma source(%dma_start3A_760 : memref<10000x128xf32, #tpu.memory_space<hbm>>) target(%dma_start3A_754 : memref<32x128xf32, #tpu.memory_space<vmem>>) offsets(%dma_start3A_757 : memref<32xi32, #tpu.memory_space<vmem>>) semaphore(%arg14 : memref<!tpu.dma_semaphore, #tpu.memory_space<semaphore_mem>>)
        %dma_start3A_761 = arith.constant 0 : i32
        %dma_start3A_762 = arith.constant 64 : i32
        %dma_start3A_763 = arith.constant 0 : i32
        %dma_start3A_764 = tpu.memref_slice %arg11[%dma_start3A_762, %dma_start3A_763] : memref<128x128xf32, #tpu.memory_space<vmem>> -> memref<32x128xf32, #tpu.memory_space<vmem>>
        %dma_start3A_765 = arith.constant 64 : i32
        %dma_start3A_766 = tpu.memref_slice %arg7[%dma_start3A_761, %dma_start3A_765] : memref<1x128xi32, #tpu.memory_space<vmem>> -> memref<1x32xi32, #tpu.memory_space<vmem>>
        %dma_start3A_767 = tpu.memref_squeeze %dma_start3A_766 : memref<1x32xi32, #tpu.memory_space<vmem>> -> memref<32xi32, #tpu.memory_space<vmem>>
        %dma_start3A_768 = arith.constant 0 : i32
        %dma_start3A_769 = arith.constant 0 : i32
        %dma_start3A_770 = tpu.memref_slice %arg2[%dma_start3A_768, %dma_start3A_769] : memref<10000x128xf32, #tpu.memory_space<hbm>> -> memref<10000x128xf32, #tpu.memory_space<hbm>>
        tpu.enqueue_indirect_dma source(%dma_start3A_770 : memref<10000x128xf32, #tpu.memory_space<hbm>>) target(%dma_start3A_764 : memref<32x128xf32, #tpu.memory_space<vmem>>) offsets(%dma_start3A_767 : memref<32xi32, #tpu.memory_space<vmem>>) semaphore(%arg14 : memref<!tpu.dma_semaphore, #tpu.memory_space<semaphore_mem>>)
        %dma_start3A_771 = arith.constant 0 : i32
        %dma_start3A_772 = arith.constant 96 : i32
        %dma_start3A_773 = arith.constant 0 : i32
        %dma_start3A_774 = tpu.memref_slice %arg11[%dma_start3A_772, %dma_start3A_773] : memref<128x128xf32, #tpu.memory_space<vmem>> -> memref<32x128xf32, #tpu.memory_space<vmem>>
        %dma_start3A_775 = arith.constant 96 : i32
        %dma_start3A_776 = tpu.memref_slice %arg7[%dma_start3A_771, %dma_start3A_775] : memref<1x128xi32, #tpu.memory_space<vmem>> -> memref<1x32xi32, #tpu.memory_space<vmem>>
        %dma_start3A_777 = tpu.memref_squeeze %dma_start3A_776 : memref<1x32xi32, #tpu.memory_space<vmem>> -> memref<32xi32, #tpu.memory_space<vmem>>
        %dma_start3A_778 = arith.constant 0 : i32
        %dma_start3A_779 = arith.constant 0 : i32
        %dma_start3A_780 = tpu.memref_slice %arg2[%dma_start3A_778, %dma_start3A_779] : memref<10000x128xf32, #tpu.memory_space<hbm>> -> memref<10000x128xf32, #tpu.memory_space<hbm>>
        tpu.enqueue_indirect_dma source(%dma_start3A_780 : memref<10000x128xf32, #tpu.memory_space<hbm>>) target(%dma_start3A_774 : memref<32x128xf32, #tpu.memory_space<vmem>>) offsets(%dma_start3A_777 : memref<32xi32, #tpu.memory_space<vmem>>) semaphore(%arg14 : memref<!tpu.dma_semaphore, #tpu.memory_space<semaphore_mem>>)
      } else {
      }
      %scan3A_562 = arith.constant 0 : i32
      scf.yield %scan3A_562 : i32
    }
    %scan3A_467 = arith.constant 40 : i32
    %barrier3A_468 = arith.constant 0 : index
    tpu.barrier barrier_id(%barrier3A_468)
    %mul3A_469 = arith.constant 640 : i32
    %mul3A_470 = arith.muli %arg1, %mul3A_469 : i32
    "tpu.region"() ({
      %run_scoped3A = tpu.sem_alloc : memref<!tpu.dma_semaphore, #tpu.memory_space<semaphore_mem>>
      %dma_start3A_471 = arith.constant 0 : i32
      %dma_start3A_472 = tpu.memref_slice %arg4[%arg0, %mul3A_470, %dma_start3A_471] : memref<2x10240x128xf32, #tpu.memory_space<hbm>> -> memref<1x640x128xf32, #tpu.memory_space<hbm>>
      %dma_start3A_473 = tpu.memref_squeeze %dma_start3A_472 : memref<1x640x128xf32, #tpu.memory_space<hbm>> -> memref<640x128xf32, #tpu.memory_space<hbm>>
      %dma_start3A_474 = arith.constant 0 : i32
      %dma_start3A_475 = tpu.memref_slice %arg12[%mul3A_470, %dma_start3A_474] : memref<10240x128xf32, #tpu.memory_space<vmem_shared>> -> memref<640x128xf32, #tpu.memory_space<vmem_shared>>
      tpu.enqueue_dma source(%dma_start3A_475 : memref<640x128xf32, #tpu.memory_space<vmem_shared>>) target(%dma_start3A_473 : memref<640x128xf32, #tpu.memory_space<hbm>>) target_semaphore(%run_scoped3A : memref<!tpu.dma_semaphore, #tpu.memory_space<semaphore_mem>>)
      %dma_wait3A = arith.constant 0 : i32
      %dma_wait3A_476 = tpu.memref_slice %arg4[%arg0, %mul3A_470, %dma_wait3A] : memref<2x10240x128xf32, #tpu.memory_space<hbm>> -> memref<1x640x128xf32, #tpu.memory_space<hbm>>
      %dma_wait3A_477 = tpu.memref_squeeze %dma_wait3A_476 : memref<1x640x128xf32, #tpu.memory_space<hbm>> -> memref<640x128xf32, #tpu.memory_space<hbm>>
      %dma_wait3A_478 = arith.constant 0 : i32
      %dma_wait3A_479 = tpu.memref_slice %arg12[%mul3A_470, %dma_wait3A_478] : memref<10240x128xf32, #tpu.memory_space<vmem_shared>> -> memref<640x128xf32, #tpu.memory_space<vmem_shared>>
      tpu.wait_dma2 semaphore(%run_scoped3A : memref<!tpu.dma_semaphore, #tpu.memory_space<semaphore_mem>>) src(%dma_wait3A_479 : memref<640x128xf32, #tpu.memory_space<vmem_shared>>) dst(%dma_wait3A_477 : memref<640x128xf32, #tpu.memory_space<hbm>>)
      tpu.yield
    }) : () -> ()
    return
  }
}

#map = affine_map<(d0, d1) -> (0, 0)>
#map1 = affine_map<(d0, d1) -> (0, 0, 0)>
module attributes {stable_mosaic.version = 14 : i64} {
  func.func @prop_kernel(%arg0: i32, %arg1: i32, %arg2: memref<10000x128xf32, #tpu.memory_space<hbm>>, %arg3: memref<32x80x128xi32, #tpu.memory_space<hbm>>, %arg4: memref<2x10240x128xf32, #tpu.memory_space<hbm>>, %arg5: memref<80x128xi32, #tpu.memory_space<vmem>>, %arg6: memref<1x128xi32, #tpu.memory_space<vmem>>, %arg7: memref<1x128xi32, #tpu.memory_space<vmem>>, %arg8: memref<1x128xi32, #tpu.memory_space<vmem>>, %arg9: memref<1x128xi32, #tpu.memory_space<vmem>>, %arg10: memref<128x128xf32, #tpu.memory_space<vmem>>, %arg11: memref<128x128xf32, #tpu.memory_space<vmem>>, %arg12: memref<10240x128xf32, #tpu.memory_space<vmem_shared>>, %arg13: memref<!tpu.dma_semaphore, #tpu.memory_space<semaphore_mem>>, %arg14: memref<!tpu.dma_semaphore, #tpu.memory_space<semaphore_mem>>) attributes {dimension_semantics = [#tpu.dimension_semantics<core_parallel>, #tpu.dimension_semantics<subcore_parallel>], iteration_bounds = array<i64: 2, 16>, scalar_prefetch = 0 : i64, scratch_operands = 10 : i64, tpu.core_type = #tpu.core_type<sc_vector_subcore>, window_params = [{transform_indices = #map}, {transform_indices = #map1}, {transform_indices = #map1}]} {
    %mul3A = arith.constant 16 : i32
    %mul3A_0 = arith.muli %arg0, %mul3A : i32
    %add3A = arith.addi %mul3A_0, %arg1 : i32
    "tpu.region"() ({
      %run_scoped3A = tpu.sem_alloc : memref<!tpu.dma_semaphore, #tpu.memory_space<semaphore_mem>>
      %dma_start3A_471 = arith.constant 0 : i32
      %dma_start3A_472 = arith.constant 0 : i32
      %dma_start3A_473 = tpu.memref_slice %arg3[%add3A, %dma_start3A_471, %dma_start3A_472] : memref<32x80x128xi32, #tpu.memory_space<hbm>> -> memref<1x80x128xi32, #tpu.memory_space<hbm>>
      %dma_start3A_474 = tpu.memref_squeeze %dma_start3A_473 : memref<1x80x128xi32, #tpu.memory_space<hbm>> -> memref<80x128xi32, #tpu.memory_space<hbm>>
      %dma_start3A_475 = arith.constant 0 : i32
      %dma_start3A_476 = arith.constant 0 : i32
      %dma_start3A_477 = tpu.memref_slice %arg3[%add3A, %dma_start3A_475, %dma_start3A_476] : memref<32x80x128xi32, #tpu.memory_space<hbm>> -> memref<1x80x128xi32, #tpu.memory_space<hbm>>
      %dma_start3A_478 = tpu.memref_squeeze %dma_start3A_477 : memref<1x80x128xi32, #tpu.memory_space<hbm>> -> memref<80x128xi32, #tpu.memory_space<hbm>>
      tpu.enqueue_dma source(%dma_start3A_478 : memref<80x128xi32, #tpu.memory_space<hbm>>) target(%arg5 : memref<80x128xi32, #tpu.memory_space<vmem>>) target_semaphore(%run_scoped3A : memref<!tpu.dma_semaphore, #tpu.memory_space<semaphore_mem>>)
      %dma_wait3A = arith.constant 0 : i32
      %dma_wait3A_479 = arith.constant 0 : i32
      %dma_wait3A_480 = tpu.memref_slice %arg3[%add3A, %dma_wait3A, %dma_wait3A_479] : memref<32x80x128xi32, #tpu.memory_space<hbm>> -> memref<1x80x128xi32, #tpu.memory_space<hbm>>
      %dma_wait3A_481 = tpu.memref_squeeze %dma_wait3A_480 : memref<1x80x128xi32, #tpu.memory_space<hbm>> -> memref<80x128xi32, #tpu.memory_space<hbm>>
      %dma_wait3A_482 = arith.constant 0 : i32
      %dma_wait3A_483 = arith.constant 0 : i32
      %dma_wait3A_484 = tpu.memref_slice %arg3[%add3A, %dma_wait3A_482, %dma_wait3A_483] : memref<32x80x128xi32, #tpu.memory_space<hbm>> -> memref<1x80x128xi32, #tpu.memory_space<hbm>>
      %dma_wait3A_485 = tpu.memref_squeeze %dma_wait3A_484 : memref<1x80x128xi32, #tpu.memory_space<hbm>> -> memref<80x128xi32, #tpu.memory_space<hbm>>
      tpu.wait_dma2 semaphore(%run_scoped3A : memref<!tpu.dma_semaphore, #tpu.memory_space<semaphore_mem>>) src(%dma_wait3A_485 : memref<80x128xi32, #tpu.memory_space<hbm>>) dst(%arg5 : memref<80x128xi32, #tpu.memory_space<vmem>>)
      tpu.yield
    }) : () -> ()
    %scan3A = arith.constant 0 : i32
    %scan3A_1 = arith.constant 0 : i32
    %scan3A_2 = arith.constant 128 : i32
    %scan3A_3 = arith.addi %scan3A_1, %scan3A_2 : i32
    %scan3A_4 = arith.constant 1 : i32
    %scan3A_5 = scf.for %scan3A_471 = %scan3A_1 to %scan3A_3 step %scan3A_4 iter_args(%scan3A_472 = %scan3A) -> (i32)  : i32 {
      %broadcast_in_dim3A_473 = arith.constant 0.000000e+00 : f32
      %broadcast_in_dim3A_474 = vector.broadcast %broadcast_in_dim3A_473 : f32 to vector<16xf32>
      %swap3A_475 = arith.index_cast %scan3A_471 : i32 to index
      %swap3A_476 = arith.constant 0 : index
      %swap3A_477 = tpu.vector_load %arg10[%swap3A_475, %swap3A_476] {strides = array<i32>} : memref<128x128xf32, #tpu.memory_space<vmem>>, vector<1x16xf32>,
      %swap3A_478 = vector.shape_cast %swap3A_477 : vector<1x16xf32> to vector<16xf32>
      %swap3A_479 = vector.shape_cast %broadcast_in_dim3A_474 : vector<16xf32> to vector<1x16xf32>
      tpu.vector_store %arg10[%swap3A_475, %swap3A_476], %swap3A_479 {strides = array<i32>} : memref<128x128xf32, #tpu.memory_space<vmem>>, vector<1x16xf32>,
      %broadcast_in_dim3A_480 = arith.constant 0.000000e+00 : f32
      %broadcast_in_dim3A_481 = vector.broadcast %broadcast_in_dim3A_480 : f32 to vector<16xf32>
      %swap3A_482 = arith.index_cast %scan3A_471 : i32 to index
      %swap3A_483 = arith.constant 16 : index
      %swap3A_484 = tpu.vector_load %arg10[%swap3A_482, %swap3A_483] {strides = array<i32>} : memref<128x128xf32, #tpu.memory_space<vmem>>, vector<1x16xf32>,
      %swap3A_485 = vector.shape_cast %swap3A_484 : vector<1x16xf32> to vector<16xf32>
      %swap3A_486 = vector.shape_cast %broadcast_in_dim3A_481 : vector<16xf32> to vector<1x16xf32>
      tpu.vector_store %arg10[%swap3A_482, %swap3A_483], %swap3A_486 {strides = array<i32>} : memref<128x128xf32, #tpu.memory_space<vmem>>, vector<1x16xf32>,
      %broadcast_in_dim3A_487 = arith.constant 0.000000e+00 : f32
      %broadcast_in_dim3A_488 = vector.broadcast %broadcast_in_dim3A_487 : f32 to vector<16xf32>
      %swap3A_489 = arith.index_cast %scan3A_471 : i32 to index
      %swap3A_490 = arith.constant 32 : index
      %swap3A_491 = tpu.vector_load %arg10[%swap3A_489, %swap3A_490] {strides = array<i32>} : memref<128x128xf32, #tpu.memory_space<vmem>>, vector<1x16xf32>,
      %swap3A_492 = vector.shape_cast %swap3A_491 : vector<1x16xf32> to vector<16xf32>
      %swap3A_493 = vector.shape_cast %broadcast_in_dim3A_488 : vector<16xf32> to vector<1x16xf32>
      tpu.vector_store %arg10[%swap3A_489, %swap3A_490], %swap3A_493 {strides = array<i32>} : memref<128x128xf32, #tpu.memory_space<vmem>>, vector<1x16xf32>,
      %broadcast_in_dim3A_494 = arith.constant 0.000000e+00 : f32
      %broadcast_in_dim3A_495 = vector.broadcast %broadcast_in_dim3A_494 : f32 to vector<16xf32>
      %swap3A_496 = arith.index_cast %scan3A_471 : i32 to index
      %swap3A_497 = arith.constant 48 : index
      %swap3A_498 = tpu.vector_load %arg10[%swap3A_496, %swap3A_497] {strides = array<i32>} : memref<128x128xf32, #tpu.memory_space<vmem>>, vector<1x16xf32>,
      %swap3A_499 = vector.shape_cast %swap3A_498 : vector<1x16xf32> to vector<16xf32>
      %swap3A_500 = vector.shape_cast %broadcast_in_dim3A_495 : vector<16xf32> to vector<1x16xf32>
      tpu.vector_store %arg10[%swap3A_496, %swap3A_497], %swap3A_500 {strides = array<i32>} : memref<128x128xf32, #tpu.memory_space<vmem>>, vector<1x16xf32>,
      %broadcast_in_dim3A_501 = arith.constant 0.000000e+00 : f32
      %broadcast_in_dim3A_502 = vector.broadcast %broadcast_in_dim3A_501 : f32 to vector<16xf32>
      %swap3A_503 = arith.index_cast %scan3A_471 : i32 to index
      %swap3A_504 = arith.constant 64 : index
      %swap3A_505 = tpu.vector_load %arg10[%swap3A_503, %swap3A_504] {strides = array<i32>} : memref<128x128xf32, #tpu.memory_space<vmem>>, vector<1x16xf32>,
      %swap3A_506 = vector.shape_cast %swap3A_505 : vector<1x16xf32> to vector<16xf32>
      %swap3A_507 = vector.shape_cast %broadcast_in_dim3A_502 : vector<16xf32> to vector<1x16xf32>
      tpu.vector_store %arg10[%swap3A_503, %swap3A_504], %swap3A_507 {strides = array<i32>} : memref<128x128xf32, #tpu.memory_space<vmem>>, vector<1x16xf32>,
      %broadcast_in_dim3A_508 = arith.constant 0.000000e+00 : f32
      %broadcast_in_dim3A_509 = vector.broadcast %broadcast_in_dim3A_508 : f32 to vector<16xf32>
      %swap3A_510 = arith.index_cast %scan3A_471 : i32 to index
      %swap3A_511 = arith.constant 80 : index
      %swap3A_512 = tpu.vector_load %arg10[%swap3A_510, %swap3A_511] {strides = array<i32>} : memref<128x128xf32, #tpu.memory_space<vmem>>, vector<1x16xf32>,
      %swap3A_513 = vector.shape_cast %swap3A_512 : vector<1x16xf32> to vector<16xf32>
      %swap3A_514 = vector.shape_cast %broadcast_in_dim3A_509 : vector<16xf32> to vector<1x16xf32>
      tpu.vector_store %arg10[%swap3A_510, %swap3A_511], %swap3A_514 {strides = array<i32>} : memref<128x128xf32, #tpu.memory_space<vmem>>, vector<1x16xf32>,
      %broadcast_in_dim3A_515 = arith.constant 0.000000e+00 : f32
      %broadcast_in_dim3A_516 = vector.broadcast %broadcast_in_dim3A_515 : f32 to vector<16xf32>
      %swap3A_517 = arith.index_cast %scan3A_471 : i32 to index
      %swap3A_518 = arith.constant 96 : index
      %swap3A_519 = tpu.vector_load %arg10[%swap3A_517, %swap3A_518] {strides = array<i32>} : memref<128x128xf32, #tpu.memory_space<vmem>>, vector<1x16xf32>,
      %swap3A_520 = vector.shape_cast %swap3A_519 : vector<1x16xf32> to vector<16xf32>
      %swap3A_521 = vector.shape_cast %broadcast_in_dim3A_516 : vector<16xf32> to vector<1x16xf32>
      tpu.vector_store %arg10[%swap3A_517, %swap3A_518], %swap3A_521 {strides = array<i32>} : memref<128x128xf32, #tpu.memory_space<vmem>>, vector<1x16xf32>,
      %broadcast_in_dim3A_522 = arith.constant 0.000000e+00 : f32
      %broadcast_in_dim3A_523 = vector.broadcast %broadcast_in_dim3A_522 : f32 to vector<16xf32>
      %swap3A_524 = arith.index_cast %scan3A_471 : i32 to index
      %swap3A_525 = arith.constant 112 : index
      %swap3A_526 = tpu.vector_load %arg10[%swap3A_524, %swap3A_525] {strides = array<i32>} : memref<128x128xf32, #tpu.memory_space<vmem>>, vector<1x16xf32>,
      %swap3A_527 = vector.shape_cast %swap3A_526 : vector<1x16xf32> to vector<16xf32>
      %swap3A_528 = vector.shape_cast %broadcast_in_dim3A_523 : vector<16xf32> to vector<1x16xf32>
      tpu.vector_store %arg10[%swap3A_524, %swap3A_525], %swap3A_528 {strides = array<i32>} : memref<128x128xf32, #tpu.memory_space<vmem>>, vector<1x16xf32>,
      %scan3A_529 = arith.constant 0 : i32
      scf.yield %scan3A_529 : i32
    }
    %scan3A_6 = arith.constant 128 : i32
    %mul3A_7 = arith.constant 640 : i32
    %mul3A_8 = arith.muli %arg1, %mul3A_7 : i32
    %add3A_9 = arith.constant 0 : i32
    %add3A_10 = arith.addi %mul3A_8, %add3A_9 : i32
    "tpu.region"() ({
      %run_scoped3A = tpu.sem_alloc : memref<!tpu.dma_semaphore, #tpu.memory_space<semaphore_mem>>
      %dma_start3A_471 = arith.constant 0 : i32
      %dma_start3A_472 = tpu.memref_slice %arg12[%add3A_10, %dma_start3A_471] : memref<10240x128xf32, #tpu.memory_space<vmem_shared>> -> memref<128x128xf32, #tpu.memory_space<vmem_shared>>
      %dma_start3A_473 = arith.constant 0 : i32
      %dma_start3A_474 = tpu.memref_slice %arg12[%add3A_10, %dma_start3A_473] : memref<10240x128xf32, #tpu.memory_space<vmem_shared>> -> memref<128x128xf32, #tpu.memory_space<vmem_shared>>
      tpu.enqueue_dma source(%arg10 : memref<128x128xf32, #tpu.memory_space<vmem>>) target(%dma_start3A_474 : memref<128x128xf32, #tpu.memory_space<vmem_shared>>) target_semaphore(%run_scoped3A : memref<!tpu.dma_semaphore, #tpu.memory_space<semaphore_mem>>)
      %dma_wait3A = arith.constant 0 : i32
      %dma_wait3A_475 = tpu.memref_slice %arg12[%add3A_10, %dma_wait3A] : memref<10240x128xf32, #tpu.memory_space<vmem_shared>> -> memref<128x128xf32, #tpu.memory_space<vmem_shared>>
      %dma_wait3A_476 = arith.constant 0 : i32
      %dma_wait3A_477 = tpu.memref_slice %arg12[%add3A_10, %dma_wait3A_476] : memref<10240x128xf32, #tpu.memory_space<vmem_shared>> -> memref<128x128xf32, #tpu.memory_space<vmem_shared>>
      tpu.wait_dma2 semaphore(%run_scoped3A : memref<!tpu.dma_semaphore, #tpu.memory_space<semaphore_mem>>) src(%arg10 : memref<128x128xf32, #tpu.memory_space<vmem>>) dst(%dma_wait3A_477 : memref<128x128xf32, #tpu.memory_space<vmem_shared>>)
      tpu.yield
    }) : () -> ()
    %add3A_11 = arith.constant 128 : i32
    %add3A_12 = arith.addi %mul3A_8, %add3A_11 : i32
    "tpu.region"() ({
      %run_scoped3A = tpu.sem_alloc : memref<!tpu.dma_semaphore, #tpu.memory_space<semaphore_mem>>
      %dma_start3A_471 = arith.constant 0 : i32
      %dma_start3A_472 = tpu.memref_slice %arg12[%add3A_12, %dma_start3A_471] : memref<10240x128xf32, #tpu.memory_space<vmem_shared>> -> memref<128x128xf32, #tpu.memory_space<vmem_shared>>
      %dma_start3A_473 = arith.constant 0 : i32
      %dma_start3A_474 = tpu.memref_slice %arg12[%add3A_12, %dma_start3A_473] : memref<10240x128xf32, #tpu.memory_space<vmem_shared>> -> memref<128x128xf32, #tpu.memory_space<vmem_shared>>
      tpu.enqueue_dma source(%arg10 : memref<128x128xf32, #tpu.memory_space<vmem>>) target(%dma_start3A_474 : memref<128x128xf32, #tpu.memory_space<vmem_shared>>) target_semaphore(%run_scoped3A : memref<!tpu.dma_semaphore, #tpu.memory_space<semaphore_mem>>)
      %dma_wait3A = arith.constant 0 : i32
      %dma_wait3A_475 = tpu.memref_slice %arg12[%add3A_12, %dma_wait3A] : memref<10240x128xf32, #tpu.memory_space<vmem_shared>> -> memref<128x128xf32, #tpu.memory_space<vmem_shared>>
      %dma_wait3A_476 = arith.constant 0 : i32
      %dma_wait3A_477 = tpu.memref_slice %arg12[%add3A_12, %dma_wait3A_476] : memref<10240x128xf32, #tpu.memory_space<vmem_shared>> -> memref<128x128xf32, #tpu.memory_space<vmem_shared>>
      tpu.wait_dma2 semaphore(%run_scoped3A : memref<!tpu.dma_semaphore, #tpu.memory_space<semaphore_mem>>) src(%arg10 : memref<128x128xf32, #tpu.memory_space<vmem>>) dst(%dma_wait3A_477 : memref<128x128xf32, #tpu.memory_space<vmem_shared>>)
      tpu.yield
    }) : () -> ()
    %add3A_13 = arith.constant 256 : i32
    %add3A_14 = arith.addi %mul3A_8, %add3A_13 : i32
    "tpu.region"() ({
      %run_scoped3A = tpu.sem_alloc : memref<!tpu.dma_semaphore, #tpu.memory_space<semaphore_mem>>
      %dma_start3A_471 = arith.constant 0 : i32
      %dma_start3A_472 = tpu.memref_slice %arg12[%add3A_14, %dma_start3A_471] : memref<10240x128xf32, #tpu.memory_space<vmem_shared>> -> memref<128x128xf32, #tpu.memory_space<vmem_shared>>
      %dma_start3A_473 = arith.constant 0 : i32
      %dma_start3A_474 = tpu.memref_slice %arg12[%add3A_14, %dma_start3A_473] : memref<10240x128xf32, #tpu.memory_space<vmem_shared>> -> memref<128x128xf32, #tpu.memory_space<vmem_shared>>
      tpu.enqueue_dma source(%arg10 : memref<128x128xf32, #tpu.memory_space<vmem>>) target(%dma_start3A_474 : memref<128x128xf32, #tpu.memory_space<vmem_shared>>) target_semaphore(%run_scoped3A : memref<!tpu.dma_semaphore, #tpu.memory_space<semaphore_mem>>)
      %dma_wait3A = arith.constant 0 : i32
      %dma_wait3A_475 = tpu.memref_slice %arg12[%add3A_14, %dma_wait3A] : memref<10240x128xf32, #tpu.memory_space<vmem_shared>> -> memref<128x128xf32, #tpu.memory_space<vmem_shared>>
      %dma_wait3A_476 = arith.constant 0 : i32
      %dma_wait3A_477 = tpu.memref_slice %arg12[%add3A_14, %dma_wait3A_476] : memref<10240x128xf32, #tpu.memory_space<vmem_shared>> -> memref<128x128xf32, #tpu.memory_space<vmem_shared>>
      tpu.wait_dma2 semaphore(%run_scoped3A : memref<!tpu.dma_semaphore, #tpu.memory_space<semaphore_mem>>) src(%arg10 : memref<128x128xf32, #tpu.memory_space<vmem>>) dst(%dma_wait3A_477 : memref<128x128xf32, #tpu.memory_space<vmem_shared>>)
      tpu.yield
    }) : () -> ()
    %add3A_15 = arith.constant 384 : i32
    %add3A_16 = arith.addi %mul3A_8, %add3A_15 : i32
    "tpu.region"() ({
      %run_scoped3A = tpu.sem_alloc : memref<!tpu.dma_semaphore, #tpu.memory_space<semaphore_mem>>
      %dma_start3A_471 = arith.constant 0 : i32
      %dma_start3A_472 = tpu.memref_slice %arg12[%add3A_16, %dma_start3A_471] : memref<10240x128xf32, #tpu.memory_space<vmem_shared>> -> memref<128x128xf32, #tpu.memory_space<vmem_shared>>
      %dma_start3A_473 = arith.constant 0 : i32
      %dma_start3A_474 = tpu.memref_slice %arg12[%add3A_16, %dma_start3A_473] : memref<10240x128xf32, #tpu.memory_space<vmem_shared>> -> memref<128x128xf32, #tpu.memory_space<vmem_shared>>
      tpu.enqueue_dma source(%arg10 : memref<128x128xf32, #tpu.memory_space<vmem>>) target(%dma_start3A_474 : memref<128x128xf32, #tpu.memory_space<vmem_shared>>) target_semaphore(%run_scoped3A : memref<!tpu.dma_semaphore, #tpu.memory_space<semaphore_mem>>)
      %dma_wait3A = arith.constant 0 : i32
      %dma_wait3A_475 = tpu.memref_slice %arg12[%add3A_16, %dma_wait3A] : memref<10240x128xf32, #tpu.memory_space<vmem_shared>> -> memref<128x128xf32, #tpu.memory_space<vmem_shared>>
      %dma_wait3A_476 = arith.constant 0 : i32
      %dma_wait3A_477 = tpu.memref_slice %arg12[%add3A_16, %dma_wait3A_476] : memref<10240x128xf32, #tpu.memory_space<vmem_shared>> -> memref<128x128xf32, #tpu.memory_space<vmem_shared>>
      tpu.wait_dma2 semaphore(%run_scoped3A : memref<!tpu.dma_semaphore, #tpu.memory_space<semaphore_mem>>) src(%arg10 : memref<128x128xf32, #tpu.memory_space<vmem>>) dst(%dma_wait3A_477 : memref<128x128xf32, #tpu.memory_space<vmem_shared>>)
      tpu.yield
    }) : () -> ()
    %add3A_17 = arith.constant 512 : i32
    %add3A_18 = arith.addi %mul3A_8, %add3A_17 : i32
    "tpu.region"() ({
      %run_scoped3A = tpu.sem_alloc : memref<!tpu.dma_semaphore, #tpu.memory_space<semaphore_mem>>
      %dma_start3A_471 = arith.constant 0 : i32
      %dma_start3A_472 = tpu.memref_slice %arg12[%add3A_18, %dma_start3A_471] : memref<10240x128xf32, #tpu.memory_space<vmem_shared>> -> memref<128x128xf32, #tpu.memory_space<vmem_shared>>
      %dma_start3A_473 = arith.constant 0 : i32
      %dma_start3A_474 = tpu.memref_slice %arg12[%add3A_18, %dma_start3A_473] : memref<10240x128xf32, #tpu.memory_space<vmem_shared>> -> memref<128x128xf32, #tpu.memory_space<vmem_shared>>
      tpu.enqueue_dma source(%arg10 : memref<128x128xf32, #tpu.memory_space<vmem>>) target(%dma_start3A_474 : memref<128x128xf32, #tpu.memory_space<vmem_shared>>) target_semaphore(%run_scoped3A : memref<!tpu.dma_semaphore, #tpu.memory_space<semaphore_mem>>)
      %dma_wait3A = arith.constant 0 : i32
      %dma_wait3A_475 = tpu.memref_slice %arg12[%add3A_18, %dma_wait3A] : memref<10240x128xf32, #tpu.memory_space<vmem_shared>> -> memref<128x128xf32, #tpu.memory_space<vmem_shared>>
      %dma_wait3A_476 = arith.constant 0 : i32
      %dma_wait3A_477 = tpu.memref_slice %arg12[%add3A_18, %dma_wait3A_476] : memref<10240x128xf32, #tpu.memory_space<vmem_shared>> -> memref<128x128xf32, #tpu.memory_space<vmem_shared>>
      tpu.wait_dma2 semaphore(%run_scoped3A : memref<!tpu.dma_semaphore, #tpu.memory_space<semaphore_mem>>) src(%arg10 : memref<128x128xf32, #tpu.memory_space<vmem>>) dst(%dma_wait3A_477 : memref<128x128xf32, #tpu.memory_space<vmem_shared>>)
      tpu.yield
    }) : () -> ()
    %barrier3A = arith.constant 0 : index
    tpu.barrier barrier_id(%barrier3A)
    %get3A = arith.constant 0 : i32
    %get3A_19 = arith.index_cast %get3A : i32 to index
    %get3A_20 = arith.constant 0 : index
    %get3A_21 = tpu.vector_load %arg5[%get3A_19, %get3A_20] {strides = array<i32>} : memref<80x128xi32, #tpu.memory_space<vmem>>, vector<1x16xi32>,
    %get3A_22 = vector.shape_cast %get3A_21 : vector<1x16xi32> to vector<16xi32>
    %shift_right_logical3A = arith.constant 14 : i32
    %shift_right_logical3A_23 = vector.broadcast %shift_right_logical3A : i32 to vector<16xi32>
    %shift_right_logical3A_24 = arith.shrui %get3A_22, %shift_right_logical3A_23 : vector<16xi32>
    %swap3A = arith.constant 0 : i32
    %swap3A_25 = arith.index_cast %swap3A : i32 to index
    %swap3A_26 = arith.constant 0 : index
    %swap3A_27 = tpu.vector_load %arg6[%swap3A_25, %swap3A_26] {strides = array<i32>} : memref<1x128xi32, #tpu.memory_space<vmem>>, vector<1x16xi32>,
    %swap3A_28 = vector.shape_cast %swap3A_27 : vector<1x16xi32> to vector<16xi32>
    %swap3A_29 = vector.shape_cast %shift_right_logical3A_24 : vector<16xi32> to vector<1x16xi32>
    tpu.vector_store %arg6[%swap3A_25, %swap3A_26], %swap3A_29 {strides = array<i32>} : memref<1x128xi32, #tpu.memory_space<vmem>>, vector<1x16xi32>,
    %broadcast_in_dim3A = arith.constant 16383 : i32
    %broadcast_in_dim3A_30 = vector.broadcast %broadcast_in_dim3A : i32 to vector<16xi32>
    %and3A = arith.andi %get3A_22, %broadcast_in_dim3A_30 : vector<16xi32>
    %swap3A_31 = arith.constant 0 : i32
    %swap3A_32 = arith.index_cast %swap3A_31 : i32 to index
    %swap3A_33 = arith.constant 0 : index
    %swap3A_34 = tpu.vector_load %arg8[%swap3A_32, %swap3A_33] {strides = array<i32>} : memref<1x128xi32, #tpu.memory_space<vmem>>, vector<1x16xi32>,
    %swap3A_35 = vector.shape_cast %swap3A_34 : vector<1x16xi32> to vector<16xi32>
    %swap3A_36 = vector.shape_cast %and3A : vector<16xi32> to vector<1x16xi32>
    tpu.vector_store %arg8[%swap3A_32, %swap3A_33], %swap3A_36 {strides = array<i32>} : memref<1x128xi32, #tpu.memory_space<vmem>>, vector<1x16xi32>,
    %get3A_37 = arith.constant 0 : i32
    %get3A_38 = arith.index_cast %get3A_37 : i32 to index
    %get3A_39 = arith.constant 16 : index
    %get3A_40 = tpu.vector_load %arg5[%get3A_38, %get3A_39] {strides = array<i32>} : memref<80x128xi32, #tpu.memory_space<vmem>>, vector<1x16xi32>,
    %get3A_41 = vector.shape_cast %get3A_40 : vector<1x16xi32> to vector<16xi32>
    %shift_right_logical3A_42 = arith.constant 14 : i32
    %shift_right_logical3A_43 = vector.broadcast %shift_right_logical3A_42 : i32 to vector<16xi32>
    %shift_right_logical3A_44 = arith.shrui %get3A_41, %shift_right_logical3A_43 : vector<16xi32>
    %swap3A_45 = arith.constant 0 : i32
    %swap3A_46 = arith.index_cast %swap3A_45 : i32 to index
    %swap3A_47 = arith.constant 16 : index
    %swap3A_48 = tpu.vector_load %arg6[%swap3A_46, %swap3A_47] {strides = array<i32>} : memref<1x128xi32, #tpu.memory_space<vmem>>, vector<1x16xi32>,
    %swap3A_49 = vector.shape_cast %swap3A_48 : vector<1x16xi32> to vector<16xi32>
    %swap3A_50 = vector.shape_cast %shift_right_logical3A_44 : vector<16xi32> to vector<1x16xi32>
    tpu.vector_store %arg6[%swap3A_46, %swap3A_47], %swap3A_50 {strides = array<i32>} : memref<1x128xi32, #tpu.memory_space<vmem>>, vector<1x16xi32>,
    %broadcast_in_dim3A_51 = arith.constant 16383 : i32
    %broadcast_in_dim3A_52 = vector.broadcast %broadcast_in_dim3A_51 : i32 to vector<16xi32>
    %and3A_53 = arith.andi %get3A_41, %broadcast_in_dim3A_52 : vector<16xi32>
    %swap3A_54 = arith.constant 0 : i32
    %swap3A_55 = arith.index_cast %swap3A_54 : i32 to index
    %swap3A_56 = arith.constant 16 : index
    %swap3A_57 = tpu.vector_load %arg8[%swap3A_55, %swap3A_56] {strides = array<i32>} : memref<1x128xi32, #tpu.memory_space<vmem>>, vector<1x16xi32>,
    %swap3A_58 = vector.shape_cast %swap3A_57 : vector<1x16xi32> to vector<16xi32>
    %swap3A_59 = vector.shape_cast %and3A_53 : vector<16xi32> to vector<1x16xi32>
    tpu.vector_store %arg8[%swap3A_55, %swap3A_56], %swap3A_59 {strides = array<i32>} : memref<1x128xi32, #tpu.memory_space<vmem>>, vector<1x16xi32>,
    %get3A_60 = arith.constant 0 : i32
    %get3A_61 = arith.index_cast %get3A_60 : i32 to index
    %get3A_62 = arith.constant 32 : index
    %get3A_63 = tpu.vector_load %arg5[%get3A_61, %get3A_62] {strides = array<i32>} : memref<80x128xi32, #tpu.memory_space<vmem>>, vector<1x16xi32>,
    %get3A_64 = vector.shape_cast %get3A_63 : vector<1x16xi32> to vector<16xi32>
    %shift_right_logical3A_65 = arith.constant 14 : i32
    %shift_right_logical3A_66 = vector.broadcast %shift_right_logical3A_65 : i32 to vector<16xi32>
    %shift_right_logical3A_67 = arith.shrui %get3A_64, %shift_right_logical3A_66 : vector<16xi32>
    %swap3A_68 = arith.constant 0 : i32
    %swap3A_69 = arith.index_cast %swap3A_68 : i32 to index
    %swap3A_70 = arith.constant 32 : index
    %swap3A_71 = tpu.vector_load %arg6[%swap3A_69, %swap3A_70] {strides = array<i32>} : memref<1x128xi32, #tpu.memory_space<vmem>>, vector<1x16xi32>,
    %swap3A_72 = vector.shape_cast %swap3A_71 : vector<1x16xi32> to vector<16xi32>
    %swap3A_73 = vector.shape_cast %shift_right_logical3A_67 : vector<16xi32> to vector<1x16xi32>
    tpu.vector_store %arg6[%swap3A_69, %swap3A_70], %swap3A_73 {strides = array<i32>} : memref<1x128xi32, #tpu.memory_space<vmem>>, vector<1x16xi32>,
    %broadcast_in_dim3A_74 = arith.constant 16383 : i32
    %broadcast_in_dim3A_75 = vector.broadcast %broadcast_in_dim3A_74 : i32 to vector<16xi32>
    %and3A_76 = arith.andi %get3A_64, %broadcast_in_dim3A_75 : vector<16xi32>
    %swap3A_77 = arith.constant 0 : i32
    %swap3A_78 = arith.index_cast %swap3A_77 : i32 to index
    %swap3A_79 = arith.constant 32 : index
    %swap3A_80 = tpu.vector_load %arg8[%swap3A_78, %swap3A_79] {strides = array<i32>} : memref<1x128xi32, #tpu.memory_space<vmem>>, vector<1x16xi32>,
    %swap3A_81 = vector.shape_cast %swap3A_80 : vector<1x16xi32> to vector<16xi32>
    %swap3A_82 = vector.shape_cast %and3A_76 : vector<16xi32> to vector<1x16xi32>
    tpu.vector_store %arg8[%swap3A_78, %swap3A_79], %swap3A_82 {strides = array<i32>} : memref<1x128xi32, #tpu.memory_space<vmem>>, vector<1x16xi32>,
    %get3A_83 = arith.constant 0 : i32
    %get3A_84 = arith.index_cast %get3A_83 : i32 to index
    %get3A_85 = arith.constant 48 : index
    %get3A_86 = tpu.vector_load %arg5[%get3A_84, %get3A_85] {strides = array<i32>} : memref<80x128xi32, #tpu.memory_space<vmem>>, vector<1x16xi32>,
    %get3A_87 = vector.shape_cast %get3A_86 : vector<1x16xi32> to vector<16xi32>
    %shift_right_logical3A_88 = arith.constant 14 : i32
    %shift_right_logical3A_89 = vector.broadcast %shift_right_logical3A_88 : i32 to vector<16xi32>
    %shift_right_logical3A_90 = arith.shrui %get3A_87, %shift_right_logical3A_89 : vector<16xi32>
    %swap3A_91 = arith.constant 0 : i32
    %swap3A_92 = arith.index_cast %swap3A_91 : i32 to index
    %swap3A_93 = arith.constant 48 : index
    %swap3A_94 = tpu.vector_load %arg6[%swap3A_92, %swap3A_93] {strides = array<i32>} : memref<1x128xi32, #tpu.memory_space<vmem>>, vector<1x16xi32>,
    %swap3A_95 = vector.shape_cast %swap3A_94 : vector<1x16xi32> to vector<16xi32>
    %swap3A_96 = vector.shape_cast %shift_right_logical3A_90 : vector<16xi32> to vector<1x16xi32>
    tpu.vector_store %arg6[%swap3A_92, %swap3A_93], %swap3A_96 {strides = array<i32>} : memref<1x128xi32, #tpu.memory_space<vmem>>, vector<1x16xi32>,
    %broadcast_in_dim3A_97 = arith.constant 16383 : i32
    %broadcast_in_dim3A_98 = vector.broadcast %broadcast_in_dim3A_97 : i32 to vector<16xi32>
    %and3A_99 = arith.andi %get3A_87, %broadcast_in_dim3A_98 : vector<16xi32>
    %swap3A_100 = arith.constant 0 : i32
    %swap3A_101 = arith.index_cast %swap3A_100 : i32 to index
    %swap3A_102 = arith.constant 48 : index
    %swap3A_103 = tpu.vector_load %arg8[%swap3A_101, %swap3A_102] {strides = array<i32>} : memref<1x128xi32, #tpu.memory_space<vmem>>, vector<1x16xi32>,
    %swap3A_104 = vector.shape_cast %swap3A_103 : vector<1x16xi32> to vector<16xi32>
    %swap3A_105 = vector.shape_cast %and3A_99 : vector<16xi32> to vector<1x16xi32>
    tpu.vector_store %arg8[%swap3A_101, %swap3A_102], %swap3A_105 {strides = array<i32>} : memref<1x128xi32, #tpu.memory_space<vmem>>, vector<1x16xi32>,
    %get3A_106 = arith.constant 0 : i32
    %get3A_107 = arith.index_cast %get3A_106 : i32 to index
    %get3A_108 = arith.constant 64 : index
    %get3A_109 = tpu.vector_load %arg5[%get3A_107, %get3A_108] {strides = array<i32>} : memref<80x128xi32, #tpu.memory_space<vmem>>, vector<1x16xi32>,
    %get3A_110 = vector.shape_cast %get3A_109 : vector<1x16xi32> to vector<16xi32>
    %shift_right_logical3A_111 = arith.constant 14 : i32
    %shift_right_logical3A_112 = vector.broadcast %shift_right_logical3A_111 : i32 to vector<16xi32>
    %shift_right_logical3A_113 = arith.shrui %get3A_110, %shift_right_logical3A_112 : vector<16xi32>
    %swap3A_114 = arith.constant 0 : i32
    %swap3A_115 = arith.index_cast %swap3A_114 : i32 to index
    %swap3A_116 = arith.constant 64 : index
    %swap3A_117 = tpu.vector_load %arg6[%swap3A_115, %swap3A_116] {strides = array<i32>} : memref<1x128xi32, #tpu.memory_space<vmem>>, vector<1x16xi32>,
    %swap3A_118 = vector.shape_cast %swap3A_117 : vector<1x16xi32> to vector<16xi32>
    %swap3A_119 = vector.shape_cast %shift_right_logical3A_113 : vector<16xi32> to vector<1x16xi32>
    tpu.vector_store %arg6[%swap3A_115, %swap3A_116], %swap3A_119 {strides = array<i32>} : memref<1x128xi32, #tpu.memory_space<vmem>>, vector<1x16xi32>,
    %broadcast_in_dim3A_120 = arith.constant 16383 : i32
    %broadcast_in_dim3A_121 = vector.broadcast %broadcast_in_dim3A_120 : i32 to vector<16xi32>
    %and3A_122 = arith.andi %get3A_110, %broadcast_in_dim3A_121 : vector<16xi32>
    %swap3A_123 = arith.constant 0 : i32
    %swap3A_124 = arith.index_cast %swap3A_123 : i32 to index
    %swap3A_125 = arith.constant 64 : index
    %swap3A_126 = tpu.vector_load %arg8[%swap3A_124, %swap3A_125] {strides = array<i32>} : memref<1x128xi32, #tpu.memory_space<vmem>>, vector<1x16xi32>,
    %swap3A_127 = vector.shape_cast %swap3A_126 : vector<1x16xi32> to vector<16xi32>
    %swap3A_128 = vector.shape_cast %and3A_122 : vector<16xi32> to vector<1x16xi32>
    tpu.vector_store %arg8[%swap3A_124, %swap3A_125], %swap3A_128 {strides = array<i32>} : memref<1x128xi32, #tpu.memory_space<vmem>>, vector<1x16xi32>,
    %get3A_129 = arith.constant 0 : i32
    %get3A_130 = arith.index_cast %get3A_129 : i32 to index
    %get3A_131 = arith.constant 80 : index
    %get3A_132 = tpu.vector_load %arg5[%get3A_130, %get3A_131] {strides = array<i32>} : memref<80x128xi32, #tpu.memory_space<vmem>>, vector<1x16xi32>,
    %get3A_133 = vector.shape_cast %get3A_132 : vector<1x16xi32> to vector<16xi32>
    %shift_right_logical3A_134 = arith.constant 14 : i32
    %shift_right_logical3A_135 = vector.broadcast %shift_right_logical3A_134 : i32 to vector<16xi32>
    %shift_right_logical3A_136 = arith.shrui %get3A_133, %shift_right_logical3A_135 : vector<16xi32>
    %swap3A_137 = arith.constant 0 : i32
    %swap3A_138 = arith.index_cast %swap3A_137 : i32 to index
    %swap3A_139 = arith.constant 80 : index
    %swap3A_140 = tpu.vector_load %arg6[%swap3A_138, %swap3A_139] {strides = array<i32>} : memref<1x128xi32, #tpu.memory_space<vmem>>, vector<1x16xi32>,
    %swap3A_141 = vector.shape_cast %swap3A_140 : vector<1x16xi32> to vector<16xi32>
    %swap3A_142 = vector.shape_cast %shift_right_logical3A_136 : vector<16xi32> to vector<1x16xi32>
    tpu.vector_store %arg6[%swap3A_138, %swap3A_139], %swap3A_142 {strides = array<i32>} : memref<1x128xi32, #tpu.memory_space<vmem>>, vector<1x16xi32>,
    %broadcast_in_dim3A_143 = arith.constant 16383 : i32
    %broadcast_in_dim3A_144 = vector.broadcast %broadcast_in_dim3A_143 : i32 to vector<16xi32>
    %and3A_145 = arith.andi %get3A_133, %broadcast_in_dim3A_144 : vector<16xi32>
    %swap3A_146 = arith.constant 0 : i32
    %swap3A_147 = arith.index_cast %swap3A_146 : i32 to index
    %swap3A_148 = arith.constant 80 : index
    %swap3A_149 = tpu.vector_load %arg8[%swap3A_147, %swap3A_148] {strides = array<i32>} : memref<1x128xi32, #tpu.memory_space<vmem>>, vector<1x16xi32>,
    %swap3A_150 = vector.shape_cast %swap3A_149 : vector<1x16xi32> to vector<16xi32>
    %swap3A_151 = vector.shape_cast %and3A_145 : vector<16xi32> to vector<1x16xi32>
    tpu.vector_store %arg8[%swap3A_147, %swap3A_148], %swap3A_151 {strides = array<i32>} : memref<1x128xi32, #tpu.memory_space<vmem>>, vector<1x16xi32>,
    %get3A_152 = arith.constant 0 : i32
    %get3A_153 = arith.index_cast %get3A_152 : i32 to index
    %get3A_154 = arith.constant 96 : index
    %get3A_155 = tpu.vector_load %arg5[%get3A_153, %get3A_154] {strides = array<i32>} : memref<80x128xi32, #tpu.memory_space<vmem>>, vector<1x16xi32>,
    %get3A_156 = vector.shape_cast %get3A_155 : vector<1x16xi32> to vector<16xi32>
    %shift_right_logical3A_157 = arith.constant 14 : i32
    %shift_right_logical3A_158 = vector.broadcast %shift_right_logical3A_157 : i32 to vector<16xi32>
    %shift_right_logical3A_159 = arith.shrui %get3A_156, %shift_right_logical3A_158 : vector<16xi32>
    %swap3A_160 = arith.constant 0 : i32
    %swap3A_161 = arith.index_cast %swap3A_160 : i32 to index
    %swap3A_162 = arith.constant 96 : index
    %swap3A_163 = tpu.vector_load %arg6[%swap3A_161, %swap3A_162] {strides = array<i32>} : memref<1x128xi32, #tpu.memory_space<vmem>>, vector<1x16xi32>,
    %swap3A_164 = vector.shape_cast %swap3A_163 : vector<1x16xi32> to vector<16xi32>
    %swap3A_165 = vector.shape_cast %shift_right_logical3A_159 : vector<16xi32> to vector<1x16xi32>
    tpu.vector_store %arg6[%swap3A_161, %swap3A_162], %swap3A_165 {strides = array<i32>} : memref<1x128xi32, #tpu.memory_space<vmem>>, vector<1x16xi32>,
    %broadcast_in_dim3A_166 = arith.constant 16383 : i32
    %broadcast_in_dim3A_167 = vector.broadcast %broadcast_in_dim3A_166 : i32 to vector<16xi32>
    %and3A_168 = arith.andi %get3A_156, %broadcast_in_dim3A_167 : vector<16xi32>
    %swap3A_169 = arith.constant 0 : i32
    %swap3A_170 = arith.index_cast %swap3A_169 : i32 to index
    %swap3A_171 = arith.constant 96 : index
    %swap3A_172 = tpu.vector_load %arg8[%swap3A_170, %swap3A_171] {strides = array<i32>} : memref<1x128xi32, #tpu.memory_space<vmem>>, vector<1x16xi32>,
    %swap3A_173 = vector.shape_cast %swap3A_172 : vector<1x16xi32> to vector<16xi32>
    %swap3A_174 = vector.shape_cast %and3A_168 : vector<16xi32> to vector<1x16xi32>
    tpu.vector_store %arg8[%swap3A_170, %swap3A_171], %swap3A_174 {strides = array<i32>} : memref<1x128xi32, #tpu.memory_space<vmem>>, vector<1x16xi32>,
    %get3A_175 = arith.constant 0 : i32
    %get3A_176 = arith.index_cast %get3A_175 : i32 to index
    %get3A_177 = arith.constant 112 : index
    %get3A_178 = tpu.vector_load %arg5[%get3A_176, %get3A_177] {strides = array<i32>} : memref<80x128xi32, #tpu.memory_space<vmem>>, vector<1x16xi32>,
    %get3A_179 = vector.shape_cast %get3A_178 : vector<1x16xi32> to vector<16xi32>
    %shift_right_logical3A_180 = arith.constant 14 : i32
    %shift_right_logical3A_181 = vector.broadcast %shift_right_logical3A_180 : i32 to vector<16xi32>
    %shift_right_logical3A_182 = arith.shrui %get3A_179, %shift_right_logical3A_181 : vector<16xi32>
    %swap3A_183 = arith.constant 0 : i32
    %swap3A_184 = arith.index_cast %swap3A_183 : i32 to index
    %swap3A_185 = arith.constant 112 : index
    %swap3A_186 = tpu.vector_load %arg6[%swap3A_184, %swap3A_185] {strides = array<i32>} : memref<1x128xi32, #tpu.memory_space<vmem>>, vector<1x16xi32>,
    %swap3A_187 = vector.shape_cast %swap3A_186 : vector<1x16xi32> to vector<16xi32>
    %swap3A_188 = vector.shape_cast %shift_right_logical3A_182 : vector<16xi32> to vector<1x16xi32>
    tpu.vector_store %arg6[%swap3A_184, %swap3A_185], %swap3A_188 {strides = array<i32>} : memref<1x128xi32, #tpu.memory_space<vmem>>, vector<1x16xi32>,
    %broadcast_in_dim3A_189 = arith.constant 16383 : i32
    %broadcast_in_dim3A_190 = vector.broadcast %broadcast_in_dim3A_189 : i32 to vector<16xi32>
    %and3A_191 = arith.andi %get3A_179, %broadcast_in_dim3A_190 : vector<16xi32>
    %swap3A_192 = arith.constant 0 : i32
    %swap3A_193 = arith.index_cast %swap3A_192 : i32 to index
    %swap3A_194 = arith.constant 112 : index
    %swap3A_195 = tpu.vector_load %arg8[%swap3A_193, %swap3A_194] {strides = array<i32>} : memref<1x128xi32, #tpu.memory_space<vmem>>, vector<1x16xi32>,
    %swap3A_196 = vector.shape_cast %swap3A_195 : vector<1x16xi32> to vector<16xi32>
    %swap3A_197 = vector.shape_cast %and3A_191 : vector<16xi32> to vector<1x16xi32>
    tpu.vector_store %arg8[%swap3A_193, %swap3A_194], %swap3A_197 {strides = array<i32>} : memref<1x128xi32, #tpu.memory_space<vmem>>, vector<1x16xi32>,
    %get3A_198 = arith.constant 1 : i32
    %get3A_199 = arith.index_cast %get3A_198 : i32 to index
    %get3A_200 = arith.constant 0 : index
    %get3A_201 = tpu.vector_load %arg5[%get3A_199, %get3A_200] {strides = array<i32>} : memref<80x128xi32, #tpu.memory_space<vmem>>, vector<1x16xi32>,
    %get3A_202 = vector.shape_cast %get3A_201 : vector<1x16xi32> to vector<16xi32>
    %shift_right_logical3A_203 = arith.constant 14 : i32
    %shift_right_logical3A_204 = vector.broadcast %shift_right_logical3A_203 : i32 to vector<16xi32>
    %shift_right_logical3A_205 = arith.shrui %get3A_202, %shift_right_logical3A_204 : vector<16xi32>
    %swap3A_206 = arith.constant 0 : i32
    %swap3A_207 = arith.index_cast %swap3A_206 : i32 to index
    %swap3A_208 = arith.constant 0 : index
    %swap3A_209 = tpu.vector_load %arg7[%swap3A_207, %swap3A_208] {strides = array<i32>} : memref<1x128xi32, #tpu.memory_space<vmem>>, vector<1x16xi32>,
    %swap3A_210 = vector.shape_cast %swap3A_209 : vector<1x16xi32> to vector<16xi32>
    %swap3A_211 = vector.shape_cast %shift_right_logical3A_205 : vector<16xi32> to vector<1x16xi32>
    tpu.vector_store %arg7[%swap3A_207, %swap3A_208], %swap3A_211 {strides = array<i32>} : memref<1x128xi32, #tpu.memory_space<vmem>>, vector<1x16xi32>,
    %broadcast_in_dim3A_212 = arith.constant 16383 : i32
    %broadcast_in_dim3A_213 = vector.broadcast %broadcast_in_dim3A_212 : i32 to vector<16xi32>
    %and3A_214 = arith.andi %get3A_202, %broadcast_in_dim3A_213 : vector<16xi32>
    %swap3A_215 = arith.constant 0 : i32
    %swap3A_216 = arith.index_cast %swap3A_215 : i32 to index
    %swap3A_217 = arith.constant 0 : index
    %swap3A_218 = tpu.vector_load %arg9[%swap3A_216, %swap3A_217] {strides = array<i32>} : memref<1x128xi32, #tpu.memory_space<vmem>>, vector<1x16xi32>,
    %swap3A_219 = vector.shape_cast %swap3A_218 : vector<1x16xi32> to vector<16xi32>
    %swap3A_220 = vector.shape_cast %and3A_214 : vector<16xi32> to vector<1x16xi32>
    tpu.vector_store %arg9[%swap3A_216, %swap3A_217], %swap3A_220 {strides = array<i32>} : memref<1x128xi32, #tpu.memory_space<vmem>>, vector<1x16xi32>,
    %get3A_221 = arith.constant 1 : i32
    %get3A_222 = arith.index_cast %get3A_221 : i32 to index
    %get3A_223 = arith.constant 16 : index
    %get3A_224 = tpu.vector_load %arg5[%get3A_222, %get3A_223] {strides = array<i32>} : memref<80x128xi32, #tpu.memory_space<vmem>>, vector<1x16xi32>,
    %get3A_225 = vector.shape_cast %get3A_224 : vector<1x16xi32> to vector<16xi32>
    %shift_right_logical3A_226 = arith.constant 14 : i32
    %shift_right_logical3A_227 = vector.broadcast %shift_right_logical3A_226 : i32 to vector<16xi32>
    %shift_right_logical3A_228 = arith.shrui %get3A_225, %shift_right_logical3A_227 : vector<16xi32>
    %swap3A_229 = arith.constant 0 : i32
    %swap3A_230 = arith.index_cast %swap3A_229 : i32 to index
    %swap3A_231 = arith.constant 16 : index
    %swap3A_232 = tpu.vector_load %arg7[%swap3A_230, %swap3A_231] {strides = array<i32>} : memref<1x128xi32, #tpu.memory_space<vmem>>, vector<1x16xi32>,
    %swap3A_233 = vector.shape_cast %swap3A_232 : vector<1x16xi32> to vector<16xi32>
    %swap3A_234 = vector.shape_cast %shift_right_logical3A_228 : vector<16xi32> to vector<1x16xi32>
    tpu.vector_store %arg7[%swap3A_230, %swap3A_231], %swap3A_234 {strides = array<i32>} : memref<1x128xi32, #tpu.memory_space<vmem>>, vector<1x16xi32>,
    %broadcast_in_dim3A_235 = arith.constant 16383 : i32
    %broadcast_in_dim3A_236 = vector.broadcast %broadcast_in_dim3A_235 : i32 to vector<16xi32>
    %and3A_237 = arith.andi %get3A_225, %broadcast_in_dim3A_236 : vector<16xi32>
    %swap3A_238 = arith.constant 0 : i32
    %swap3A_239 = arith.index_cast %swap3A_238 : i32 to index
    %swap3A_240 = arith.constant 16 : index
    %swap3A_241 = tpu.vector_load %arg9[%swap3A_239, %swap3A_240] {strides = array<i32>} : memref<1x128xi32, #tpu.memory_space<vmem>>, vector<1x16xi32>,
    %swap3A_242 = vector.shape_cast %swap3A_241 : vector<1x16xi32> to vector<16xi32>
    %swap3A_243 = vector.shape_cast %and3A_237 : vector<16xi32> to vector<1x16xi32>
    tpu.vector_store %arg9[%swap3A_239, %swap3A_240], %swap3A_243 {strides = array<i32>} : memref<1x128xi32, #tpu.memory_space<vmem>>, vector<1x16xi32>,
    %get3A_244 = arith.constant 1 : i32
    %get3A_245 = arith.index_cast %get3A_244 : i32 to index
    %get3A_246 = arith.constant 32 : index
    %get3A_247 = tpu.vector_load %arg5[%get3A_245, %get3A_246] {strides = array<i32>} : memref<80x128xi32, #tpu.memory_space<vmem>>, vector<1x16xi32>,
    %get3A_248 = vector.shape_cast %get3A_247 : vector<1x16xi32> to vector<16xi32>
    %shift_right_logical3A_249 = arith.constant 14 : i32
    %shift_right_logical3A_250 = vector.broadcast %shift_right_logical3A_249 : i32 to vector<16xi32>
    %shift_right_logical3A_251 = arith.shrui %get3A_248, %shift_right_logical3A_250 : vector<16xi32>
    %swap3A_252 = arith.constant 0 : i32
    %swap3A_253 = arith.index_cast %swap3A_252 : i32 to index
    %swap3A_254 = arith.constant 32 : index
    %swap3A_255 = tpu.vector_load %arg7[%swap3A_253, %swap3A_254] {strides = array<i32>} : memref<1x128xi32, #tpu.memory_space<vmem>>, vector<1x16xi32>,
    %swap3A_256 = vector.shape_cast %swap3A_255 : vector<1x16xi32> to vector<16xi32>
    %swap3A_257 = vector.shape_cast %shift_right_logical3A_251 : vector<16xi32> to vector<1x16xi32>
    tpu.vector_store %arg7[%swap3A_253, %swap3A_254], %swap3A_257 {strides = array<i32>} : memref<1x128xi32, #tpu.memory_space<vmem>>, vector<1x16xi32>,
    %broadcast_in_dim3A_258 = arith.constant 16383 : i32
    %broadcast_in_dim3A_259 = vector.broadcast %broadcast_in_dim3A_258 : i32 to vector<16xi32>
    %and3A_260 = arith.andi %get3A_248, %broadcast_in_dim3A_259 : vector<16xi32>
    %swap3A_261 = arith.constant 0 : i32
    %swap3A_262 = arith.index_cast %swap3A_261 : i32 to index
    %swap3A_263 = arith.constant 32 : index
    %swap3A_264 = tpu.vector_load %arg9[%swap3A_262, %swap3A_263] {strides = array<i32>} : memref<1x128xi32, #tpu.memory_space<vmem>>, vector<1x16xi32>,
    %swap3A_265 = vector.shape_cast %swap3A_264 : vector<1x16xi32> to vector<16xi32>
    %swap3A_266 = vector.shape_cast %and3A_260 : vector<16xi32> to vector<1x16xi32>
    tpu.vector_store %arg9[%swap3A_262, %swap3A_263], %swap3A_266 {strides = array<i32>} : memref<1x128xi32, #tpu.memory_space<vmem>>, vector<1x16xi32>,
    %get3A_267 = arith.constant 1 : i32
    %get3A_268 = arith.index_cast %get3A_267 : i32 to index
    %get3A_269 = arith.constant 48 : index
    %get3A_270 = tpu.vector_load %arg5[%get3A_268, %get3A_269] {strides = array<i32>} : memref<80x128xi32, #tpu.memory_space<vmem>>, vector<1x16xi32>,
    %get3A_271 = vector.shape_cast %get3A_270 : vector<1x16xi32> to vector<16xi32>
    %shift_right_logical3A_272 = arith.constant 14 : i32
    %shift_right_logical3A_273 = vector.broadcast %shift_right_logical3A_272 : i32 to vector<16xi32>
    %shift_right_logical3A_274 = arith.shrui %get3A_271, %shift_right_logical3A_273 : vector<16xi32>
    %swap3A_275 = arith.constant 0 : i32
    %swap3A_276 = arith.index_cast %swap3A_275 : i32 to index
    %swap3A_277 = arith.constant 48 : index
    %swap3A_278 = tpu.vector_load %arg7[%swap3A_276, %swap3A_277] {strides = array<i32>} : memref<1x128xi32, #tpu.memory_space<vmem>>, vector<1x16xi32>,
    %swap3A_279 = vector.shape_cast %swap3A_278 : vector<1x16xi32> to vector<16xi32>
    %swap3A_280 = vector.shape_cast %shift_right_logical3A_274 : vector<16xi32> to vector<1x16xi32>
    tpu.vector_store %arg7[%swap3A_276, %swap3A_277], %swap3A_280 {strides = array<i32>} : memref<1x128xi32, #tpu.memory_space<vmem>>, vector<1x16xi32>,
    %broadcast_in_dim3A_281 = arith.constant 16383 : i32
    %broadcast_in_dim3A_282 = vector.broadcast %broadcast_in_dim3A_281 : i32 to vector<16xi32>
    %and3A_283 = arith.andi %get3A_271, %broadcast_in_dim3A_282 : vector<16xi32>
    %swap3A_284 = arith.constant 0 : i32
    %swap3A_285 = arith.index_cast %swap3A_284 : i32 to index
    %swap3A_286 = arith.constant 48 : index
    %swap3A_287 = tpu.vector_load %arg9[%swap3A_285, %swap3A_286] {strides = array<i32>} : memref<1x128xi32, #tpu.memory_space<vmem>>, vector<1x16xi32>,
    %swap3A_288 = vector.shape_cast %swap3A_287 : vector<1x16xi32> to vector<16xi32>
    %swap3A_289 = vector.shape_cast %and3A_283 : vector<16xi32> to vector<1x16xi32>
    tpu.vector_store %arg9[%swap3A_285, %swap3A_286], %swap3A_289 {strides = array<i32>} : memref<1x128xi32, #tpu.memory_space<vmem>>, vector<1x16xi32>,
    %get3A_290 = arith.constant 1 : i32
    %get3A_291 = arith.index_cast %get3A_290 : i32 to index
    %get3A_292 = arith.constant 64 : index
    %get3A_293 = tpu.vector_load %arg5[%get3A_291, %get3A_292] {strides = array<i32>} : memref<80x128xi32, #tpu.memory_space<vmem>>, vector<1x16xi32>,
    %get3A_294 = vector.shape_cast %get3A_293 : vector<1x16xi32> to vector<16xi32>
    %shift_right_logical3A_295 = arith.constant 14 : i32
    %shift_right_logical3A_296 = vector.broadcast %shift_right_logical3A_295 : i32 to vector<16xi32>
    %shift_right_logical3A_297 = arith.shrui %get3A_294, %shift_right_logical3A_296 : vector<16xi32>
    %swap3A_298 = arith.constant 0 : i32
    %swap3A_299 = arith.index_cast %swap3A_298 : i32 to index
    %swap3A_300 = arith.constant 64 : index
    %swap3A_301 = tpu.vector_load %arg7[%swap3A_299, %swap3A_300] {strides = array<i32>} : memref<1x128xi32, #tpu.memory_space<vmem>>, vector<1x16xi32>,
    %swap3A_302 = vector.shape_cast %swap3A_301 : vector<1x16xi32> to vector<16xi32>
    %swap3A_303 = vector.shape_cast %shift_right_logical3A_297 : vector<16xi32> to vector<1x16xi32>
    tpu.vector_store %arg7[%swap3A_299, %swap3A_300], %swap3A_303 {strides = array<i32>} : memref<1x128xi32, #tpu.memory_space<vmem>>, vector<1x16xi32>,
    %broadcast_in_dim3A_304 = arith.constant 16383 : i32
    %broadcast_in_dim3A_305 = vector.broadcast %broadcast_in_dim3A_304 : i32 to vector<16xi32>
    %and3A_306 = arith.andi %get3A_294, %broadcast_in_dim3A_305 : vector<16xi32>
    %swap3A_307 = arith.constant 0 : i32
    %swap3A_308 = arith.index_cast %swap3A_307 : i32 to index
    %swap3A_309 = arith.constant 64 : index
    %swap3A_310 = tpu.vector_load %arg9[%swap3A_308, %swap3A_309] {strides = array<i32>} : memref<1x128xi32, #tpu.memory_space<vmem>>, vector<1x16xi32>,
    %swap3A_311 = vector.shape_cast %swap3A_310 : vector<1x16xi32> to vector<16xi32>
    %swap3A_312 = vector.shape_cast %and3A_306 : vector<16xi32> to vector<1x16xi32>
    tpu.vector_store %arg9[%swap3A_308, %swap3A_309], %swap3A_312 {strides = array<i32>} : memref<1x128xi32, #tpu.memory_space<vmem>>, vector<1x16xi32>,
    %get3A_313 = arith.constant 1 : i32
    %get3A_314 = arith.index_cast %get3A_313 : i32 to index
    %get3A_315 = arith.constant 80 : index
    %get3A_316 = tpu.vector_load %arg5[%get3A_314, %get3A_315] {strides = array<i32>} : memref<80x128xi32, #tpu.memory_space<vmem>>, vector<1x16xi32>,
    %get3A_317 = vector.shape_cast %get3A_316 : vector<1x16xi32> to vector<16xi32>
    %shift_right_logical3A_318 = arith.constant 14 : i32
    %shift_right_logical3A_319 = vector.broadcast %shift_right_logical3A_318 : i32 to vector<16xi32>
    %shift_right_logical3A_320 = arith.shrui %get3A_317, %shift_right_logical3A_319 : vector<16xi32>
    %swap3A_321 = arith.constant 0 : i32
    %swap3A_322 = arith.index_cast %swap3A_321 : i32 to index
    %swap3A_323 = arith.constant 80 : index
    %swap3A_324 = tpu.vector_load %arg7[%swap3A_322, %swap3A_323] {strides = array<i32>} : memref<1x128xi32, #tpu.memory_space<vmem>>, vector<1x16xi32>,
    %swap3A_325 = vector.shape_cast %swap3A_324 : vector<1x16xi32> to vector<16xi32>
    %swap3A_326 = vector.shape_cast %shift_right_logical3A_320 : vector<16xi32> to vector<1x16xi32>
    tpu.vector_store %arg7[%swap3A_322, %swap3A_323], %swap3A_326 {strides = array<i32>} : memref<1x128xi32, #tpu.memory_space<vmem>>, vector<1x16xi32>,
    %broadcast_in_dim3A_327 = arith.constant 16383 : i32
    %broadcast_in_dim3A_328 = vector.broadcast %broadcast_in_dim3A_327 : i32 to vector<16xi32>
    %and3A_329 = arith.andi %get3A_317, %broadcast_in_dim3A_328 : vector<16xi32>
    %swap3A_330 = arith.constant 0 : i32
    %swap3A_331 = arith.index_cast %swap3A_330 : i32 to index
    %swap3A_332 = arith.constant 80 : index
    %swap3A_333 = tpu.vector_load %arg9[%swap3A_331, %swap3A_332] {strides = array<i32>} : memref<1x128xi32, #tpu.memory_space<vmem>>, vector<1x16xi32>,
    %swap3A_334 = vector.shape_cast %swap3A_333 : vector<1x16xi32> to vector<16xi32>
    %swap3A_335 = vector.shape_cast %and3A_329 : vector<16xi32> to vector<1x16xi32>
    tpu.vector_store %arg9[%swap3A_331, %swap3A_332], %swap3A_335 {strides = array<i32>} : memref<1x128xi32, #tpu.memory_space<vmem>>, vector<1x16xi32>,
    %get3A_336 = arith.constant 1 : i32
    %get3A_337 = arith.index_cast %get3A_336 : i32 to index
    %get3A_338 = arith.constant 96 : index
    %get3A_339 = tpu.vector_load %arg5[%get3A_337, %get3A_338] {strides = array<i32>} : memref<80x128xi32, #tpu.memory_space<vmem>>, vector<1x16xi32>,
    %get3A_340 = vector.shape_cast %get3A_339 : vector<1x16xi32> to vector<16xi32>
    %shift_right_logical3A_341 = arith.constant 14 : i32
    %shift_right_logical3A_342 = vector.broadcast %shift_right_logical3A_341 : i32 to vector<16xi32>
    %shift_right_logical3A_343 = arith.shrui %get3A_340, %shift_right_logical3A_342 : vector<16xi32>
    %swap3A_344 = arith.constant 0 : i32
    %swap3A_345 = arith.index_cast %swap3A_344 : i32 to index
    %swap3A_346 = arith.constant 96 : index
    %swap3A_347 = tpu.vector_load %arg7[%swap3A_345, %swap3A_346] {strides = array<i32>} : memref<1x128xi32, #tpu.memory_space<vmem>>, vector<1x16xi32>,
    %swap3A_348 = vector.shape_cast %swap3A_347 : vector<1x16xi32> to vector<16xi32>
    %swap3A_349 = vector.shape_cast %shift_right_logical3A_343 : vector<16xi32> to vector<1x16xi32>
    tpu.vector_store %arg7[%swap3A_345, %swap3A_346], %swap3A_349 {strides = array<i32>} : memref<1x128xi32, #tpu.memory_space<vmem>>, vector<1x16xi32>,
    %broadcast_in_dim3A_350 = arith.constant 16383 : i32
    %broadcast_in_dim3A_351 = vector.broadcast %broadcast_in_dim3A_350 : i32 to vector<16xi32>
    %and3A_352 = arith.andi %get3A_340, %broadcast_in_dim3A_351 : vector<16xi32>
    %swap3A_353 = arith.constant 0 : i32
    %swap3A_354 = arith.index_cast %swap3A_353 : i32 to index
    %swap3A_355 = arith.constant 96 : index
    %swap3A_356 = tpu.vector_load %arg9[%swap3A_354, %swap3A_355] {strides = array<i32>} : memref<1x128xi32, #tpu.memory_space<vmem>>, vector<1x16xi32>,
    %swap3A_357 = vector.shape_cast %swap3A_356 : vector<1x16xi32> to vector<16xi32>
    %swap3A_358 = vector.shape_cast %and3A_352 : vector<16xi32> to vector<1x16xi32>
    tpu.vector_store %arg9[%swap3A_354, %swap3A_355], %swap3A_358 {strides = array<i32>} : memref<1x128xi32, #tpu.memory_space<vmem>>, vector<1x16xi32>,
    %get3A_359 = arith.constant 1 : i32
    %get3A_360 = arith.index_cast %get3A_359 : i32 to index
    %get3A_361 = arith.constant 112 : index
    %get3A_362 = tpu.vector_load %arg5[%get3A_360, %get3A_361] {strides = array<i32>} : memref<80x128xi32, #tpu.memory_space<vmem>>, vector<1x16xi32>,
    %get3A_363 = vector.shape_cast %get3A_362 : vector<1x16xi32> to vector<16xi32>
    %shift_right_logical3A_364 = arith.constant 14 : i32
    %shift_right_logical3A_365 = vector.broadcast %shift_right_logical3A_364 : i32 to vector<16xi32>
    %shift_right_logical3A_366 = arith.shrui %get3A_363, %shift_right_logical3A_365 : vector<16xi32>
    %swap3A_367 = arith.constant 0 : i32
    %swap3A_368 = arith.index_cast %swap3A_367 : i32 to index
    %swap3A_369 = arith.constant 112 : index
    %swap3A_370 = tpu.vector_load %arg7[%swap3A_368, %swap3A_369] {strides = array<i32>} : memref<1x128xi32, #tpu.memory_space<vmem>>, vector<1x16xi32>,
    %swap3A_371 = vector.shape_cast %swap3A_370 : vector<1x16xi32> to vector<16xi32>
    %swap3A_372 = vector.shape_cast %shift_right_logical3A_366 : vector<16xi32> to vector<1x16xi32>
    tpu.vector_store %arg7[%swap3A_368, %swap3A_369], %swap3A_372 {strides = array<i32>} : memref<1x128xi32, #tpu.memory_space<vmem>>, vector<1x16xi32>,
    %broadcast_in_dim3A_373 = arith.constant 16383 : i32
    %broadcast_in_dim3A_374 = vector.broadcast %broadcast_in_dim3A_373 : i32 to vector<16xi32>
    %and3A_375 = arith.andi %get3A_363, %broadcast_in_dim3A_374 : vector<16xi32>
    %swap3A_376 = arith.constant 0 : i32
    %swap3A_377 = arith.index_cast %swap3A_376 : i32 to index
    %swap3A_378 = arith.constant 112 : index
    %swap3A_379 = tpu.vector_load %arg9[%swap3A_377, %swap3A_378] {strides = array<i32>} : memref<1x128xi32, #tpu.memory_space<vmem>>, vector<1x16xi32>,
    %swap3A_380 = vector.shape_cast %swap3A_379 : vector<1x16xi32> to vector<16xi32>
    %swap3A_381 = vector.shape_cast %and3A_375 : vector<16xi32> to vector<1x16xi32>
    tpu.vector_store %arg9[%swap3A_377, %swap3A_378], %swap3A_381 {strides = array<i32>} : memref<1x128xi32, #tpu.memory_space<vmem>>, vector<1x16xi32>,
    %dma_start3A = arith.constant 0 : i32
    %dma_start3A_382 = arith.constant 0 : i32
    %dma_start3A_383 = arith.constant 0 : i32
    %dma_start3A_384 = tpu.memref_slice %arg10[%dma_start3A_382, %dma_start3A_383] : memref<128x128xf32, #tpu.memory_space<vmem>> -> memref<32x128xf32, #tpu.memory_space<vmem>>
    %dma_start3A_385 = arith.constant 0 : i32
    %dma_start3A_386 = tpu.memref_slice %arg6[%dma_start3A, %dma_start3A_385] : memref<1x128xi32, #tpu.memory_space<vmem>> -> memref<1x32xi32, #tpu.memory_space<vmem>>
    %dma_start3A_387 = tpu.memref_squeeze %dma_start3A_386 : memref<1x32xi32, #tpu.memory_space<vmem>> -> memref<32xi32, #tpu.memory_space<vmem>>
    %dma_start3A_388 = arith.constant 0 : i32
    %dma_start3A_389 = arith.constant 0 : i32
    %dma_start3A_390 = tpu.memref_slice %arg2[%dma_start3A_388, %dma_start3A_389] : memref<10000x128xf32, #tpu.memory_space<hbm>> -> memref<10000x128xf32, #tpu.memory_space<hbm>>
    tpu.enqueue_indirect_dma source(%dma_start3A_390 : memref<10000x128xf32, #tpu.memory_space<hbm>>) target(%dma_start3A_384 : memref<32x128xf32, #tpu.memory_space<vmem>>) offsets(%dma_start3A_387 : memref<32xi32, #tpu.memory_space<vmem>>) semaphore(%arg13 : memref<!tpu.dma_semaphore, #tpu.memory_space<semaphore_mem>>)
    %dma_start3A_391 = arith.constant 0 : i32
    %dma_start3A_392 = arith.constant 32 : i32
    %dma_start3A_393 = arith.constant 0 : i32
    %dma_start3A_394 = tpu.memref_slice %arg10[%dma_start3A_392, %dma_start3A_393] : memref<128x128xf32, #tpu.memory_space<vmem>> -> memref<32x128xf32, #tpu.memory_space<vmem>>
    %dma_start3A_395 = arith.constant 32 : i32
    %dma_start3A_396 = tpu.memref_slice %arg6[%dma_start3A_391, %dma_start3A_395] : memref<1x128xi32, #tpu.memory_space<vmem>> -> memref<1x32xi32, #tpu.memory_space<vmem>>
    %dma_start3A_397 = tpu.memref_squeeze %dma_start3A_396 : memref<1x32xi32, #tpu.memory_space<vmem>> -> memref<32xi32, #tpu.memory_space<vmem>>
    %dma_start3A_398 = arith.constant 0 : i32
    %dma_start3A_399 = arith.constant 0 : i32
    %dma_start3A_400 = tpu.memref_slice %arg2[%dma_start3A_398, %dma_start3A_399] : memref<10000x128xf32, #tpu.memory_space<hbm>> -> memref<10000x128xf32, #tpu.memory_space<hbm>>
    tpu.enqueue_indirect_dma source(%dma_start3A_400 : memref<10000x128xf32, #tpu.memory_space<hbm>>) target(%dma_start3A_394 : memref<32x128xf32, #tpu.memory_space<vmem>>) offsets(%dma_start3A_397 : memref<32xi32, #tpu.memory_space<vmem>>) semaphore(%arg13 : memref<!tpu.dma_semaphore, #tpu.memory_space<semaphore_mem>>)
    %dma_start3A_401 = arith.constant 0 : i32
    %dma_start3A_402 = arith.constant 64 : i32
    %dma_start3A_403 = arith.constant 0 : i32
    %dma_start3A_404 = tpu.memref_slice %arg10[%dma_start3A_402, %dma_start3A_403] : memref<128x128xf32, #tpu.memory_space<vmem>> -> memref<32x128xf32, #tpu.memory_space<vmem>>
    %dma_start3A_405 = arith.constant 64 : i32
    %dma_start3A_406 = tpu.memref_slice %arg6[%dma_start3A_401, %dma_start3A_405] : memref<1x128xi32, #tpu.memory_space<vmem>> -> memref<1x32xi32, #tpu.memory_space<vmem>>
    %dma_start3A_407 = tpu.memref_squeeze %dma_start3A_406 : memref<1x32xi32, #tpu.memory_space<vmem>> -> memref<32xi32, #tpu.memory_space<vmem>>
    %dma_start3A_408 = arith.constant 0 : i32
    %dma_start3A_409 = arith.constant 0 : i32
    %dma_start3A_410 = tpu.memref_slice %arg2[%dma_start3A_408, %dma_start3A_409] : memref<10000x128xf32, #tpu.memory_space<hbm>> -> memref<10000x128xf32, #tpu.memory_space<hbm>>
    tpu.enqueue_indirect_dma source(%dma_start3A_410 : memref<10000x128xf32, #tpu.memory_space<hbm>>) target(%dma_start3A_404 : memref<32x128xf32, #tpu.memory_space<vmem>>) offsets(%dma_start3A_407 : memref<32xi32, #tpu.memory_space<vmem>>) semaphore(%arg13 : memref<!tpu.dma_semaphore, #tpu.memory_space<semaphore_mem>>)
    %dma_start3A_411 = arith.constant 0 : i32
    %dma_start3A_412 = arith.constant 96 : i32
    %dma_start3A_413 = arith.constant 0 : i32
    %dma_start3A_414 = tpu.memref_slice %arg10[%dma_start3A_412, %dma_start3A_413] : memref<128x128xf32, #tpu.memory_space<vmem>> -> memref<32x128xf32, #tpu.memory_space<vmem>>
    %dma_start3A_415 = arith.constant 96 : i32
    %dma_start3A_416 = tpu.memref_slice %arg6[%dma_start3A_411, %dma_start3A_415] : memref<1x128xi32, #tpu.memory_space<vmem>> -> memref<1x32xi32, #tpu.memory_space<vmem>>
    %dma_start3A_417 = tpu.memref_squeeze %dma_start3A_416 : memref<1x32xi32, #tpu.memory_space<vmem>> -> memref<32xi32, #tpu.memory_space<vmem>>
    %dma_start3A_418 = arith.constant 0 : i32
    %dma_start3A_419 = arith.constant 0 : i32
    %dma_start3A_420 = tpu.memref_slice %arg2[%dma_start3A_418, %dma_start3A_419] : memref<10000x128xf32, #tpu.memory_space<hbm>> -> memref<10000x128xf32, #tpu.memory_space<hbm>>
    tpu.enqueue_indirect_dma source(%dma_start3A_420 : memref<10000x128xf32, #tpu.memory_space<hbm>>) target(%dma_start3A_414 : memref<32x128xf32, #tpu.memory_space<vmem>>) offsets(%dma_start3A_417 : memref<32xi32, #tpu.memory_space<vmem>>) semaphore(%arg13 : memref<!tpu.dma_semaphore, #tpu.memory_space<semaphore_mem>>)
    %dma_start3A_421 = arith.constant 0 : i32
    %dma_start3A_422 = arith.constant 0 : i32
    %dma_start3A_423 = arith.constant 0 : i32
    %dma_start3A_424 = tpu.memref_slice %arg11[%dma_start3A_422, %dma_start3A_423] : memref<128x128xf32, #tpu.memory_space<vmem>> -> memref<32x128xf32, #tpu.memory_space<vmem>>
    %dma_start3A_425 = arith.constant 0 : i32
    %dma_start3A_426 = tpu.memref_slice %arg7[%dma_start3A_421, %dma_start3A_425] : memref<1x128xi32, #tpu.memory_space<vmem>> -> memref<1x32xi32, #tpu.memory_space<vmem>>
    %dma_start3A_427 = tpu.memref_squeeze %dma_start3A_426 : memref<1x32xi32, #tpu.memory_space<vmem>> -> memref<32xi32, #tpu.memory_space<vmem>>
    %dma_start3A_428 = arith.constant 0 : i32
    %dma_start3A_429 = arith.constant 0 : i32
    %dma_start3A_430 = tpu.memref_slice %arg2[%dma_start3A_428, %dma_start3A_429] : memref<10000x128xf32, #tpu.memory_space<hbm>> -> memref<10000x128xf32, #tpu.memory_space<hbm>>
    tpu.enqueue_indirect_dma source(%dma_start3A_430 : memref<10000x128xf32, #tpu.memory_space<hbm>>) target(%dma_start3A_424 : memref<32x128xf32, #tpu.memory_space<vmem>>) offsets(%dma_start3A_427 : memref<32xi32, #tpu.memory_space<vmem>>) semaphore(%arg14 : memref<!tpu.dma_semaphore, #tpu.memory_space<semaphore_mem>>)
    %dma_start3A_431 = arith.constant 0 : i32
    %dma_start3A_432 = arith.constant 32 : i32
    %dma_start3A_433 = arith.constant 0 : i32
    %dma_start3A_434 = tpu.memref_slice %arg11[%dma_start3A_432, %dma_start3A_433] : memref<128x128xf32, #tpu.memory_space<vmem>> -> memref<32x128xf32, #tpu.memory_space<vmem>>
    %dma_start3A_435 = arith.constant 32 : i32
    %dma_start3A_436 = tpu.memref_slice %arg7[%dma_start3A_431, %dma_start3A_435] : memref<1x128xi32, #tpu.memory_space<vmem>> -> memref<1x32xi32, #tpu.memory_space<vmem>>
    %dma_start3A_437 = tpu.memref_squeeze %dma_start3A_436 : memref<1x32xi32, #tpu.memory_space<vmem>> -> memref<32xi32, #tpu.memory_space<vmem>>
    %dma_start3A_438 = arith.constant 0 : i32
    %dma_start3A_439 = arith.constant 0 : i32
    %dma_start3A_440 = tpu.memref_slice %arg2[%dma_start3A_438, %dma_start3A_439] : memref<10000x128xf32, #tpu.memory_space<hbm>> -> memref<10000x128xf32, #tpu.memory_space<hbm>>
    tpu.enqueue_indirect_dma source(%dma_start3A_440 : memref<10000x128xf32, #tpu.memory_space<hbm>>) target(%dma_start3A_434 : memref<32x128xf32, #tpu.memory_space<vmem>>) offsets(%dma_start3A_437 : memref<32xi32, #tpu.memory_space<vmem>>) semaphore(%arg14 : memref<!tpu.dma_semaphore, #tpu.memory_space<semaphore_mem>>)
    %dma_start3A_441 = arith.constant 0 : i32
    %dma_start3A_442 = arith.constant 64 : i32
    %dma_start3A_443 = arith.constant 0 : i32
    %dma_start3A_444 = tpu.memref_slice %arg11[%dma_start3A_442, %dma_start3A_443] : memref<128x128xf32, #tpu.memory_space<vmem>> -> memref<32x128xf32, #tpu.memory_space<vmem>>
    %dma_start3A_445 = arith.constant 64 : i32
    %dma_start3A_446 = tpu.memref_slice %arg7[%dma_start3A_441, %dma_start3A_445] : memref<1x128xi32, #tpu.memory_space<vmem>> -> memref<1x32xi32, #tpu.memory_space<vmem>>
    %dma_start3A_447 = tpu.memref_squeeze %dma_start3A_446 : memref<1x32xi32, #tpu.memory_space<vmem>> -> memref<32xi32, #tpu.memory_space<vmem>>
    %dma_start3A_448 = arith.constant 0 : i32
    %dma_start3A_449 = arith.constant 0 : i32
    %dma_start3A_450 = tpu.memref_slice %arg2[%dma_start3A_448, %dma_start3A_449] : memref<10000x128xf32, #tpu.memory_space<hbm>> -> memref<10000x128xf32, #tpu.memory_space<hbm>>
    tpu.enqueue_indirect_dma source(%dma_start3A_450 : memref<10000x128xf32, #tpu.memory_space<hbm>>) target(%dma_start3A_444 : memref<32x128xf32, #tpu.memory_space<vmem>>) offsets(%dma_start3A_447 : memref<32xi32, #tpu.memory_space<vmem>>) semaphore(%arg14 : memref<!tpu.dma_semaphore, #tpu.memory_space<semaphore_mem>>)
    %dma_start3A_451 = arith.constant 0 : i32
    %dma_start3A_452 = arith.constant 96 : i32
    %dma_start3A_453 = arith.constant 0 : i32
    %dma_start3A_454 = tpu.memref_slice %arg11[%dma_start3A_452, %dma_start3A_453] : memref<128x128xf32, #tpu.memory_space<vmem>> -> memref<32x128xf32, #tpu.memory_space<vmem>>
    %dma_start3A_455 = arith.constant 96 : i32
    %dma_start3A_456 = tpu.memref_slice %arg7[%dma_start3A_451, %dma_start3A_455] : memref<1x128xi32, #tpu.memory_space<vmem>> -> memref<1x32xi32, #tpu.memory_space<vmem>>
    %dma_start3A_457 = tpu.memref_squeeze %dma_start3A_456 : memref<1x32xi32, #tpu.memory_space<vmem>> -> memref<32xi32, #tpu.memory_space<vmem>>
    %dma_start3A_458 = arith.constant 0 : i32
    %dma_start3A_459 = arith.constant 0 : i32
    %dma_start3A_460 = tpu.memref_slice %arg2[%dma_start3A_458, %dma_start3A_459] : memref<10000x128xf32, #tpu.memory_space<hbm>> -> memref<10000x128xf32, #tpu.memory_space<hbm>>
    tpu.enqueue_indirect_dma source(%dma_start3A_460 : memref<10000x128xf32, #tpu.memory_space<hbm>>) target(%dma_start3A_454 : memref<32x128xf32, #tpu.memory_space<vmem>>) offsets(%dma_start3A_457 : memref<32xi32, #tpu.memory_space<vmem>>) semaphore(%arg14 : memref<!tpu.dma_semaphore, #tpu.memory_space<semaphore_mem>>)
    %scan3A_461 = arith.constant 0 : i32
    %scan3A_462 = arith.constant 0 : i32
    %scan3A_463 = arith.constant 40 : i32
    %scan3A_464 = arith.addi %scan3A_462, %scan3A_463 : i32
    %scan3A_465 = arith.constant 1 : i32
    %scan3A_466 = scf.for %scan3A_471 = %scan3A_462 to %scan3A_464 step %scan3A_465 iter_args(%scan3A_472 = %scan3A_461) -> (i32)  : i32 {
      %mul3A_473 = arith.constant 2 : i32
      %mul3A_474 = arith.muli %mul3A_473, %scan3A_471 : i32
      %dma_wait3A = arith.constant 0 : i32
      %dma_wait3A_475 = arith.constant 0 : i32
      %dma_wait3A_476 = arith.constant 0 : i32
      %dma_wait3A_477 = tpu.memref_slice %arg10[%dma_wait3A_475, %dma_wait3A_476] : memref<128x128xf32, #tpu.memory_space<vmem>> -> memref<32x128xf32, #tpu.memory_space<vmem>>
      %dma_wait3A_478 = arith.constant 0 : i32
      %dma_wait3A_479 = tpu.memref_slice %arg6[%dma_wait3A, %dma_wait3A_478] : memref<1x128xi32, #tpu.memory_space<vmem>> -> memref<1x32xi32, #tpu.memory_space<vmem>>
      %dma_wait3A_480 = tpu.memref_squeeze %dma_wait3A_479 : memref<1x32xi32, #tpu.memory_space<vmem>> -> memref<32xi32, #tpu.memory_space<vmem>>
      %dma_wait3A_481 = arith.constant 0 : i32
      %dma_wait3A_482 = arith.constant 0 : i32
      %dma_wait3A_483 = tpu.memref_slice %arg2[%dma_wait3A_481, %dma_wait3A_482] : memref<10000x128xf32, #tpu.memory_space<hbm>> -> memref<10000x128xf32, #tpu.memory_space<hbm>>
      tpu.wait_indirect_dma semaphore(%arg13 : memref<!tpu.dma_semaphore, #tpu.memory_space<semaphore_mem>>) src(%dma_wait3A_483 : memref<10000x128xf32, #tpu.memory_space<hbm>>) dst(%dma_wait3A_477 : memref<32x128xf32, #tpu.memory_space<vmem>>)
      %dma_wait3A_484 = arith.constant 0 : i32
      %dma_wait3A_485 = arith.constant 32 : i32
      %dma_wait3A_486 = arith.constant 0 : i32
      %dma_wait3A_487 = tpu.memref_slice %arg10[%dma_wait3A_485, %dma_wait3A_486] : memref<128x128xf32, #tpu.memory_space<vmem>> -> memref<32x128xf32, #tpu.memory_space<vmem>>
      %dma_wait3A_488 = arith.constant 32 : i32
      %dma_wait3A_489 = tpu.memref_slice %arg6[%dma_wait3A_484, %dma_wait3A_488] : memref<1x128xi32, #tpu.memory_space<vmem>> -> memref<1x32xi32, #tpu.memory_space<vmem>>
      %dma_wait3A_490 = tpu.memref_squeeze %dma_wait3A_489 : memref<1x32xi32, #tpu.memory_space<vmem>> -> memref<32xi32, #tpu.memory_space<vmem>>
      %dma_wait3A_491 = arith.constant 0 : i32
      %dma_wait3A_492 = arith.constant 0 : i32
      %dma_wait3A_493 = tpu.memref_slice %arg2[%dma_wait3A_491, %dma_wait3A_492] : memref<10000x128xf32, #tpu.memory_space<hbm>> -> memref<10000x128xf32, #tpu.memory_space<hbm>>
      tpu.wait_indirect_dma semaphore(%arg13 : memref<!tpu.dma_semaphore, #tpu.memory_space<semaphore_mem>>) src(%dma_wait3A_493 : memref<10000x128xf32, #tpu.memory_space<hbm>>) dst(%dma_wait3A_487 : memref<32x128xf32, #tpu.memory_space<vmem>>)
      %dma_wait3A_494 = arith.constant 0 : i32
      %dma_wait3A_495 = arith.constant 64 : i32
      %dma_wait3A_496 = arith.constant 0 : i32
      %dma_wait3A_497 = tpu.memref_slice %arg10[%dma_wait3A_495, %dma_wait3A_496] : memref<128x128xf32, #tpu.memory_space<vmem>> -> memref<32x128xf32, #tpu.memory_space<vmem>>
      %dma_wait3A_498 = arith.constant 64 : i32
      %dma_wait3A_499 = tpu.memref_slice %arg6[%dma_wait3A_494, %dma_wait3A_498] : memref<1x128xi32, #tpu.memory_space<vmem>> -> memref<1x32xi32, #tpu.memory_space<vmem>>
      %dma_wait3A_500 = tpu.memref_squeeze %dma_wait3A_499 : memref<1x32xi32, #tpu.memory_space<vmem>> -> memref<32xi32, #tpu.memory_space<vmem>>
      %dma_wait3A_501 = arith.constant 0 : i32
      %dma_wait3A_502 = arith.constant 0 : i32
      %dma_wait3A_503 = tpu.memref_slice %arg2[%dma_wait3A_501, %dma_wait3A_502] : memref<10000x128xf32, #tpu.memory_space<hbm>> -> memref<10000x128xf32, #tpu.memory_space<hbm>>
      tpu.wait_indirect_dma semaphore(%arg13 : memref<!tpu.dma_semaphore, #tpu.memory_space<semaphore_mem>>) src(%dma_wait3A_503 : memref<10000x128xf32, #tpu.memory_space<hbm>>) dst(%dma_wait3A_497 : memref<32x128xf32, #tpu.memory_space<vmem>>)
      %dma_wait3A_504 = arith.constant 0 : i32
      %dma_wait3A_505 = arith.constant 96 : i32
      %dma_wait3A_506 = arith.constant 0 : i32
      %dma_wait3A_507 = tpu.memref_slice %arg10[%dma_wait3A_505, %dma_wait3A_506] : memref<128x128xf32, #tpu.memory_space<vmem>> -> memref<32x128xf32, #tpu.memory_space<vmem>>
      %dma_wait3A_508 = arith.constant 96 : i32
      %dma_wait3A_509 = tpu.memref_slice %arg6[%dma_wait3A_504, %dma_wait3A_508] : memref<1x128xi32, #tpu.memory_space<vmem>> -> memref<1x32xi32, #tpu.memory_space<vmem>>
      %dma_wait3A_510 = tpu.memref_squeeze %dma_wait3A_509 : memref<1x32xi32, #tpu.memory_space<vmem>> -> memref<32xi32, #tpu.memory_space<vmem>>
      %dma_wait3A_511 = arith.constant 0 : i32
      %dma_wait3A_512 = arith.constant 0 : i32
      %dma_wait3A_513 = tpu.memref_slice %arg2[%dma_wait3A_511, %dma_wait3A_512] : memref<10000x128xf32, #tpu.memory_space<hbm>> -> memref<10000x128xf32, #tpu.memory_space<hbm>>
      tpu.wait_indirect_dma semaphore(%arg13 : memref<!tpu.dma_semaphore, #tpu.memory_space<semaphore_mem>>) src(%dma_wait3A_513 : memref<10000x128xf32, #tpu.memory_space<hbm>>) dst(%dma_wait3A_507 : memref<32x128xf32, #tpu.memory_space<vmem>>)
      %run_scoped3A = arith.constant 0 : i32
      "tpu.region"() ({
        %run_scoped3A_563 = tpu.sem_alloc : memref<!tpu.dma_semaphore, #tpu.memory_space<semaphore_mem>>
        %dma_start3A_564 = arith.constant 0 : i32
        %dma_start3A_565 = tpu.memref_slice %arg8[%run_scoped3A, %dma_start3A_564] : memref<1x128xi32, #tpu.memory_space<vmem>> -> memref<1x128xi32, #tpu.memory_space<vmem>>
        %dma_start3A_566 = tpu.memref_squeeze %dma_start3A_565 : memref<1x128xi32, #tpu.memory_space<vmem>> -> memref<128xi32, #tpu.memory_space<vmem>>
        %dma_start3A_567 = arith.constant 0 : i32
        %dma_start3A_568 = arith.constant 0 : i32
        %dma_start3A_569 = tpu.memref_slice %arg12[%dma_start3A_567, %dma_start3A_568] : memref<10240x128xf32, #tpu.memory_space<vmem_shared>> -> memref<10240x128xf32, #tpu.memory_space<vmem_shared>>
        tpu.enqueue_indirect_dma source(%arg10 : memref<128x128xf32, #tpu.memory_space<vmem>>) target(%dma_start3A_569 : memref<10240x128xf32, #tpu.memory_space<vmem_shared>>) offsets(%dma_start3A_566 : memref<128xi32, #tpu.memory_space<vmem>>) semaphore(%run_scoped3A_563 : memref<!tpu.dma_semaphore, #tpu.memory_space<semaphore_mem>>) {add = true}
        %dma_wait3A_570 = arith.constant 0 : i32
        %dma_wait3A_571 = tpu.memref_slice %arg8[%run_scoped3A, %dma_wait3A_570] : memref<1x128xi32, #tpu.memory_space<vmem>> -> memref<1x128xi32, #tpu.memory_space<vmem>>
        %dma_wait3A_572 = tpu.memref_squeeze %dma_wait3A_571 : memref<1x128xi32, #tpu.memory_space<vmem>> -> memref<128xi32, #tpu.memory_space<vmem>>
        %dma_wait3A_573 = arith.constant 0 : i32
        %dma_wait3A_574 = arith.constant 0 : i32
        %dma_wait3A_575 = tpu.memref_slice %arg12[%dma_wait3A_573, %dma_wait3A_574] : memref<10240x128xf32, #tpu.memory_space<vmem_shared>> -> memref<10240x128xf32, #tpu.memory_space<vmem_shared>>
        tpu.wait_indirect_dma semaphore(%run_scoped3A_563 : memref<!tpu.dma_semaphore, #tpu.memory_space<semaphore_mem>>) src(%arg10 : memref<128x128xf32, #tpu.memory_space<vmem>>) dst(%dma_wait3A_575 : memref<10240x128xf32, #tpu.memory_space<vmem_shared>>)
        tpu.yield
      }) : () -> ()
      %lt3A = arith.constant 39 : i32
      %lt3A_514 = arith.cmpi slt, %scan3A_471, %lt3A : i32
      %convert_element_type3A = arith.extui %lt3A_514 : i1 to i32
      %cond3A = arith.constant 0 : i32
      %cond3A_515 = arith.cmpi ne, %convert_element_type3A, %cond3A : i32
      scf.if %cond3A_515 {
        %add3A_563 = arith.constant 2 : i32
        %add3A_564 = arith.addi %mul3A_474, %add3A_563 : i32
        %get3A_565 = arith.index_cast %add3A_564 : i32 to index
        %get3A_566 = arith.constant 0 : index
        %get3A_567 = tpu.vector_load %arg5[%get3A_565, %get3A_566] {strides = array<i32>} : memref<80x128xi32, #tpu.memory_space<vmem>>, vector<1x16xi32>,
        %get3A_568 = vector.shape_cast %get3A_567 : vector<1x16xi32> to vector<16xi32>
        %shift_right_logical3A_569 = arith.constant 14 : i32
        %shift_right_logical3A_570 = vector.broadcast %shift_right_logical3A_569 : i32 to vector<16xi32>
        %shift_right_logical3A_571 = arith.shrui %get3A_568, %shift_right_logical3A_570 : vector<16xi32>
        %swap3A_572 = arith.constant 0 : i32
        %swap3A_573 = arith.index_cast %swap3A_572 : i32 to index
        %swap3A_574 = arith.constant 0 : index
        %swap3A_575 = tpu.vector_load %arg6[%swap3A_573, %swap3A_574] {strides = array<i32>} : memref<1x128xi32, #tpu.memory_space<vmem>>, vector<1x16xi32>,
        %swap3A_576 = vector.shape_cast %swap3A_575 : vector<1x16xi32> to vector<16xi32>
        %swap3A_577 = vector.shape_cast %shift_right_logical3A_571 : vector<16xi32> to vector<1x16xi32>
        tpu.vector_store %arg6[%swap3A_573, %swap3A_574], %swap3A_577 {strides = array<i32>} : memref<1x128xi32, #tpu.memory_space<vmem>>, vector<1x16xi32>,
        %broadcast_in_dim3A_578 = arith.constant 16383 : i32
        %broadcast_in_dim3A_579 = vector.broadcast %broadcast_in_dim3A_578 : i32 to vector<16xi32>
        %and3A_580 = arith.andi %get3A_568, %broadcast_in_dim3A_579 : vector<16xi32>
        %swap3A_581 = arith.constant 0 : i32
        %swap3A_582 = arith.index_cast %swap3A_581 : i32 to index
        %swap3A_583 = arith.constant 0 : index
        %swap3A_584 = tpu.vector_load %arg8[%swap3A_582, %swap3A_583] {strides = array<i32>} : memref<1x128xi32, #tpu.memory_space<vmem>>, vector<1x16xi32>,
        %swap3A_585 = vector.shape_cast %swap3A_584 : vector<1x16xi32> to vector<16xi32>
        %swap3A_586 = vector.shape_cast %and3A_580 : vector<16xi32> to vector<1x16xi32>
        tpu.vector_store %arg8[%swap3A_582, %swap3A_583], %swap3A_586 {strides = array<i32>} : memref<1x128xi32, #tpu.memory_space<vmem>>, vector<1x16xi32>,
        %get3A_587 = arith.index_cast %add3A_564 : i32 to index
        %get3A_588 = arith.constant 16 : index
        %get3A_589 = tpu.vector_load %arg5[%get3A_587, %get3A_588] {strides = array<i32>} : memref<80x128xi32, #tpu.memory_space<vmem>>, vector<1x16xi32>,
        %get3A_590 = vector.shape_cast %get3A_589 : vector<1x16xi32> to vector<16xi32>
        %shift_right_logical3A_591 = arith.constant 14 : i32
        %shift_right_logical3A_592 = vector.broadcast %shift_right_logical3A_591 : i32 to vector<16xi32>
        %shift_right_logical3A_593 = arith.shrui %get3A_590, %shift_right_logical3A_592 : vector<16xi32>
        %swap3A_594 = arith.constant 0 : i32
        %swap3A_595 = arith.index_cast %swap3A_594 : i32 to index
        %swap3A_596 = arith.constant 16 : index
        %swap3A_597 = tpu.vector_load %arg6[%swap3A_595, %swap3A_596] {strides = array<i32>} : memref<1x128xi32, #tpu.memory_space<vmem>>, vector<1x16xi32>,
        %swap3A_598 = vector.shape_cast %swap3A_597 : vector<1x16xi32> to vector<16xi32>
        %swap3A_599 = vector.shape_cast %shift_right_logical3A_593 : vector<16xi32> to vector<1x16xi32>
        tpu.vector_store %arg6[%swap3A_595, %swap3A_596], %swap3A_599 {strides = array<i32>} : memref<1x128xi32, #tpu.memory_space<vmem>>, vector<1x16xi32>,
        %broadcast_in_dim3A_600 = arith.constant 16383 : i32
        %broadcast_in_dim3A_601 = vector.broadcast %broadcast_in_dim3A_600 : i32 to vector<16xi32>
        %and3A_602 = arith.andi %get3A_590, %broadcast_in_dim3A_601 : vector<16xi32>
        %swap3A_603 = arith.constant 0 : i32
        %swap3A_604 = arith.index_cast %swap3A_603 : i32 to index
        %swap3A_605 = arith.constant 16 : index
        %swap3A_606 = tpu.vector_load %arg8[%swap3A_604, %swap3A_605] {strides = array<i32>} : memref<1x128xi32, #tpu.memory_space<vmem>>, vector<1x16xi32>,
        %swap3A_607 = vector.shape_cast %swap3A_606 : vector<1x16xi32> to vector<16xi32>
        %swap3A_608 = vector.shape_cast %and3A_602 : vector<16xi32> to vector<1x16xi32>
        tpu.vector_store %arg8[%swap3A_604, %swap3A_605], %swap3A_608 {strides = array<i32>} : memref<1x128xi32, #tpu.memory_space<vmem>>, vector<1x16xi32>,
        %get3A_609 = arith.index_cast %add3A_564 : i32 to index
        %get3A_610 = arith.constant 32 : index
        %get3A_611 = tpu.vector_load %arg5[%get3A_609, %get3A_610] {strides = array<i32>} : memref<80x128xi32, #tpu.memory_space<vmem>>, vector<1x16xi32>,
        %get3A_612 = vector.shape_cast %get3A_611 : vector<1x16xi32> to vector<16xi32>
        %shift_right_logical3A_613 = arith.constant 14 : i32
        %shift_right_logical3A_614 = vector.broadcast %shift_right_logical3A_613 : i32 to vector<16xi32>
        %shift_right_logical3A_615 = arith.shrui %get3A_612, %shift_right_logical3A_614 : vector<16xi32>
        %swap3A_616 = arith.constant 0 : i32
        %swap3A_617 = arith.index_cast %swap3A_616 : i32 to index
        %swap3A_618 = arith.constant 32 : index
        %swap3A_619 = tpu.vector_load %arg6[%swap3A_617, %swap3A_618] {strides = array<i32>} : memref<1x128xi32, #tpu.memory_space<vmem>>, vector<1x16xi32>,
        %swap3A_620 = vector.shape_cast %swap3A_619 : vector<1x16xi32> to vector<16xi32>
        %swap3A_621 = vector.shape_cast %shift_right_logical3A_615 : vector<16xi32> to vector<1x16xi32>
        tpu.vector_store %arg6[%swap3A_617, %swap3A_618], %swap3A_621 {strides = array<i32>} : memref<1x128xi32, #tpu.memory_space<vmem>>, vector<1x16xi32>,
        %broadcast_in_dim3A_622 = arith.constant 16383 : i32
        %broadcast_in_dim3A_623 = vector.broadcast %broadcast_in_dim3A_622 : i32 to vector<16xi32>
        %and3A_624 = arith.andi %get3A_612, %broadcast_in_dim3A_623 : vector<16xi32>
        %swap3A_625 = arith.constant 0 : i32
        %swap3A_626 = arith.index_cast %swap3A_625 : i32 to index
        %swap3A_627 = arith.constant 32 : index
        %swap3A_628 = tpu.vector_load %arg8[%swap3A_626, %swap3A_627] {strides = array<i32>} : memref<1x128xi32, #tpu.memory_space<vmem>>, vector<1x16xi32>,
        %swap3A_629 = vector.shape_cast %swap3A_628 : vector<1x16xi32> to vector<16xi32>
        %swap3A_630 = vector.shape_cast %and3A_624 : vector<16xi32> to vector<1x16xi32>
        tpu.vector_store %arg8[%swap3A_626, %swap3A_627], %swap3A_630 {strides = array<i32>} : memref<1x128xi32, #tpu.memory_space<vmem>>, vector<1x16xi32>,
        %get3A_631 = arith.index_cast %add3A_564 : i32 to index
        %get3A_632 = arith.constant 48 : index
        %get3A_633 = tpu.vector_load %arg5[%get3A_631, %get3A_632] {strides = array<i32>} : memref<80x128xi32, #tpu.memory_space<vmem>>, vector<1x16xi32>,
        %get3A_634 = vector.shape_cast %get3A_633 : vector<1x16xi32> to vector<16xi32>
        %shift_right_logical3A_635 = arith.constant 14 : i32
        %shift_right_logical3A_636 = vector.broadcast %shift_right_logical3A_635 : i32 to vector<16xi32>
        %shift_right_logical3A_637 = arith.shrui %get3A_634, %shift_right_logical3A_636 : vector<16xi32>
        %swap3A_638 = arith.constant 0 : i32
        %swap3A_639 = arith.index_cast %swap3A_638 : i32 to index
        %swap3A_640 = arith.constant 48 : index
        %swap3A_641 = tpu.vector_load %arg6[%swap3A_639, %swap3A_640] {strides = array<i32>} : memref<1x128xi32, #tpu.memory_space<vmem>>, vector<1x16xi32>,
        %swap3A_642 = vector.shape_cast %swap3A_641 : vector<1x16xi32> to vector<16xi32>
        %swap3A_643 = vector.shape_cast %shift_right_logical3A_637 : vector<16xi32> to vector<1x16xi32>
        tpu.vector_store %arg6[%swap3A_639, %swap3A_640], %swap3A_643 {strides = array<i32>} : memref<1x128xi32, #tpu.memory_space<vmem>>, vector<1x16xi32>,
        %broadcast_in_dim3A_644 = arith.constant 16383 : i32
        %broadcast_in_dim3A_645 = vector.broadcast %broadcast_in_dim3A_644 : i32 to vector<16xi32>
        %and3A_646 = arith.andi %get3A_634, %broadcast_in_dim3A_645 : vector<16xi32>
        %swap3A_647 = arith.constant 0 : i32
        %swap3A_648 = arith.index_cast %swap3A_647 : i32 to index
        %swap3A_649 = arith.constant 48 : index
        %swap3A_650 = tpu.vector_load %arg8[%swap3A_648, %swap3A_649] {strides = array<i32>} : memref<1x128xi32, #tpu.memory_space<vmem>>, vector<1x16xi32>,
        %swap3A_651 = vector.shape_cast %swap3A_650 : vector<1x16xi32> to vector<16xi32>
        %swap3A_652 = vector.shape_cast %and3A_646 : vector<16xi32> to vector<1x16xi32>
        tpu.vector_store %arg8[%swap3A_648, %swap3A_649], %swap3A_652 {strides = array<i32>} : memref<1x128xi32, #tpu.memory_space<vmem>>, vector<1x16xi32>,
        %get3A_653 = arith.index_cast %add3A_564 : i32 to index
        %get3A_654 = arith.constant 64 : index
        %get3A_655 = tpu.vector_load %arg5[%get3A_653, %get3A_654] {strides = array<i32>} : memref<80x128xi32, #tpu.memory_space<vmem>>, vector<1x16xi32>,
        %get3A_656 = vector.shape_cast %get3A_655 : vector<1x16xi32> to vector<16xi32>
        %shift_right_logical3A_657 = arith.constant 14 : i32
        %shift_right_logical3A_658 = vector.broadcast %shift_right_logical3A_657 : i32 to vector<16xi32>
        %shift_right_logical3A_659 = arith.shrui %get3A_656, %shift_right_logical3A_658 : vector<16xi32>
        %swap3A_660 = arith.constant 0 : i32
        %swap3A_661 = arith.index_cast %swap3A_660 : i32 to index
        %swap3A_662 = arith.constant 64 : index
        %swap3A_663 = tpu.vector_load %arg6[%swap3A_661, %swap3A_662] {strides = array<i32>} : memref<1x128xi32, #tpu.memory_space<vmem>>, vector<1x16xi32>,
        %swap3A_664 = vector.shape_cast %swap3A_663 : vector<1x16xi32> to vector<16xi32>
        %swap3A_665 = vector.shape_cast %shift_right_logical3A_659 : vector<16xi32> to vector<1x16xi32>
        tpu.vector_store %arg6[%swap3A_661, %swap3A_662], %swap3A_665 {strides = array<i32>} : memref<1x128xi32, #tpu.memory_space<vmem>>, vector<1x16xi32>,
        %broadcast_in_dim3A_666 = arith.constant 16383 : i32
        %broadcast_in_dim3A_667 = vector.broadcast %broadcast_in_dim3A_666 : i32 to vector<16xi32>
        %and3A_668 = arith.andi %get3A_656, %broadcast_in_dim3A_667 : vector<16xi32>
        %swap3A_669 = arith.constant 0 : i32
        %swap3A_670 = arith.index_cast %swap3A_669 : i32 to index
        %swap3A_671 = arith.constant 64 : index
        %swap3A_672 = tpu.vector_load %arg8[%swap3A_670, %swap3A_671] {strides = array<i32>} : memref<1x128xi32, #tpu.memory_space<vmem>>, vector<1x16xi32>,
        %swap3A_673 = vector.shape_cast %swap3A_672 : vector<1x16xi32> to vector<16xi32>
        %swap3A_674 = vector.shape_cast %and3A_668 : vector<16xi32> to vector<1x16xi32>
        tpu.vector_store %arg8[%swap3A_670, %swap3A_671], %swap3A_674 {strides = array<i32>} : memref<1x128xi32, #tpu.memory_space<vmem>>, vector<1x16xi32>,
        %get3A_675 = arith.index_cast %add3A_564 : i32 to index
        %get3A_676 = arith.constant 80 : index
        %get3A_677 = tpu.vector_load %arg5[%get3A_675, %get3A_676] {strides = array<i32>} : memref<80x128xi32, #tpu.memory_space<vmem>>, vector<1x16xi32>,
        %get3A_678 = vector.shape_cast %get3A_677 : vector<1x16xi32> to vector<16xi32>
        %shift_right_logical3A_679 = arith.constant 14 : i32
        %shift_right_logical3A_680 = vector.broadcast %shift_right_logical3A_679 : i32 to vector<16xi32>
        %shift_right_logical3A_681 = arith.shrui %get3A_678, %shift_right_logical3A_680 : vector<16xi32>
        %swap3A_682 = arith.constant 0 : i32
        %swap3A_683 = arith.index_cast %swap3A_682 : i32 to index
        %swap3A_684 = arith.constant 80 : index
        %swap3A_685 = tpu.vector_load %arg6[%swap3A_683, %swap3A_684] {strides = array<i32>} : memref<1x128xi32, #tpu.memory_space<vmem>>, vector<1x16xi32>,
        %swap3A_686 = vector.shape_cast %swap3A_685 : vector<1x16xi32> to vector<16xi32>
        %swap3A_687 = vector.shape_cast %shift_right_logical3A_681 : vector<16xi32> to vector<1x16xi32>
        tpu.vector_store %arg6[%swap3A_683, %swap3A_684], %swap3A_687 {strides = array<i32>} : memref<1x128xi32, #tpu.memory_space<vmem>>, vector<1x16xi32>,
        %broadcast_in_dim3A_688 = arith.constant 16383 : i32
        %broadcast_in_dim3A_689 = vector.broadcast %broadcast_in_dim3A_688 : i32 to vector<16xi32>
        %and3A_690 = arith.andi %get3A_678, %broadcast_in_dim3A_689 : vector<16xi32>
        %swap3A_691 = arith.constant 0 : i32
        %swap3A_692 = arith.index_cast %swap3A_691 : i32 to index
        %swap3A_693 = arith.constant 80 : index
        %swap3A_694 = tpu.vector_load %arg8[%swap3A_692, %swap3A_693] {strides = array<i32>} : memref<1x128xi32, #tpu.memory_space<vmem>>, vector<1x16xi32>,
        %swap3A_695 = vector.shape_cast %swap3A_694 : vector<1x16xi32> to vector<16xi32>
        %swap3A_696 = vector.shape_cast %and3A_690 : vector<16xi32> to vector<1x16xi32>
        tpu.vector_store %arg8[%swap3A_692, %swap3A_693], %swap3A_696 {strides = array<i32>} : memref<1x128xi32, #tpu.memory_space<vmem>>, vector<1x16xi32>,
        %get3A_697 = arith.index_cast %add3A_564 : i32 to index
        %get3A_698 = arith.constant 96 : index
        %get3A_699 = tpu.vector_load %arg5[%get3A_697, %get3A_698] {strides = array<i32>} : memref<80x128xi32, #tpu.memory_space<vmem>>, vector<1x16xi32>,
        %get3A_700 = vector.shape_cast %get3A_699 : vector<1x16xi32> to vector<16xi32>
        %shift_right_logical3A_701 = arith.constant 14 : i32
        %shift_right_logical3A_702 = vector.broadcast %shift_right_logical3A_701 : i32 to vector<16xi32>
        %shift_right_logical3A_703 = arith.shrui %get3A_700, %shift_right_logical3A_702 : vector<16xi32>
        %swap3A_704 = arith.constant 0 : i32
        %swap3A_705 = arith.index_cast %swap3A_704 : i32 to index
        %swap3A_706 = arith.constant 96 : index
        %swap3A_707 = tpu.vector_load %arg6[%swap3A_705, %swap3A_706] {strides = array<i32>} : memref<1x128xi32, #tpu.memory_space<vmem>>, vector<1x16xi32>,
        %swap3A_708 = vector.shape_cast %swap3A_707 : vector<1x16xi32> to vector<16xi32>
        %swap3A_709 = vector.shape_cast %shift_right_logical3A_703 : vector<16xi32> to vector<1x16xi32>
        tpu.vector_store %arg6[%swap3A_705, %swap3A_706], %swap3A_709 {strides = array<i32>} : memref<1x128xi32, #tpu.memory_space<vmem>>, vector<1x16xi32>,
        %broadcast_in_dim3A_710 = arith.constant 16383 : i32
        %broadcast_in_dim3A_711 = vector.broadcast %broadcast_in_dim3A_710 : i32 to vector<16xi32>
        %and3A_712 = arith.andi %get3A_700, %broadcast_in_dim3A_711 : vector<16xi32>
        %swap3A_713 = arith.constant 0 : i32
        %swap3A_714 = arith.index_cast %swap3A_713 : i32 to index
        %swap3A_715 = arith.constant 96 : index
        %swap3A_716 = tpu.vector_load %arg8[%swap3A_714, %swap3A_715] {strides = array<i32>} : memref<1x128xi32, #tpu.memory_space<vmem>>, vector<1x16xi32>,
        %swap3A_717 = vector.shape_cast %swap3A_716 : vector<1x16xi32> to vector<16xi32>
        %swap3A_718 = vector.shape_cast %and3A_712 : vector<16xi32> to vector<1x16xi32>
        tpu.vector_store %arg8[%swap3A_714, %swap3A_715], %swap3A_718 {strides = array<i32>} : memref<1x128xi32, #tpu.memory_space<vmem>>, vector<1x16xi32>,
        %get3A_719 = arith.index_cast %add3A_564 : i32 to index
        %get3A_720 = arith.constant 112 : index
        %get3A_721 = tpu.vector_load %arg5[%get3A_719, %get3A_720] {strides = array<i32>} : memref<80x128xi32, #tpu.memory_space<vmem>>, vector<1x16xi32>,
        %get3A_722 = vector.shape_cast %get3A_721 : vector<1x16xi32> to vector<16xi32>
        %shift_right_logical3A_723 = arith.constant 14 : i32
        %shift_right_logical3A_724 = vector.broadcast %shift_right_logical3A_723 : i32 to vector<16xi32>
        %shift_right_logical3A_725 = arith.shrui %get3A_722, %shift_right_logical3A_724 : vector<16xi32>
        %swap3A_726 = arith.constant 0 : i32
        %swap3A_727 = arith.index_cast %swap3A_726 : i32 to index
        %swap3A_728 = arith.constant 112 : index
        %swap3A_729 = tpu.vector_load %arg6[%swap3A_727, %swap3A_728] {strides = array<i32>} : memref<1x128xi32, #tpu.memory_space<vmem>>, vector<1x16xi32>,
        %swap3A_730 = vector.shape_cast %swap3A_729 : vector<1x16xi32> to vector<16xi32>
        %swap3A_731 = vector.shape_cast %shift_right_logical3A_725 : vector<16xi32> to vector<1x16xi32>
        tpu.vector_store %arg6[%swap3A_727, %swap3A_728], %swap3A_731 {strides = array<i32>} : memref<1x128xi32, #tpu.memory_space<vmem>>, vector<1x16xi32>,
        %broadcast_in_dim3A_732 = arith.constant 16383 : i32
        %broadcast_in_dim3A_733 = vector.broadcast %broadcast_in_dim3A_732 : i32 to vector<16xi32>
        %and3A_734 = arith.andi %get3A_722, %broadcast_in_dim3A_733 : vector<16xi32>
        %swap3A_735 = arith.constant 0 : i32
        %swap3A_736 = arith.index_cast %swap3A_735 : i32 to index
        %swap3A_737 = arith.constant 112 : index
        %swap3A_738 = tpu.vector_load %arg8[%swap3A_736, %swap3A_737] {strides = array<i32>} : memref<1x128xi32, #tpu.memory_space<vmem>>, vector<1x16xi32>,
        %swap3A_739 = vector.shape_cast %swap3A_738 : vector<1x16xi32> to vector<16xi32>
        %swap3A_740 = vector.shape_cast %and3A_734 : vector<16xi32> to vector<1x16xi32>
        tpu.vector_store %arg8[%swap3A_736, %swap3A_737], %swap3A_740 {strides = array<i32>} : memref<1x128xi32, #tpu.memory_space<vmem>>, vector<1x16xi32>,
        %dma_start3A_741 = arith.constant 0 : i32
        %dma_start3A_742 = arith.constant 0 : i32
        %dma_start3A_743 = arith.constant 0 : i32
        %dma_start3A_744 = tpu.memref_slice %arg10[%dma_start3A_742, %dma_start3A_743] : memref<128x128xf32, #tpu.memory_space<vmem>> -> memref<32x128xf32, #tpu.memory_space<vmem>>
        %dma_start3A_745 = arith.constant 0 : i32
        %dma_start3A_746 = tpu.memref_slice %arg6[%dma_start3A_741, %dma_start3A_745] : memref<1x128xi32, #tpu.memory_space<vmem>> -> memref<1x32xi32, #tpu.memory_space<vmem>>
        %dma_start3A_747 = tpu.memref_squeeze %dma_start3A_746 : memref<1x32xi32, #tpu.memory_space<vmem>> -> memref<32xi32, #tpu.memory_space<vmem>>
        %dma_start3A_748 = arith.constant 0 : i32
        %dma_start3A_749 = arith.constant 0 : i32
        %dma_start3A_750 = tpu.memref_slice %arg2[%dma_start3A_748, %dma_start3A_749] : memref<10000x128xf32, #tpu.memory_space<hbm>> -> memref<10000x128xf32, #tpu.memory_space<hbm>>
        tpu.enqueue_indirect_dma source(%dma_start3A_750 : memref<10000x128xf32, #tpu.memory_space<hbm>>) target(%dma_start3A_744 : memref<32x128xf32, #tpu.memory_space<vmem>>) offsets(%dma_start3A_747 : memref<32xi32, #tpu.memory_space<vmem>>) semaphore(%arg13 : memref<!tpu.dma_semaphore, #tpu.memory_space<semaphore_mem>>)
        %dma_start3A_751 = arith.constant 0 : i32
        %dma_start3A_752 = arith.constant 32 : i32
        %dma_start3A_753 = arith.constant 0 : i32
        %dma_start3A_754 = tpu.memref_slice %arg10[%dma_start3A_752, %dma_start3A_753] : memref<128x128xf32, #tpu.memory_space<vmem>> -> memref<32x128xf32, #tpu.memory_space<vmem>>
        %dma_start3A_755 = arith.constant 32 : i32
        %dma_start3A_756 = tpu.memref_slice %arg6[%dma_start3A_751, %dma_start3A_755] : memref<1x128xi32, #tpu.memory_space<vmem>> -> memref<1x32xi32, #tpu.memory_space<vmem>>
        %dma_start3A_757 = tpu.memref_squeeze %dma_start3A_756 : memref<1x32xi32, #tpu.memory_space<vmem>> -> memref<32xi32, #tpu.memory_space<vmem>>
        %dma_start3A_758 = arith.constant 0 : i32
        %dma_start3A_759 = arith.constant 0 : i32
        %dma_start3A_760 = tpu.memref_slice %arg2[%dma_start3A_758, %dma_start3A_759] : memref<10000x128xf32, #tpu.memory_space<hbm>> -> memref<10000x128xf32, #tpu.memory_space<hbm>>
        tpu.enqueue_indirect_dma source(%dma_start3A_760 : memref<10000x128xf32, #tpu.memory_space<hbm>>) target(%dma_start3A_754 : memref<32x128xf32, #tpu.memory_space<vmem>>) offsets(%dma_start3A_757 : memref<32xi32, #tpu.memory_space<vmem>>) semaphore(%arg13 : memref<!tpu.dma_semaphore, #tpu.memory_space<semaphore_mem>>)
        %dma_start3A_761 = arith.constant 0 : i32
        %dma_start3A_762 = arith.constant 64 : i32
        %dma_start3A_763 = arith.constant 0 : i32
        %dma_start3A_764 = tpu.memref_slice %arg10[%dma_start3A_762, %dma_start3A_763] : memref<128x128xf32, #tpu.memory_space<vmem>> -> memref<32x128xf32, #tpu.memory_space<vmem>>
        %dma_start3A_765 = arith.constant 64 : i32
        %dma_start3A_766 = tpu.memref_slice %arg6[%dma_start3A_761, %dma_start3A_765] : memref<1x128xi32, #tpu.memory_space<vmem>> -> memref<1x32xi32, #tpu.memory_space<vmem>>
        %dma_start3A_767 = tpu.memref_squeeze %dma_start3A_766 : memref<1x32xi32, #tpu.memory_space<vmem>> -> memref<32xi32, #tpu.memory_space<vmem>>
        %dma_start3A_768 = arith.constant 0 : i32
        %dma_start3A_769 = arith.constant 0 : i32
        %dma_start3A_770 = tpu.memref_slice %arg2[%dma_start3A_768, %dma_start3A_769] : memref<10000x128xf32, #tpu.memory_space<hbm>> -> memref<10000x128xf32, #tpu.memory_space<hbm>>
        tpu.enqueue_indirect_dma source(%dma_start3A_770 : memref<10000x128xf32, #tpu.memory_space<hbm>>) target(%dma_start3A_764 : memref<32x128xf32, #tpu.memory_space<vmem>>) offsets(%dma_start3A_767 : memref<32xi32, #tpu.memory_space<vmem>>) semaphore(%arg13 : memref<!tpu.dma_semaphore, #tpu.memory_space<semaphore_mem>>)
        %dma_start3A_771 = arith.constant 0 : i32
        %dma_start3A_772 = arith.constant 96 : i32
        %dma_start3A_773 = arith.constant 0 : i32
        %dma_start3A_774 = tpu.memref_slice %arg10[%dma_start3A_772, %dma_start3A_773] : memref<128x128xf32, #tpu.memory_space<vmem>> -> memref<32x128xf32, #tpu.memory_space<vmem>>
        %dma_start3A_775 = arith.constant 96 : i32
        %dma_start3A_776 = tpu.memref_slice %arg6[%dma_start3A_771, %dma_start3A_775] : memref<1x128xi32, #tpu.memory_space<vmem>> -> memref<1x32xi32, #tpu.memory_space<vmem>>
        %dma_start3A_777 = tpu.memref_squeeze %dma_start3A_776 : memref<1x32xi32, #tpu.memory_space<vmem>> -> memref<32xi32, #tpu.memory_space<vmem>>
        %dma_start3A_778 = arith.constant 0 : i32
        %dma_start3A_779 = arith.constant 0 : i32
        %dma_start3A_780 = tpu.memref_slice %arg2[%dma_start3A_778, %dma_start3A_779] : memref<10000x128xf32, #tpu.memory_space<hbm>> -> memref<10000x128xf32, #tpu.memory_space<hbm>>
        tpu.enqueue_indirect_dma source(%dma_start3A_780 : memref<10000x128xf32, #tpu.memory_space<hbm>>) target(%dma_start3A_774 : memref<32x128xf32, #tpu.memory_space<vmem>>) offsets(%dma_start3A_777 : memref<32xi32, #tpu.memory_space<vmem>>) semaphore(%arg13 : memref<!tpu.dma_semaphore, #tpu.memory_space<semaphore_mem>>)
      } else {
      }
      %dma_wait3A_516 = arith.constant 0 : i32
      %dma_wait3A_517 = arith.constant 0 : i32
      %dma_wait3A_518 = arith.constant 0 : i32
      %dma_wait3A_519 = tpu.memref_slice %arg11[%dma_wait3A_517, %dma_wait3A_518] : memref<128x128xf32, #tpu.memory_space<vmem>> -> memref<32x128xf32, #tpu.memory_space<vmem>>
      %dma_wait3A_520 = arith.constant 0 : i32
      %dma_wait3A_521 = tpu.memref_slice %arg7[%dma_wait3A_516, %dma_wait3A_520] : memref<1x128xi32, #tpu.memory_space<vmem>> -> memref<1x32xi32, #tpu.memory_space<vmem>>
      %dma_wait3A_522 = tpu.memref_squeeze %dma_wait3A_521 : memref<1x32xi32, #tpu.memory_space<vmem>> -> memref<32xi32, #tpu.memory_space<vmem>>
      %dma_wait3A_523 = arith.constant 0 : i32
      %dma_wait3A_524 = arith.constant 0 : i32
      %dma_wait3A_525 = tpu.memref_slice %arg2[%dma_wait3A_523, %dma_wait3A_524] : memref<10000x128xf32, #tpu.memory_space<hbm>> -> memref<10000x128xf32, #tpu.memory_space<hbm>>
      tpu.wait_indirect_dma semaphore(%arg14 : memref<!tpu.dma_semaphore, #tpu.memory_space<semaphore_mem>>) src(%dma_wait3A_525 : memref<10000x128xf32, #tpu.memory_space<hbm>>) dst(%dma_wait3A_519 : memref<32x128xf32, #tpu.memory_space<vmem>>)
      %dma_wait3A_526 = arith.constant 0 : i32
      %dma_wait3A_527 = arith.constant 32 : i32
      %dma_wait3A_528 = arith.constant 0 : i32
      %dma_wait3A_529 = tpu.memref_slice %arg11[%dma_wait3A_527, %dma_wait3A_528] : memref<128x128xf32, #tpu.memory_space<vmem>> -> memref<32x128xf32, #tpu.memory_space<vmem>>
      %dma_wait3A_530 = arith.constant 32 : i32
      %dma_wait3A_531 = tpu.memref_slice %arg7[%dma_wait3A_526, %dma_wait3A_530] : memref<1x128xi32, #tpu.memory_space<vmem>> -> memref<1x32xi32, #tpu.memory_space<vmem>>
      %dma_wait3A_532 = tpu.memref_squeeze %dma_wait3A_531 : memref<1x32xi32, #tpu.memory_space<vmem>> -> memref<32xi32, #tpu.memory_space<vmem>>
      %dma_wait3A_533 = arith.constant 0 : i32
      %dma_wait3A_534 = arith.constant 0 : i32
      %dma_wait3A_535 = tpu.memref_slice %arg2[%dma_wait3A_533, %dma_wait3A_534] : memref<10000x128xf32, #tpu.memory_space<hbm>> -> memref<10000x128xf32, #tpu.memory_space<hbm>>
      tpu.wait_indirect_dma semaphore(%arg14 : memref<!tpu.dma_semaphore, #tpu.memory_space<semaphore_mem>>) src(%dma_wait3A_535 : memref<10000x128xf32, #tpu.memory_space<hbm>>) dst(%dma_wait3A_529 : memref<32x128xf32, #tpu.memory_space<vmem>>)
      %dma_wait3A_536 = arith.constant 0 : i32
      %dma_wait3A_537 = arith.constant 64 : i32
      %dma_wait3A_538 = arith.constant 0 : i32
      %dma_wait3A_539 = tpu.memref_slice %arg11[%dma_wait3A_537, %dma_wait3A_538] : memref<128x128xf32, #tpu.memory_space<vmem>> -> memref<32x128xf32, #tpu.memory_space<vmem>>
      %dma_wait3A_540 = arith.constant 64 : i32
      %dma_wait3A_541 = tpu.memref_slice %arg7[%dma_wait3A_536, %dma_wait3A_540] : memref<1x128xi32, #tpu.memory_space<vmem>> -> memref<1x32xi32, #tpu.memory_space<vmem>>
      %dma_wait3A_542 = tpu.memref_squeeze %dma_wait3A_541 : memref<1x32xi32, #tpu.memory_space<vmem>> -> memref<32xi32, #tpu.memory_space<vmem>>
      %dma_wait3A_543 = arith.constant 0 : i32
      %dma_wait3A_544 = arith.constant 0 : i32
      %dma_wait3A_545 = tpu.memref_slice %arg2[%dma_wait3A_543, %dma_wait3A_544] : memref<10000x128xf32, #tpu.memory_space<hbm>> -> memref<10000x128xf32, #tpu.memory_space<hbm>>
      tpu.wait_indirect_dma semaphore(%arg14 : memref<!tpu.dma_semaphore, #tpu.memory_space<semaphore_mem>>) src(%dma_wait3A_545 : memref<10000x128xf32, #tpu.memory_space<hbm>>) dst(%dma_wait3A_539 : memref<32x128xf32, #tpu.memory_space<vmem>>)
      %dma_wait3A_546 = arith.constant 0 : i32
      %dma_wait3A_547 = arith.constant 96 : i32
      %dma_wait3A_548 = arith.constant 0 : i32
      %dma_wait3A_549 = tpu.memref_slice %arg11[%dma_wait3A_547, %dma_wait3A_548] : memref<128x128xf32, #tpu.memory_space<vmem>> -> memref<32x128xf32, #tpu.memory_space<vmem>>
      %dma_wait3A_550 = arith.constant 96 : i32
      %dma_wait3A_551 = tpu.memref_slice %arg7[%dma_wait3A_546, %dma_wait3A_550] : memref<1x128xi32, #tpu.memory_space<vmem>> -> memref<1x32xi32, #tpu.memory_space<vmem>>
      %dma_wait3A_552 = tpu.memref_squeeze %dma_wait3A_551 : memref<1x32xi32, #tpu.memory_space<vmem>> -> memref<32xi32, #tpu.memory_space<vmem>>
      %dma_wait3A_553 = arith.constant 0 : i32
      %dma_wait3A_554 = arith.constant 0 : i32
      %dma_wait3A_555 = tpu.memref_slice %arg2[%dma_wait3A_553, %dma_wait3A_554] : memref<10000x128xf32, #tpu.memory_space<hbm>> -> memref<10000x128xf32, #tpu.memory_space<hbm>>
      tpu.wait_indirect_dma semaphore(%arg14 : memref<!tpu.dma_semaphore, #tpu.memory_space<semaphore_mem>>) src(%dma_wait3A_555 : memref<10000x128xf32, #tpu.memory_space<hbm>>) dst(%dma_wait3A_549 : memref<32x128xf32, #tpu.memory_space<vmem>>)
      %run_scoped3A_556 = arith.constant 0 : i32
      "tpu.region"() ({
        %run_scoped3A_563 = tpu.sem_alloc : memref<!tpu.dma_semaphore, #tpu.memory_space<semaphore_mem>>
        %dma_start3A_564 = arith.constant 0 : i32
        %dma_start3A_565 = tpu.memref_slice %arg9[%run_scoped3A_556, %dma_start3A_564] : memref<1x128xi32, #tpu.memory_space<vmem>> -> memref<1x128xi32, #tpu.memory_space<vmem>>
        %dma_start3A_566 = tpu.memref_squeeze %dma_start3A_565 : memref<1x128xi32, #tpu.memory_space<vmem>> -> memref<128xi32, #tpu.memory_space<vmem>>
        %dma_start3A_567 = arith.constant 0 : i32
        %dma_start3A_568 = arith.constant 0 : i32
        %dma_start3A_569 = tpu.memref_slice %arg12[%dma_start3A_567, %dma_start3A_568] : memref<10240x128xf32, #tpu.memory_space<vmem_shared>> -> memref<10240x128xf32, #tpu.memory_space<vmem_shared>>
        tpu.enqueue_indirect_dma source(%arg11 : memref<128x128xf32, #tpu.memory_space<vmem>>) target(%dma_start3A_569 : memref<10240x128xf32, #tpu.memory_space<vmem_shared>>) offsets(%dma_start3A_566 : memref<128xi32, #tpu.memory_space<vmem>>) semaphore(%run_scoped3A_563 : memref<!tpu.dma_semaphore, #tpu.memory_space<semaphore_mem>>) {add = true}
        %dma_wait3A_570 = arith.constant 0 : i32
        %dma_wait3A_571 = tpu.memref_slice %arg9[%run_scoped3A_556, %dma_wait3A_570] : memref<1x128xi32, #tpu.memory_space<vmem>> -> memref<1x128xi32, #tpu.memory_space<vmem>>
        %dma_wait3A_572 = tpu.memref_squeeze %dma_wait3A_571 : memref<1x128xi32, #tpu.memory_space<vmem>> -> memref<128xi32, #tpu.memory_space<vmem>>
        %dma_wait3A_573 = arith.constant 0 : i32
        %dma_wait3A_574 = arith.constant 0 : i32
        %dma_wait3A_575 = tpu.memref_slice %arg12[%dma_wait3A_573, %dma_wait3A_574] : memref<10240x128xf32, #tpu.memory_space<vmem_shared>> -> memref<10240x128xf32, #tpu.memory_space<vmem_shared>>
        tpu.wait_indirect_dma semaphore(%run_scoped3A_563 : memref<!tpu.dma_semaphore, #tpu.memory_space<semaphore_mem>>) src(%arg11 : memref<128x128xf32, #tpu.memory_space<vmem>>) dst(%dma_wait3A_575 : memref<10240x128xf32, #tpu.memory_space<vmem_shared>>)
        tpu.yield
      }) : () -> ()
      %lt3A_557 = arith.constant 39 : i32
      %lt3A_558 = arith.cmpi slt, %scan3A_471, %lt3A_557 : i32
      %convert_element_type3A_559 = arith.extui %lt3A_558 : i1 to i32
      %cond3A_560 = arith.constant 0 : i32
      %cond3A_561 = arith.cmpi ne, %convert_element_type3A_559, %cond3A_560 : i32
      scf.if %cond3A_561 {
        %add3A_563 = arith.constant 3 : i32
        %add3A_564 = arith.addi %mul3A_474, %add3A_563 : i32
        %get3A_565 = arith.index_cast %add3A_564 : i32 to index
        %get3A_566 = arith.constant 0 : index
        %get3A_567 = tpu.vector_load %arg5[%get3A_565, %get3A_566] {strides = array<i32>} : memref<80x128xi32, #tpu.memory_space<vmem>>, vector<1x16xi32>,
        %get3A_568 = vector.shape_cast %get3A_567 : vector<1x16xi32> to vector<16xi32>
        %shift_right_logical3A_569 = arith.constant 14 : i32
        %shift_right_logical3A_570 = vector.broadcast %shift_right_logical3A_569 : i32 to vector<16xi32>
        %shift_right_logical3A_571 = arith.shrui %get3A_568, %shift_right_logical3A_570 : vector<16xi32>
        %swap3A_572 = arith.constant 0 : i32
        %swap3A_573 = arith.index_cast %swap3A_572 : i32 to index
        %swap3A_574 = arith.constant 0 : index
        %swap3A_575 = tpu.vector_load %arg7[%swap3A_573, %swap3A_574] {strides = array<i32>} : memref<1x128xi32, #tpu.memory_space<vmem>>, vector<1x16xi32>,
        %swap3A_576 = vector.shape_cast %swap3A_575 : vector<1x16xi32> to vector<16xi32>
        %swap3A_577 = vector.shape_cast %shift_right_logical3A_571 : vector<16xi32> to vector<1x16xi32>
        tpu.vector_store %arg7[%swap3A_573, %swap3A_574], %swap3A_577 {strides = array<i32>} : memref<1x128xi32, #tpu.memory_space<vmem>>, vector<1x16xi32>,
        %broadcast_in_dim3A_578 = arith.constant 16383 : i32
        %broadcast_in_dim3A_579 = vector.broadcast %broadcast_in_dim3A_578 : i32 to vector<16xi32>
        %and3A_580 = arith.andi %get3A_568, %broadcast_in_dim3A_579 : vector<16xi32>
        %swap3A_581 = arith.constant 0 : i32
        %swap3A_582 = arith.index_cast %swap3A_581 : i32 to index
        %swap3A_583 = arith.constant 0 : index
        %swap3A_584 = tpu.vector_load %arg9[%swap3A_582, %swap3A_583] {strides = array<i32>} : memref<1x128xi32, #tpu.memory_space<vmem>>, vector<1x16xi32>,
        %swap3A_585 = vector.shape_cast %swap3A_584 : vector<1x16xi32> to vector<16xi32>
        %swap3A_586 = vector.shape_cast %and3A_580 : vector<16xi32> to vector<1x16xi32>
        tpu.vector_store %arg9[%swap3A_582, %swap3A_583], %swap3A_586 {strides = array<i32>} : memref<1x128xi32, #tpu.memory_space<vmem>>, vector<1x16xi32>,
        %get3A_587 = arith.index_cast %add3A_564 : i32 to index
        %get3A_588 = arith.constant 16 : index
        %get3A_589 = tpu.vector_load %arg5[%get3A_587, %get3A_588] {strides = array<i32>} : memref<80x128xi32, #tpu.memory_space<vmem>>, vector<1x16xi32>,
        %get3A_590 = vector.shape_cast %get3A_589 : vector<1x16xi32> to vector<16xi32>
        %shift_right_logical3A_591 = arith.constant 14 : i32
        %shift_right_logical3A_592 = vector.broadcast %shift_right_logical3A_591 : i32 to vector<16xi32>
        %shift_right_logical3A_593 = arith.shrui %get3A_590, %shift_right_logical3A_592 : vector<16xi32>
        %swap3A_594 = arith.constant 0 : i32
        %swap3A_595 = arith.index_cast %swap3A_594 : i32 to index
        %swap3A_596 = arith.constant 16 : index
        %swap3A_597 = tpu.vector_load %arg7[%swap3A_595, %swap3A_596] {strides = array<i32>} : memref<1x128xi32, #tpu.memory_space<vmem>>, vector<1x16xi32>,
        %swap3A_598 = vector.shape_cast %swap3A_597 : vector<1x16xi32> to vector<16xi32>
        %swap3A_599 = vector.shape_cast %shift_right_logical3A_593 : vector<16xi32> to vector<1x16xi32>
        tpu.vector_store %arg7[%swap3A_595, %swap3A_596], %swap3A_599 {strides = array<i32>} : memref<1x128xi32, #tpu.memory_space<vmem>>, vector<1x16xi32>,
        %broadcast_in_dim3A_600 = arith.constant 16383 : i32
        %broadcast_in_dim3A_601 = vector.broadcast %broadcast_in_dim3A_600 : i32 to vector<16xi32>
        %and3A_602 = arith.andi %get3A_590, %broadcast_in_dim3A_601 : vector<16xi32>
        %swap3A_603 = arith.constant 0 : i32
        %swap3A_604 = arith.index_cast %swap3A_603 : i32 to index
        %swap3A_605 = arith.constant 16 : index
        %swap3A_606 = tpu.vector_load %arg9[%swap3A_604, %swap3A_605] {strides = array<i32>} : memref<1x128xi32, #tpu.memory_space<vmem>>, vector<1x16xi32>,
        %swap3A_607 = vector.shape_cast %swap3A_606 : vector<1x16xi32> to vector<16xi32>
        %swap3A_608 = vector.shape_cast %and3A_602 : vector<16xi32> to vector<1x16xi32>
        tpu.vector_store %arg9[%swap3A_604, %swap3A_605], %swap3A_608 {strides = array<i32>} : memref<1x128xi32, #tpu.memory_space<vmem>>, vector<1x16xi32>,
        %get3A_609 = arith.index_cast %add3A_564 : i32 to index
        %get3A_610 = arith.constant 32 : index
        %get3A_611 = tpu.vector_load %arg5[%get3A_609, %get3A_610] {strides = array<i32>} : memref<80x128xi32, #tpu.memory_space<vmem>>, vector<1x16xi32>,
        %get3A_612 = vector.shape_cast %get3A_611 : vector<1x16xi32> to vector<16xi32>
        %shift_right_logical3A_613 = arith.constant 14 : i32
        %shift_right_logical3A_614 = vector.broadcast %shift_right_logical3A_613 : i32 to vector<16xi32>
        %shift_right_logical3A_615 = arith.shrui %get3A_612, %shift_right_logical3A_614 : vector<16xi32>
        %swap3A_616 = arith.constant 0 : i32
        %swap3A_617 = arith.index_cast %swap3A_616 : i32 to index
        %swap3A_618 = arith.constant 32 : index
        %swap3A_619 = tpu.vector_load %arg7[%swap3A_617, %swap3A_618] {strides = array<i32>} : memref<1x128xi32, #tpu.memory_space<vmem>>, vector<1x16xi32>,
        %swap3A_620 = vector.shape_cast %swap3A_619 : vector<1x16xi32> to vector<16xi32>
        %swap3A_621 = vector.shape_cast %shift_right_logical3A_615 : vector<16xi32> to vector<1x16xi32>
        tpu.vector_store %arg7[%swap3A_617, %swap3A_618], %swap3A_621 {strides = array<i32>} : memref<1x128xi32, #tpu.memory_space<vmem>>, vector<1x16xi32>,
        %broadcast_in_dim3A_622 = arith.constant 16383 : i32
        %broadcast_in_dim3A_623 = vector.broadcast %broadcast_in_dim3A_622 : i32 to vector<16xi32>
        %and3A_624 = arith.andi %get3A_612, %broadcast_in_dim3A_623 : vector<16xi32>
        %swap3A_625 = arith.constant 0 : i32
        %swap3A_626 = arith.index_cast %swap3A_625 : i32 to index
        %swap3A_627 = arith.constant 32 : index
        %swap3A_628 = tpu.vector_load %arg9[%swap3A_626, %swap3A_627] {strides = array<i32>} : memref<1x128xi32, #tpu.memory_space<vmem>>, vector<1x16xi32>,
        %swap3A_629 = vector.shape_cast %swap3A_628 : vector<1x16xi32> to vector<16xi32>
        %swap3A_630 = vector.shape_cast %and3A_624 : vector<16xi32> to vector<1x16xi32>
        tpu.vector_store %arg9[%swap3A_626, %swap3A_627], %swap3A_630 {strides = array<i32>} : memref<1x128xi32, #tpu.memory_space<vmem>>, vector<1x16xi32>,
        %get3A_631 = arith.index_cast %add3A_564 : i32 to index
        %get3A_632 = arith.constant 48 : index
        %get3A_633 = tpu.vector_load %arg5[%get3A_631, %get3A_632] {strides = array<i32>} : memref<80x128xi32, #tpu.memory_space<vmem>>, vector<1x16xi32>,
        %get3A_634 = vector.shape_cast %get3A_633 : vector<1x16xi32> to vector<16xi32>
        %shift_right_logical3A_635 = arith.constant 14 : i32
        %shift_right_logical3A_636 = vector.broadcast %shift_right_logical3A_635 : i32 to vector<16xi32>
        %shift_right_logical3A_637 = arith.shrui %get3A_634, %shift_right_logical3A_636 : vector<16xi32>
        %swap3A_638 = arith.constant 0 : i32
        %swap3A_639 = arith.index_cast %swap3A_638 : i32 to index
        %swap3A_640 = arith.constant 48 : index
        %swap3A_641 = tpu.vector_load %arg7[%swap3A_639, %swap3A_640] {strides = array<i32>} : memref<1x128xi32, #tpu.memory_space<vmem>>, vector<1x16xi32>,
        %swap3A_642 = vector.shape_cast %swap3A_641 : vector<1x16xi32> to vector<16xi32>
        %swap3A_643 = vector.shape_cast %shift_right_logical3A_637 : vector<16xi32> to vector<1x16xi32>
        tpu.vector_store %arg7[%swap3A_639, %swap3A_640], %swap3A_643 {strides = array<i32>} : memref<1x128xi32, #tpu.memory_space<vmem>>, vector<1x16xi32>,
        %broadcast_in_dim3A_644 = arith.constant 16383 : i32
        %broadcast_in_dim3A_645 = vector.broadcast %broadcast_in_dim3A_644 : i32 to vector<16xi32>
        %and3A_646 = arith.andi %get3A_634, %broadcast_in_dim3A_645 : vector<16xi32>
        %swap3A_647 = arith.constant 0 : i32
        %swap3A_648 = arith.index_cast %swap3A_647 : i32 to index
        %swap3A_649 = arith.constant 48 : index
        %swap3A_650 = tpu.vector_load %arg9[%swap3A_648, %swap3A_649] {strides = array<i32>} : memref<1x128xi32, #tpu.memory_space<vmem>>, vector<1x16xi32>,
        %swap3A_651 = vector.shape_cast %swap3A_650 : vector<1x16xi32> to vector<16xi32>
        %swap3A_652 = vector.shape_cast %and3A_646 : vector<16xi32> to vector<1x16xi32>
        tpu.vector_store %arg9[%swap3A_648, %swap3A_649], %swap3A_652 {strides = array<i32>} : memref<1x128xi32, #tpu.memory_space<vmem>>, vector<1x16xi32>,
        %get3A_653 = arith.index_cast %add3A_564 : i32 to index
        %get3A_654 = arith.constant 64 : index
        %get3A_655 = tpu.vector_load %arg5[%get3A_653, %get3A_654] {strides = array<i32>} : memref<80x128xi32, #tpu.memory_space<vmem>>, vector<1x16xi32>,
        %get3A_656 = vector.shape_cast %get3A_655 : vector<1x16xi32> to vector<16xi32>
        %shift_right_logical3A_657 = arith.constant 14 : i32
        %shift_right_logical3A_658 = vector.broadcast %shift_right_logical3A_657 : i32 to vector<16xi32>
        %shift_right_logical3A_659 = arith.shrui %get3A_656, %shift_right_logical3A_658 : vector<16xi32>
        %swap3A_660 = arith.constant 0 : i32
        %swap3A_661 = arith.index_cast %swap3A_660 : i32 to index
        %swap3A_662 = arith.constant 64 : index
        %swap3A_663 = tpu.vector_load %arg7[%swap3A_661, %swap3A_662] {strides = array<i32>} : memref<1x128xi32, #tpu.memory_space<vmem>>, vector<1x16xi32>,
        %swap3A_664 = vector.shape_cast %swap3A_663 : vector<1x16xi32> to vector<16xi32>
        %swap3A_665 = vector.shape_cast %shift_right_logical3A_659 : vector<16xi32> to vector<1x16xi32>
        tpu.vector_store %arg7[%swap3A_661, %swap3A_662], %swap3A_665 {strides = array<i32>} : memref<1x128xi32, #tpu.memory_space<vmem>>, vector<1x16xi32>,
        %broadcast_in_dim3A_666 = arith.constant 16383 : i32
        %broadcast_in_dim3A_667 = vector.broadcast %broadcast_in_dim3A_666 : i32 to vector<16xi32>
        %and3A_668 = arith.andi %get3A_656, %broadcast_in_dim3A_667 : vector<16xi32>
        %swap3A_669 = arith.constant 0 : i32
        %swap3A_670 = arith.index_cast %swap3A_669 : i32 to index
        %swap3A_671 = arith.constant 64 : index
        %swap3A_672 = tpu.vector_load %arg9[%swap3A_670, %swap3A_671] {strides = array<i32>} : memref<1x128xi32, #tpu.memory_space<vmem>>, vector<1x16xi32>,
        %swap3A_673 = vector.shape_cast %swap3A_672 : vector<1x16xi32> to vector<16xi32>
        %swap3A_674 = vector.shape_cast %and3A_668 : vector<16xi32> to vector<1x16xi32>
        tpu.vector_store %arg9[%swap3A_670, %swap3A_671], %swap3A_674 {strides = array<i32>} : memref<1x128xi32, #tpu.memory_space<vmem>>, vector<1x16xi32>,
        %get3A_675 = arith.index_cast %add3A_564 : i32 to index
        %get3A_676 = arith.constant 80 : index
        %get3A_677 = tpu.vector_load %arg5[%get3A_675, %get3A_676] {strides = array<i32>} : memref<80x128xi32, #tpu.memory_space<vmem>>, vector<1x16xi32>,
        %get3A_678 = vector.shape_cast %get3A_677 : vector<1x16xi32> to vector<16xi32>
        %shift_right_logical3A_679 = arith.constant 14 : i32
        %shift_right_logical3A_680 = vector.broadcast %shift_right_logical3A_679 : i32 to vector<16xi32>
        %shift_right_logical3A_681 = arith.shrui %get3A_678, %shift_right_logical3A_680 : vector<16xi32>
        %swap3A_682 = arith.constant 0 : i32
        %swap3A_683 = arith.index_cast %swap3A_682 : i32 to index
        %swap3A_684 = arith.constant 80 : index
        %swap3A_685 = tpu.vector_load %arg7[%swap3A_683, %swap3A_684] {strides = array<i32>} : memref<1x128xi32, #tpu.memory_space<vmem>>, vector<1x16xi32>,
        %swap3A_686 = vector.shape_cast %swap3A_685 : vector<1x16xi32> to vector<16xi32>
        %swap3A_687 = vector.shape_cast %shift_right_logical3A_681 : vector<16xi32> to vector<1x16xi32>
        tpu.vector_store %arg7[%swap3A_683, %swap3A_684], %swap3A_687 {strides = array<i32>} : memref<1x128xi32, #tpu.memory_space<vmem>>, vector<1x16xi32>,
        %broadcast_in_dim3A_688 = arith.constant 16383 : i32
        %broadcast_in_dim3A_689 = vector.broadcast %broadcast_in_dim3A_688 : i32 to vector<16xi32>
        %and3A_690 = arith.andi %get3A_678, %broadcast_in_dim3A_689 : vector<16xi32>
        %swap3A_691 = arith.constant 0 : i32
        %swap3A_692 = arith.index_cast %swap3A_691 : i32 to index
        %swap3A_693 = arith.constant 80 : index
        %swap3A_694 = tpu.vector_load %arg9[%swap3A_692, %swap3A_693] {strides = array<i32>} : memref<1x128xi32, #tpu.memory_space<vmem>>, vector<1x16xi32>,
        %swap3A_695 = vector.shape_cast %swap3A_694 : vector<1x16xi32> to vector<16xi32>
        %swap3A_696 = vector.shape_cast %and3A_690 : vector<16xi32> to vector<1x16xi32>
        tpu.vector_store %arg9[%swap3A_692, %swap3A_693], %swap3A_696 {strides = array<i32>} : memref<1x128xi32, #tpu.memory_space<vmem>>, vector<1x16xi32>,
        %get3A_697 = arith.index_cast %add3A_564 : i32 to index
        %get3A_698 = arith.constant 96 : index
        %get3A_699 = tpu.vector_load %arg5[%get3A_697, %get3A_698] {strides = array<i32>} : memref<80x128xi32, #tpu.memory_space<vmem>>, vector<1x16xi32>,
        %get3A_700 = vector.shape_cast %get3A_699 : vector<1x16xi32> to vector<16xi32>
        %shift_right_logical3A_701 = arith.constant 14 : i32
        %shift_right_logical3A_702 = vector.broadcast %shift_right_logical3A_701 : i32 to vector<16xi32>
        %shift_right_logical3A_703 = arith.shrui %get3A_700, %shift_right_logical3A_702 : vector<16xi32>
        %swap3A_704 = arith.constant 0 : i32
        %swap3A_705 = arith.index_cast %swap3A_704 : i32 to index
        %swap3A_706 = arith.constant 96 : index
        %swap3A_707 = tpu.vector_load %arg7[%swap3A_705, %swap3A_706] {strides = array<i32>} : memref<1x128xi32, #tpu.memory_space<vmem>>, vector<1x16xi32>,
        %swap3A_708 = vector.shape_cast %swap3A_707 : vector<1x16xi32> to vector<16xi32>
        %swap3A_709 = vector.shape_cast %shift_right_logical3A_703 : vector<16xi32> to vector<1x16xi32>
        tpu.vector_store %arg7[%swap3A_705, %swap3A_706], %swap3A_709 {strides = array<i32>} : memref<1x128xi32, #tpu.memory_space<vmem>>, vector<1x16xi32>,
        %broadcast_in_dim3A_710 = arith.constant 16383 : i32
        %broadcast_in_dim3A_711 = vector.broadcast %broadcast_in_dim3A_710 : i32 to vector<16xi32>
        %and3A_712 = arith.andi %get3A_700, %broadcast_in_dim3A_711 : vector<16xi32>
        %swap3A_713 = arith.constant 0 : i32
        %swap3A_714 = arith.index_cast %swap3A_713 : i32 to index
        %swap3A_715 = arith.constant 96 : index
        %swap3A_716 = tpu.vector_load %arg9[%swap3A_714, %swap3A_715] {strides = array<i32>} : memref<1x128xi32, #tpu.memory_space<vmem>>, vector<1x16xi32>,
        %swap3A_717 = vector.shape_cast %swap3A_716 : vector<1x16xi32> to vector<16xi32>
        %swap3A_718 = vector.shape_cast %and3A_712 : vector<16xi32> to vector<1x16xi32>
        tpu.vector_store %arg9[%swap3A_714, %swap3A_715], %swap3A_718 {strides = array<i32>} : memref<1x128xi32, #tpu.memory_space<vmem>>, vector<1x16xi32>,
        %get3A_719 = arith.index_cast %add3A_564 : i32 to index
        %get3A_720 = arith.constant 112 : index
        %get3A_721 = tpu.vector_load %arg5[%get3A_719, %get3A_720] {strides = array<i32>} : memref<80x128xi32, #tpu.memory_space<vmem>>, vector<1x16xi32>,
        %get3A_722 = vector.shape_cast %get3A_721 : vector<1x16xi32> to vector<16xi32>
        %shift_right_logical3A_723 = arith.constant 14 : i32
        %shift_right_logical3A_724 = vector.broadcast %shift_right_logical3A_723 : i32 to vector<16xi32>
        %shift_right_logical3A_725 = arith.shrui %get3A_722, %shift_right_logical3A_724 : vector<16xi32>
        %swap3A_726 = arith.constant 0 : i32
        %swap3A_727 = arith.index_cast %swap3A_726 : i32 to index
        %swap3A_728 = arith.constant 112 : index
        %swap3A_729 = tpu.vector_load %arg7[%swap3A_727, %swap3A_728] {strides = array<i32>} : memref<1x128xi32, #tpu.memory_space<vmem>>, vector<1x16xi32>,
        %swap3A_730 = vector.shape_cast %swap3A_729 : vector<1x16xi32> to vector<16xi32>
        %swap3A_731 = vector.shape_cast %shift_right_logical3A_725 : vector<16xi32> to vector<1x16xi32>
        tpu.vector_store %arg7[%swap3A_727, %swap3A_728], %swap3A_731 {strides = array<i32>} : memref<1x128xi32, #tpu.memory_space<vmem>>, vector<1x16xi32>,
        %broadcast_in_dim3A_732 = arith.constant 16383 : i32
        %broadcast_in_dim3A_733 = vector.broadcast %broadcast_in_dim3A_732 : i32 to vector<16xi32>
        %and3A_734 = arith.andi %get3A_722, %broadcast_in_dim3A_733 : vector<16xi32>
        %swap3A_735 = arith.constant 0 : i32
        %swap3A_736 = arith.index_cast %swap3A_735 : i32 to index
        %swap3A_737 = arith.constant 112 : index
        %swap3A_738 = tpu.vector_load %arg9[%swap3A_736, %swap3A_737] {strides = array<i32>} : memref<1x128xi32, #tpu.memory_space<vmem>>, vector<1x16xi32>,
        %swap3A_739 = vector.shape_cast %swap3A_738 : vector<1x16xi32> to vector<16xi32>
        %swap3A_740 = vector.shape_cast %and3A_734 : vector<16xi32> to vector<1x16xi32>
        tpu.vector_store %arg9[%swap3A_736, %swap3A_737], %swap3A_740 {strides = array<i32>} : memref<1x128xi32, #tpu.memory_space<vmem>>, vector<1x16xi32>,
        %dma_start3A_741 = arith.constant 0 : i32
        %dma_start3A_742 = arith.constant 0 : i32
        %dma_start3A_743 = arith.constant 0 : i32
        %dma_start3A_744 = tpu.memref_slice %arg11[%dma_start3A_742, %dma_start3A_743] : memref<128x128xf32, #tpu.memory_space<vmem>> -> memref<32x128xf32, #tpu.memory_space<vmem>>
        %dma_start3A_745 = arith.constant 0 : i32
        %dma_start3A_746 = tpu.memref_slice %arg7[%dma_start3A_741, %dma_start3A_745] : memref<1x128xi32, #tpu.memory_space<vmem>> -> memref<1x32xi32, #tpu.memory_space<vmem>>
        %dma_start3A_747 = tpu.memref_squeeze %dma_start3A_746 : memref<1x32xi32, #tpu.memory_space<vmem>> -> memref<32xi32, #tpu.memory_space<vmem>>
        %dma_start3A_748 = arith.constant 0 : i32
        %dma_start3A_749 = arith.constant 0 : i32
        %dma_start3A_750 = tpu.memref_slice %arg2[%dma_start3A_748, %dma_start3A_749] : memref<10000x128xf32, #tpu.memory_space<hbm>> -> memref<10000x128xf32, #tpu.memory_space<hbm>>
        tpu.enqueue_indirect_dma source(%dma_start3A_750 : memref<10000x128xf32, #tpu.memory_space<hbm>>) target(%dma_start3A_744 : memref<32x128xf32, #tpu.memory_space<vmem>>) offsets(%dma_start3A_747 : memref<32xi32, #tpu.memory_space<vmem>>) semaphore(%arg14 : memref<!tpu.dma_semaphore, #tpu.memory_space<semaphore_mem>>)
        %dma_start3A_751 = arith.constant 0 : i32
        %dma_start3A_752 = arith.constant 32 : i32
        %dma_start3A_753 = arith.constant 0 : i32
        %dma_start3A_754 = tpu.memref_slice %arg11[%dma_start3A_752, %dma_start3A_753] : memref<128x128xf32, #tpu.memory_space<vmem>> -> memref<32x128xf32, #tpu.memory_space<vmem>>
        %dma_start3A_755 = arith.constant 32 : i32
        %dma_start3A_756 = tpu.memref_slice %arg7[%dma_start3A_751, %dma_start3A_755] : memref<1x128xi32, #tpu.memory_space<vmem>> -> memref<1x32xi32, #tpu.memory_space<vmem>>
        %dma_start3A_757 = tpu.memref_squeeze %dma_start3A_756 : memref<1x32xi32, #tpu.memory_space<vmem>> -> memref<32xi32, #tpu.memory_space<vmem>>
        %dma_start3A_758 = arith.constant 0 : i32
        %dma_start3A_759 = arith.constant 0 : i32
        %dma_start3A_760 = tpu.memref_slice %arg2[%dma_start3A_758, %dma_start3A_759] : memref<10000x128xf32, #tpu.memory_space<hbm>> -> memref<10000x128xf32, #tpu.memory_space<hbm>>
        tpu.enqueue_indirect_dma source(%dma_start3A_760 : memref<10000x128xf32, #tpu.memory_space<hbm>>) target(%dma_start3A_754 : memref<32x128xf32, #tpu.memory_space<vmem>>) offsets(%dma_start3A_757 : memref<32xi32, #tpu.memory_space<vmem>>) semaphore(%arg14 : memref<!tpu.dma_semaphore, #tpu.memory_space<semaphore_mem>>)
        %dma_start3A_761 = arith.constant 0 : i32
        %dma_start3A_762 = arith.constant 64 : i32
        %dma_start3A_763 = arith.constant 0 : i32
        %dma_start3A_764 = tpu.memref_slice %arg11[%dma_start3A_762, %dma_start3A_763] : memref<128x128xf32, #tpu.memory_space<vmem>> -> memref<32x128xf32, #tpu.memory_space<vmem>>
        %dma_start3A_765 = arith.constant 64 : i32
        %dma_start3A_766 = tpu.memref_slice %arg7[%dma_start3A_761, %dma_start3A_765] : memref<1x128xi32, #tpu.memory_space<vmem>> -> memref<1x32xi32, #tpu.memory_space<vmem>>
        %dma_start3A_767 = tpu.memref_squeeze %dma_start3A_766 : memref<1x32xi32, #tpu.memory_space<vmem>> -> memref<32xi32, #tpu.memory_space<vmem>>
        %dma_start3A_768 = arith.constant 0 : i32
        %dma_start3A_769 = arith.constant 0 : i32
        %dma_start3A_770 = tpu.memref_slice %arg2[%dma_start3A_768, %dma_start3A_769] : memref<10000x128xf32, #tpu.memory_space<hbm>> -> memref<10000x128xf32, #tpu.memory_space<hbm>>
        tpu.enqueue_indirect_dma source(%dma_start3A_770 : memref<10000x128xf32, #tpu.memory_space<hbm>>) target(%dma_start3A_764 : memref<32x128xf32, #tpu.memory_space<vmem>>) offsets(%dma_start3A_767 : memref<32xi32, #tpu.memory_space<vmem>>) semaphore(%arg14 : memref<!tpu.dma_semaphore, #tpu.memory_space<semaphore_mem>>)
        %dma_start3A_771 = arith.constant 0 : i32
        %dma_start3A_772 = arith.constant 96 : i32
        %dma_start3A_773 = arith.constant 0 : i32
        %dma_start3A_774 = tpu.memref_slice %arg11[%dma_start3A_772, %dma_start3A_773] : memref<128x128xf32, #tpu.memory_space<vmem>> -> memref<32x128xf32, #tpu.memory_space<vmem>>
        %dma_start3A_775 = arith.constant 96 : i32
        %dma_start3A_776 = tpu.memref_slice %arg7[%dma_start3A_771, %dma_start3A_775] : memref<1x128xi32, #tpu.memory_space<vmem>> -> memref<1x32xi32, #tpu.memory_space<vmem>>
        %dma_start3A_777 = tpu.memref_squeeze %dma_start3A_776 : memref<1x32xi32, #tpu.memory_space<vmem>> -> memref<32xi32, #tpu.memory_space<vmem>>
        %dma_start3A_778 = arith.constant 0 : i32
        %dma_start3A_779 = arith.constant 0 : i32
        %dma_start3A_780 = tpu.memref_slice %arg2[%dma_start3A_778, %dma_start3A_779] : memref<10000x128xf32, #tpu.memory_space<hbm>> -> memref<10000x128xf32, #tpu.memory_space<hbm>>
        tpu.enqueue_indirect_dma source(%dma_start3A_780 : memref<10000x128xf32, #tpu.memory_space<hbm>>) target(%dma_start3A_774 : memref<32x128xf32, #tpu.memory_space<vmem>>) offsets(%dma_start3A_777 : memref<32xi32, #tpu.memory_space<vmem>>) semaphore(%arg14 : memref<!tpu.dma_semaphore, #tpu.memory_space<semaphore_mem>>)
      } else {
      }
      %scan3A_562 = arith.constant 0 : i32
      scf.yield %scan3A_562 : i32
    }
    %scan3A_467 = arith.constant 40 : i32
    %barrier3A_468 = arith.constant 0 : index
    tpu.barrier barrier_id(%barrier3A_468)
    %mul3A_469 = arith.constant 640 : i32
    %mul3A_470 = arith.muli %arg1, %mul3A_469 : i32
    "tpu.region"() ({
      %run_scoped3A = tpu.sem_alloc : memref<!tpu.dma_semaphore, #tpu.memory_space<semaphore_mem>>
      %dma_start3A_471 = arith.constant 0 : i32
      %dma_start3A_472 = tpu.memref_slice %arg4[%arg0, %mul3A_470, %dma_start3A_471] : memref<2x10240x128xf32, #tpu.memory_space<hbm>> -> memref<1x640x128xf32, #tpu.memory_space<hbm>>
      %dma_start3A_473 = tpu.memref_squeeze %dma_start3A_472 : memref<1x640x128xf32, #tpu.memory_space<hbm>> -> memref<640x128xf32, #tpu.memory_space<hbm>>
      %dma_start3A_474 = arith.constant 0 : i32
      %dma_start3A_475 = tpu.memref_slice %arg12[%mul3A_470, %dma_start3A_474] : memref<10240x128xf32, #tpu.memory_space<vmem_shared>> -> memref<640x128xf32, #tpu.memory_space<vmem_shared>>
      tpu.enqueue_dma source(%dma_start3A_475 : memref<640x128xf32, #tpu.memory_space<vmem_shared>>) target(%dma_start3A_473 : memref<640x128xf32, #tpu.memory_space<hbm>>) target_semaphore(%run_scoped3A : memref<!tpu.dma_semaphore, #tpu.memory_space<semaphore_mem>>)
      %dma_wait3A = arith.constant 0 : i32
      %dma_wait3A_476 = tpu.memref_slice %arg4[%arg0, %mul3A_470, %dma_wait3A] : memref<2x10240x128xf32, #tpu.memory_space<hbm>> -> memref<1x640x128xf32, #tpu.memory_space<hbm>>
      %dma_wait3A_477 = tpu.memref_squeeze %dma_wait3A_476 : memref<1x640x128xf32, #tpu.memory_space<hbm>> -> memref<640x128xf32, #tpu.memory_space<hbm>>
      %dma_wait3A_478 = arith.constant 0 : i32
      %dma_wait3A_479 = tpu.memref_slice %arg12[%mul3A_470, %dma_wait3A_478] : memref<10240x128xf32, #tpu.memory_space<vmem_shared>> -> memref<640x128xf32, #tpu.memory_space<vmem_shared>>
      tpu.wait_dma2 semaphore(%run_scoped3A : memref<!tpu.dma_semaphore, #tpu.memory_space<semaphore_mem>>) src(%dma_wait3A_479 : memref<640x128xf32, #tpu.memory_space<vmem_shared>>) dst(%dma_wait3A_477 : memref<640x128xf32, #tpu.memory_space<hbm>>)
      tpu.yield
    }) : () -> ()
    return
  }
}

module attributes {stable_mosaic.version = 14 : i64} {
  func.func @body_mid(%arg0: i32, %arg1: memref<2x2000x128xf32, #tpu.memory_space<vmem>>, %arg2: memref<2000x1xf32, #tpu.memory_space<vmem>>, %arg3: memref<2000x128xf32, #tpu.memory_space<vmem>>, %arg4: memref<2000x128xf32, #tpu.memory_space<vmem>>, %arg5: memref<2000x128xf32, #tpu.memory_space<vmem>>) attributes {dimension_semantics = [#tpu.dimension_semantics<arbitrary>], iteration_bounds = array<i64: 5>, scalar_prefetch = 0 : i64, scratch_operands = 0 : i64, tpu.core_type = #tpu.core_type<tc>, window_params = [{transform_indices = @transform_0, window_bounds = array<i64: 2, 2000, 128>}, {transform_indices = @transform_1, window_bounds = array<i64: 2000, 1>}, {transform_indices = @transform_2, window_bounds = array<i64: 2000, 128>}, {transform_indices = @transform_3, window_bounds = array<i64: 2000, 128>}, {transform_indices = @transform_4, window_bounds = array<i64: 2000, 128>}]} {
    %get3A = arith.constant 0 : index
    %get3A_0 = arith.constant 0 : index
    %get3A_1 = vector.load %arg2[%get3A, %get3A_0] : memref<2000x1xf32, #tpu.memory_space<vmem>>, vector<2000x1xf32>
    %get3A_2 = arith.constant 0 : index
    %get3A_3 = arith.constant 0 : index
    %get3A_4 = arith.constant 0 : index
    %get3A_5 = vector.load %arg1[%get3A_2, %get3A_3, %get3A_4] : memref<2x2000x128xf32, #tpu.memory_space<vmem>>, vector<1x2000x128xf32>
    %get3A_6 = vector.shape_cast %get3A_5 : vector<1x2000x128xf32> to vector<2000x128xf32>
    %get3A_7 = arith.constant 1 : index
    %get3A_8 = arith.constant 0 : index
    %get3A_9 = arith.constant 0 : index
    %get3A_10 = vector.load %arg1[%get3A_7, %get3A_8, %get3A_9] : memref<2x2000x128xf32, #tpu.memory_space<vmem>>, vector<1x2000x128xf32>
    %get3A_11 = vector.shape_cast %get3A_10 : vector<1x2000x128xf32> to vector<2000x128xf32>
    %add3A = arith.addf %get3A_6, %get3A_11 : vector<2000x128xf32>
    %mul3A = vector.broadcast %get3A_1 : vector<2000x1xf32> to vector<2000x128xf32>
    %mul3A_12 = arith.mulf %add3A, %mul3A : vector<2000x128xf32>
    %get3A_13 = arith.constant 0 : index
    %get3A_14 = arith.constant 0 : index
    %get3A_15 = vector.load %arg3[%get3A_13, %get3A_14] : memref<2000x128xf32, #tpu.memory_space<vmem>>, vector<2000x128xf32>
    %add3A_16 = arith.addf %get3A_15, %mul3A_12 : vector<2000x128xf32>
    %swap3A = arith.constant 0 : index
    %swap3A_17 = arith.constant 0 : index
    %swap3A_18 = vector.load %arg5[%swap3A, %swap3A_17] : memref<2000x128xf32, #tpu.memory_space<vmem>>, vector<2000x128xf32>
    tpu.vector_store %arg5[%swap3A, %swap3A_17], %add3A_16 {strides = array<i32>} : memref<2000x128xf32, #tpu.memory_space<vmem>>, vector<2000x128xf32>,
    %mul3A_19 = vector.broadcast %get3A_1 : vector<2000x1xf32> to vector<2000x128xf32>
    %mul3A_20 = arith.mulf %mul3A_12, %mul3A_19 : vector<2000x128xf32>
    %swap3A_21 = arith.constant 0 : index
    %swap3A_22 = arith.constant 0 : index
    %swap3A_23 = vector.load %arg4[%swap3A_21, %swap3A_22] : memref<2000x128xf32, #tpu.memory_space<vmem>>, vector<2000x128xf32>
    tpu.vector_store %arg4[%swap3A_21, %swap3A_22], %mul3A_20 {strides = array<i32>} : memref<2000x128xf32, #tpu.memory_space<vmem>>, vector<2000x128xf32>,
    return
  }
  func.func @transform_0(%arg0: i32) -> (i32, i32, i32) {
    %c0_i32 = arith.constant 0 : i32
    %c0_i32_0 = arith.constant 0 : i32
    %c0_i32_1 = arith.constant 0 : i32
    return %c0_i32, %arg0, %c0_i32_0 : i32, i32, i32
  }
  func.func @transform_1(%arg0: i32) -> (i32, i32) {
    %c0_i32 = arith.constant 0 : i32
    %c0_i32_0 = arith.constant 0 : i32
    return %arg0, %c0_i32 : i32, i32
  }
  func.func @transform_2(%arg0: i32) -> (i32, i32) {
    %c0_i32 = arith.constant 0 : i32
    %c0_i32_0 = arith.constant 0 : i32
    return %arg0, %c0_i32 : i32, i32
  }
  func.func @transform_3(%arg0: i32) -> (i32, i32) {
    %c0_i32 = arith.constant 0 : i32
    %c0_i32_0 = arith.constant 0 : i32
    return %arg0, %c0_i32 : i32, i32
  }
  func.func @transform_4(%arg0: i32) -> (i32, i32) {
    %c0_i32 = arith.constant 0 : i32
    %c0_i32_0 = arith.constant 0 : i32
    return %arg0, %c0_i32 : i32, i32
  }
}

module attributes {stable_mosaic.version = 14 : i64} {
  func.func @body(%arg0: i32, %arg1: memref<2x2000x128xf32, #tpu.memory_space<vmem>>, %arg2: memref<2000x128xf32, #tpu.memory_space<vmem>>, %arg3: memref<2000x1xf32, #tpu.memory_space<vmem>>, %arg4: memref<2000x128xf32, #tpu.memory_space<vmem>>) attributes {dimension_semantics = [#tpu.dimension_semantics<arbitrary>], iteration_bounds = array<i64: 5>, scalar_prefetch = 0 : i64, scratch_operands = 0 : i64, tpu.core_type = #tpu.core_type<tc>, window_params = [{transform_indices = @transform_0, window_bounds = array<i64: 2, 2000, 128>}, {transform_indices = @transform_1, window_bounds = array<i64: 2000, 128>}, {transform_indices = @transform_2, window_bounds = array<i64: 2000, 1>}, {transform_indices = @transform_3, window_bounds = array<i64: 2000, 128>}]} {
    %get3A = arith.constant 0 : index
    %get3A_0 = arith.constant 0 : index
    %get3A_1 = arith.constant 0 : index
    %get3A_2 = vector.load %arg1[%get3A, %get3A_0, %get3A_1] : memref<2x2000x128xf32, #tpu.memory_space<vmem>>, vector<1x2000x1xf32>
    %get3A_3 = vector.shape_cast %get3A_2 : vector<1x2000x1xf32> to vector<2000x1xf32>
    %get3A_4 = arith.constant 1 : index
    %get3A_5 = arith.constant 0 : index
    %get3A_6 = arith.constant 0 : index
    %get3A_7 = vector.load %arg1[%get3A_4, %get3A_5, %get3A_6] : memref<2x2000x128xf32, #tpu.memory_space<vmem>>, vector<1x2000x1xf32>
    %get3A_8 = vector.shape_cast %get3A_7 : vector<1x2000x1xf32> to vector<2000x1xf32>
    %add3A = arith.addf %get3A_3, %get3A_8 : vector<2000x1xf32>
    %gt3A = arith.constant 0.000000e+00 : f32
    %gt3A_9 = vector.broadcast %gt3A : f32 to vector<2000x1xf32>
    %gt3A_10 = arith.cmpf ogt, %add3A, %gt3A_9 : vector<2000x1xf32>
    %max3A = arith.constant 1.000000e+00 : f32
    %max3A_11 = vector.broadcast %max3A : f32 to vector<2000x1xf32>
    %max3A_12 = arith.maximumf %add3A, %max3A_11 : vector<2000x1xf32>
    %rsqrt3A = math.rsqrt %max3A_12 : vector<2000x1xf32>
    %jit3A = arith.constant 0.000000e+00 : f32
    %broadcast_in_dim3A = vector.broadcast %jit3A : f32 to vector<2000x1xf32>
    %select_n3A = arith.select %gt3A_10, %rsqrt3A, %broadcast_in_dim3A : vector<2000x1xi1>, vector<2000x1xf32>
    %swap3A = arith.constant 0 : index
    %swap3A_13 = arith.constant 0 : index
    %swap3A_14 = vector.load %arg3[%swap3A, %swap3A_13] : memref<2000x1xf32, #tpu.memory_space<vmem>>, vector<2000x1xf32>
    tpu.vector_store %arg3[%swap3A, %swap3A_13], %select_n3A {strides = array<i32>} : memref<2000x1xf32, #tpu.memory_space<vmem>>, vector<2000x1xf32>,
    %get3A_15 = arith.constant 0 : index
    %get3A_16 = arith.constant 0 : index
    %get3A_17 = vector.load %arg2[%get3A_15, %get3A_16] : memref<2000x128xf32, #tpu.memory_space<vmem>>, vector<2000x128xf32>
    %mul3A = vector.broadcast %select_n3A : vector<2000x1xf32> to vector<2000x128xf32>
    %mul3A_18 = arith.mulf %get3A_17, %mul3A : vector<2000x128xf32>
    %swap3A_19 = arith.constant 0 : index
    %swap3A_20 = arith.constant 0 : index
    %swap3A_21 = vector.load %arg4[%swap3A_19, %swap3A_20] : memref<2000x128xf32, #tpu.memory_space<vmem>>, vector<2000x128xf32>
    tpu.vector_store %arg4[%swap3A_19, %swap3A_20], %mul3A_18 {strides = array<i32>} : memref<2000x128xf32, #tpu.memory_space<vmem>>, vector<2000x128xf32>,
    return
  }
  func.func @transform_0(%arg0: i32) -> (i32, i32, i32) {
    %c0_i32 = arith.constant 0 : i32
    %c0_i32_0 = arith.constant 0 : i32
    %c0_i32_1 = arith.constant 0 : i32
    return %c0_i32, %arg0, %c0_i32_0 : i32, i32, i32
  }
  func.func @transform_1(%arg0: i32) -> (i32, i32) {
    %c0_i32 = arith.constant 0 : i32
    %c0_i32_0 = arith.constant 0 : i32
    return %arg0, %c0_i32 : i32, i32
  }
  func.func @transform_2(%arg0: i32) -> (i32, i32) {
    %c0_i32 = arith.constant 0 : i32
    %c0_i32_0 = arith.constant 0 : i32
    return %arg0, %c0_i32 : i32, i32
  }
  func.func @transform_3(%arg0: i32) -> (i32, i32) {
    %c0_i32 = arith.constant 0 : i32
    %c0_i32_0 = arith.constant 0 : i32
    return %arg0, %c0_i32 : i32, i32
  }
}

module attributes {stable_mosaic.version = 14 : i64} {
  func.func @body_last(%arg0: i32, %arg1: memref<2x2000x128xf32, #tpu.memory_space<vmem>>, %arg2: memref<2000x1xf32, #tpu.memory_space<vmem>>, %arg3: memref<2000x128xf32, #tpu.memory_space<vmem>>, %arg4: memref<2000x128xf32, #tpu.memory_space<vmem>>) attributes {dimension_semantics = [#tpu.dimension_semantics<arbitrary>], iteration_bounds = array<i64: 5>, scalar_prefetch = 0 : i64, scratch_operands = 0 : i64, tpu.core_type = #tpu.core_type<tc>, window_params = [{transform_indices = @transform_0, window_bounds = array<i64: 2, 2000, 128>}, {transform_indices = @transform_1, window_bounds = array<i64: 2000, 1>}, {transform_indices = @transform_2, window_bounds = array<i64: 2000, 128>}, {transform_indices = @transform_3, window_bounds = array<i64: 2000, 128>}]} {
    %get3A = arith.constant 0 : index
    %get3A_0 = arith.constant 0 : index
    %get3A_1 = vector.load %arg2[%get3A, %get3A_0] : memref<2000x1xf32, #tpu.memory_space<vmem>>, vector<2000x1xf32>
    %get3A_2 = arith.constant 0 : index
    %get3A_3 = arith.constant 0 : index
    %get3A_4 = arith.constant 0 : index
    %get3A_5 = vector.load %arg1[%get3A_2, %get3A_3, %get3A_4] : memref<2x2000x128xf32, #tpu.memory_space<vmem>>, vector<1x2000x128xf32>
    %get3A_6 = vector.shape_cast %get3A_5 : vector<1x2000x128xf32> to vector<2000x128xf32>
    %get3A_7 = arith.constant 1 : index
    %get3A_8 = arith.constant 0 : index
    %get3A_9 = arith.constant 0 : index
    %get3A_10 = vector.load %arg1[%get3A_7, %get3A_8, %get3A_9] : memref<2x2000x128xf32, #tpu.memory_space<vmem>>, vector<1x2000x128xf32>
    %get3A_11 = vector.shape_cast %get3A_10 : vector<1x2000x128xf32> to vector<2000x128xf32>
    %add3A = arith.addf %get3A_6, %get3A_11 : vector<2000x128xf32>
    %mul3A = vector.broadcast %get3A_1 : vector<2000x1xf32> to vector<2000x128xf32>
    %mul3A_12 = arith.mulf %add3A, %mul3A : vector<2000x128xf32>
    %get3A_13 = arith.constant 0 : index
    %get3A_14 = arith.constant 0 : index
    %get3A_15 = vector.load %arg3[%get3A_13, %get3A_14] : memref<2000x128xf32, #tpu.memory_space<vmem>>, vector<2000x128xf32>
    %add3A_16 = arith.addf %get3A_15, %mul3A_12 : vector<2000x128xf32>
    %mul3A_17 = arith.constant 2.500000e-01 : f32
    %mul3A_18 = vector.broadcast %mul3A_17 : f32 to vector<2000x128xf32>
    %mul3A_19 = arith.mulf %add3A_16, %mul3A_18 : vector<2000x128xf32>
    %swap3A = arith.constant 0 : index
    %swap3A_20 = arith.constant 0 : index
    %swap3A_21 = vector.load %arg4[%swap3A, %swap3A_20] : memref<2000x128xf32, #tpu.memory_space<vmem>>, vector<2000x128xf32>
    tpu.vector_store %arg4[%swap3A, %swap3A_20], %mul3A_19 {strides = array<i32>} : memref<2000x128xf32, #tpu.memory_space<vmem>>, vector<2000x128xf32>,
    return
  }
  func.func @transform_0(%arg0: i32) -> (i32, i32, i32) {
    %c0_i32 = arith.constant 0 : i32
    %c0_i32_0 = arith.constant 0 : i32
    %c0_i32_1 = arith.constant 0 : i32
    return %c0_i32, %arg0, %c0_i32_0 : i32, i32, i32
  }
  func.func @transform_1(%arg0: i32) -> (i32, i32) {
    %c0_i32 = arith.constant 0 : i32
    %c0_i32_0 = arith.constant 0 : i32
    return %arg0, %c0_i32 : i32, i32
  }
  func.func @transform_2(%arg0: i32) -> (i32, i32) {
    %c0_i32 = arith.constant 0 : i32
    %c0_i32_0 = arith.constant 0 : i32
    return %arg0, %c0_i32 : i32, i32
  }
  func.func @transform_3(%arg0: i32) -> (i32, i32) {
    %c0_i32 = arith.constant 0 : i32
    %c0_i32_0 = arith.constant 0 : i32
    return %arg0, %c0_i32 : i32, i32
  }
}

</mosaic_0001>

<sc_bundles>
// kernel: kernel.10.cloned.1.call-start
scs
__scs_entry_jumppad:
0x0: {  	(pc) =	sbr.rel $0x88, $3  }
0x1: {  	(tag) =	ssettag $0x0;
	lr =	simm.s32 $0x1  }
0x2: {  	[smem:$0x3F9F] =	sst lr;
	_ =	strace $0xD0000000  }
0x3: {  	_ = 	snop  }
0x4: {  	_ = 	snop  }
0x5: {  	_ = 	snop  }
0x6: {  	_ = 	snop  }
0x7: {  	_ = 	snop  }
__scs_overlays_trampoline_lowered:
0x8: {  	[smem:$0x3FAE] =	sst s0  }
0x9: {  	[smem:$0x3FAF] =	sst s1  }
0xa: {  	[smem:$0x3FB0] =	sst s2  }
0xb: {  	[smem:$0x3FB1] =	sst s3  }
0xc: {  	[smem:$0x3FB2] =	sst s4  }
0xd: {  	[smem:$0x3FB3] =	sst s5  }
0xe: {  	[smem:$0x3FB4] =	sst s6  }
0xf: {  	[smem:$0x3FB5] =	sst s7  }
0x10: {  	[smem:$0x3FB6] =	sst s8  }
0x11: {  	[smem:$0x3FB7] =	sst s9;
	s0 =	simm.s32 @!p0 $0x0  }
0x12: {  	s1 =	sld [smem:$0x3F9D];
	s0 =	simm.s32 @p0 $0x1  }
0x13: {  	[smem:$0x3FB8] =	sst s0;
	s0 =	simm.s32 @!p1 $0x0  }
0x14: {  	s2 =	sld [smem:$0x3F9C];
	s0 =	simm.s32 @p1 $0x1  }
0x15: {  	[smem:$0x3FB9] =	sst s0;
	s0 =	simm.s32 @!p2 $0x0  }
0x16: {  	s3 =	sld [smem:$0x3FDB];
	s0 =	simm.s32 @p2 $0x1  }
0x17: {  	s4 =	simm.s32 $0x1BF5;
	[smem:$0x3FBB] =	sst s0  }
0x18: {  	s0 =	sld [smem:$0x3F9E];
	_ =	swait.ge [sflag:s4], $0x0  }
0x19: {  	s7 =	sld [smem:$0x3F9F]  }
0x1a: {  	s8 =	sadd.s32 $0xFFFFE003, lr  }
0x1b: {  	s9 =	sadd.s32 $0xFFFFFEF7, lr;
	s5 =	simm.s32 $0xFFFFFFFF;
	p2 =	slt.u32 s8, $0xFFFFF086  }
0x1c: {  	p1 =	slt.u32 s9, $0xF7A;
	s5 =	simm.s32 @!p2 $0x0  }
0x1d: {  	s5 =	simm.s32 @p1 $0x1;
	p0 =	seq.s32 s7, s2  }
0x1e: {  	s7 =	smul.u32 @!p0 $0xF7A, s2;
	p2 =	seq.s32 @!p0 s5, $0x0  }
0x1f: {  	s9 =	smul.u32 $0xF7A, s1;
	s8 =	simm.s32 @!p0 $0x1BF5;
	p2 =	por !p2, p0  }
0x20: {  	[sflag:s8] =	ssyncset.s32 @!p0 $0xFFFFF086;
	s6 =	sadd.s32 @!p0 s3, s7;
	s7 =	simm.s32 @!p0 $0x108  }
0x21: {  	s3 =	sadd.s32 s3, s9;
	s6 =	sadd.s32 @!p0 $0x88, s6;
	s7 =	simm.s32 @p2 $0x1082  }
0x22: {  	[simem:s7], [sflag:s8] =	dma.local @!p0 [hbm:s6], $0xF7A  }
0x23: {  	s9 =	sor.u32 $0xD0000000, s2;
	s6 =	simm.s32 $0x108;
	_ =	swait.ge @!p0 [sflag:s8], $0x0  }
0x24: {  	s3 =	sadd.s32 $0x88, s3;
	s6 =	simm.s32 @!p1 $0x1082;
	[sflag:s4] =	ssyncset.s32 $0xFFFFF086  }
0x25: {  	[simem:s6], [sflag:s4] =	dma.local [hbm:s3], $0xF7A  }
0x26: {  	[smem:$0x3F9F] =	sst s1;
	(tag) =	ssettag s2;
	_ =	strace s9  }
0x27: {  	s1 =	sld [smem:$0x3FAF]  }
0x28: {  	s2 =	sld [smem:$0x3FB0]  }
0x29: {  	s4 =	sld [smem:$0x3FB2]  }
0x2a: {  	p0 =	seq.s32 s5, $0x0;
	s5 =	sld [smem:$0x3FB3]  }
0x2b: {  	s6 =	sld [smem:$0x3FB4]  }
0x2c: {  	s7 =	sld [smem:$0x3FB5]  }
0x2d: {  	s3 =	simm.s32 $0x108;
	s8 =	sld [smem:$0x3FB6]  }
0x2e: {  	s3 =	simm.s32 @!p0 $0x1082;
	s9 =	sld [smem:$0x3FB7]  }
0x2f: {  	lr =	sadd.s32 s0, s3;
	s0 =	sld [smem:$0x3FAE]  }
0x30: {  	s3 =	sld [smem:$0x3FB1]  }
0x31: {  	[smem:$0x3FBA] =	sst s10  }
0x32: {  	s10 =	sld [smem:$0x3FB8];
	_ =	sdelay $0x3  }
0x33: {  	p0 =	seq.s32 s10, $0x1;
	s10 =	sld [smem:$0x3FBA];
	_ =	sdelay $0x3  }
0x34: {  	[smem:$0x3FBA] =	sst s10  }
0x35: {  	s10 =	sld [smem:$0x3FB9];
	_ =	sdelay $0x3  }
0x36: {  	p1 =	seq.s32 s10, $0x1;
	s10 =	sld [smem:$0x3FBA];
	_ =	sdelay $0x3  }
0x37: {  	[smem:$0x3FBA] =	sst s10  }
0x38: {  	s10 =	sld [smem:$0x3FBB]  }
0x39: {  	_ = 	snop;
	(pc) =	sbr.ind lr, $3  }
0x3a: {  	_ = 	snop  }
0x3b: {  	_ = 	snop  }
0x3c: {  	p2 =	seq.s32 s10, $0x1;
	s10 =	sld [smem:$0x3FBA]  }
0x3d: {  	_ =	shalt  }
0x3e: {  	_ =	shalt  }
0x3f: {  	_ =	shalt  }
0x40: {  	_ =	shalt  }
0x41: {  	_ =	shalt  }
0x42: {  	_ =	shalt  }
0x43: {  	_ =	shalt  }
0x44: {  	_ =	shalt  }
0x45: {  	_ =	shalt  }
0x46: {  	_ =	shalt  }
0x47: {  	_ =	shalt  }
0x48: {  	_ =	shalt  }
0x49: {  	_ =	shalt  }
0x4a: {  	_ =	shalt  }
0x4b: {  	_ =	shalt  }
0x4c: {  	_ =	shalt  }
0x4d: {  	_ =	shalt  }
0x4e: {  	_ =	shalt  }
0x4f: {  	_ =	shalt  }
0x50: {  	_ =	shalt  }
0x51: {  	_ =	shalt  }
0x52: {  	_ =	shalt  }
0x53: {  	_ =	shalt  }
0x54: {  	_ =	shalt  }
0x55: {  	_ =	shalt  }
0x56: {  	_ =	shalt  }
0x57: {  	_ =	shalt  }
0x58: {  	_ =	shalt  }
0x59: {  	_ =	shalt  }
0x5a: {  	_ =	shalt  }
0x5b: {  	_ =	shalt  }
0x5c: {  	_ =	shalt  }
0x5d: {  	_ =	shalt  }
0x5e: {  	_ =	shalt  }
0x5f: {  	_ =	shalt  }
0x60: {  	_ =	shalt  }
0x61: {  	_ =	shalt  }
0x62: {  	_ =	shalt  }
0x63: {  	_ =	shalt  }
0x64: {  	_ =	shalt  }
0x65: {  	_ =	shalt  }
0x66: {  	_ =	shalt  }
0x67: {  	_ =	shalt  }
0x68: {  	_ =	shalt  }
0x69: {  	_ =	shalt  }
0x6a: {  	_ =	shalt  }
0x6b: {  	_ =	shalt  }
0x6c: {  	_ =	shalt  }
0x6d: {  	_ =	shalt  }
0x6e: {  	_ =	shalt  }
0x6f: {  	_ =	shalt  }
0x70: {  	_ =	shalt  }
0x71: {  	_ =	shalt  }
0x72: {  	_ =	shalt  }
0x73: {  	_ =	shalt  }
0x74: {  	_ =	shalt  }
0x75: {  	_ =	shalt  }
0x76: {  	_ =	shalt  }
0x77: {  	_ =	shalt  }
0x78: {  	_ =	shalt  }
0x79: {  	_ =	shalt  }
0x7a: {  	_ =	shalt  }
0x7b: {  	_ =	shalt  }
0x7c: {  	_ =	shalt  }
0x7d: {  	_ =	shalt  }
0x7e: {  	_ =	shalt  }
0x7f: {  	_ =	shalt  }
0x80: {  	_ =	shalt  }
0x81: {  	_ =	shalt  }
0x82: {  	_ =	shalt  }
0x83: {  	_ =	shalt  }
0x84: {  	_ =	shalt  }
0x85: {  	_ =	shalt  }
0x86: {  	_ =	shalt  }
0x87: {  	_ =	shalt  }
.Lfunc_end0:
.L_simem_size_0:
called_computation_lowered:
.L_overlay_start_0:
0x88: {  	s2 =	sld [smem:$0x3FD9]  }
0x89: {  	s3 =	sld [smem:$0x3FFE];
	_ =	sdelay $0x1  }
0x8a: {  	s1 =	srdreg.scid  }
0x8b: {  	s0 =	sand.u32 $0x1, s1  }
0x8c: {  	s14 =	sshll.u32 s0, $0xA;
	s2 =	sadd.s32 s3, s2  }
0x8d: {  	s2 =	sadd.s32 s2, s14  }
0x8e: {  	[smem:$0x3FC6] =	sst s2  }
0x8f: {  	_ = 	snop  }
0x90: {  	s2 =	sld [smem:$0x3FD0];
	_ =	sdelay $0x2  }
0x91: {  	s15 =	simm.s32 $0xA;
	s4 =	simm.s32 $0x10  }
0x92: {  	[smem:s4], [sflag:s15] =	dma.local [hbm:s2], $0x1  }
0x93: {  	_ =	swait.eq [sflag:s15], $0x1  }
0x94: {  	[sflag:s15] =	ssyncset.done $0x0  }
0x95: {  	[sflag:s15] =	ssyncadd.s32 $0xFFFFFFFF  }
0x96: {  	s16 =	sld [smem:$0x10];
	(tm) =	ssettm $0x1  }
0x97: {  	s17 =	sld [smem:$0x3FFB];
	_ =	sdelay $0x3  }
0x98: {  	_ =	strace s17  }
0x99: {  	s3 =	sld [smem:$0x3FFC];
	_ =	sdelay $0x3  }
0x9a: {  	_ =	strace s3  }
0x9b: {  	s3 =	sld [smem:$0x3FFD];
	_ =	sdelay $0x3  }
0x9c: {  	_ =	strace s3  }
0x9d: {  	_ =	strace $0x8FFFFFFF  }
0x9e: {  	s18 =	sld [smem:$0x3FDB];
	_ =	sdelay $0x1  }
0x9f: {  	s19 =	simm.s32 $_scs_section_size  }
0xa0: {  	s5 =	simm.s32 $_size__tile_overlayer_lowered;
	s6 =	simm.s32 $_tile_overlayer_lowered  }
0xa1: {  	s22 =	simm.s32 $0x1BFF;
	s21 =	sshll.u32 s6, $0x1;
	s3 =	sadd.s32 s19, s18  }
0xa2: {  	s7 =	simm.s32 $0x0;
	s20 =	sshll.u32 s5, $0x1;
	s5 =	sadd.s32 s21, s3  }
0xa3: {  	[timem:s7], [sflag:s22] =	dma.local [hbm:s5], s20  }
0xa4: {  	_ =	swait.ge [sflag:s22], s20  }
0xa5: {  	s4 =	ssub.s32 $0x0, s20;
	[sflag:s22] =	ssyncset.done $0x0  }
0xa6: {  	[sflag:s22] =	ssyncadd.s32 s4;
	_ =	sdelay $0x1  }
0xa7: {  	s23 =	simm.s32 $0x1B8B  }
0xa8: {  	_ =	swait.ge [sflag:s23], $0x1  }
0xa9: {  	[sflag:s23] =	ssyncset.done $0x0  }
0xaa: {  	s25 =	simm.s32 $0x1B8E;
	s24 =	sld [smem:$0x3FFE];
	[sflag:s23] =	ssyncadd.s32 $0xFFFFFFFF  }
0xab: {  	s26 =	simm.s32 $execute0_lowered;
	[smem:$0x3FD2] =	sst s25  }
0xac: {  	s5 =	sshll.u32 s26, $0x1;
	_ =	strace $0x80000046;
	[dreg:$0x1] =	wrdreg $0xFFFFFFFF  }
0xad: {  	s28 =	simm.s32 $_size_execute0_lowered;
	s3 =	sadd.s32 s3, s5;
	[dreg:$0x0] =	wrdreg $0x0  }
0xae: {  	s5 =	sshll.u32 s28, $0x1;
	[dreg:$0x2] =	wrdreg s3  }
0xaf: {  	[dreg:$0x3] =	wrdreg s5  }
0xb0: {  	[dreg:$0x4] =	wrdreg $0xC0  }
0xb1: {  	_ =	task [dreg:s7], $0x5FFFF  }
0xb2: {  	[dreg:$0x1] =	wrdreg $0xFFFFFFFF  }
0xb3: {  	[dreg:$0x0] =	wrdreg $0x60  }
0xb4: {  	[dreg:$0x2] =	wrdreg s16  }
0xb5: {  	[dreg:$0x3] =	wrdreg s24  }
0xb6: {  	[dreg:$0x4] =	wrdreg $0x68800  }
0xb7: {  	[dreg:$0x5] =	wrdreg $0x9  }
0xb8: {  	_ =	task.clear_ibuf [dreg:s7], $0x6FFFF;
	_ =	strace $0x90000046  }
0xb9: {  	s29 =	simm.s32 $0x9;
	_ =	strace $0x80000048  }
0xba: {  	_ =	swait.ge [sflag:s29], $0x1  }
0xbb: {  	[sflag:s29] =	ssyncadd.s32 $0xFFFFFFFF  }
0xbc: {  	_ =	strace $0x90000048  }
0xbd: {  	_ =	sfence  }
0xbe: {  	s30 =	sld [smem:$0x0];
	_ =	sdelay $0x2  }
0xbf: {  	s31 =	sshll.u32 s1, $0xD;
	s1 =	sshrl.u32 s1, $0x2  }
0xc0: {  	s3 =	sand.u32 $0x4000, s31;
	s1 =	sadd.s32 s1, s30  }
0xc1: {  	s0 =	sor.u32 s3, s0;
	s1 =	sshll.u32 s1, $0x11  }
0xc2: {  	s0 =	sor.u32 s1, s0  }
0xc3: {  	s0 =	sadd.s32 $0x8F2B, s0  }
0xc4: {  	[sflag:s0] =	ssyncadd.remote.s32 $0x1  }
0xc5: {  	_ =	sfence.sel $0xFFFF  }
0xc6: {  	[dreg:$0x0] =	wrdreg $0xFFFFFFFF;
	(pc) =	sbr.abs _section_cstart, $3  }
0xc7: {  	[dreg:$0x1] =	wrdreg $0xFFFFFFFF  }
0xc8: {  	_ =	task.clear_ibuf [dreg:s7], $0x2FFFF;
	_ =	strace $0x9FFFFFFF  }
0xc9: {  	(tm) =	ssettm $0x7FFFFFFF  }
tec
execute0_lowered:
.L_overlay_start_1:
0x0: {  	(tag) =	ssettag $0x1  }
0x1: {  	s5 =	rddreg [dreg:$0x0]  }
0x2: {  	s4 =	rddreg [dreg:$0x1]  }
0x3: {  	s1 =	rddreg [dreg:$0x2]  }
0x4: {  	s2 =	srdreg.scid;
	s0 =	rddreg [dreg:$0x3];
	s3 =	simm.s32 $0x0  }
0x5: {  	s13 =	simm.s32 $0x2880;
	s14 =	simm.s32 $0x80;
	s6 =	sand.u32 $0x1, s2  }
0x6: {  	s15 =	simm.s32 $0x2800;
	s2 =	stileid.u32;
	s7 =	smul.u32 $0x140000, s6  }
0x7: {  	s18 =	simm.s32 $0x0;
	[smem:$0x7FF] =	sst s3;
	s8 =	smul.u32 $0x14000, s2  }
0x8: {  	_ =	strace $0x80000047;
	s31 =	sshll.u32 s6, $0x4;
	s6 =	ssub.s32 $0x2, s6  }
0x9: {  	s9 =	smul.u32 $0x50000, s2;
	s16 =	sshll.u32 s2, $0x6;
	s10 =	sshrl.u32 s6, $0x1  }
0xa: {  	s16 =	sor.u32 $0x1C01, s16;
	s7 =	sadd.s32 s8, s7;
	s8 =	sor.u32 s2, s31  }
0xb: {  	s9 =	sshrl.u32 s9, $0x2;
	s7 =	sshrl.u32 s7, $0x3;
	s8 =	smul.u32 $0x500, s8  }
0xc: {  	s12 =	ssub.s32 s6, s10;
	s11 =	sadd.s32 s7, s4;
	s4 =	sadd.s32 s9, s1  }
0xd: {  	s5 =	sadd.s32 s5, s8;
	s6 =	sadd.s32 $0x4000, s4;
	s7 =	sadd.s32 $0x8000, s4  }
0xe: {  	s8 =	sadd.s32 $0xC000, s4;
	s9 =	sadd.s32 $0x10000, s4;
	s10 =	sadd.s32 $0x2000, s11  }
0xf: {  	v0 =	vimm.f32 $0.0e+00;
	v1 =	vimm.f32 $1.000000000e+00;
	s11 =	smax.u32 s12, $0x1;
	s12 =	simm.s32 $0x1;
	s17 =	sshrl.u32 s4, $0x3  }
.LBB2_1:
0x10: {  	[tilespmem:s3], [sflag:$0x1] =	stream.linear.gather [hbm4b:s5+s3], $0x2800, $0x38;
	[tilespmem:$0x1A880] =	vst v63  }
0x11: {  	_ =	swait.ge [sflag:s12], $0x2800  }
0x12: {  	[sflag:s12] =	ssyncset.done $0x0  }
0x13: {  	s19 =	simm.s32 $0x0;
	s20 =	simm.s32 $0x200;
	[sflag:s12] =	ssyncadd.s32 $0xFFFFD800  }
.LBB2_2:
0x14: {  	p0 =	sne.s32 s20, $0xFE00;
	[tilespmem:s19+$0x28F0] =	vst v0  }
0x15: {  	[tilespmem:s19+$0x2880] =	vst v0  }
0x16: {  	[tilespmem:s19+$0x2890] =	vst v0  }
.Ltmp0:
0x17: {  	[tilespmem:s19+$0x28A0] =	vst v0;
	(pc) =	sbr.rel @p0 .LBB2_2-.Ltmp0, $4  }
0x18: {  	[tilespmem:s19+$0x28B0] =	vst v0  }
0x19: {  	[tilespmem:s19+$0x28C0] =	vst v0  }
0x1a: {  	[tilespmem:s19+$0x28D0] =	vst v0  }
0x1b: {  	[tilespmem:s19+$0x28E0] =	vst v0;
	s19 =	sshra.s32 s20, $0x2;
	s20 =	sadd.s32 $0x200, s20  }
0x1c: {  	[tilespmem:s19+$0x28F0] =	vst v0  }
0x1d: {  	[tilespmem:s19+$0x2880] =	vst v0  }
0x1e: {  	[tilespmem:s19+$0x2890] =	vst v0  }
0x1f: {  	[tilespmem:s19+$0x28A0] =	vst v0  }
0x20: {  	[tilespmem:s19+$0x28B0] =	vst v0  }
0x21: {  	[tilespmem:s19+$0x28C0] =	vst v0  }
0x22: {  	[tilespmem:s19+$0x28D0] =	vst v0  }
0x23: {  	[tilespmem:s19+$0x28E0] =	vst v0  }
0x24: {  	[spmem:s4] =	stream.linear.scatter [tilespmem:s13], [sflag:$0x1], $0x4000, $0x38;
	[tilespmem:$0x1A880] =	vst v63  }
0x25: {  	_ =	swait.ge [sflag:s12], $0x4000  }
0x26: {  	[sflag:s12] =	ssyncset.done $0x0  }
0x27: {  	[sflag:s12] =	ssyncadd.s32 $0xFFFFC000  }
0x28: {  	[spmem:s6] =	stream.linear.scatter [tilespmem:s13], [sflag:$0x1], $0x4000, $0x38;
	[tilespmem:$0x1A880] =	vst v63  }
0x29: {  	_ =	swait.ge [sflag:s12], $0x4000  }
0x2a: {  	[sflag:s12] =	ssyncset.done $0x0  }
0x2b: {  	[sflag:s12] =	ssyncadd.s32 $0xFFFFC000  }
0x2c: {  	[spmem:s7] =	stream.linear.scatter [tilespmem:s13], [sflag:$0x1], $0x4000, $0x38;
	[tilespmem:$0x1A880] =	vst v63  }
0x2d: {  	_ =	swait.ge [sflag:s12], $0x4000  }
0x2e: {  	[sflag:s12] =	ssyncset.done $0x0  }
0x2f: {  	[sflag:s12] =	ssyncadd.s32 $0xFFFFC000  }
0x30: {  	[spmem:s8] =	stream.linear.scatter [tilespmem:s13], [sflag:$0x1], $0x4000, $0x38;
	[tilespmem:$0x1A880] =	vst v63  }
0x31: {  	_ =	swait.ge [sflag:s12], $0x4000  }
0x32: {  	[sflag:s12] =	ssyncset.done $0x0  }
0x33: {  	[sflag:s12] =	ssyncadd.s32 $0xFFFFC000  }
0x34: {  	[spmem:s9] =	stream.linear.scatter [tilespmem:s13], [sflag:$0x1], $0x4000, $0x38;
	[tilespmem:$0x1A880] =	vst v63  }
0x35: {  	_ =	swait.ge [sflag:s12], $0x4000  }
0x36: {  	[sflag:s12] =	ssyncset.done $0x0  }
0x37: {  	s19 =	simm.s32 $0x0;
	s20 =	simm.s32 $0x200;
	[sflag:s12] =	ssyncadd.s32 $0xFFFFC000  }
.LBB2_4:
0x38: {  	p0 =	sne.s32 s20, $0xFE00;
	[tilespmem:s19+$0x28F0] =	vst v1  }
0x39: {  	[tilespmem:s19+$0x2880] =	vst v1  }
0x3a: {  	[tilespmem:s19+$0x2890] =	vst v1  }
.Ltmp1:
0x3b: {  	[tilespmem:s19+$0x28A0] =	vst v1;
	(pc) =	sbr.rel @p0 .LBB2_4-.Ltmp1, $4  }
0x3c: {  	[tilespmem:s19+$0x28B0] =	vst v1  }
0x3d: {  	[tilespmem:s19+$0x28C0] =	vst v1  }
0x3e: {  	[tilespmem:s19+$0x28D0] =	vst v1  }
0x3f: {  	[tilespmem:s19+$0x28E0] =	vst v1;
	s19 =	sshra.s32 s20, $0x2;
	s20 =	sadd.s32 $0x200, s20  }
0x40: {  	[tilespmem:s19+$0x28F0] =	vst v1  }
0x41: {  	[tilespmem:s19+$0x2880] =	vst v1  }
0x42: {  	[tilespmem:s19+$0x2890] =	vst v1  }
0x43: {  	[tilespmem:s19+$0x28A0] =	vst v1  }
0x44: {  	[tilespmem:s19+$0x28B0] =	vst v1  }
0x45: {  	[tilespmem:s19+$0x28C0] =	vst v1  }
0x46: {  	[tilespmem:s19+$0x28D0] =	vst v1  }
0x47: {  	[tilespmem:s19+$0x28E0] =	vst v1  }
0x48: {  	s31 =	simm.s32 $0x0;
	[bflag:$0x0] =	sbarrier.arrive $0xFFFF  }
0x49: {  	v2 =	vld [tilespmem:s31+$0x0];
	_ =	sdelay $0x4  }
0x4a: {  	v2 =	vand.u32 $0x3FFF, v2  }
0x4b: {  	[tilespmem:$0x2800] =	vst v2  }
0x4c: {  	v2 =	vld [tilespmem:s31+$0x10];
	_ =	sdelay $0x4  }
0x4d: {  	v2 =	vand.u32 $0x3FFF, v2  }
0x4e: {  	[tilespmem:$0x2810] =	vst v2  }
0x4f: {  	v2 =	vld [tilespmem:s31+$0x20];
	_ =	sdelay $0x4  }
0x50: {  	v2 =	vand.u32 $0x3FFF, v2  }
0x51: {  	[tilespmem:$0x2820] =	vst v2  }
0x52: {  	v2 =	vld [tilespmem:s31+$0x30];
	_ =	sdelay $0x4  }
0x53: {  	v2 =	vand.u32 $0x3FFF, v2  }
0x54: {  	[tilespmem:$0x2830] =	vst v2  }
0x55: {  	v2 =	vld [tilespmem:s31+$0x40];
	_ =	sdelay $0x4  }
0x56: {  	v2 =	vand.u32 $0x3FFF, v2  }
0x57: {  	[tilespmem:$0x2840] =	vst v2  }
0x58: {  	v2 =	vld [tilespmem:s31+$0x50];
	_ =	sdelay $0x4  }
0x59: {  	v2 =	vand.u32 $0x3FFF, v2  }
0x5a: {  	[tilespmem:$0x2850] =	vst v2  }
0x5b: {  	v2 =	vld [tilespmem:s31+$0x60];
	_ =	sdelay $0x4  }
0x5c: {  	v2 =	vand.u32 $0x3FFF, v2  }
0x5d: {  	[tilespmem:$0x2860] =	vst v2  }
0x5e: {  	v2 =	vld [tilespmem:s31+$0x70];
	_ =	sdelay $0x4  }
0x5f: {  	v2 =	vand.u32 $0x3FFF, v2  }
0x60: {  	[tilespmem:$0x2870] =	vst v2  }
0x61: {  	[spmem:s1] =	stream.indirect.scatter.add.f32 [tilespmem:s13], [sflag:$0x1], $0x80, s15, s14, $0xb8;
	[tilespmem:$0x1A880] =	vst v63  }
0x62: {  	_ =	swait.ge [sflag:s12], $0x4000  }
0x63: {  	s19 =	simm.s32 $0x200;
	s22 =	simm.s32 $0x400;
	[sflag:s12] =	ssyncset.done $0x0  }
.LBB2_6:
0x64: {  	s21 =	sshra.s32 s19, $0x2  }
0x65: {  	[sflag:s12] =	ssyncadd.s32 $0xFFFFC000;
	s19 =	smov.u32 s22;
	s20 =	sadd.s32 $0x200, s22  }
0x66: {  	p0 =	sne.s32 s22, $0x9E00;
	v2 =	vld [tilespmem:s21+$0x0];
	_ =	sdelay $0x4  }
0x67: {  	v2 =	vand.u32 $0x3FFF, v2  }
0x68: {  	[tilespmem:$0x2800] =	vst v2  }
0x69: {  	v2 =	vld [tilespmem:s21+$0x10];
	_ =	sdelay $0x4  }
0x6a: {  	v2 =	vand.u32 $0x3FFF, v2  }
0x6b: {  	[tilespmem:$0x2810] =	vst v2  }
0x6c: {  	v2 =	vld [tilespmem:s21+$0x20];
	_ =	sdelay $0x4  }
0x6d: {  	v2 =	vand.u32 $0x3FFF, v2  }
0x6e: {  	[tilespmem:$0x2820] =	vst v2  }
0x6f: {  	v2 =	vld [tilespmem:s21+$0x30];
	_ =	sdelay $0x4  }
0x70: {  	v2 =	vand.u32 $0x3FFF, v2  }
0x71: {  	[tilespmem:$0x2830] =	vst v2  }
0x72: {  	v2 =	vld [tilespmem:s21+$0x40];
	_ =	sdelay $0x4  }
0x73: {  	v2 =	vand.u32 $0x3FFF, v2  }
0x74: {  	[tilespmem:$0x2840] =	vst v2  }
0x75: {  	v2 =	vld [tilespmem:s21+$0x50];
	_ =	sdelay $0x4  }
0x76: {  	v2 =	vand.u32 $0x3FFF, v2  }
0x77: {  	[tilespmem:$0x2850] =	vst v2  }
0x78: {  	v2 =	vld [tilespmem:s21+$0x60];
	_ =	sdelay $0x4  }
0x79: {  	v2 =	vand.u32 $0x3FFF, v2  }
0x7a: {  	[tilespmem:$0x2860] =	vst v2  }
0x7b: {  	v2 =	vld [tilespmem:s21+$0x70];
	_ =	sdelay $0x4  }
.Ltmp2:
0x7c: {  	v2 =	vand.u32 $0x3FFF, v2;
	(pc) =	sbr.rel @p0 .LBB2_6-.Ltmp2, $4  }
0x7d: {  	[tilespmem:$0x2870] =	vst v2  }
0x7e: {  	[spmem:s1] =	stream.indirect.scatter.add.f32 [tilespmem:s13], [sflag:$0x1], $0x80, s15, s14, $0xb8;
	[tilespmem:$0x1A880] =	vst v63  }
0x7f: {  	_ =	swait.ge [sflag:s12], $0x4000  }
0x80: {  	s22 =	smov.u32 s20;
	[sflag:s12] =	ssyncset.done $0x0  }
0x81: {  	s19 =	sshra.s32 s19, $0x2;
	[sflag:s12] =	ssyncadd.s32 $0xFFFFC000  }
0x82: {  	v2 =	vld [tilespmem:s19+$0x0];
	_ =	sdelay $0x4  }
0x83: {  	v2 =	vand.u32 $0x3FFF, v2  }
0x84: {  	[tilespmem:$0x2800] =	vst v2  }
0x85: {  	v2 =	vld [tilespmem:s19+$0x10];
	_ =	sdelay $0x4  }
0x86: {  	v2 =	vand.u32 $0x3FFF, v2  }
0x87: {  	[tilespmem:$0x2810] =	vst v2  }
0x88: {  	v2 =	vld [tilespmem:s19+$0x20];
	_ =	sdelay $0x4  }
0x89: {  	v2 =	vand.u32 $0x3FFF, v2  }
0x8a: {  	[tilespmem:$0x2820] =	vst v2  }
0x8b: {  	v2 =	vld [tilespmem:s19+$0x30];
	_ =	sdelay $0x4  }
0x8c: {  	v2 =	vand.u32 $0x3FFF, v2  }
0x8d: {  	[tilespmem:$0x2830] =	vst v2  }
0x8e: {  	v2 =	vld [tilespmem:s19+$0x40];
	_ =	sdelay $0x4  }
0x8f: {  	v2 =	vand.u32 $0x3FFF, v2  }
0x90: {  	[tilespmem:$0x2840] =	vst v2  }
0x91: {  	v2 =	vld [tilespmem:s19+$0x50];
	_ =	sdelay $0x4  }
0x92: {  	v2 =	vand.u32 $0x3FFF, v2  }
0x93: {  	[tilespmem:$0x2850] =	vst v2  }
0x94: {  	v2 =	vld [tilespmem:s19+$0x60];
	_ =	sdelay $0x4  }
0x95: {  	v2 =	vand.u32 $0x3FFF, v2  }
0x96: {  	[tilespmem:$0x2860] =	vst v2  }
0x97: {  	v2 =	vld [tilespmem:s19+$0x70];
	_ =	sdelay $0x4  }
0x98: {  	v2 =	vand.u32 $0x3FFF, v2  }
0x99: {  	[tilespmem:$0x2870] =	vst v2  }
0x9a: {  	[spmem:s1] =	stream.indirect.scatter.add.f32 [tilespmem:s13], [sflag:$0x1], $0x80, s15, s14, $0xb8;
	[tilespmem:$0x1A880] =	vst v63  }
0x9b: {  	_ =	swait.ge [sflag:s12], $0x4000  }
0x9c: {  	s18 =	sadd.s32 $0x1, s18;
	[sflag:s12] =	ssyncset.done $0x0  }
0x9d: {  	p0 =	sne.s32 s18, s11;
	[sflag:s12] =	ssyncadd.s32 $0xFFFFC000  }
.Ltmp3:
0x9e: {  	[bflag:$0x0] =	sbarrier.arrive $0xFFFF;
	(pc) =	sbr.rel @p0 .LBB2_1-.Ltmp3, $4  }
0x9f: {  	[hbm:s10], [sflag:s16] =	dma.local [spmem:s17], $0x2800  }
0xa0: {  	_ =	swait.ge [sflag:s12], $0x2800  }
0xa1: {  	[sflag:s12] =	ssyncset.done $0x0  }
0xa2: {  	[sflag:s12] =	ssyncadd.s32 $0xFFFFD800  }
0xa3: {  	_ =	sfence.sel $0x180000  }
0xa4: {  	[bflag:$0x0] =	sbarrier.arrive $0xFFFF  }
0xa5: {  	p0 =	sne.s32 s2, $0x0;
	_ =	strace $0x90000047  }
0xa6: {  	s0 =	sadd.s32 @!p0 $0x100000, s0;
	[bflag:$0x2] =	sbarrier.arrive $0xFFFF  }
0xa7: {  	[sflag:s0] =	ssyncadd.tile.s32 @!p0 $0x1;
	_ =	shalt  }
.Lfunc_end2:
_tile_overlayer_lowered:
.L_overlay_start_2:
0xa8: {  	(tag) =	ssettag $0x2  }
0xa9: {  	s0 =	rddreg [dreg:$0x0];
	s2 =	stileid.u32  }
0xaa: {  	s1 =	rddreg [dreg:$0x1];
	p0 =	sne.s32 s2, $0x0  }
0xab: {  	s3 =	rddreg [dreg:$0x2];
	[bflag:$0x3] =	sbarrier.arrive $0xFFFF;
	s2 =	simm.s32 @!p0 $0x1C01  }
0xac: {  	[timem:s3], [sflag:s2] =	dma.local @!p0 [hbm:s0], s1  }
0xad: {  	s0 =	simm.s32 @!p0 $0x1  }
0xae: {  	_ =	swait.ge @!p0 [sflag:s0], s1  }
0xaf: {  	s1 =	ssub.s32 @!p0 $0x0, s1;
	[sflag:s0] =	ssyncset.done @!p0 $0x0  }
0xb0: {  	[sflag:s0] =	ssyncadd.s32 @!p0 s1  }
0xb1: {  	[bflag:$0x3] =	sbarrier.arrive $0xFFFF  }
0xb2: {  	_ =	shalt  }

// kernel: kernel.13.cloned.1.call-start
scs
__scs_entry_jumppad:
0x0: {  	(pc) =	sbr.rel $0x88, $3  }
0x1: {  	(tag) =	ssettag $0x0;
	lr =	simm.s32 $0x1  }
0x2: {  	[smem:$0x3F9F] =	sst lr;
	_ =	strace $0xD0000000  }
0x3: {  	_ = 	snop  }
0x4: {  	_ = 	snop  }
0x5: {  	_ = 	snop  }
0x6: {  	_ = 	snop  }
0x7: {  	_ = 	snop  }
__scs_overlays_trampoline_lowered:
0x8: {  	[smem:$0x3FAE] =	sst s0  }
0x9: {  	[smem:$0x3FAF] =	sst s1  }
0xa: {  	[smem:$0x3FB0] =	sst s2  }
0xb: {  	[smem:$0x3FB1] =	sst s3  }
0xc: {  	[smem:$0x3FB2] =	sst s4  }
0xd: {  	[smem:$0x3FB3] =	sst s5  }
0xe: {  	[smem:$0x3FB4] =	sst s6  }
0xf: {  	[smem:$0x3FB5] =	sst s7  }
0x10: {  	[smem:$0x3FB6] =	sst s8  }
0x11: {  	[smem:$0x3FB7] =	sst s9;
	s0 =	simm.s32 @!p0 $0x0  }
0x12: {  	s1 =	sld [smem:$0x3F9D];
	s0 =	simm.s32 @p0 $0x1  }
0x13: {  	[smem:$0x3FB8] =	sst s0;
	s0 =	simm.s32 @!p1 $0x0  }
0x14: {  	s2 =	sld [smem:$0x3F9C];
	s0 =	simm.s32 @p1 $0x1  }
0x15: {  	[smem:$0x3FB9] =	sst s0;
	s0 =	simm.s32 @!p2 $0x0  }
0x16: {  	s3 =	sld [smem:$0x3FDB];
	s0 =	simm.s32 @p2 $0x1  }
0x17: {  	s4 =	simm.s32 $0x1BF5;
	[smem:$0x3FBB] =	sst s0  }
0x18: {  	s0 =	sld [smem:$0x3F9E];
	_ =	swait.ge [sflag:s4], $0x0  }
0x19: {  	s7 =	sld [smem:$0x3F9F]  }
0x1a: {  	s8 =	sadd.s32 $0xFFFFE003, lr  }
0x1b: {  	s9 =	sadd.s32 $0xFFFFFEF7, lr;
	s5 =	simm.s32 $0xFFFFFFFF;
	p2 =	slt.u32 s8, $0xFFFFF086  }
0x1c: {  	p1 =	slt.u32 s9, $0xF7A;
	s5 =	simm.s32 @!p2 $0x0  }
0x1d: {  	s5 =	simm.s32 @p1 $0x1;
	p0 =	seq.s32 s7, s2  }
0x1e: {  	s7 =	smul.u32 @!p0 $0xF7A, s2;
	p2 =	seq.s32 @!p0 s5, $0x0  }
0x1f: {  	s9 =	smul.u32 $0xF7A, s1;
	s8 =	simm.s32 @!p0 $0x1BF5;
	p2 =	por !p2, p0  }
0x20: {  	[sflag:s8] =	ssyncset.s32 @!p0 $0xFFFFF086;
	s6 =	sadd.s32 @!p0 s3, s7;
	s7 =	simm.s32 @!p0 $0x108  }
0x21: {  	s3 =	sadd.s32 s3, s9;
	s6 =	sadd.s32 @!p0 $0x88, s6;
	s7 =	simm.s32 @p2 $0x1082  }
0x22: {  	[simem:s7], [sflag:s8] =	dma.local @!p0 [hbm:s6], $0xF7A  }
0x23: {  	s9 =	sor.u32 $0xD0000000, s2;
	s6 =	simm.s32 $0x108;
	_ =	swait.ge @!p0 [sflag:s8], $0x0  }
0x24: {  	s3 =	sadd.s32 $0x88, s3;
	s6 =	simm.s32 @!p1 $0x1082;
	[sflag:s4] =	ssyncset.s32 $0xFFFFF086  }
0x25: {  	[simem:s6], [sflag:s4] =	dma.local [hbm:s3], $0xF7A  }
0x26: {  	[smem:$0x3F9F] =	sst s1;
	(tag) =	ssettag s2;
	_ =	strace s9  }
0x27: {  	s1 =	sld [smem:$0x3FAF]  }
0x28: {  	s2 =	sld [smem:$0x3FB0]  }
0x29: {  	s4 =	sld [smem:$0x3FB2]  }
0x2a: {  	p0 =	seq.s32 s5, $0x0;
	s5 =	sld [smem:$0x3FB3]  }
0x2b: {  	s6 =	sld [smem:$0x3FB4]  }
0x2c: {  	s7 =	sld [smem:$0x3FB5]  }
0x2d: {  	s3 =	simm.s32 $0x108;
	s8 =	sld [smem:$0x3FB6]  }
0x2e: {  	s3 =	simm.s32 @!p0 $0x1082;
	s9 =	sld [smem:$0x3FB7]  }
0x2f: {  	lr =	sadd.s32 s0, s3;
	s0 =	sld [smem:$0x3FAE]  }
0x30: {  	s3 =	sld [smem:$0x3FB1]  }
0x31: {  	[smem:$0x3FBA] =	sst s10  }
0x32: {  	s10 =	sld [smem:$0x3FB8];
	_ =	sdelay $0x3  }
0x33: {  	p0 =	seq.s32 s10, $0x1;
	s10 =	sld [smem:$0x3FBA];
	_ =	sdelay $0x3  }
0x34: {  	[smem:$0x3FBA] =	sst s10  }
0x35: {  	s10 =	sld [smem:$0x3FB9];
	_ =	sdelay $0x3  }
0x36: {  	p1 =	seq.s32 s10, $0x1;
	s10 =	sld [smem:$0x3FBA];
	_ =	sdelay $0x3  }
0x37: {  	[smem:$0x3FBA] =	sst s10  }
0x38: {  	s10 =	sld [smem:$0x3FBB]  }
0x39: {  	_ = 	snop;
	(pc) =	sbr.ind lr, $3  }
0x3a: {  	_ = 	snop  }
0x3b: {  	_ = 	snop  }
0x3c: {  	p2 =	seq.s32 s10, $0x1;
	s10 =	sld [smem:$0x3FBA]  }
0x3d: {  	_ =	shalt  }
0x3e: {  	_ =	shalt  }
0x3f: {  	_ =	shalt  }
0x40: {  	_ =	shalt  }
0x41: {  	_ =	shalt  }
0x42: {  	_ =	shalt  }
0x43: {  	_ =	shalt  }
0x44: {  	_ =	shalt  }
0x45: {  	_ =	shalt  }
0x46: {  	_ =	shalt  }
0x47: {  	_ =	shalt  }
0x48: {  	_ =	shalt  }
0x49: {  	_ =	shalt  }
0x4a: {  	_ =	shalt  }
0x4b: {  	_ =	shalt  }
0x4c: {  	_ =	shalt  }
0x4d: {  	_ =	shalt  }
0x4e: {  	_ =	shalt  }
0x4f: {  	_ =	shalt  }
0x50: {  	_ =	shalt  }
0x51: {  	_ =	shalt  }
0x52: {  	_ =	shalt  }
0x53: {  	_ =	shalt  }
0x54: {  	_ =	shalt  }
0x55: {  	_ =	shalt  }
0x56: {  	_ =	shalt  }
0x57: {  	_ =	shalt  }
0x58: {  	_ =	shalt  }
0x59: {  	_ =	shalt  }
0x5a: {  	_ =	shalt  }
0x5b: {  	_ =	shalt  }
0x5c: {  	_ =	shalt  }
0x5d: {  	_ =	shalt  }
0x5e: {  	_ =	shalt  }
0x5f: {  	_ =	shalt  }
0x60: {  	_ =	shalt  }
0x61: {  	_ =	shalt  }
0x62: {  	_ =	shalt  }
0x63: {  	_ =	shalt  }
0x64: {  	_ =	shalt  }
0x65: {  	_ =	shalt  }
0x66: {  	_ =	shalt  }
0x67: {  	_ =	shalt  }
0x68: {  	_ =	shalt  }
0x69: {  	_ =	shalt  }
0x6a: {  	_ =	shalt  }
0x6b: {  	_ =	shalt  }
0x6c: {  	_ =	shalt  }
0x6d: {  	_ =	shalt  }
0x6e: {  	_ =	shalt  }
0x6f: {  	_ =	shalt  }
0x70: {  	_ =	shalt  }
0x71: {  	_ =	shalt  }
0x72: {  	_ =	shalt  }
0x73: {  	_ =	shalt  }
0x74: {  	_ =	shalt  }
0x75: {  	_ =	shalt  }
0x76: {  	_ =	shalt  }
0x77: {  	_ =	shalt  }
0x78: {  	_ =	shalt  }
0x79: {  	_ =	shalt  }
0x7a: {  	_ =	shalt  }
0x7b: {  	_ =	shalt  }
0x7c: {  	_ =	shalt  }
0x7d: {  	_ =	shalt  }
0x7e: {  	_ =	shalt  }
0x7f: {  	_ =	shalt  }
0x80: {  	_ =	shalt  }
0x81: {  	_ =	shalt  }
0x82: {  	_ =	shalt  }
0x83: {  	_ =	shalt  }
0x84: {  	_ =	shalt  }
0x85: {  	_ =	shalt  }
0x86: {  	_ =	shalt  }
0x87: {  	_ =	shalt  }
.Lfunc_end0:
.L_simem_size_0:
called_computation.1_lowered:
.L_overlay_start_0:
0x88: {  	s2 =	sld [smem:$0x3FD9]  }
0x89: {  	s3 =	sld [smem:$0x3FFE];
	_ =	sdelay $0x1  }
0x8a: {  	s1 =	srdreg.scid  }
0x8b: {  	s0 =	sand.u32 $0x1, s1  }
0x8c: {  	s14 =	sshll.u32 s0, $0xA;
	s2 =	sadd.s32 s3, s2  }
0x8d: {  	s2 =	sadd.s32 s2, s14  }
0x8e: {  	[smem:$0x3FC6] =	sst s2  }
0x8f: {  	_ = 	snop  }
0x90: {  	s2 =	sld [smem:$0x3FD0];
	_ =	sdelay $0x2  }
0x91: {  	s15 =	simm.s32 $0xA;
	s4 =	simm.s32 $0x10  }
0x92: {  	[smem:s4], [sflag:s15] =	dma.local [hbm:s2], $0x1  }
0x93: {  	_ =	swait.eq [sflag:s15], $0x1  }
0x94: {  	[sflag:s15] =	ssyncset.done $0x0  }
0x95: {  	[sflag:s15] =	ssyncadd.s32 $0xFFFFFFFF  }
0x96: {  	s16 =	sld [smem:$0x10];
	(tm) =	ssettm $0x1  }
0x97: {  	s17 =	sld [smem:$0x3FFB];
	_ =	sdelay $0x3  }
0x98: {  	_ =	strace s17  }
0x99: {  	s3 =	sld [smem:$0x3FFC];
	_ =	sdelay $0x3  }
0x9a: {  	_ =	strace s3  }
0x9b: {  	s3 =	sld [smem:$0x3FFD];
	_ =	sdelay $0x3  }
0x9c: {  	_ =	strace s3  }
0x9d: {  	_ =	strace $0x8FFFFFFF  }
0x9e: {  	s18 =	sld [smem:$0x3FDB];
	_ =	sdelay $0x1  }
0x9f: {  	s19 =	simm.s32 $_scs_section_size  }
0xa0: {  	s5 =	simm.s32 $_size__tile_overlayer_lowered;
	s6 =	simm.s32 $_tile_overlayer_lowered  }
0xa1: {  	s22 =	simm.s32 $0x1BFF;
	s21 =	sshll.u32 s6, $0x1;
	s3 =	sadd.s32 s19, s18  }
0xa2: {  	s7 =	simm.s32 $0x0;
	s20 =	sshll.u32 s5, $0x1;
	s5 =	sadd.s32 s21, s3  }
0xa3: {  	[timem:s7], [sflag:s22] =	dma.local [hbm:s5], s20  }
0xa4: {  	_ =	swait.ge [sflag:s22], s20  }
0xa5: {  	s4 =	ssub.s32 $0x0, s20;
	[sflag:s22] =	ssyncset.done $0x0  }
0xa6: {  	[sflag:s22] =	ssyncadd.s32 s4;
	_ =	sdelay $0x1  }
0xa7: {  	s23 =	simm.s32 $0x1B8B  }
0xa8: {  	_ =	swait.ge [sflag:s23], $0x1  }
0xa9: {  	[sflag:s23] =	ssyncset.done $0x0  }
0xaa: {  	s25 =	simm.s32 $0x1B8E;
	s24 =	sld [smem:$0x3FFE];
	[sflag:s23] =	ssyncadd.s32 $0xFFFFFFFF  }
0xab: {  	s26 =	simm.s32 $execute0_lowered;
	[smem:$0x3FD2] =	sst s25  }
0xac: {  	s5 =	sshll.u32 s26, $0x1;
	_ =	strace $0x80000049;
	[dreg:$0x1] =	wrdreg $0xFFFFFFFF  }
0xad: {  	s28 =	simm.s32 $_size_execute0_lowered;
	s3 =	sadd.s32 s3, s5;
	[dreg:$0x0] =	wrdreg $0x0  }
0xae: {  	s5 =	sshll.u32 s28, $0x1;
	[dreg:$0x2] =	wrdreg s3  }
0xaf: {  	[dreg:$0x3] =	wrdreg s5  }
0xb0: {  	[dreg:$0x4] =	wrdreg $0xC0  }
0xb1: {  	_ =	task [dreg:s7], $0x5FFFF  }
0xb2: {  	[dreg:$0x1] =	wrdreg $0xFFFFFFFF  }
0xb3: {  	[dreg:$0x0] =	wrdreg $0x60  }
0xb4: {  	[dreg:$0x2] =	wrdreg s24  }
0xb5: {  	[dreg:$0x3] =	wrdreg s16  }
0xb6: {  	[dreg:$0x4] =	wrdreg $0xAA000  }
0xb7: {  	[dreg:$0x5] =	wrdreg $0x9  }
0xb8: {  	_ =	task.clear_ibuf [dreg:s7], $0x6FFFF;
	_ =	strace $0x90000049  }
0xb9: {  	s29 =	simm.s32 $0x9;
	_ =	strace $0x8000004B  }
0xba: {  	_ =	swait.ge [sflag:s29], $0x1  }
0xbb: {  	[sflag:s29] =	ssyncadd.s32 $0xFFFFFFFF  }
0xbc: {  	_ =	strace $0x9000004B  }
0xbd: {  	_ =	sfence  }
0xbe: {  	s30 =	sld [smem:$0x0];
	_ =	sdelay $0x2  }
0xbf: {  	s31 =	sshll.u32 s1, $0xD;
	s1 =	sshrl.u32 s1, $0x2  }
0xc0: {  	s3 =	sand.u32 $0x4000, s31;
	s1 =	sadd.s32 s1, s30  }
0xc1: {  	s0 =	sor.u32 s3, s0;
	s1 =	sshll.u32 s1, $0x11  }
0xc2: {  	s0 =	sor.u32 s1, s0  }
0xc3: {  	s0 =	sadd.s32 $0x8F2B, s0  }
0xc4: {  	[sflag:s0] =	ssyncadd.remote.s32 $0x1  }
0xc5: {  	_ =	sfence.sel $0xFFFF  }
0xc6: {  	[dreg:$0x0] =	wrdreg $0xFFFFFFFF;
	(pc) =	sbr.abs _section_cstart, $3  }
0xc7: {  	[dreg:$0x1] =	wrdreg $0xFFFFFFFF  }
0xc8: {  	_ =	task.clear_ibuf [dreg:s7], $0x2FFFF;
	_ =	strace $0x9FFFFFFF  }
0xc9: {  	(tm) =	ssettm $0x7FFFFFFF  }
tec
execute0_lowered:
.L_overlay_start_1:
0x0: {  	(tag) =	ssettag $0x1  }
0x1: {  	s0 =	rddreg [dreg:$0x0]  }
0x2: {  	s3 =	rddreg [dreg:$0x1]  }
0x3: {  	s1 =	rddreg [dreg:$0x2];
	s2 =	srdreg.scid  }
0x4: {  	s4 =	simm.s32 $0x0;
	s23 =	stileid.u32;
	s13 =	simm.s32 $0x3  }
0x5: {  	s14 =	simm.s32 $0x2A00;
	s15 =	simm.s32 $0x20;
	s28 =	simm.s32 $0x28C0  }
0x6: {  	s29 =	simm.s32 $0x8A00;
	s30 =	simm.s32 $0x28E0;
	s31 =	simm.s32 $0x9A00  }
0x7: {  	s16 =	simm.s32 $0x2900;
	s17 =	simm.s32 $0x2;
	s18 =	simm.s32 $0x2980  }
0x8: {  	s19 =	simm.s32 $0x0;
	s5 =	sand.u32 $0x1, s2;
	s7 =	smul.u32 $0x14000, s23  }
0x9: {  	[smem:$0x7FF] =	sst s4;
	s4 =	sadd.s32 $0x2000, s0;
	s25 =	smul.u32 $0x50000, s23  }
0xa: {  	s6 =	smul.u32 $0x140000, s5;
	s8 =	sshll.u32 s5, $0x4;
	s5 =	ssub.s32 $0x2, s5  }
0xb: {  	_ =	strace $0x8000004A;
	s24 =	sor.u32 s23, s8;
	s26 =	sshrl.u32 s5, $0x1  }
0xc: {  	s8 =	sshrl.u32 s25, $0x2;
	s23 =	simm.s32 $0x2880;
	s25 =	simm.s32 $0x28A0  }
0xd: {  	s6 =	sadd.s32 s7, s6;
	s7 =	smul.u32 $0x500, s24;
	s12 =	ssub.s32 s5, s26  }
.Ltmp0:
0xe: {  	s24 =	simm.s32 $0x6A00;
	s6 =	sshrl.u32 s6, $0x3;
	(pc) =	sbr.rel .LBB2_1-.Ltmp0, $4  }
0xf: {  	s26 =	simm.s32 $0x7A00;
	s12 =	smax.u32 s12, $0x1;
	s0 =	sadd.s32 s6, s0  }
0x10: {  	s5 =	sadd.s32 s3, s7;
	s6 =	sadd.s32 s8, s1;
	s3 =	simm.s32 $0x80  }
0x11: {  	s7 =	sadd.s32 $0x4000, s6;
	s8 =	sadd.s32 $0x8000, s6;
	s9 =	sadd.s32 $0xC000, s6  }
0x12: {  	v0 =	vimm.f32 $0.0e+00;
	s10 =	sadd.s32 $0x10000, s6;
	s11 =	sadd.s32 $0x29200, s0;
	s0 =	simm.s32 $0x1  }
.LBB2_6:
0x13: {  	s2 =	stileid.u32;
	s19 =	sadd.s32 $0x1, s19  }
0x14: {  	[bflag:$0x0] =	sbarrier.arrive $0xFFFF;
	s2 =	sshll.u32 s2, $0x6;
	p0 =	sne.s32 s19, s12  }
.Ltmp1:
0x15: {  	s20 =	sshrl.u32 s6, $0x3;
	s2 =	sor.u32 $0x1C03, s2;
	(pc) =	sbr.rel @!p0 .LBB2_7-.Ltmp1, $4  }
0x16: {  	[hbm:s11], [sflag:s2] =	dma.local [spmem:s20], $0x2800  }
0x17: {  	_ =	swait.ge [sflag:s13], $0x2800  }
0x18: {  	[sflag:s13] =	ssyncset.done $0x0  }
0x19: {  	[sflag:s13] =	ssyncadd.s32 $0xFFFFD800  }
.LBB2_1:
0x1a: {  	s2 =	simm.s32 $0x0  }
0x1b: {  	[tilespmem:s2], [sflag:$0x3] =	stream.linear.gather [hbm4b:s5+s2], $0x2800, $0x38;
	[tilespmem:$0x1EA00] =	vst v63  }
0x1c: {  	_ =	swait.ge [sflag:s13], $0x2800  }
0x1d: {  	[sflag:s13] =	ssyncset.done $0x0  }
0x1e: {  	s20 =	simm.s32 $0x0;
	s21 =	simm.s32 $0x200;
	[sflag:s13] =	ssyncadd.s32 $0xFFFFD800  }
.LBB2_2:
0x1f: {  	p0 =	sne.s32 s21, $0xFE00;
	[tilespmem:s20+$0x2A70] =	vst v0  }
0x20: {  	[tilespmem:s20+$0x2A00] =	vst v0  }
0x21: {  	[tilespmem:s20+$0x2A10] =	vst v0  }
.Ltmp2:
0x22: {  	[tilespmem:s20+$0x2A20] =	vst v0;
	(pc) =	sbr.rel @p0 .LBB2_2-.Ltmp2, $4  }
0x23: {  	[tilespmem:s20+$0x2A30] =	vst v0  }
0x24: {  	[tilespmem:s20+$0x2A40] =	vst v0  }
0x25: {  	[tilespmem:s20+$0x2A50] =	vst v0  }
0x26: {  	[tilespmem:s20+$0x2A60] =	vst v0;
	s20 =	sshra.s32 s21, $0x2;
	s21 =	sadd.s32 $0x200, s21  }
0x27: {  	[tilespmem:s20+$0x2A70] =	vst v0  }
0x28: {  	[tilespmem:s20+$0x2A00] =	vst v0  }
0x29: {  	[tilespmem:s20+$0x2A10] =	vst v0  }
0x2a: {  	[tilespmem:s20+$0x2A20] =	vst v0  }
0x2b: {  	[tilespmem:s20+$0x2A30] =	vst v0  }
0x2c: {  	[tilespmem:s20+$0x2A40] =	vst v0  }
0x2d: {  	[tilespmem:s20+$0x2A50] =	vst v0  }
0x2e: {  	[tilespmem:s20+$0x2A60] =	vst v0  }
0x2f: {  	[spmem:s6] =	stream.linear.scatter [tilespmem:s14], [sflag:$0x3], $0x4000, $0x38;
	[tilespmem:$0x1EA00] =	vst v63  }
0x30: {  	_ =	swait.ge [sflag:s13], $0x4000  }
0x31: {  	[sflag:s13] =	ssyncset.done $0x0  }
0x32: {  	[sflag:s13] =	ssyncadd.s32 $0xFFFFC000  }
0x33: {  	[spmem:s7] =	stream.linear.scatter [tilespmem:s14], [sflag:$0x3], $0x4000, $0x38;
	[tilespmem:$0x1EA00] =	vst v63  }
0x34: {  	_ =	swait.ge [sflag:s13], $0x4000  }
0x35: {  	[sflag:s13] =	ssyncset.done $0x0  }
0x36: {  	[sflag:s13] =	ssyncadd.s32 $0xFFFFC000  }
0x37: {  	[spmem:s8] =	stream.linear.scatter [tilespmem:s14], [sflag:$0x3], $0x4000, $0x38;
	[tilespmem:$0x1EA00] =	vst v63  }
0x38: {  	_ =	swait.ge [sflag:s13], $0x4000  }
0x39: {  	[sflag:s13] =	ssyncset.done $0x0  }
0x3a: {  	[sflag:s13] =	ssyncadd.s32 $0xFFFFC000  }
0x3b: {  	[spmem:s9] =	stream.linear.scatter [tilespmem:s14], [sflag:$0x3], $0x4000, $0x38;
	[tilespmem:$0x1EA00] =	vst v63  }
0x3c: {  	_ =	swait.ge [sflag:s13], $0x4000  }
0x3d: {  	[sflag:s13] =	ssyncset.done $0x0  }
0x3e: {  	[sflag:s13] =	ssyncadd.s32 $0xFFFFC000  }
0x3f: {  	[spmem:s10] =	stream.linear.scatter [tilespmem:s14], [sflag:$0x3], $0x4000, $0x38;
	[tilespmem:$0x1EA00] =	vst v63  }
0x40: {  	_ =	swait.ge [sflag:s13], $0x4000  }
0x41: {  	[sflag:s13] =	ssyncset.done $0x0  }
0x42: {  	[sflag:s13] =	ssyncadd.s32 $0xFFFFC000  }
0x43: {  	[bflag:$0x0] =	sbarrier.arrive $0xFFFF  }
0x44: {  	v1 =	vld [tilespmem:$0x0];
	_ =	sdelay $0x1  }
0x45: {  	v2 =	vld [tilespmem:$0x10];
	_ =	sdelay $0x1  }
0x46: {  	v3 =	vld [tilespmem:$0x20]  }
0x47: {  	v4 =	vshrl.u32 v1, $0xE  }
0x48: {  	v59 =	vld [tilespmem:$0x30];
	v1 =	vand.u32 $0x3FFF, v1;
	[tilespmem:$0x2800] =	vst v4  }
0x49: {  	[tilespmem:$0x2900] =	vst v1;
	v1 =	vshrl.u32 v2, $0xE  }
0x4a: {  	[tilespmem:$0x2810] =	vst v1;
	v1 =	vand.u32 $0x3FFF, v2;
	v2 =	vld [tilespmem:$0x40]  }
0x4b: {  	[tilespmem:$0x2910] =	vst v1;
	v1 =	vshrl.u32 v3, $0xE  }
0x4c: {  	[tilespmem:$0x2820] =	vst v1;
	v1 =	vand.u32 $0x3FFF, v3;
	v3 =	vld [tilespmem:$0x50]  }
0x4d: {  	[tilespmem:$0x2920] =	vst v1;
	v1 =	vshrl.u32 v59, $0xE  }
0x4e: {  	v60 =	vld [tilespmem:$0x60];
	[tilespmem:$0x2830] =	vst v1;
	v1 =	vand.u32 $0x3FFF, v59  }
0x4f: {  	[tilespmem:$0x2930] =	vst v1;
	v1 =	vshrl.u32 v2, $0xE  }
0x50: {  	[tilespmem:$0x2840] =	vst v1;
	v1 =	vand.u32 $0x3FFF, v2;
	v2 =	vld [tilespmem:$0x70]  }
0x51: {  	[tilespmem:$0x2940] =	vst v1;
	v1 =	vshrl.u32 v3, $0xE  }
0x52: {  	[tilespmem:$0x2850] =	vst v1;
	v1 =	vand.u32 $0x3FFF, v3;
	v3 =	vld [tilespmem:$0x80]  }
0x53: {  	[tilespmem:$0x2950] =	vst v1;
	v1 =	vshrl.u32 v60, $0xE  }
0x54: {  	v61 =	vld [tilespmem:$0x90];
	[tilespmem:$0x2860] =	vst v1;
	v1 =	vand.u32 $0x3FFF, v60  }
0x55: {  	[tilespmem:$0x2960] =	vst v1;
	v1 =	vshrl.u32 v2, $0xE  }
0x56: {  	[tilespmem:$0x2870] =	vst v1;
	v1 =	vand.u32 $0x3FFF, v2;
	v2 =	vld [tilespmem:$0xA0]  }
0x57: {  	[tilespmem:$0x2970] =	vst v1;
	v1 =	vshrl.u32 v3, $0xE  }
0x58: {  	[tilespmem:$0x2880] =	vst v1;
	v1 =	vand.u32 $0x3FFF, v3;
	v3 =	vld [tilespmem:$0xB0]  }
0x59: {  	[tilespmem:$0x2980] =	vst v1;
	v1 =	vshrl.u32 v61, $0xE  }
0x5a: {  	v62 =	vld [tilespmem:$0xC0];
	[tilespmem:$0x2890] =	vst v1;
	v1 =	vand.u32 $0x3FFF, v61  }
0x5b: {  	[tilespmem:$0x2990] =	vst v1;
	v1 =	vshrl.u32 v2, $0xE  }
0x5c: {  	[tilespmem:$0x28A0] =	vst v1;
	v1 =	vand.u32 $0x3FFF, v2;
	v2 =	vld [tilespmem:$0xD0]  }
0x5d: {  	[tilespmem:$0x29A0] =	vst v1;
	v1 =	vshrl.u32 v3, $0xE  }
0x5e: {  	[tilespmem:$0x28B0] =	vst v1;
	v1 =	vand.u32 $0x3FFF, v3;
	v3 =	vld [tilespmem:$0xE0]  }
0x5f: {  	[tilespmem:$0x29B0] =	vst v1;
	v1 =	vshrl.u32 v62, $0xE  }
0x60: {  	v63 =	vld [tilespmem:$0xF0];
	[tilespmem:$0x28C0] =	vst v1;
	v1 =	vand.u32 $0x3FFF, v62  }
0x61: {  	[tilespmem:$0x29C0] =	vst v1;
	v1 =	vshrl.u32 v2, $0xE  }
0x62: {  	[tilespmem:$0x28D0] =	vst v1;
	v1 =	vand.u32 $0x3FFF, v2  }
0x63: {  	[tilespmem:$0x29D0] =	vst v1;
	v1 =	vshrl.u32 v3, $0xE  }
0x64: {  	[tilespmem:$0x28E0] =	vst v1;
	v1 =	vand.u32 $0x3FFF, v3  }
0x65: {  	[tilespmem:$0x29E0] =	vst v1;
	v1 =	vshrl.u32 v63, $0xE  }
0x66: {  	[tilespmem:$0x28F0] =	vst v1;
	v1 =	vand.u32 $0x3FFF, v63  }
0x67: {  	s2 =	simm.s32 $0x2800;
	[tilespmem:$0x29F0] =	vst v1  }
0x68: {  	[tilespmem:s14], [sflag:$0x1] =	stream.indirect.gather [hbm4b:s4+s15], $0x80, s2, s15, $0xb8;
	[tilespmem:$0x1EA00] =	vst v63  }
0x69: {  	s21 =	simm.s32 $0x2820;
	s22 =	simm.s32 $0x3A00  }
0x6a: {  	[tilespmem:s22], [sflag:$0x1] =	stream.indirect.gather [hbm4b:s4+s15], $0x80, s21, s15, $0xb8;
	[tilespmem:$0x1EA00] =	vst v63  }
0x6b: {  	s21 =	simm.s32 $0x2840;
	s22 =	simm.s32 $0x4A00  }
0x6c: {  	[tilespmem:s22], [sflag:$0x1] =	stream.indirect.gather [hbm4b:s4+s15], $0x80, s21, s15, $0xb8;
	[tilespmem:$0x1EA00] =	vst v63  }
0x6d: {  	s21 =	simm.s32 $0x2860;
	s22 =	simm.s32 $0x5A00  }
0x6e: {  	[tilespmem:s22], [sflag:$0x1] =	stream.indirect.gather [hbm4b:s4+s15], $0x80, s21, s15, $0xb8;
	[tilespmem:$0x1EA00] =	vst v63  }
0x6f: {  	_ = 	snop  }
0x70: {  	[tilespmem:s24], [sflag:$0x2] =	stream.indirect.gather [hbm4b:s4+s15], $0x80, s23, s15, $0xb8;
	[tilespmem:$0x1EA00] =	vst v63  }
0x71: {  	_ = 	snop  }
0x72: {  	[tilespmem:s26], [sflag:$0x2] =	stream.indirect.gather [hbm4b:s4+s15], $0x80, s25, s15, $0xb8;
	[tilespmem:$0x1EA00] =	vst v63  }
0x73: {  	_ = 	snop  }
0x74: {  	[tilespmem:s29], [sflag:$0x2] =	stream.indirect.gather [hbm4b:s4+s15], $0x80, s28, s15, $0xb8;
	[tilespmem:$0x1EA00] =	vst v63  }
0x75: {  	s20 =	simm.s32 $0x0  }
0x76: {  	[tilespmem:s31], [sflag:$0x2] =	stream.indirect.gather [hbm4b:s4+s15], $0x80, s30, s15, $0xb8;
	[tilespmem:$0x1EA00] =	vst v63  }
.LBB2_4:
0x77: {  	_ =	swait.ge [sflag:s0], $0x1000  }
0x78: {  	[sflag:s0] =	ssyncset.done $0x0  }
0x79: {  	[sflag:s0] =	ssyncadd.s32 $0xFFFFF000  }
0x7a: {  	_ =	swait.ge [sflag:s0], $0x1000  }
0x7b: {  	[sflag:s0] =	ssyncset.done $0x0  }
0x7c: {  	[sflag:s0] =	ssyncadd.s32 $0xFFFFF000  }
0x7d: {  	_ =	swait.ge [sflag:s0], $0x1000  }
0x7e: {  	[sflag:s0] =	ssyncset.done $0x0  }
0x7f: {  	[sflag:s0] =	ssyncadd.s32 $0xFFFFF000  }
0x80: {  	_ =	swait.ge [sflag:s0], $0x1000  }
0x81: {  	[sflag:s0] =	ssyncset.done $0x0  }
0x82: {  	[sflag:s0] =	ssyncadd.s32 $0xFFFFF000  }
0x83: {  	[spmem:s1] =	stream.indirect.scatter.add.f32 [tilespmem:s14], [sflag:$0x3], $0x80, s16, s3, $0xb8;
	[tilespmem:$0x1EA00] =	vst v63  }
0x84: {  	_ =	swait.ge [sflag:s13], $0x4000  }
0x85: {  	p0 =	seq.s32 s20, $0x9C00;
	[sflag:s13] =	ssyncset.done $0x0  }
0x86: {  	s21 =	sshra.s32 @!p0 s20, $0x2;
	[sflag:s13] =	ssyncadd.s32 $0xFFFFC000  }
0x87: {  	v1 =	vld @!p0 [tilespmem:s21+$0x100];
	_ =	sdelay $0x4  }
0x88: {  	v2 =	vshrl.u32 @!p0 v1, $0xE  }
0x89: {  	v1 =	vand.u32 @!p0 $0x3FFF, v1;
	[tilespmem:$0x2800] =	vst @!p0 v2  }
0x8a: {  	[tilespmem:$0x2900] =	vst @!p0 v1  }
0x8b: {  	v1 =	vld @!p0 [tilespmem:s21+$0x110];
	_ =	sdelay $0x4  }
0x8c: {  	v2 =	vshrl.u32 @!p0 v1, $0xE  }
0x8d: {  	v1 =	vand.u32 @!p0 $0x3FFF, v1;
	[tilespmem:$0x2810] =	vst @!p0 v2  }
0x8e: {  	[tilespmem:$0x2910] =	vst @!p0 v1  }
0x8f: {  	v1 =	vld @!p0 [tilespmem:s21+$0x120];
	_ =	sdelay $0x4  }
0x90: {  	v2 =	vshrl.u32 @!p0 v1, $0xE  }
0x91: {  	v1 =	vand.u32 @!p0 $0x3FFF, v1;
	[tilespmem:$0x2820] =	vst @!p0 v2  }
0x92: {  	[tilespmem:$0x2920] =	vst @!p0 v1  }
0x93: {  	v1 =	vld @!p0 [tilespmem:s21+$0x130];
	_ =	sdelay $0x4  }
0x94: {  	v2 =	vshrl.u32 @!p0 v1, $0xE  }
0x95: {  	v1 =	vand.u32 @!p0 $0x3FFF, v1;
	[tilespmem:$0x2830] =	vst @!p0 v2  }
0x96: {  	[tilespmem:$0x2930] =	vst @!p0 v1  }
0x97: {  	v1 =	vld @!p0 [tilespmem:s21+$0x140];
	_ =	sdelay $0x4  }
0x98: {  	v2 =	vshrl.u32 @!p0 v1, $0xE  }
0x99: {  	v1 =	vand.u32 @!p0 $0x3FFF, v1;
	[tilespmem:$0x2840] =	vst @!p0 v2  }
0x9a: {  	[tilespmem:$0x2940] =	vst @!p0 v1  }
0x9b: {  	v1 =	vld @!p0 [tilespmem:s21+$0x150];
	_ =	sdelay $0x4  }
0x9c: {  	v2 =	vshrl.u32 @!p0 v1, $0xE  }
0x9d: {  	v1 =	vand.u32 @!p0 $0x3FFF, v1;
	[tilespmem:$0x2850] =	vst @!p0 v2  }
0x9e: {  	[tilespmem:$0x2950] =	vst @!p0 v1  }
0x9f: {  	v1 =	vld @!p0 [tilespmem:s21+$0x160];
	_ =	sdelay $0x4  }
0xa0: {  	v2 =	vshrl.u32 @!p0 v1, $0xE  }
0xa1: {  	v1 =	vand.u32 @!p0 $0x3FFF, v1;
	[tilespmem:$0x2860] =	vst @!p0 v2  }
0xa2: {  	[tilespmem:$0x2960] =	vst @!p0 v1  }
0xa3: {  	v1 =	vld @!p0 [tilespmem:s21+$0x170];
	_ =	sdelay $0x4  }
0xa4: {  	v2 =	vshrl.u32 @!p0 v1, $0xE  }
0xa5: {  	v1 =	vand.u32 @!p0 $0x3FFF, v1;
	[tilespmem:$0x2870] =	vst @!p0 v2  }
0xa6: {  	s22 =	simm.s32 @!p0 $0x2800;
	s2 =	simm.s32 @!p0 $0x2A00;
	s21 =	simm.s32 @!p0 $0x20;
	[tilespmem:$0x2970] =	vst @!p0 v1  }
0xa7: {  	[tilespmem:s2], [sflag:$0x1] =	stream.indirect.gather @!p0 [hbm4b:s4+s21], $0x80, s22, s21, $0xb8;
	[tilespmem:$0x1EA00] =	vst v63  }
0xa8: {  	s2 =	simm.s32 @!p0 $0x2820;
	s22 =	simm.s32 @!p0 $0x3A00  }
0xa9: {  	[tilespmem:s22], [sflag:$0x1] =	stream.indirect.gather @!p0 [hbm4b:s4+s21], $0x80, s2, s21, $0xb8;
	[tilespmem:$0x1EA00] =	vst v63  }
0xaa: {  	s2 =	simm.s32 @!p0 $0x2840;
	s22 =	simm.s32 @!p0 $0x4A00  }
0xab: {  	[tilespmem:s22], [sflag:$0x1] =	stream.indirect.gather @!p0 [hbm4b:s4+s21], $0x80, s2, s21, $0xb8;
	[tilespmem:$0x1EA00] =	vst v63  }
0xac: {  	s2 =	simm.s32 @!p0 $0x2860;
	s22 =	simm.s32 @!p0 $0x5A00  }
0xad: {  	[tilespmem:s22], [sflag:$0x1] =	stream.indirect.gather @!p0 [hbm4b:s4+s21], $0x80, s2, s21, $0xb8;
	[tilespmem:$0x1EA00] =	vst v63  }
0xae: {  	_ =	swait.ge [sflag:s17], $0x1000  }
0xaf: {  	[sflag:s17] =	ssyncset.done $0x0  }
0xb0: {  	[sflag:s17] =	ssyncadd.s32 $0xFFFFF000  }
0xb1: {  	_ =	swait.ge [sflag:s17], $0x1000  }
0xb2: {  	[sflag:s17] =	ssyncset.done $0x0  }
0xb3: {  	[sflag:s17] =	ssyncadd.s32 $0xFFFFF000  }
0xb4: {  	_ =	swait.ge [sflag:s17], $0x1000  }
0xb5: {  	[sflag:s17] =	ssyncset.done $0x0  }
0xb6: {  	[sflag:s17] =	ssyncadd.s32 $0xFFFFF000  }
0xb7: {  	_ =	swait.ge [sflag:s17], $0x1000  }
0xb8: {  	[sflag:s17] =	ssyncset.done $0x0  }
.Ltmp3:
0xb9: {  	[sflag:s17] =	ssyncadd.s32 $0xFFFFF000;
	(pc) =	sbr.rel @p0 .LBB2_6-.Ltmp3, $4  }
0xba: {  	[spmem:s1] =	stream.indirect.scatter.add.f32 [tilespmem:s24], [sflag:$0x3], $0x80, s18, s3, $0xb8;
	[tilespmem:$0x1EA00] =	vst v63  }
0xbb: {  	_ =	swait.ge [sflag:s13], $0x4000  }
0xbc: {  	[sflag:s13] =	ssyncset.done $0x0  }
0xbd: {  	[sflag:s13] =	ssyncadd.s32 $0xFFFFC000  }
0xbe: {  	s2 =	sshra.s32 s20, $0x2  }
0xbf: {  	v1 =	vld [tilespmem:s2+$0x180];
	_ =	sdelay $0x4  }
0xc0: {  	v2 =	vshrl.u32 v1, $0xE  }
0xc1: {  	v1 =	vand.u32 $0x3FFF, v1;
	[tilespmem:$0x2880] =	vst v2  }
0xc2: {  	[tilespmem:$0x2980] =	vst v1  }
0xc3: {  	v1 =	vld [tilespmem:s2+$0x190];
	_ =	sdelay $0x4  }
0xc4: {  	v2 =	vshrl.u32 v1, $0xE  }
0xc5: {  	v1 =	vand.u32 $0x3FFF, v1;
	[tilespmem:$0x2890] =	vst v2  }
0xc6: {  	[tilespmem:$0x2990] =	vst v1  }
0xc7: {  	v1 =	vld [tilespmem:s2+$0x1A0];
	_ =	sdelay $0x4  }
0xc8: {  	v2 =	vshrl.u32 v1, $0xE  }
0xc9: {  	v1 =	vand.u32 $0x3FFF, v1;
	[tilespmem:$0x28A0] =	vst v2  }
0xca: {  	[tilespmem:$0x29A0] =	vst v1  }
0xcb: {  	v1 =	vld [tilespmem:s2+$0x1B0];
	_ =	sdelay $0x4  }
0xcc: {  	v2 =	vshrl.u32 v1, $0xE  }
0xcd: {  	v1 =	vand.u32 $0x3FFF, v1;
	[tilespmem:$0x28B0] =	vst v2  }
0xce: {  	[tilespmem:$0x29B0] =	vst v1  }
0xcf: {  	v1 =	vld [tilespmem:s2+$0x1C0];
	_ =	sdelay $0x4  }
0xd0: {  	v2 =	vshrl.u32 v1, $0xE  }
0xd1: {  	v1 =	vand.u32 $0x3FFF, v1;
	[tilespmem:$0x28C0] =	vst v2  }
0xd2: {  	[tilespmem:$0x29C0] =	vst v1  }
0xd3: {  	v1 =	vld [tilespmem:s2+$0x1D0];
	_ =	sdelay $0x4  }
0xd4: {  	v2 =	vshrl.u32 v1, $0xE  }
0xd5: {  	v1 =	vand.u32 $0x3FFF, v1;
	[tilespmem:$0x28D0] =	vst v2  }
0xd6: {  	[tilespmem:$0x29D0] =	vst v1  }
0xd7: {  	v1 =	vld [tilespmem:s2+$0x1E0];
	_ =	sdelay $0x4  }
0xd8: {  	v2 =	vshrl.u32 v1, $0xE  }
0xd9: {  	v1 =	vand.u32 $0x3FFF, v1;
	[tilespmem:$0x28E0] =	vst v2  }
0xda: {  	[tilespmem:$0x29E0] =	vst v1  }
0xdb: {  	v1 =	vld [tilespmem:s2+$0x1F0];
	_ =	sdelay $0x4  }
0xdc: {  	v2 =	vshrl.u32 v1, $0xE  }
0xdd: {  	v1 =	vand.u32 $0x3FFF, v1;
	[tilespmem:$0x28F0] =	vst v2  }
0xde: {  	[tilespmem:$0x29F0] =	vst v1  }
0xdf: {  	[tilespmem:s24], [sflag:$0x2] =	stream.indirect.gather [hbm4b:s4+s15], $0x80, s23, s15, $0xb8;
	[tilespmem:$0x1EA00] =	vst v63  }
0xe0: {  	_ = 	snop  }
0xe1: {  	[tilespmem:s26], [sflag:$0x2] =	stream.indirect.gather [hbm4b:s4+s15], $0x80, s25, s15, $0xb8;
	[tilespmem:$0x1EA00] =	vst v63  }
.Ltmp4:
0xe2: {  	_ = 	snop;
	(pc) =	sbr.rel .LBB2_4-.Ltmp4, $4  }
0xe3: {  	_ = 	snop  }
0xe4: {  	[tilespmem:s29], [sflag:$0x2] =	stream.indirect.gather [hbm4b:s4+s15], $0x80, s28, s15, $0xb8;
	[tilespmem:$0x1EA00] =	vst v63  }
0xe5: {  	s20 =	sadd.s32 $0x400, s20  }
0xe6: {  	[tilespmem:s31], [sflag:$0x2] =	stream.indirect.gather [hbm4b:s4+s15], $0x80, s30, s15, $0xb8;
	[tilespmem:$0x1EA00] =	vst v63  }
.LBB2_7:
0xe7: {  	_ =	sfence.sel $0x180000  }
0xe8: {  	[bflag:$0x0] =	sbarrier.arrive $0xFFFF  }
0xe9: {  	_ =	strace $0x9000004A  }
0xea: {  	s0 =	stileid.u32;
	[bflag:$0x2] =	sbarrier.arrive $0xFFFF  }
0xeb: {  	p0 =	sne.s32 s0, $0x0;
	s0 =	rddreg [dreg:$0x3]  }
0xec: {  	s0 =	sadd.s32 @!p0 $0x100000, s0  }
0xed: {  	[sflag:s0] =	ssyncadd.tile.s32 @!p0 $0x1;
	_ =	shalt  }
.Lfunc_end2:
_tile_overlayer_lowered:
.L_overlay_start_2:
0xee: {  	(tag) =	ssettag $0x2  }
0xef: {  	s0 =	rddreg [dreg:$0x0];
	s2 =	stileid.u32  }
0xf0: {  	s1 =	rddreg [dreg:$0x1];
	p0 =	sne.s32 s2, $0x0  }
0xf1: {  	s3 =	rddreg [dreg:$0x2];
	[bflag:$0x3] =	sbarrier.arrive $0xFFFF;
	s2 =	simm.s32 @!p0 $0x1C03  }
0xf2: {  	[timem:s3], [sflag:s2] =	dma.local @!p0 [hbm:s0], s1  }
0xf3: {  	s0 =	simm.s32 @!p0 $0x3  }
0xf4: {  	_ =	swait.ge @!p0 [sflag:s0], s1  }
0xf5: {  	s1 =	ssub.s32 @!p0 $0x0, s1;
	[sflag:s0] =	ssyncset.done @!p0 $0x0  }
0xf6: {  	[sflag:s0] =	ssyncadd.s32 @!p0 s1  }
0xf7: {  	[bflag:$0x3] =	sbarrier.arrive $0xFFFF  }
0xf8: {  	_ =	shalt  }

// kernel: kernel.16.cloned.1.call-start
scs
__scs_entry_jumppad:
0x0: {  	(pc) =	sbr.rel $0x88, $3  }
0x1: {  	(tag) =	ssettag $0x0;
	lr =	simm.s32 $0x1  }
0x2: {  	[smem:$0x3F9F] =	sst lr;
	_ =	strace $0xD0000000  }
0x3: {  	_ = 	snop  }
0x4: {  	_ = 	snop  }
0x5: {  	_ = 	snop  }
0x6: {  	_ = 	snop  }
0x7: {  	_ = 	snop  }
__scs_overlays_trampoline_lowered:
0x8: {  	[smem:$0x3FAE] =	sst s0  }
0x9: {  	[smem:$0x3FAF] =	sst s1  }
0xa: {  	[smem:$0x3FB0] =	sst s2  }
0xb: {  	[smem:$0x3FB1] =	sst s3  }
0xc: {  	[smem:$0x3FB2] =	sst s4  }
0xd: {  	[smem:$0x3FB3] =	sst s5  }
0xe: {  	[smem:$0x3FB4] =	sst s6  }
0xf: {  	[smem:$0x3FB5] =	sst s7  }
0x10: {  	[smem:$0x3FB6] =	sst s8  }
0x11: {  	[smem:$0x3FB7] =	sst s9;
	s0 =	simm.s32 @!p0 $0x0  }
0x12: {  	s1 =	sld [smem:$0x3F9D];
	s0 =	simm.s32 @p0 $0x1  }
0x13: {  	[smem:$0x3FB8] =	sst s0;
	s0 =	simm.s32 @!p1 $0x0  }
0x14: {  	s2 =	sld [smem:$0x3F9C];
	s0 =	simm.s32 @p1 $0x1  }
0x15: {  	[smem:$0x3FB9] =	sst s0;
	s0 =	simm.s32 @!p2 $0x0  }
0x16: {  	s3 =	sld [smem:$0x3FDB];
	s0 =	simm.s32 @p2 $0x1  }
0x17: {  	s4 =	simm.s32 $0x1BF5;
	[smem:$0x3FBB] =	sst s0  }
0x18: {  	s0 =	sld [smem:$0x3F9E];
	_ =	swait.ge [sflag:s4], $0x0  }
0x19: {  	s7 =	sld [smem:$0x3F9F]  }
0x1a: {  	s8 =	sadd.s32 $0xFFFFE003, lr  }
0x1b: {  	s9 =	sadd.s32 $0xFFFFFEF7, lr;
	s5 =	simm.s32 $0xFFFFFFFF;
	p2 =	slt.u32 s8, $0xFFFFF086  }
0x1c: {  	p1 =	slt.u32 s9, $0xF7A;
	s5 =	simm.s32 @!p2 $0x0  }
0x1d: {  	s5 =	simm.s32 @p1 $0x1;
	p0 =	seq.s32 s7, s2  }
0x1e: {  	s7 =	smul.u32 @!p0 $0xF7A, s2;
	p2 =	seq.s32 @!p0 s5, $0x0  }
0x1f: {  	s9 =	smul.u32 $0xF7A, s1;
	s8 =	simm.s32 @!p0 $0x1BF5;
	p2 =	por !p2, p0  }
0x20: {  	[sflag:s8] =	ssyncset.s32 @!p0 $0xFFFFF086;
	s6 =	sadd.s32 @!p0 s3, s7;
	s7 =	simm.s32 @!p0 $0x108  }
0x21: {  	s3 =	sadd.s32 s3, s9;
	s6 =	sadd.s32 @!p0 $0x88, s6;
	s7 =	simm.s32 @p2 $0x1082  }
0x22: {  	[simem:s7], [sflag:s8] =	dma.local @!p0 [hbm:s6], $0xF7A  }
0x23: {  	s9 =	sor.u32 $0xD0000000, s2;
	s6 =	simm.s32 $0x108;
	_ =	swait.ge @!p0 [sflag:s8], $0x0  }
0x24: {  	s3 =	sadd.s32 $0x88, s3;
	s6 =	simm.s32 @!p1 $0x1082;
	[sflag:s4] =	ssyncset.s32 $0xFFFFF086  }
0x25: {  	[simem:s6], [sflag:s4] =	dma.local [hbm:s3], $0xF7A  }
0x26: {  	[smem:$0x3F9F] =	sst s1;
	(tag) =	ssettag s2;
	_ =	strace s9  }
0x27: {  	s1 =	sld [smem:$0x3FAF]  }
0x28: {  	s2 =	sld [smem:$0x3FB0]  }
0x29: {  	s4 =	sld [smem:$0x3FB2]  }
0x2a: {  	p0 =	seq.s32 s5, $0x0;
	s5 =	sld [smem:$0x3FB3]  }
0x2b: {  	s6 =	sld [smem:$0x3FB4]  }
0x2c: {  	s7 =	sld [smem:$0x3FB5]  }
0x2d: {  	s3 =	simm.s32 $0x108;
	s8 =	sld [smem:$0x3FB6]  }
0x2e: {  	s3 =	simm.s32 @!p0 $0x1082;
	s9 =	sld [smem:$0x3FB7]  }
0x2f: {  	lr =	sadd.s32 s0, s3;
	s0 =	sld [smem:$0x3FAE]  }
0x30: {  	s3 =	sld [smem:$0x3FB1]  }
0x31: {  	[smem:$0x3FBA] =	sst s10  }
0x32: {  	s10 =	sld [smem:$0x3FB8];
	_ =	sdelay $0x3  }
0x33: {  	p0 =	seq.s32 s10, $0x1;
	s10 =	sld [smem:$0x3FBA];
	_ =	sdelay $0x3  }
0x34: {  	[smem:$0x3FBA] =	sst s10  }
0x35: {  	s10 =	sld [smem:$0x3FB9];
	_ =	sdelay $0x3  }
0x36: {  	p1 =	seq.s32 s10, $0x1;
	s10 =	sld [smem:$0x3FBA];
	_ =	sdelay $0x3  }
0x37: {  	[smem:$0x3FBA] =	sst s10  }
0x38: {  	s10 =	sld [smem:$0x3FBB]  }
0x39: {  	_ = 	snop;
	(pc) =	sbr.ind lr, $3  }
0x3a: {  	_ = 	snop  }
0x3b: {  	_ = 	snop  }
0x3c: {  	p2 =	seq.s32 s10, $0x1;
	s10 =	sld [smem:$0x3FBA]  }
0x3d: {  	_ =	shalt  }
0x3e: {  	_ =	shalt  }
0x3f: {  	_ =	shalt  }
0x40: {  	_ =	shalt  }
0x41: {  	_ =	shalt  }
0x42: {  	_ =	shalt  }
0x43: {  	_ =	shalt  }
0x44: {  	_ =	shalt  }
0x45: {  	_ =	shalt  }
0x46: {  	_ =	shalt  }
0x47: {  	_ =	shalt  }
0x48: {  	_ =	shalt  }
0x49: {  	_ =	shalt  }
0x4a: {  	_ =	shalt  }
0x4b: {  	_ =	shalt  }
0x4c: {  	_ =	shalt  }
0x4d: {  	_ =	shalt  }
0x4e: {  	_ =	shalt  }
0x4f: {  	_ =	shalt  }
0x50: {  	_ =	shalt  }
0x51: {  	_ =	shalt  }
0x52: {  	_ =	shalt  }
0x53: {  	_ =	shalt  }
0x54: {  	_ =	shalt  }
0x55: {  	_ =	shalt  }
0x56: {  	_ =	shalt  }
0x57: {  	_ =	shalt  }
0x58: {  	_ =	shalt  }
0x59: {  	_ =	shalt  }
0x5a: {  	_ =	shalt  }
0x5b: {  	_ =	shalt  }
0x5c: {  	_ =	shalt  }
0x5d: {  	_ =	shalt  }
0x5e: {  	_ =	shalt  }
0x5f: {  	_ =	shalt  }
0x60: {  	_ =	shalt  }
0x61: {  	_ =	shalt  }
0x62: {  	_ =	shalt  }
0x63: {  	_ =	shalt  }
0x64: {  	_ =	shalt  }
0x65: {  	_ =	shalt  }
0x66: {  	_ =	shalt  }
0x67: {  	_ =	shalt  }
0x68: {  	_ =	shalt  }
0x69: {  	_ =	shalt  }
0x6a: {  	_ =	shalt  }
0x6b: {  	_ =	shalt  }
0x6c: {  	_ =	shalt  }
0x6d: {  	_ =	shalt  }
0x6e: {  	_ =	shalt  }
0x6f: {  	_ =	shalt  }
0x70: {  	_ =	shalt  }
0x71: {  	_ =	shalt  }
0x72: {  	_ =	shalt  }
0x73: {  	_ =	shalt  }
0x74: {  	_ =	shalt  }
0x75: {  	_ =	shalt  }
0x76: {  	_ =	shalt  }
0x77: {  	_ =	shalt  }
0x78: {  	_ =	shalt  }
0x79: {  	_ =	shalt  }
0x7a: {  	_ =	shalt  }
0x7b: {  	_ =	shalt  }
0x7c: {  	_ =	shalt  }
0x7d: {  	_ =	shalt  }
0x7e: {  	_ =	shalt  }
0x7f: {  	_ =	shalt  }
0x80: {  	_ =	shalt  }
0x81: {  	_ =	shalt  }
0x82: {  	_ =	shalt  }
0x83: {  	_ =	shalt  }
0x84: {  	_ =	shalt  }
0x85: {  	_ =	shalt  }
0x86: {  	_ =	shalt  }
0x87: {  	_ =	shalt  }
.Lfunc_end0:
.L_simem_size_0:
called_computation.2_lowered:
.L_overlay_start_0:
0x88: {  	s2 =	sld [smem:$0x3FD9]  }
0x89: {  	s3 =	sld [smem:$0x3FFE];
	_ =	sdelay $0x1  }
0x8a: {  	s1 =	srdreg.scid  }
0x8b: {  	s0 =	sand.u32 $0x1, s1  }
0x8c: {  	s14 =	sshll.u32 s0, $0xA;
	s2 =	sadd.s32 s3, s2  }
0x8d: {  	s2 =	sadd.s32 s2, s14  }
0x8e: {  	[smem:$0x3FC6] =	sst s2  }
0x8f: {  	_ = 	snop  }
0x90: {  	s2 =	sld [smem:$0x3FD0];
	_ =	sdelay $0x2  }
0x91: {  	s15 =	simm.s32 $0xA;
	s4 =	simm.s32 $0x10  }
0x92: {  	[smem:s4], [sflag:s15] =	dma.local [hbm:s2], $0x1  }
0x93: {  	_ =	swait.eq [sflag:s15], $0x1  }
0x94: {  	[sflag:s15] =	ssyncset.done $0x0  }
0x95: {  	[sflag:s15] =	ssyncadd.s32 $0xFFFFFFFF  }
0x96: {  	s16 =	sld [smem:$0x10];
	(tm) =	ssettm $0x1  }
0x97: {  	s17 =	sld [smem:$0x3FFB];
	_ =	sdelay $0x3  }
0x98: {  	_ =	strace s17  }
0x99: {  	s3 =	sld [smem:$0x3FFC];
	_ =	sdelay $0x3  }
0x9a: {  	_ =	strace s3  }
0x9b: {  	s3 =	sld [smem:$0x3FFD];
	_ =	sdelay $0x3  }
0x9c: {  	_ =	strace s3  }
0x9d: {  	_ =	strace $0x8FFFFFFF  }
0x9e: {  	s18 =	sld [smem:$0x3FDB];
	_ =	sdelay $0x1  }
0x9f: {  	s19 =	simm.s32 $_scs_section_size  }
0xa0: {  	s5 =	simm.s32 $_size__tile_overlayer_lowered;
	s6 =	simm.s32 $_tile_overlayer_lowered  }
0xa1: {  	s22 =	simm.s32 $0x1BFF;
	s21 =	sshll.u32 s6, $0x1;
	s3 =	sadd.s32 s19, s18  }
0xa2: {  	s7 =	simm.s32 $0x0;
	s20 =	sshll.u32 s5, $0x1;
	s5 =	sadd.s32 s21, s3  }
0xa3: {  	[timem:s7], [sflag:s22] =	dma.local [hbm:s5], s20  }
0xa4: {  	_ =	swait.ge [sflag:s22], s20  }
0xa5: {  	s4 =	ssub.s32 $0x0, s20;
	[sflag:s22] =	ssyncset.done $0x0  }
0xa6: {  	[sflag:s22] =	ssyncadd.s32 s4;
	_ =	sdelay $0x1  }
0xa7: {  	s23 =	simm.s32 $0x1B8B  }
0xa8: {  	_ =	swait.ge [sflag:s23], $0x1  }
0xa9: {  	[sflag:s23] =	ssyncset.done $0x0  }
0xaa: {  	s25 =	simm.s32 $0x1B8E;
	s24 =	sld [smem:$0x3FFE];
	[sflag:s23] =	ssyncadd.s32 $0xFFFFFFFF  }
0xab: {  	s26 =	simm.s32 $execute0_lowered;
	[smem:$0x3FD2] =	sst s25  }
0xac: {  	s5 =	sshll.u32 s26, $0x1;
	_ =	strace $0x8000004C;
	[dreg:$0x1] =	wrdreg $0xFFFFFFFF  }
0xad: {  	s28 =	simm.s32 $_size_execute0_lowered;
	s3 =	sadd.s32 s3, s5;
	[dreg:$0x0] =	wrdreg $0x0  }
0xae: {  	s5 =	sshll.u32 s28, $0x1;
	[dreg:$0x2] =	wrdreg s3  }
0xaf: {  	[dreg:$0x3] =	wrdreg s5  }
0xb0: {  	[dreg:$0x4] =	wrdreg $0xC0  }
0xb1: {  	_ =	task [dreg:s7], $0x5FFFF  }
0xb2: {  	[dreg:$0x1] =	wrdreg $0xFFFFFFFF  }
0xb3: {  	[dreg:$0x0] =	wrdreg $0x60  }
0xb4: {  	[dreg:$0x2] =	wrdreg s24  }
0xb5: {  	[dreg:$0x3] =	wrdreg s16  }
0xb6: {  	[dreg:$0x4] =	wrdreg $0xAA000  }
0xb7: {  	[dreg:$0x5] =	wrdreg $0x9  }
0xb8: {  	_ =	task.clear_ibuf [dreg:s7], $0x6FFFF;
	_ =	strace $0x9000004C  }
0xb9: {  	s29 =	simm.s32 $0x9;
	_ =	strace $0x8000004E  }
0xba: {  	_ =	swait.ge [sflag:s29], $0x1  }
0xbb: {  	[sflag:s29] =	ssyncadd.s32 $0xFFFFFFFF  }
0xbc: {  	_ =	strace $0x9000004E  }
0xbd: {  	_ =	sfence  }
0xbe: {  	s30 =	sld [smem:$0x0];
	_ =	sdelay $0x2  }
0xbf: {  	s31 =	sshll.u32 s1, $0xD;
	s1 =	sshrl.u32 s1, $0x2  }
0xc0: {  	s3 =	sand.u32 $0x4000, s31;
	s1 =	sadd.s32 s1, s30  }
0xc1: {  	s0 =	sor.u32 s3, s0;
	s1 =	sshll.u32 s1, $0x11  }
0xc2: {  	s0 =	sor.u32 s1, s0  }
0xc3: {  	s0 =	sadd.s32 $0x8F2B, s0  }
0xc4: {  	[sflag:s0] =	ssyncadd.remote.s32 $0x1  }
0xc5: {  	_ =	sfence.sel $0xFFFF  }
0xc6: {  	[dreg:$0x0] =	wrdreg $0xFFFFFFFF;
	(pc) =	sbr.abs _section_cstart, $3  }
0xc7: {  	[dreg:$0x1] =	wrdreg $0xFFFFFFFF  }
0xc8: {  	_ =	task.clear_ibuf [dreg:s7], $0x2FFFF;
	_ =	strace $0x9FFFFFFF  }
0xc9: {  	(tm) =	ssettm $0x7FFFFFFF  }
tec
execute0_lowered:
.L_overlay_start_1:
0x0: {  	(tag) =	ssettag $0x1  }
0x1: {  	s0 =	rddreg [dreg:$0x0]  }
0x2: {  	s3 =	rddreg [dreg:$0x1]  }
0x3: {  	s1 =	rddreg [dreg:$0x2];
	s2 =	srdreg.scid  }
0x4: {  	s4 =	simm.s32 $0x0;
	s23 =	stileid.u32;
	s13 =	simm.s32 $0x3  }
0x5: {  	s14 =	simm.s32 $0x2A00;
	s15 =	simm.s32 $0x20;
	s28 =	simm.s32 $0x28C0  }
0x6: {  	s29 =	simm.s32 $0x8A00;
	s30 =	simm.s32 $0x28E0;
	s31 =	simm.s32 $0x9A00  }
0x7: {  	s16 =	simm.s32 $0x2900;
	s17 =	simm.s32 $0x2;
	s18 =	simm.s32 $0x2980  }
0x8: {  	s19 =	simm.s32 $0x0;
	s5 =	sand.u32 $0x1, s2;
	s7 =	smul.u32 $0x14000, s23  }
0x9: {  	[smem:$0x7FF] =	sst s4;
	s4 =	sadd.s32 $0x2000, s0;
	s25 =	smul.u32 $0x50000, s23  }
0xa: {  	s6 =	smul.u32 $0x140000, s5;
	s8 =	sshll.u32 s5, $0x4;
	s5 =	ssub.s32 $0x2, s5  }
0xb: {  	_ =	strace $0x8000004D;
	s24 =	sor.u32 s23, s8;
	s26 =	sshrl.u32 s5, $0x1  }
0xc: {  	s8 =	sshrl.u32 s25, $0x2;
	s23 =	simm.s32 $0x2880;
	s25 =	simm.s32 $0x28A0  }
0xd: {  	s6 =	sadd.s32 s7, s6;
	s7 =	smul.u32 $0x500, s24;
	s12 =	ssub.s32 s5, s26  }
.Ltmp0:
0xe: {  	s24 =	simm.s32 $0x6A00;
	s6 =	sshrl.u32 s6, $0x3;
	(pc) =	sbr.rel .LBB2_1-.Ltmp0, $4  }
0xf: {  	s26 =	simm.s32 $0x7A00;
	s12 =	smax.u32 s12, $0x1;
	s0 =	sadd.s32 s6, s0  }
0x10: {  	s5 =	sadd.s32 s3, s7;
	s6 =	sadd.s32 s8, s1;
	s3 =	simm.s32 $0x80  }
0x11: {  	s7 =	sadd.s32 $0x4000, s6;
	s8 =	sadd.s32 $0x8000, s6;
	s9 =	sadd.s32 $0xC000, s6  }
0x12: {  	v0 =	vimm.f32 $0.0e+00;
	s10 =	sadd.s32 $0x10000, s6;
	s11 =	sadd.s32 $0x29200, s0;
	s0 =	simm.s32 $0x1  }
.LBB2_6:
0x13: {  	s2 =	stileid.u32;
	s19 =	sadd.s32 $0x1, s19  }
0x14: {  	[bflag:$0x0] =	sbarrier.arrive $0xFFFF;
	s2 =	sshll.u32 s2, $0x6;
	p0 =	sne.s32 s19, s12  }
.Ltmp1:
0x15: {  	s20 =	sshrl.u32 s6, $0x3;
	s2 =	sor.u32 $0x1C03, s2;
	(pc) =	sbr.rel @!p0 .LBB2_7-.Ltmp1, $4  }
0x16: {  	[hbm:s11], [sflag:s2] =	dma.local [spmem:s20], $0x2800  }
0x17: {  	_ =	swait.ge [sflag:s13], $0x2800  }
0x18: {  	[sflag:s13] =	ssyncset.done $0x0  }
0x19: {  	[sflag:s13] =	ssyncadd.s32 $0xFFFFD800  }
.LBB2_1:
0x1a: {  	s2 =	simm.s32 $0x0  }
0x1b: {  	[tilespmem:s2], [sflag:$0x3] =	stream.linear.gather [hbm4b:s5+s2], $0x2800, $0x38;
	[tilespmem:$0x1EA00] =	vst v63  }
0x1c: {  	_ =	swait.ge [sflag:s13], $0x2800  }
0x1d: {  	[sflag:s13] =	ssyncset.done $0x0  }
0x1e: {  	s20 =	simm.s32 $0x0;
	s21 =	simm.s32 $0x200;
	[sflag:s13] =	ssyncadd.s32 $0xFFFFD800  }
.LBB2_2:
0x1f: {  	p0 =	sne.s32 s21, $0xFE00;
	[tilespmem:s20+$0x2A70] =	vst v0  }
0x20: {  	[tilespmem:s20+$0x2A00] =	vst v0  }
0x21: {  	[tilespmem:s20+$0x2A10] =	vst v0  }
.Ltmp2:
0x22: {  	[tilespmem:s20+$0x2A20] =	vst v0;
	(pc) =	sbr.rel @p0 .LBB2_2-.Ltmp2, $4  }
0x23: {  	[tilespmem:s20+$0x2A30] =	vst v0  }
0x24: {  	[tilespmem:s20+$0x2A40] =	vst v0  }
0x25: {  	[tilespmem:s20+$0x2A50] =	vst v0  }
0x26: {  	[tilespmem:s20+$0x2A60] =	vst v0;
	s20 =	sshra.s32 s21, $0x2;
	s21 =	sadd.s32 $0x200, s21  }
0x27: {  	[tilespmem:s20+$0x2A70] =	vst v0  }
0x28: {  	[tilespmem:s20+$0x2A00] =	vst v0  }
0x29: {  	[tilespmem:s20+$0x2A10] =	vst v0  }
0x2a: {  	[tilespmem:s20+$0x2A20] =	vst v0  }
0x2b: {  	[tilespmem:s20+$0x2A30] =	vst v0  }
0x2c: {  	[tilespmem:s20+$0x2A40] =	vst v0  }
0x2d: {  	[tilespmem:s20+$0x2A50] =	vst v0  }
0x2e: {  	[tilespmem:s20+$0x2A60] =	vst v0  }
0x2f: {  	[spmem:s6] =	stream.linear.scatter [tilespmem:s14], [sflag:$0x3], $0x4000, $0x38;
	[tilespmem:$0x1EA00] =	vst v63  }
0x30: {  	_ =	swait.ge [sflag:s13], $0x4000  }
0x31: {  	[sflag:s13] =	ssyncset.done $0x0  }
0x32: {  	[sflag:s13] =	ssyncadd.s32 $0xFFFFC000  }
0x33: {  	[spmem:s7] =	stream.linear.scatter [tilespmem:s14], [sflag:$0x3], $0x4000, $0x38;
	[tilespmem:$0x1EA00] =	vst v63  }
0x34: {  	_ =	swait.ge [sflag:s13], $0x4000  }
0x35: {  	[sflag:s13] =	ssyncset.done $0x0  }
0x36: {  	[sflag:s13] =	ssyncadd.s32 $0xFFFFC000  }
0x37: {  	[spmem:s8] =	stream.linear.scatter [tilespmem:s14], [sflag:$0x3], $0x4000, $0x38;
	[tilespmem:$0x1EA00] =	vst v63  }
0x38: {  	_ =	swait.ge [sflag:s13], $0x4000  }
0x39: {  	[sflag:s13] =	ssyncset.done $0x0  }
0x3a: {  	[sflag:s13] =	ssyncadd.s32 $0xFFFFC000  }
0x3b: {  	[spmem:s9] =	stream.linear.scatter [tilespmem:s14], [sflag:$0x3], $0x4000, $0x38;
	[tilespmem:$0x1EA00] =	vst v63  }
0x3c: {  	_ =	swait.ge [sflag:s13], $0x4000  }
0x3d: {  	[sflag:s13] =	ssyncset.done $0x0  }
0x3e: {  	[sflag:s13] =	ssyncadd.s32 $0xFFFFC000  }
0x3f: {  	[spmem:s10] =	stream.linear.scatter [tilespmem:s14], [sflag:$0x3], $0x4000, $0x38;
	[tilespmem:$0x1EA00] =	vst v63  }
0x40: {  	_ =	swait.ge [sflag:s13], $0x4000  }
0x41: {  	[sflag:s13] =	ssyncset.done $0x0  }
0x42: {  	[sflag:s13] =	ssyncadd.s32 $0xFFFFC000  }
0x43: {  	[bflag:$0x0] =	sbarrier.arrive $0xFFFF  }
0x44: {  	v1 =	vld [tilespmem:$0x0];
	_ =	sdelay $0x1  }
0x45: {  	v2 =	vld [tilespmem:$0x10];
	_ =	sdelay $0x1  }
0x46: {  	v3 =	vld [tilespmem:$0x20]  }
0x47: {  	v4 =	vshrl.u32 v1, $0xE  }
0x48: {  	v59 =	vld [tilespmem:$0x30];
	v1 =	vand.u32 $0x3FFF, v1;
	[tilespmem:$0x2800] =	vst v4  }
0x49: {  	[tilespmem:$0x2900] =	vst v1;
	v1 =	vshrl.u32 v2, $0xE  }
0x4a: {  	[tilespmem:$0x2810] =	vst v1;
	v1 =	vand.u32 $0x3FFF, v2;
	v2 =	vld [tilespmem:$0x40]  }
0x4b: {  	[tilespmem:$0x2910] =	vst v1;
	v1 =	vshrl.u32 v3, $0xE  }
0x4c: {  	[tilespmem:$0x2820] =	vst v1;
	v1 =	vand.u32 $0x3FFF, v3;
	v3 =	vld [tilespmem:$0x50]  }
0x4d: {  	[tilespmem:$0x2920] =	vst v1;
	v1 =	vshrl.u32 v59, $0xE  }
0x4e: {  	v60 =	vld [tilespmem:$0x60];
	[tilespmem:$0x2830] =	vst v1;
	v1 =	vand.u32 $0x3FFF, v59  }
0x4f: {  	[tilespmem:$0x2930] =	vst v1;
	v1 =	vshrl.u32 v2, $0xE  }
0x50: {  	[tilespmem:$0x2840] =	vst v1;
	v1 =	vand.u32 $0x3FFF, v2;
	v2 =	vld [tilespmem:$0x70]  }
0x51: {  	[tilespmem:$0x2940] =	vst v1;
	v1 =	vshrl.u32 v3, $0xE  }
0x52: {  	[tilespmem:$0x2850] =	vst v1;
	v1 =	vand.u32 $0x3FFF, v3;
	v3 =	vld [tilespmem:$0x80]  }
0x53: {  	[tilespmem:$0x2950] =	vst v1;
	v1 =	vshrl.u32 v60, $0xE  }
0x54: {  	v61 =	vld [tilespmem:$0x90];
	[tilespmem:$0x2860] =	vst v1;
	v1 =	vand.u32 $0x3FFF, v60  }
0x55: {  	[tilespmem:$0x2960] =	vst v1;
	v1 =	vshrl.u32 v2, $0xE  }
0x56: {  	[tilespmem:$0x2870] =	vst v1;
	v1 =	vand.u32 $0x3FFF, v2;
	v2 =	vld [tilespmem:$0xA0]  }
0x57: {  	[tilespmem:$0x2970] =	vst v1;
	v1 =	vshrl.u32 v3, $0xE  }
0x58: {  	[tilespmem:$0x2880] =	vst v1;
	v1 =	vand.u32 $0x3FFF, v3;
	v3 =	vld [tilespmem:$0xB0]  }
0x59: {  	[tilespmem:$0x2980] =	vst v1;
	v1 =	vshrl.u32 v61, $0xE  }
0x5a: {  	v62 =	vld [tilespmem:$0xC0];
	[tilespmem:$0x2890] =	vst v1;
	v1 =	vand.u32 $0x3FFF, v61  }
0x5b: {  	[tilespmem:$0x2990] =	vst v1;
	v1 =	vshrl.u32 v2, $0xE  }
0x5c: {  	[tilespmem:$0x28A0] =	vst v1;
	v1 =	vand.u32 $0x3FFF, v2;
	v2 =	vld [tilespmem:$0xD0]  }
0x5d: {  	[tilespmem:$0x29A0] =	vst v1;
	v1 =	vshrl.u32 v3, $0xE  }
0x5e: {  	[tilespmem:$0x28B0] =	vst v1;
	v1 =	vand.u32 $0x3FFF, v3;
	v3 =	vld [tilespmem:$0xE0]  }
0x5f: {  	[tilespmem:$0x29B0] =	vst v1;
	v1 =	vshrl.u32 v62, $0xE  }
0x60: {  	v63 =	vld [tilespmem:$0xF0];
	[tilespmem:$0x28C0] =	vst v1;
	v1 =	vand.u32 $0x3FFF, v62  }
0x61: {  	[tilespmem:$0x29C0] =	vst v1;
	v1 =	vshrl.u32 v2, $0xE  }
0x62: {  	[tilespmem:$0x28D0] =	vst v1;
	v1 =	vand.u32 $0x3FFF, v2  }
0x63: {  	[tilespmem:$0x29D0] =	vst v1;
	v1 =	vshrl.u32 v3, $0xE  }
0x64: {  	[tilespmem:$0x28E0] =	vst v1;
	v1 =	vand.u32 $0x3FFF, v3  }
0x65: {  	[tilespmem:$0x29E0] =	vst v1;
	v1 =	vshrl.u32 v63, $0xE  }
0x66: {  	[tilespmem:$0x28F0] =	vst v1;
	v1 =	vand.u32 $0x3FFF, v63  }
0x67: {  	s2 =	simm.s32 $0x2800;
	[tilespmem:$0x29F0] =	vst v1  }
0x68: {  	[tilespmem:s14], [sflag:$0x1] =	stream.indirect.gather [hbm4b:s4+s15], $0x80, s2, s15, $0xb8;
	[tilespmem:$0x1EA00] =	vst v63  }
0x69: {  	s21 =	simm.s32 $0x2820;
	s22 =	simm.s32 $0x3A00  }
0x6a: {  	[tilespmem:s22], [sflag:$0x1] =	stream.indirect.gather [hbm4b:s4+s15], $0x80, s21, s15, $0xb8;
	[tilespmem:$0x1EA00] =	vst v63  }
0x6b: {  	s21 =	simm.s32 $0x2840;
	s22 =	simm.s32 $0x4A00  }
0x6c: {  	[tilespmem:s22], [sflag:$0x1] =	stream.indirect.gather [hbm4b:s4+s15], $0x80, s21, s15, $0xb8;
	[tilespmem:$0x1EA00] =	vst v63  }
0x6d: {  	s21 =	simm.s32 $0x2860;
	s22 =	simm.s32 $0x5A00  }
0x6e: {  	[tilespmem:s22], [sflag:$0x1] =	stream.indirect.gather [hbm4b:s4+s15], $0x80, s21, s15, $0xb8;
	[tilespmem:$0x1EA00] =	vst v63  }
0x6f: {  	_ = 	snop  }
0x70: {  	[tilespmem:s24], [sflag:$0x2] =	stream.indirect.gather [hbm4b:s4+s15], $0x80, s23, s15, $0xb8;
	[tilespmem:$0x1EA00] =	vst v63  }
0x71: {  	_ = 	snop  }
0x72: {  	[tilespmem:s26], [sflag:$0x2] =	stream.indirect.gather [hbm4b:s4+s15], $0x80, s25, s15, $0xb8;
	[tilespmem:$0x1EA00] =	vst v63  }
0x73: {  	_ = 	snop  }
0x74: {  	[tilespmem:s29], [sflag:$0x2] =	stream.indirect.gather [hbm4b:s4+s15], $0x80, s28, s15, $0xb8;
	[tilespmem:$0x1EA00] =	vst v63  }
0x75: {  	s20 =	simm.s32 $0x0  }
0x76: {  	[tilespmem:s31], [sflag:$0x2] =	stream.indirect.gather [hbm4b:s4+s15], $0x80, s30, s15, $0xb8;
	[tilespmem:$0x1EA00] =	vst v63  }
.LBB2_4:
0x77: {  	_ =	swait.ge [sflag:s0], $0x1000  }
0x78: {  	[sflag:s0] =	ssyncset.done $0x0  }
0x79: {  	[sflag:s0] =	ssyncadd.s32 $0xFFFFF000  }
0x7a: {  	_ =	swait.ge [sflag:s0], $0x1000  }
0x7b: {  	[sflag:s0] =	ssyncset.done $0x0  }
0x7c: {  	[sflag:s0] =	ssyncadd.s32 $0xFFFFF000  }
0x7d: {  	_ =	swait.ge [sflag:s0], $0x1000  }
0x7e: {  	[sflag:s0] =	ssyncset.done $0x0  }
0x7f: {  	[sflag:s0] =	ssyncadd.s32 $0xFFFFF000  }
0x80: {  	_ =	swait.ge [sflag:s0], $0x1000  }
0x81: {  	[sflag:s0] =	ssyncset.done $0x0  }
0x82: {  	[sflag:s0] =	ssyncadd.s32 $0xFFFFF000  }
0x83: {  	[spmem:s1] =	stream.indirect.scatter.add.f32 [tilespmem:s14], [sflag:$0x3], $0x80, s16, s3, $0xb8;
	[tilespmem:$0x1EA00] =	vst v63  }
0x84: {  	_ =	swait.ge [sflag:s13], $0x4000  }
0x85: {  	p0 =	seq.s32 s20, $0x9C00;
	[sflag:s13] =	ssyncset.done $0x0  }
0x86: {  	s21 =	sshra.s32 @!p0 s20, $0x2;
	[sflag:s13] =	ssyncadd.s32 $0xFFFFC000  }
0x87: {  	v1 =	vld @!p0 [tilespmem:s21+$0x100];
	_ =	sdelay $0x4  }
0x88: {  	v2 =	vshrl.u32 @!p0 v1, $0xE  }
0x89: {  	v1 =	vand.u32 @!p0 $0x3FFF, v1;
	[tilespmem:$0x2800] =	vst @!p0 v2  }
0x8a: {  	[tilespmem:$0x2900] =	vst @!p0 v1  }
0x8b: {  	v1 =	vld @!p0 [tilespmem:s21+$0x110];
	_ =	sdelay $0x4  }
0x8c: {  	v2 =	vshrl.u32 @!p0 v1, $0xE  }
0x8d: {  	v1 =	vand.u32 @!p0 $0x3FFF, v1;
	[tilespmem:$0x2810] =	vst @!p0 v2  }
0x8e: {  	[tilespmem:$0x2910] =	vst @!p0 v1  }
0x8f: {  	v1 =	vld @!p0 [tilespmem:s21+$0x120];
	_ =	sdelay $0x4  }
0x90: {  	v2 =	vshrl.u32 @!p0 v1, $0xE  }
0x91: {  	v1 =	vand.u32 @!p0 $0x3FFF, v1;
	[tilespmem:$0x2820] =	vst @!p0 v2  }
0x92: {  	[tilespmem:$0x2920] =	vst @!p0 v1  }
0x93: {  	v1 =	vld @!p0 [tilespmem:s21+$0x130];
	_ =	sdelay $0x4  }
0x94: {  	v2 =	vshrl.u32 @!p0 v1, $0xE  }
0x95: {  	v1 =	vand.u32 @!p0 $0x3FFF, v1;
	[tilespmem:$0x2830] =	vst @!p0 v2  }
0x96: {  	[tilespmem:$0x2930] =	vst @!p0 v1  }
0x97: {  	v1 =	vld @!p0 [tilespmem:s21+$0x140];
	_ =	sdelay $0x4  }
0x98: {  	v2 =	vshrl.u32 @!p0 v1, $0xE  }
0x99: {  	v1 =	vand.u32 @!p0 $0x3FFF, v1;
	[tilespmem:$0x2840] =	vst @!p0 v2  }
0x9a: {  	[tilespmem:$0x2940] =	vst @!p0 v1  }
0x9b: {  	v1 =	vld @!p0 [tilespmem:s21+$0x150];
	_ =	sdelay $0x4  }
0x9c: {  	v2 =	vshrl.u32 @!p0 v1, $0xE  }
0x9d: {  	v1 =	vand.u32 @!p0 $0x3FFF, v1;
	[tilespmem:$0x2850] =	vst @!p0 v2  }
0x9e: {  	[tilespmem:$0x2950] =	vst @!p0 v1  }
0x9f: {  	v1 =	vld @!p0 [tilespmem:s21+$0x160];
	_ =	sdelay $0x4  }
0xa0: {  	v2 =	vshrl.u32 @!p0 v1, $0xE  }
0xa1: {  	v1 =	vand.u32 @!p0 $0x3FFF, v1;
	[tilespmem:$0x2860] =	vst @!p0 v2  }
0xa2: {  	[tilespmem:$0x2960] =	vst @!p0 v1  }
0xa3: {  	v1 =	vld @!p0 [tilespmem:s21+$0x170];
	_ =	sdelay $0x4  }
0xa4: {  	v2 =	vshrl.u32 @!p0 v1, $0xE  }
0xa5: {  	v1 =	vand.u32 @!p0 $0x3FFF, v1;
	[tilespmem:$0x2870] =	vst @!p0 v2  }
0xa6: {  	s22 =	simm.s32 @!p0 $0x2800;
	s2 =	simm.s32 @!p0 $0x2A00;
	s21 =	simm.s32 @!p0 $0x20;
	[tilespmem:$0x2970] =	vst @!p0 v1  }
0xa7: {  	[tilespmem:s2], [sflag:$0x1] =	stream.indirect.gather @!p0 [hbm4b:s4+s21], $0x80, s22, s21, $0xb8;
	[tilespmem:$0x1EA00] =	vst v63  }
0xa8: {  	s2 =	simm.s32 @!p0 $0x2820;
	s22 =	simm.s32 @!p0 $0x3A00  }
0xa9: {  	[tilespmem:s22], [sflag:$0x1] =	stream.indirect.gather @!p0 [hbm4b:s4+s21], $0x80, s2, s21, $0xb8;
	[tilespmem:$0x1EA00] =	vst v63  }
0xaa: {  	s2 =	simm.s32 @!p0 $0x2840;
	s22 =	simm.s32 @!p0 $0x4A00  }
0xab: {  	[tilespmem:s22], [sflag:$0x1] =	stream.indirect.gather @!p0 [hbm4b:s4+s21], $0x80, s2, s21, $0xb8;
	[tilespmem:$0x1EA00] =	vst v63  }
0xac: {  	s2 =	simm.s32 @!p0 $0x2860;
	s22 =	simm.s32 @!p0 $0x5A00  }
0xad: {  	[tilespmem:s22], [sflag:$0x1] =	stream.indirect.gather @!p0 [hbm4b:s4+s21], $0x80, s2, s21, $0xb8;
	[tilespmem:$0x1EA00] =	vst v63  }
0xae: {  	_ =	swait.ge [sflag:s17], $0x1000  }
0xaf: {  	[sflag:s17] =	ssyncset.done $0x0  }
0xb0: {  	[sflag:s17] =	ssyncadd.s32 $0xFFFFF000  }
0xb1: {  	_ =	swait.ge [sflag:s17], $0x1000  }
0xb2: {  	[sflag:s17] =	ssyncset.done $0x0  }
0xb3: {  	[sflag:s17] =	ssyncadd.s32 $0xFFFFF000  }
0xb4: {  	_ =	swait.ge [sflag:s17], $0x1000  }
0xb5: {  	[sflag:s17] =	ssyncset.done $0x0  }
0xb6: {  	[sflag:s17] =	ssyncadd.s32 $0xFFFFF000  }
0xb7: {  	_ =	swait.ge [sflag:s17], $0x1000  }
0xb8: {  	[sflag:s17] =	ssyncset.done $0x0  }
.Ltmp3:
0xb9: {  	[sflag:s17] =	ssyncadd.s32 $0xFFFFF000;
	(pc) =	sbr.rel @p0 .LBB2_6-.Ltmp3, $4  }
0xba: {  	[spmem:s1] =	stream.indirect.scatter.add.f32 [tilespmem:s24], [sflag:$0x3], $0x80, s18, s3, $0xb8;
	[tilespmem:$0x1EA00] =	vst v63  }
0xbb: {  	_ =	swait.ge [sflag:s13], $0x4000  }
0xbc: {  	[sflag:s13] =	ssyncset.done $0x0  }
0xbd: {  	[sflag:s13] =	ssyncadd.s32 $0xFFFFC000  }
0xbe: {  	s2 =	sshra.s32 s20, $0x2  }
0xbf: {  	v1 =	vld [tilespmem:s2+$0x180];
	_ =	sdelay $0x4  }
0xc0: {  	v2 =	vshrl.u32 v1, $0xE  }
0xc1: {  	v1 =	vand.u32 $0x3FFF, v1;
	[tilespmem:$0x2880] =	vst v2  }
0xc2: {  	[tilespmem:$0x2980] =	vst v1  }
0xc3: {  	v1 =	vld [tilespmem:s2+$0x190];
	_ =	sdelay $0x4  }
0xc4: {  	v2 =	vshrl.u32 v1, $0xE  }
0xc5: {  	v1 =	vand.u32 $0x3FFF, v1;
	[tilespmem:$0x2890] =	vst v2  }
0xc6: {  	[tilespmem:$0x2990] =	vst v1  }
0xc7: {  	v1 =	vld [tilespmem:s2+$0x1A0];
	_ =	sdelay $0x4  }
0xc8: {  	v2 =	vshrl.u32 v1, $0xE  }
0xc9: {  	v1 =	vand.u32 $0x3FFF, v1;
	[tilespmem:$0x28A0] =	vst v2  }
0xca: {  	[tilespmem:$0x29A0] =	vst v1  }
0xcb: {  	v1 =	vld [tilespmem:s2+$0x1B0];
	_ =	sdelay $0x4  }
0xcc: {  	v2 =	vshrl.u32 v1, $0xE  }
0xcd: {  	v1 =	vand.u32 $0x3FFF, v1;
	[tilespmem:$0x28B0] =	vst v2  }
0xce: {  	[tilespmem:$0x29B0] =	vst v1  }
0xcf: {  	v1 =	vld [tilespmem:s2+$0x1C0];
	_ =	sdelay $0x4  }
0xd0: {  	v2 =	vshrl.u32 v1, $0xE  }
0xd1: {  	v1 =	vand.u32 $0x3FFF, v1;
	[tilespmem:$0x28C0] =	vst v2  }
0xd2: {  	[tilespmem:$0x29C0] =	vst v1  }
0xd3: {  	v1 =	vld [tilespmem:s2+$0x1D0];
	_ =	sdelay $0x4  }
0xd4: {  	v2 =	vshrl.u32 v1, $0xE  }
0xd5: {  	v1 =	vand.u32 $0x3FFF, v1;
	[tilespmem:$0x28D0] =	vst v2  }
0xd6: {  	[tilespmem:$0x29D0] =	vst v1  }
0xd7: {  	v1 =	vld [tilespmem:s2+$0x1E0];
	_ =	sdelay $0x4  }
0xd8: {  	v2 =	vshrl.u32 v1, $0xE  }
0xd9: {  	v1 =	vand.u32 $0x3FFF, v1;
	[tilespmem:$0x28E0] =	vst v2  }
0xda: {  	[tilespmem:$0x29E0] =	vst v1  }
0xdb: {  	v1 =	vld [tilespmem:s2+$0x1F0];
	_ =	sdelay $0x4  }
0xdc: {  	v2 =	vshrl.u32 v1, $0xE  }
0xdd: {  	v1 =	vand.u32 $0x3FFF, v1;
	[tilespmem:$0x28F0] =	vst v2  }
0xde: {  	[tilespmem:$0x29F0] =	vst v1  }
0xdf: {  	[tilespmem:s24], [sflag:$0x2] =	stream.indirect.gather [hbm4b:s4+s15], $0x80, s23, s15, $0xb8;
	[tilespmem:$0x1EA00] =	vst v63  }
0xe0: {  	_ = 	snop  }
0xe1: {  	[tilespmem:s26], [sflag:$0x2] =	stream.indirect.gather [hbm4b:s4+s15], $0x80, s25, s15, $0xb8;
	[tilespmem:$0x1EA00] =	vst v63  }
.Ltmp4:
0xe2: {  	_ = 	snop;
	(pc) =	sbr.rel .LBB2_4-.Ltmp4, $4  }
0xe3: {  	_ = 	snop  }
0xe4: {  	[tilespmem:s29], [sflag:$0x2] =	stream.indirect.gather [hbm4b:s4+s15], $0x80, s28, s15, $0xb8;
	[tilespmem:$0x1EA00] =	vst v63  }
0xe5: {  	s20 =	sadd.s32 $0x400, s20  }
0xe6: {  	[tilespmem:s31], [sflag:$0x2] =	stream.indirect.gather [hbm4b:s4+s15], $0x80, s30, s15, $0xb8;
	[tilespmem:$0x1EA00] =	vst v63  }
.LBB2_7:
0xe7: {  	_ =	sfence.sel $0x180000  }
0xe8: {  	[bflag:$0x0] =	sbarrier.arrive $0xFFFF  }
0xe9: {  	_ =	strace $0x9000004D  }
0xea: {  	s0 =	stileid.u32;
	[bflag:$0x2] =	sbarrier.arrive $0xFFFF  }
0xeb: {  	p0 =	sne.s32 s0, $0x0;
	s0 =	rddreg [dreg:$0x3]  }
0xec: {  	s0 =	sadd.s32 @!p0 $0x100000, s0  }
0xed: {  	[sflag:s0] =	ssyncadd.tile.s32 @!p0 $0x1;
	_ =	shalt  }
.Lfunc_end2:
_tile_overlayer_lowered:
.L_overlay_start_2:
0xee: {  	(tag) =	ssettag $0x2  }
0xef: {  	s0 =	rddreg [dreg:$0x0];
	s2 =	stileid.u32  }
0xf0: {  	s1 =	rddreg [dreg:$0x1];
	p0 =	sne.s32 s2, $0x0  }
0xf1: {  	s3 =	rddreg [dreg:$0x2];
	[bflag:$0x3] =	sbarrier.arrive $0xFFFF;
	s2 =	simm.s32 @!p0 $0x1C03  }
0xf2: {  	[timem:s3], [sflag:s2] =	dma.local @!p0 [hbm:s0], s1  }
0xf3: {  	s0 =	simm.s32 @!p0 $0x3  }
0xf4: {  	_ =	swait.ge @!p0 [sflag:s0], s1  }
0xf5: {  	s1 =	ssub.s32 @!p0 $0x0, s1;
	[sflag:s0] =	ssyncset.done @!p0 $0x0  }
0xf6: {  	[sflag:s0] =	ssyncadd.s32 @!p0 s1  }
0xf7: {  	[bflag:$0x3] =	sbarrier.arrive $0xFFFF  }
0xf8: {  	_ =	shalt  }

// kernel: kernel.19.cloned.1.call-start
scs
__scs_entry_jumppad:
0x0: {  	(pc) =	sbr.rel $0x88, $3  }
0x1: {  	(tag) =	ssettag $0x0;
	lr =	simm.s32 $0x1  }
0x2: {  	[smem:$0x3F9F] =	sst lr;
	_ =	strace $0xD0000000  }
0x3: {  	_ = 	snop  }
0x4: {  	_ = 	snop  }
0x5: {  	_ = 	snop  }
0x6: {  	_ = 	snop  }
0x7: {  	_ = 	snop  }
__scs_overlays_trampoline_lowered:
0x8: {  	[smem:$0x3FAE] =	sst s0  }
0x9: {  	[smem:$0x3FAF] =	sst s1  }
0xa: {  	[smem:$0x3FB0] =	sst s2  }
0xb: {  	[smem:$0x3FB1] =	sst s3  }
0xc: {  	[smem:$0x3FB2] =	sst s4  }
0xd: {  	[smem:$0x3FB3] =	sst s5  }
0xe: {  	[smem:$0x3FB4] =	sst s6  }
0xf: {  	[smem:$0x3FB5] =	sst s7  }
0x10: {  	[smem:$0x3FB6] =	sst s8  }
0x11: {  	[smem:$0x3FB7] =	sst s9;
	s0 =	simm.s32 @!p0 $0x0  }
0x12: {  	s1 =	sld [smem:$0x3F9D];
	s0 =	simm.s32 @p0 $0x1  }
0x13: {  	[smem:$0x3FB8] =	sst s0;
	s0 =	simm.s32 @!p1 $0x0  }
0x14: {  	s2 =	sld [smem:$0x3F9C];
	s0 =	simm.s32 @p1 $0x1  }
0x15: {  	[smem:$0x3FB9] =	sst s0;
	s0 =	simm.s32 @!p2 $0x0  }
0x16: {  	s3 =	sld [smem:$0x3FDB];
	s0 =	simm.s32 @p2 $0x1  }
0x17: {  	s4 =	simm.s32 $0x1BF5;
	[smem:$0x3FBB] =	sst s0  }
0x18: {  	s0 =	sld [smem:$0x3F9E];
	_ =	swait.ge [sflag:s4], $0x0  }
0x19: {  	s7 =	sld [smem:$0x3F9F]  }
0x1a: {  	s8 =	sadd.s32 $0xFFFFE003, lr  }
0x1b: {  	s9 =	sadd.s32 $0xFFFFFEF7, lr;
	s5 =	simm.s32 $0xFFFFFFFF;
	p2 =	slt.u32 s8, $0xFFFFF086  }
0x1c: {  	p1 =	slt.u32 s9, $0xF7A;
	s5 =	simm.s32 @!p2 $0x0  }
0x1d: {  	s5 =	simm.s32 @p1 $0x1;
	p0 =	seq.s32 s7, s2  }
0x1e: {  	s7 =	smul.u32 @!p0 $0xF7A, s2;
	p2 =	seq.s32 @!p0 s5, $0x0  }
0x1f: {  	s9 =	smul.u32 $0xF7A, s1;
	s8 =	simm.s32 @!p0 $0x1BF5;
	p2 =	por !p2, p0  }
0x20: {  	[sflag:s8] =	ssyncset.s32 @!p0 $0xFFFFF086;
	s6 =	sadd.s32 @!p0 s3, s7;
	s7 =	simm.s32 @!p0 $0x108  }
0x21: {  	s3 =	sadd.s32 s3, s9;
	s6 =	sadd.s32 @!p0 $0x88, s6;
	s7 =	simm.s32 @p2 $0x1082  }
0x22: {  	[simem:s7], [sflag:s8] =	dma.local @!p0 [hbm:s6], $0xF7A  }
0x23: {  	s9 =	sor.u32 $0xD0000000, s2;
	s6 =	simm.s32 $0x108;
	_ =	swait.ge @!p0 [sflag:s8], $0x0  }
0x24: {  	s3 =	sadd.s32 $0x88, s3;
	s6 =	simm.s32 @!p1 $0x1082;
	[sflag:s4] =	ssyncset.s32 $0xFFFFF086  }
0x25: {  	[simem:s6], [sflag:s4] =	dma.local [hbm:s3], $0xF7A  }
0x26: {  	[smem:$0x3F9F] =	sst s1;
	(tag) =	ssettag s2;
	_ =	strace s9  }
0x27: {  	s1 =	sld [smem:$0x3FAF]  }
0x28: {  	s2 =	sld [smem:$0x3FB0]  }
0x29: {  	s4 =	sld [smem:$0x3FB2]  }
0x2a: {  	p0 =	seq.s32 s5, $0x0;
	s5 =	sld [smem:$0x3FB3]  }
0x2b: {  	s6 =	sld [smem:$0x3FB4]  }
0x2c: {  	s7 =	sld [smem:$0x3FB5]  }
0x2d: {  	s3 =	simm.s32 $0x108;
	s8 =	sld [smem:$0x3FB6]  }
0x2e: {  	s3 =	simm.s32 @!p0 $0x1082;
	s9 =	sld [smem:$0x3FB7]  }
0x2f: {  	lr =	sadd.s32 s0, s3;
	s0 =	sld [smem:$0x3FAE]  }
0x30: {  	s3 =	sld [smem:$0x3FB1]  }
0x31: {  	[smem:$0x3FBA] =	sst s10  }
0x32: {  	s10 =	sld [smem:$0x3FB8];
	_ =	sdelay $0x3  }
0x33: {  	p0 =	seq.s32 s10, $0x1;
	s10 =	sld [smem:$0x3FBA];
	_ =	sdelay $0x3  }
0x34: {  	[smem:$0x3FBA] =	sst s10  }
0x35: {  	s10 =	sld [smem:$0x3FB9];
	_ =	sdelay $0x3  }
0x36: {  	p1 =	seq.s32 s10, $0x1;
	s10 =	sld [smem:$0x3FBA];
	_ =	sdelay $0x3  }
0x37: {  	[smem:$0x3FBA] =	sst s10  }
0x38: {  	s10 =	sld [smem:$0x3FBB]  }
0x39: {  	_ = 	snop;
	(pc) =	sbr.ind lr, $3  }
0x3a: {  	_ = 	snop  }
0x3b: {  	_ = 	snop  }
0x3c: {  	p2 =	seq.s32 s10, $0x1;
	s10 =	sld [smem:$0x3FBA]  }
0x3d: {  	_ =	shalt  }
0x3e: {  	_ =	shalt  }
0x3f: {  	_ =	shalt  }
0x40: {  	_ =	shalt  }
0x41: {  	_ =	shalt  }
0x42: {  	_ =	shalt  }
0x43: {  	_ =	shalt  }
0x44: {  	_ =	shalt  }
0x45: {  	_ =	shalt  }
0x46: {  	_ =	shalt  }
0x47: {  	_ =	shalt  }
0x48: {  	_ =	shalt  }
0x49: {  	_ =	shalt  }
0x4a: {  	_ =	shalt  }
0x4b: {  	_ =	shalt  }
0x4c: {  	_ =	shalt  }
0x4d: {  	_ =	shalt  }
0x4e: {  	_ =	shalt  }
0x4f: {  	_ =	shalt  }
0x50: {  	_ =	shalt  }
0x51: {  	_ =	shalt  }
0x52: {  	_ =	shalt  }
0x53: {  	_ =	shalt  }
0x54: {  	_ =	shalt  }
0x55: {  	_ =	shalt  }
0x56: {  	_ =	shalt  }
0x57: {  	_ =	shalt  }
0x58: {  	_ =	shalt  }
0x59: {  	_ =	shalt  }
0x5a: {  	_ =	shalt  }
0x5b: {  	_ =	shalt  }
0x5c: {  	_ =	shalt  }
0x5d: {  	_ =	shalt  }
0x5e: {  	_ =	shalt  }
0x5f: {  	_ =	shalt  }
0x60: {  	_ =	shalt  }
0x61: {  	_ =	shalt  }
0x62: {  	_ =	shalt  }
0x63: {  	_ =	shalt  }
0x64: {  	_ =	shalt  }
0x65: {  	_ =	shalt  }
0x66: {  	_ =	shalt  }
0x67: {  	_ =	shalt  }
0x68: {  	_ =	shalt  }
0x69: {  	_ =	shalt  }
0x6a: {  	_ =	shalt  }
0x6b: {  	_ =	shalt  }
0x6c: {  	_ =	shalt  }
0x6d: {  	_ =	shalt  }
0x6e: {  	_ =	shalt  }
0x6f: {  	_ =	shalt  }
0x70: {  	_ =	shalt  }
0x71: {  	_ =	shalt  }
0x72: {  	_ =	shalt  }
0x73: {  	_ =	shalt  }
0x74: {  	_ =	shalt  }
0x75: {  	_ =	shalt  }
0x76: {  	_ =	shalt  }
0x77: {  	_ =	shalt  }
0x78: {  	_ =	shalt  }
0x79: {  	_ =	shalt  }
0x7a: {  	_ =	shalt  }
0x7b: {  	_ =	shalt  }
0x7c: {  	_ =	shalt  }
0x7d: {  	_ =	shalt  }
0x7e: {  	_ =	shalt  }
0x7f: {  	_ =	shalt  }
0x80: {  	_ =	shalt  }
0x81: {  	_ =	shalt  }
0x82: {  	_ =	shalt  }
0x83: {  	_ =	shalt  }
0x84: {  	_ =	shalt  }
0x85: {  	_ =	shalt  }
0x86: {  	_ =	shalt  }
0x87: {  	_ =	shalt  }
.Lfunc_end0:
.L_simem_size_0:
called_computation.3_lowered:
.L_overlay_start_0:
0x88: {  	s2 =	sld [smem:$0x3FD9]  }
0x89: {  	s3 =	sld [smem:$0x3FFE];
	_ =	sdelay $0x1  }
0x8a: {  	s1 =	srdreg.scid  }
0x8b: {  	s0 =	sand.u32 $0x1, s1  }
0x8c: {  	s14 =	sshll.u32 s0, $0xA;
	s2 =	sadd.s32 s3, s2  }
0x8d: {  	s2 =	sadd.s32 s2, s14  }
0x8e: {  	[smem:$0x3FC6] =	sst s2  }
0x8f: {  	_ = 	snop  }
0x90: {  	s2 =	sld [smem:$0x3FD0];
	_ =	sdelay $0x2  }
0x91: {  	s15 =	simm.s32 $0xA;
	s4 =	simm.s32 $0x10  }
0x92: {  	[smem:s4], [sflag:s15] =	dma.local [hbm:s2], $0x1  }
0x93: {  	_ =	swait.eq [sflag:s15], $0x1  }
0x94: {  	[sflag:s15] =	ssyncset.done $0x0  }
0x95: {  	[sflag:s15] =	ssyncadd.s32 $0xFFFFFFFF  }
0x96: {  	s16 =	sld [smem:$0x10];
	(tm) =	ssettm $0x1  }
0x97: {  	s17 =	sld [smem:$0x3FFB];
	_ =	sdelay $0x3  }
0x98: {  	_ =	strace s17  }
0x99: {  	s3 =	sld [smem:$0x3FFC];
	_ =	sdelay $0x3  }
0x9a: {  	_ =	strace s3  }
0x9b: {  	s3 =	sld [smem:$0x3FFD];
	_ =	sdelay $0x3  }
0x9c: {  	_ =	strace s3  }
0x9d: {  	_ =	strace $0x8FFFFFFF  }
0x9e: {  	s18 =	sld [smem:$0x3FDB];
	_ =	sdelay $0x1  }
0x9f: {  	s19 =	simm.s32 $_scs_section_size  }
0xa0: {  	s5 =	simm.s32 $_size__tile_overlayer_lowered;
	s6 =	simm.s32 $_tile_overlayer_lowered  }
0xa1: {  	s22 =	simm.s32 $0x1BFF;
	s21 =	sshll.u32 s6, $0x1;
	s3 =	sadd.s32 s19, s18  }
0xa2: {  	s7 =	simm.s32 $0x0;
	s20 =	sshll.u32 s5, $0x1;
	s5 =	sadd.s32 s21, s3  }
0xa3: {  	[timem:s7], [sflag:s22] =	dma.local [hbm:s5], s20  }
0xa4: {  	_ =	swait.ge [sflag:s22], s20  }
0xa5: {  	s4 =	ssub.s32 $0x0, s20;
	[sflag:s22] =	ssyncset.done $0x0  }
0xa6: {  	[sflag:s22] =	ssyncadd.s32 s4;
	_ =	sdelay $0x1  }
0xa7: {  	s23 =	simm.s32 $0x1B8B  }
0xa8: {  	_ =	swait.ge [sflag:s23], $0x1  }
0xa9: {  	[sflag:s23] =	ssyncset.done $0x0  }
0xaa: {  	s25 =	simm.s32 $0x1B8E;
	s24 =	sld [smem:$0x3FFE];
	[sflag:s23] =	ssyncadd.s32 $0xFFFFFFFF  }
0xab: {  	s26 =	simm.s32 $execute0_lowered;
	[smem:$0x3FD2] =	sst s25  }
0xac: {  	s5 =	sshll.u32 s26, $0x1;
	_ =	strace $0x8000004F;
	[dreg:$0x1] =	wrdreg $0xFFFFFFFF  }
0xad: {  	s28 =	simm.s32 $_size_execute0_lowered;
	s3 =	sadd.s32 s3, s5;
	[dreg:$0x0] =	wrdreg $0x0  }
0xae: {  	s5 =	sshll.u32 s28, $0x1;
	[dreg:$0x2] =	wrdreg s3  }
0xaf: {  	[dreg:$0x3] =	wrdreg s5  }
0xb0: {  	[dreg:$0x4] =	wrdreg $0xC0  }
0xb1: {  	_ =	task [dreg:s7], $0x5FFFF  }
0xb2: {  	[dreg:$0x1] =	wrdreg $0xFFFFFFFF  }
0xb3: {  	[dreg:$0x0] =	wrdreg $0x60  }
0xb4: {  	[dreg:$0x2] =	wrdreg s24  }
0xb5: {  	[dreg:$0x3] =	wrdreg s16  }
0xb6: {  	[dreg:$0x4] =	wrdreg $0xAA000  }
0xb7: {  	[dreg:$0x5] =	wrdreg $0x9  }
0xb8: {  	_ =	task.clear_ibuf [dreg:s7], $0x6FFFF;
	_ =	strace $0x9000004F  }
0xb9: {  	s29 =	simm.s32 $0x9;
	_ =	strace $0x80000051  }
0xba: {  	_ =	swait.ge [sflag:s29], $0x1  }
0xbb: {  	[sflag:s29] =	ssyncadd.s32 $0xFFFFFFFF  }
0xbc: {  	_ =	strace $0x90000051  }
0xbd: {  	_ =	sfence  }
0xbe: {  	s30 =	sld [smem:$0x0];
	_ =	sdelay $0x2  }
0xbf: {  	s31 =	sshll.u32 s1, $0xD;
	s1 =	sshrl.u32 s1, $0x2  }
0xc0: {  	s3 =	sand.u32 $0x4000, s31;
	s1 =	sadd.s32 s1, s30  }
0xc1: {  	s0 =	sor.u32 s3, s0;
	s1 =	sshll.u32 s1, $0x11  }
0xc2: {  	s0 =	sor.u32 s1, s0  }
0xc3: {  	s0 =	sadd.s32 $0x8F2B, s0  }
0xc4: {  	[sflag:s0] =	ssyncadd.remote.s32 $0x1  }
0xc5: {  	_ =	sfence.sel $0xFFFF  }
0xc6: {  	[dreg:$0x0] =	wrdreg $0xFFFFFFFF;
	(pc) =	sbr.abs _section_cstart, $3  }
0xc7: {  	[dreg:$0x1] =	wrdreg $0xFFFFFFFF  }
0xc8: {  	_ =	task.clear_ibuf [dreg:s7], $0x2FFFF;
	_ =	strace $0x9FFFFFFF  }
0xc9: {  	(tm) =	ssettm $0x7FFFFFFF  }
tec
execute0_lowered:
.L_overlay_start_1:
0x0: {  	(tag) =	ssettag $0x1  }
0x1: {  	s0 =	rddreg [dreg:$0x0]  }
0x2: {  	s3 =	rddreg [dreg:$0x1]  }
0x3: {  	s1 =	rddreg [dreg:$0x2];
	s2 =	srdreg.scid  }
0x4: {  	s4 =	simm.s32 $0x0;
	s23 =	stileid.u32;
	s13 =	simm.s32 $0x3  }
0x5: {  	s14 =	simm.s32 $0x2A00;
	s15 =	simm.s32 $0x20;
	s28 =	simm.s32 $0x28C0  }
0x6: {  	s29 =	simm.s32 $0x8A00;
	s30 =	simm.s32 $0x28E0;
	s31 =	simm.s32 $0x9A00  }
0x7: {  	s16 =	simm.s32 $0x2900;
	s17 =	simm.s32 $0x2;
	s18 =	simm.s32 $0x2980  }
0x8: {  	s19 =	simm.s32 $0x0;
	s5 =	sand.u32 $0x1, s2;
	s7 =	smul.u32 $0x14000, s23  }
0x9: {  	[smem:$0x7FF] =	sst s4;
	s4 =	sadd.s32 $0x2000, s0;
	s25 =	smul.u32 $0x50000, s23  }
0xa: {  	s6 =	smul.u32 $0x140000, s5;
	s8 =	sshll.u32 s5, $0x4;
	s5 =	ssub.s32 $0x2, s5  }
0xb: {  	_ =	strace $0x80000050;
	s24 =	sor.u32 s23, s8;
	s26 =	sshrl.u32 s5, $0x1  }
0xc: {  	s8 =	sshrl.u32 s25, $0x2;
	s23 =	simm.s32 $0x2880;
	s25 =	simm.s32 $0x28A0  }
0xd: {  	s6 =	sadd.s32 s7, s6;
	s7 =	smul.u32 $0x500, s24;
	s12 =	ssub.s32 s5, s26  }
.Ltmp0:
0xe: {  	s24 =	simm.s32 $0x6A00;
	s6 =	sshrl.u32 s6, $0x3;
	(pc) =	sbr.rel .LBB2_1-.Ltmp0, $4  }
0xf: {  	s26 =	simm.s32 $0x7A00;
	s12 =	smax.u32 s12, $0x1;
	s0 =	sadd.s32 s6, s0  }
0x10: {  	s5 =	sadd.s32 s3, s7;
	s6 =	sadd.s32 s8, s1;
	s3 =	simm.s32 $0x80  }
0x11: {  	s7 =	sadd.s32 $0x4000, s6;
	s8 =	sadd.s32 $0x8000, s6;
	s9 =	sadd.s32 $0xC000, s6  }
0x12: {  	v0 =	vimm.f32 $0.0e+00;
	s10 =	sadd.s32 $0x10000, s6;
	s11 =	sadd.s32 $0x29200, s0;
	s0 =	simm.s32 $0x1  }
.LBB2_6:
0x13: {  	s2 =	stileid.u32;
	s19 =	sadd.s32 $0x1, s19  }
0x14: {  	[bflag:$0x0] =	sbarrier.arrive $0xFFFF;
	s2 =	sshll.u32 s2, $0x6;
	p0 =	sne.s32 s19, s12  }
.Ltmp1:
0x15: {  	s20 =	sshrl.u32 s6, $0x3;
	s2 =	sor.u32 $0x1C03, s2;
	(pc) =	sbr.rel @!p0 .LBB2_7-.Ltmp1, $4  }
0x16: {  	[hbm:s11], [sflag:s2] =	dma.local [spmem:s20], $0x2800  }
0x17: {  	_ =	swait.ge [sflag:s13], $0x2800  }
0x18: {  	[sflag:s13] =	ssyncset.done $0x0  }
0x19: {  	[sflag:s13] =	ssyncadd.s32 $0xFFFFD800  }
.LBB2_1:
0x1a: {  	s2 =	simm.s32 $0x0  }
0x1b: {  	[tilespmem:s2], [sflag:$0x3] =	stream.linear.gather [hbm4b:s5+s2], $0x2800, $0x38;
	[tilespmem:$0x1EA00] =	vst v63  }
0x1c: {  	_ =	swait.ge [sflag:s13], $0x2800  }
0x1d: {  	[sflag:s13] =	ssyncset.done $0x0  }
0x1e: {  	s20 =	simm.s32 $0x0;
	s21 =	simm.s32 $0x200;
	[sflag:s13] =	ssyncadd.s32 $0xFFFFD800  }
.LBB2_2:
0x1f: {  	p0 =	sne.s32 s21, $0xFE00;
	[tilespmem:s20+$0x2A70] =	vst v0  }
0x20: {  	[tilespmem:s20+$0x2A00] =	vst v0  }
0x21: {  	[tilespmem:s20+$0x2A10] =	vst v0  }
.Ltmp2:
0x22: {  	[tilespmem:s20+$0x2A20] =	vst v0;
	(pc) =	sbr.rel @p0 .LBB2_2-.Ltmp2, $4  }
0x23: {  	[tilespmem:s20+$0x2A30] =	vst v0  }
0x24: {  	[tilespmem:s20+$0x2A40] =	vst v0  }
0x25: {  	[tilespmem:s20+$0x2A50] =	vst v0  }
0x26: {  	[tilespmem:s20+$0x2A60] =	vst v0;
	s20 =	sshra.s32 s21, $0x2;
	s21 =	sadd.s32 $0x200, s21  }
0x27: {  	[tilespmem:s20+$0x2A70] =	vst v0  }
0x28: {  	[tilespmem:s20+$0x2A00] =	vst v0  }
0x29: {  	[tilespmem:s20+$0x2A10] =	vst v0  }
0x2a: {  	[tilespmem:s20+$0x2A20] =	vst v0  }
0x2b: {  	[tilespmem:s20+$0x2A30] =	vst v0  }
0x2c: {  	[tilespmem:s20+$0x2A40] =	vst v0  }
0x2d: {  	[tilespmem:s20+$0x2A50] =	vst v0  }
0x2e: {  	[tilespmem:s20+$0x2A60] =	vst v0  }
0x2f: {  	[spmem:s6] =	stream.linear.scatter [tilespmem:s14], [sflag:$0x3], $0x4000, $0x38;
	[tilespmem:$0x1EA00] =	vst v63  }
0x30: {  	_ =	swait.ge [sflag:s13], $0x4000  }
0x31: {  	[sflag:s13] =	ssyncset.done $0x0  }
0x32: {  	[sflag:s13] =	ssyncadd.s32 $0xFFFFC000  }
0x33: {  	[spmem:s7] =	stream.linear.scatter [tilespmem:s14], [sflag:$0x3], $0x4000, $0x38;
	[tilespmem:$0x1EA00] =	vst v63  }
0x34: {  	_ =	swait.ge [sflag:s13], $0x4000  }
0x35: {  	[sflag:s13] =	ssyncset.done $0x0  }
0x36: {  	[sflag:s13] =	ssyncadd.s32 $0xFFFFC000  }
0x37: {  	[spmem:s8] =	stream.linear.scatter [tilespmem:s14], [sflag:$0x3], $0x4000, $0x38;
	[tilespmem:$0x1EA00] =	vst v63  }
0x38: {  	_ =	swait.ge [sflag:s13], $0x4000  }
0x39: {  	[sflag:s13] =	ssyncset.done $0x0  }
0x3a: {  	[sflag:s13] =	ssyncadd.s32 $0xFFFFC000  }
0x3b: {  	[spmem:s9] =	stream.linear.scatter [tilespmem:s14], [sflag:$0x3], $0x4000, $0x38;
	[tilespmem:$0x1EA00] =	vst v63  }
0x3c: {  	_ =	swait.ge [sflag:s13], $0x4000  }
0x3d: {  	[sflag:s13] =	ssyncset.done $0x0  }
0x3e: {  	[sflag:s13] =	ssyncadd.s32 $0xFFFFC000  }
0x3f: {  	[spmem:s10] =	stream.linear.scatter [tilespmem:s14], [sflag:$0x3], $0x4000, $0x38;
	[tilespmem:$0x1EA00] =	vst v63  }
0x40: {  	_ =	swait.ge [sflag:s13], $0x4000  }
0x41: {  	[sflag:s13] =	ssyncset.done $0x0  }
0x42: {  	[sflag:s13] =	ssyncadd.s32 $0xFFFFC000  }
0x43: {  	[bflag:$0x0] =	sbarrier.arrive $0xFFFF  }
0x44: {  	v1 =	vld [tilespmem:$0x0];
	_ =	sdelay $0x1  }
0x45: {  	v2 =	vld [tilespmem:$0x10];
	_ =	sdelay $0x1  }
0x46: {  	v3 =	vld [tilespmem:$0x20]  }
0x47: {  	v4 =	vshrl.u32 v1, $0xE  }
0x48: {  	v59 =	vld [tilespmem:$0x30];
	v1 =	vand.u32 $0x3FFF, v1;
	[tilespmem:$0x2800] =	vst v4  }
0x49: {  	[tilespmem:$0x2900] =	vst v1;
	v1 =	vshrl.u32 v2, $0xE  }
0x4a: {  	[tilespmem:$0x2810] =	vst v1;
	v1 =	vand.u32 $0x3FFF, v2;
	v2 =	vld [tilespmem:$0x40]  }
0x4b: {  	[tilespmem:$0x2910] =	vst v1;
	v1 =	vshrl.u32 v3, $0xE  }
0x4c: {  	[tilespmem:$0x2820] =	vst v1;
	v1 =	vand.u32 $0x3FFF, v3;
	v3 =	vld [tilespmem:$0x50]  }
0x4d: {  	[tilespmem:$0x2920] =	vst v1;
	v1 =	vshrl.u32 v59, $0xE  }
0x4e: {  	v60 =	vld [tilespmem:$0x60];
	[tilespmem:$0x2830] =	vst v1;
	v1 =	vand.u32 $0x3FFF, v59  }
0x4f: {  	[tilespmem:$0x2930] =	vst v1;
	v1 =	vshrl.u32 v2, $0xE  }
0x50: {  	[tilespmem:$0x2840] =	vst v1;
	v1 =	vand.u32 $0x3FFF, v2;
	v2 =	vld [tilespmem:$0x70]  }
0x51: {  	[tilespmem:$0x2940] =	vst v1;
	v1 =	vshrl.u32 v3, $0xE  }
0x52: {  	[tilespmem:$0x2850] =	vst v1;
	v1 =	vand.u32 $0x3FFF, v3;
	v3 =	vld [tilespmem:$0x80]  }
0x53: {  	[tilespmem:$0x2950] =	vst v1;
	v1 =	vshrl.u32 v60, $0xE  }
0x54: {  	v61 =	vld [tilespmem:$0x90];
	[tilespmem:$0x2860] =	vst v1;
	v1 =	vand.u32 $0x3FFF, v60  }
0x55: {  	[tilespmem:$0x2960] =	vst v1;
	v1 =	vshrl.u32 v2, $0xE  }
0x56: {  	[tilespmem:$0x2870] =	vst v1;
	v1 =	vand.u32 $0x3FFF, v2;
	v2 =	vld [tilespmem:$0xA0]  }
0x57: {  	[tilespmem:$0x2970] =	vst v1;
	v1 =	vshrl.u32 v3, $0xE  }
0x58: {  	[tilespmem:$0x2880] =	vst v1;
	v1 =	vand.u32 $0x3FFF, v3;
	v3 =	vld [tilespmem:$0xB0]  }
0x59: {  	[tilespmem:$0x2980] =	vst v1;
	v1 =	vshrl.u32 v61, $0xE  }
0x5a: {  	v62 =	vld [tilespmem:$0xC0];
	[tilespmem:$0x2890] =	vst v1;
	v1 =	vand.u32 $0x3FFF, v61  }
0x5b: {  	[tilespmem:$0x2990] =	vst v1;
	v1 =	vshrl.u32 v2, $0xE  }
0x5c: {  	[tilespmem:$0x28A0] =	vst v1;
	v1 =	vand.u32 $0x3FFF, v2;
	v2 =	vld [tilespmem:$0xD0]  }
0x5d: {  	[tilespmem:$0x29A0] =	vst v1;
	v1 =	vshrl.u32 v3, $0xE  }
0x5e: {  	[tilespmem:$0x28B0] =	vst v1;
	v1 =	vand.u32 $0x3FFF, v3;
	v3 =	vld [tilespmem:$0xE0]  }
0x5f: {  	[tilespmem:$0x29B0] =	vst v1;
	v1 =	vshrl.u32 v62, $0xE  }
0x60: {  	v63 =	vld [tilespmem:$0xF0];
	[tilespmem:$0x28C0] =	vst v1;
	v1 =	vand.u32 $0x3FFF, v62  }
0x61: {  	[tilespmem:$0x29C0] =	vst v1;
	v1 =	vshrl.u32 v2, $0xE  }
0x62: {  	[tilespmem:$0x28D0] =	vst v1;
	v1 =	vand.u32 $0x3FFF, v2  }
0x63: {  	[tilespmem:$0x29D0] =	vst v1;
	v1 =	vshrl.u32 v3, $0xE  }
0x64: {  	[tilespmem:$0x28E0] =	vst v1;
	v1 =	vand.u32 $0x3FFF, v3  }
0x65: {  	[tilespmem:$0x29E0] =	vst v1;
	v1 =	vshrl.u32 v63, $0xE  }
0x66: {  	[tilespmem:$0x28F0] =	vst v1;
	v1 =	vand.u32 $0x3FFF, v63  }
0x67: {  	s2 =	simm.s32 $0x2800;
	[tilespmem:$0x29F0] =	vst v1  }
0x68: {  	[tilespmem:s14], [sflag:$0x1] =	stream.indirect.gather [hbm4b:s4+s15], $0x80, s2, s15, $0xb8;
	[tilespmem:$0x1EA00] =	vst v63  }
0x69: {  	s21 =	simm.s32 $0x2820;
	s22 =	simm.s32 $0x3A00  }
0x6a: {  	[tilespmem:s22], [sflag:$0x1] =	stream.indirect.gather [hbm4b:s4+s15], $0x80, s21, s15, $0xb8;
	[tilespmem:$0x1EA00] =	vst v63  }
0x6b: {  	s21 =	simm.s32 $0x2840;
	s22 =	simm.s32 $0x4A00  }
0x6c: {  	[tilespmem:s22], [sflag:$0x1] =	stream.indirect.gather [hbm4b:s4+s15], $0x80, s21, s15, $0xb8;
	[tilespmem:$0x1EA00] =	vst v63  }
0x6d: {  	s21 =	simm.s32 $0x2860;
	s22 =	simm.s32 $0x5A00  }
0x6e: {  	[tilespmem:s22], [sflag:$0x1] =	stream.indirect.gather [hbm4b:s4+s15], $0x80, s21, s15, $0xb8;
	[tilespmem:$0x1EA00] =	vst v63  }
0x6f: {  	_ = 	snop  }
0x70: {  	[tilespmem:s24], [sflag:$0x2] =	stream.indirect.gather [hbm4b:s4+s15], $0x80, s23, s15, $0xb8;
	[tilespmem:$0x1EA00] =	vst v63  }
0x71: {  	_ = 	snop  }
0x72: {  	[tilespmem:s26], [sflag:$0x2] =	stream.indirect.gather [hbm4b:s4+s15], $0x80, s25, s15, $0xb8;
	[tilespmem:$0x1EA00] =	vst v63  }
0x73: {  	_ = 	snop  }
0x74: {  	[tilespmem:s29], [sflag:$0x2] =	stream.indirect.gather [hbm4b:s4+s15], $0x80, s28, s15, $0xb8;
	[tilespmem:$0x1EA00] =	vst v63  }
0x75: {  	s20 =	simm.s32 $0x0  }
0x76: {  	[tilespmem:s31], [sflag:$0x2] =	stream.indirect.gather [hbm4b:s4+s15], $0x80, s30, s15, $0xb8;
	[tilespmem:$0x1EA00] =	vst v63  }
.LBB2_4:
0x77: {  	_ =	swait.ge [sflag:s0], $0x1000  }
0x78: {  	[sflag:s0] =	ssyncset.done $0x0  }
0x79: {  	[sflag:s0] =	ssyncadd.s32 $0xFFFFF000  }
0x7a: {  	_ =	swait.ge [sflag:s0], $0x1000  }
0x7b: {  	[sflag:s0] =	ssyncset.done $0x0  }
0x7c: {  	[sflag:s0] =	ssyncadd.s32 $0xFFFFF000  }
0x7d: {  	_ =	swait.ge [sflag:s0], $0x1000  }
0x7e: {  	[sflag:s0] =	ssyncset.done $0x0  }
0x7f: {  	[sflag:s0] =	ssyncadd.s32 $0xFFFFF000  }
0x80: {  	_ =	swait.ge [sflag:s0], $0x1000  }
0x81: {  	[sflag:s0] =	ssyncset.done $0x0  }
0x82: {  	[sflag:s0] =	ssyncadd.s32 $0xFFFFF000  }
0x83: {  	[spmem:s1] =	stream.indirect.scatter.add.f32 [tilespmem:s14], [sflag:$0x3], $0x80, s16, s3, $0xb8;
	[tilespmem:$0x1EA00] =	vst v63  }
0x84: {  	_ =	swait.ge [sflag:s13], $0x4000  }
0x85: {  	p0 =	seq.s32 s20, $0x9C00;
	[sflag:s13] =	ssyncset.done $0x0  }
0x86: {  	s21 =	sshra.s32 @!p0 s20, $0x2;
	[sflag:s13] =	ssyncadd.s32 $0xFFFFC000  }
0x87: {  	v1 =	vld @!p0 [tilespmem:s21+$0x100];
	_ =	sdelay $0x4  }
0x88: {  	v2 =	vshrl.u32 @!p0 v1, $0xE  }
0x89: {  	v1 =	vand.u32 @!p0 $0x3FFF, v1;
	[tilespmem:$0x2800] =	vst @!p0 v2  }
0x8a: {  	[tilespmem:$0x2900] =	vst @!p0 v1  }
0x8b: {  	v1 =	vld @!p0 [tilespmem:s21+$0x110];
	_ =	sdelay $0x4  }
0x8c: {  	v2 =	vshrl.u32 @!p0 v1, $0xE  }
0x8d: {  	v1 =	vand.u32 @!p0 $0x3FFF, v1;
	[tilespmem:$0x2810] =	vst @!p0 v2  }
0x8e: {  	[tilespmem:$0x2910] =	vst @!p0 v1  }
0x8f: {  	v1 =	vld @!p0 [tilespmem:s21+$0x120];
	_ =	sdelay $0x4  }
0x90: {  	v2 =	vshrl.u32 @!p0 v1, $0xE  }
0x91: {  	v1 =	vand.u32 @!p0 $0x3FFF, v1;
	[tilespmem:$0x2820] =	vst @!p0 v2  }
0x92: {  	[tilespmem:$0x2920] =	vst @!p0 v1  }
0x93: {  	v1 =	vld @!p0 [tilespmem:s21+$0x130];
	_ =	sdelay $0x4  }
0x94: {  	v2 =	vshrl.u32 @!p0 v1, $0xE  }
0x95: {  	v1 =	vand.u32 @!p0 $0x3FFF, v1;
	[tilespmem:$0x2830] =	vst @!p0 v2  }
0x96: {  	[tilespmem:$0x2930] =	vst @!p0 v1  }
0x97: {  	v1 =	vld @!p0 [tilespmem:s21+$0x140];
	_ =	sdelay $0x4  }
0x98: {  	v2 =	vshrl.u32 @!p0 v1, $0xE  }
0x99: {  	v1 =	vand.u32 @!p0 $0x3FFF, v1;
	[tilespmem:$0x2840] =	vst @!p0 v2  }
0x9a: {  	[tilespmem:$0x2940] =	vst @!p0 v1  }
0x9b: {  	v1 =	vld @!p0 [tilespmem:s21+$0x150];
	_ =	sdelay $0x4  }
0x9c: {  	v2 =	vshrl.u32 @!p0 v1, $0xE  }
0x9d: {  	v1 =	vand.u32 @!p0 $0x3FFF, v1;
	[tilespmem:$0x2850] =	vst @!p0 v2  }
0x9e: {  	[tilespmem:$0x2950] =	vst @!p0 v1  }
0x9f: {  	v1 =	vld @!p0 [tilespmem:s21+$0x160];
	_ =	sdelay $0x4  }
0xa0: {  	v2 =	vshrl.u32 @!p0 v1, $0xE  }
0xa1: {  	v1 =	vand.u32 @!p0 $0x3FFF, v1;
	[tilespmem:$0x2860] =	vst @!p0 v2  }
0xa2: {  	[tilespmem:$0x2960] =	vst @!p0 v1  }
0xa3: {  	v1 =	vld @!p0 [tilespmem:s21+$0x170];
	_ =	sdelay $0x4  }
0xa4: {  	v2 =	vshrl.u32 @!p0 v1, $0xE  }
0xa5: {  	v1 =	vand.u32 @!p0 $0x3FFF, v1;
	[tilespmem:$0x2870] =	vst @!p0 v2  }
0xa6: {  	s22 =	simm.s32 @!p0 $0x2800;
	s2 =	simm.s32 @!p0 $0x2A00;
	s21 =	simm.s32 @!p0 $0x20;
	[tilespmem:$0x2970] =	vst @!p0 v1  }
0xa7: {  	[tilespmem:s2], [sflag:$0x1] =	stream.indirect.gather @!p0 [hbm4b:s4+s21], $0x80, s22, s21, $0xb8;
	[tilespmem:$0x1EA00] =	vst v63  }
0xa8: {  	s2 =	simm.s32 @!p0 $0x2820;
	s22 =	simm.s32 @!p0 $0x3A00  }
0xa9: {  	[tilespmem:s22], [sflag:$0x1] =	stream.indirect.gather @!p0 [hbm4b:s4+s21], $0x80, s2, s21, $0xb8;
	[tilespmem:$0x1EA00] =	vst v63  }
0xaa: {  	s2 =	simm.s32 @!p0 $0x2840;
	s22 =	simm.s32 @!p0 $0x4A00  }
0xab: {  	[tilespmem:s22], [sflag:$0x1] =	stream.indirect.gather @!p0 [hbm4b:s4+s21], $0x80, s2, s21, $0xb8;
	[tilespmem:$0x1EA00] =	vst v63  }
0xac: {  	s2 =	simm.s32 @!p0 $0x2860;
	s22 =	simm.s32 @!p0 $0x5A00  }
0xad: {  	[tilespmem:s22], [sflag:$0x1] =	stream.indirect.gather @!p0 [hbm4b:s4+s21], $0x80, s2, s21, $0xb8;
	[tilespmem:$0x1EA00] =	vst v63  }
0xae: {  	_ =	swait.ge [sflag:s17], $0x1000  }
0xaf: {  	[sflag:s17] =	ssyncset.done $0x0  }
0xb0: {  	[sflag:s17] =	ssyncadd.s32 $0xFFFFF000  }
0xb1: {  	_ =	swait.ge [sflag:s17], $0x1000  }
0xb2: {  	[sflag:s17] =	ssyncset.done $0x0  }
0xb3: {  	[sflag:s17] =	ssyncadd.s32 $0xFFFFF000  }
0xb4: {  	_ =	swait.ge [sflag:s17], $0x1000  }
0xb5: {  	[sflag:s17] =	ssyncset.done $0x0  }
0xb6: {  	[sflag:s17] =	ssyncadd.s32 $0xFFFFF000  }
0xb7: {  	_ =	swait.ge [sflag:s17], $0x1000  }
0xb8: {  	[sflag:s17] =	ssyncset.done $0x0  }
.Ltmp3:
0xb9: {  	[sflag:s17] =	ssyncadd.s32 $0xFFFFF000;
	(pc) =	sbr.rel @p0 .LBB2_6-.Ltmp3, $4  }
0xba: {  	[spmem:s1] =	stream.indirect.scatter.add.f32 [tilespmem:s24], [sflag:$0x3], $0x80, s18, s3, $0xb8;
	[tilespmem:$0x1EA00] =	vst v63  }
0xbb: {  	_ =	swait.ge [sflag:s13], $0x4000  }
0xbc: {  	[sflag:s13] =	ssyncset.done $0x0  }
0xbd: {  	[sflag:s13] =	ssyncadd.s32 $0xFFFFC000  }
0xbe: {  	s2 =	sshra.s32 s20, $0x2  }
0xbf: {  	v1 =	vld [tilespmem:s2+$0x180];
	_ =	sdelay $0x4  }
0xc0: {  	v2 =	vshrl.u32 v1, $0xE  }
0xc1: {  	v1 =	vand.u32 $0x3FFF, v1;
	[tilespmem:$0x2880] =	vst v2  }
0xc2: {  	[tilespmem:$0x2980] =	vst v1  }
0xc3: {  	v1 =	vld [tilespmem:s2+$0x190];
	_ =	sdelay $0x4  }
0xc4: {  	v2 =	vshrl.u32 v1, $0xE  }
0xc5: {  	v1 =	vand.u32 $0x3FFF, v1;
	[tilespmem:$0x2890] =	vst v2  }
0xc6: {  	[tilespmem:$0x2990] =	vst v1  }
0xc7: {  	v1 =	vld [tilespmem:s2+$0x1A0];
	_ =	sdelay $0x4  }
0xc8: {  	v2 =	vshrl.u32 v1, $0xE  }
0xc9: {  	v1 =	vand.u32 $0x3FFF, v1;
	[tilespmem:$0x28A0] =	vst v2  }
0xca: {  	[tilespmem:$0x29A0] =	vst v1  }
0xcb: {  	v1 =	vld [tilespmem:s2+$0x1B0];
	_ =	sdelay $0x4  }
0xcc: {  	v2 =	vshrl.u32 v1, $0xE  }
0xcd: {  	v1 =	vand.u32 $0x3FFF, v1;
	[tilespmem:$0x28B0] =	vst v2  }
0xce: {  	[tilespmem:$0x29B0] =	vst v1  }
0xcf: {  	v1 =	vld [tilespmem:s2+$0x1C0];
	_ =	sdelay $0x4  }
0xd0: {  	v2 =	vshrl.u32 v1, $0xE  }
0xd1: {  	v1 =	vand.u32 $0x3FFF, v1;
	[tilespmem:$0x28C0] =	vst v2  }
0xd2: {  	[tilespmem:$0x29C0] =	vst v1  }
0xd3: {  	v1 =	vld [tilespmem:s2+$0x1D0];
	_ =	sdelay $0x4  }
0xd4: {  	v2 =	vshrl.u32 v1, $0xE  }
0xd5: {  	v1 =	vand.u32 $0x3FFF, v1;
	[tilespmem:$0x28D0] =	vst v2  }
0xd6: {  	[tilespmem:$0x29D0] =	vst v1  }
0xd7: {  	v1 =	vld [tilespmem:s2+$0x1E0];
	_ =	sdelay $0x4  }
0xd8: {  	v2 =	vshrl.u32 v1, $0xE  }
0xd9: {  	v1 =	vand.u32 $0x3FFF, v1;
	[tilespmem:$0x28E0] =	vst v2  }
0xda: {  	[tilespmem:$0x29E0] =	vst v1  }
0xdb: {  	v1 =	vld [tilespmem:s2+$0x1F0];
	_ =	sdelay $0x4  }
0xdc: {  	v2 =	vshrl.u32 v1, $0xE  }
0xdd: {  	v1 =	vand.u32 $0x3FFF, v1;
	[tilespmem:$0x28F0] =	vst v2  }
0xde: {  	[tilespmem:$0x29F0] =	vst v1  }
0xdf: {  	[tilespmem:s24], [sflag:$0x2] =	stream.indirect.gather [hbm4b:s4+s15], $0x80, s23, s15, $0xb8;
	[tilespmem:$0x1EA00] =	vst v63  }
0xe0: {  	_ = 	snop  }
0xe1: {  	[tilespmem:s26], [sflag:$0x2] =	stream.indirect.gather [hbm4b:s4+s15], $0x80, s25, s15, $0xb8;
	[tilespmem:$0x1EA00] =	vst v63  }
.Ltmp4:
0xe2: {  	_ = 	snop;
	(pc) =	sbr.rel .LBB2_4-.Ltmp4, $4  }
0xe3: {  	_ = 	snop  }
0xe4: {  	[tilespmem:s29], [sflag:$0x2] =	stream.indirect.gather [hbm4b:s4+s15], $0x80, s28, s15, $0xb8;
	[tilespmem:$0x1EA00] =	vst v63  }
0xe5: {  	s20 =	sadd.s32 $0x400, s20  }
0xe6: {  	[tilespmem:s31], [sflag:$0x2] =	stream.indirect.gather [hbm4b:s4+s15], $0x80, s30, s15, $0xb8;
	[tilespmem:$0x1EA00] =	vst v63  }
.LBB2_7:
0xe7: {  	_ =	sfence.sel $0x180000  }
0xe8: {  	[bflag:$0x0] =	sbarrier.arrive $0xFFFF  }
0xe9: {  	_ =	strace $0x90000050  }
0xea: {  	s0 =	stileid.u32;
	[bflag:$0x2] =	sbarrier.arrive $0xFFFF  }
0xeb: {  	p0 =	sne.s32 s0, $0x0;
	s0 =	rddreg [dreg:$0x3]  }
0xec: {  	s0 =	sadd.s32 @!p0 $0x100000, s0  }
0xed: {  	[sflag:s0] =	ssyncadd.tile.s32 @!p0 $0x1;
	_ =	shalt  }
.Lfunc_end2:
_tile_overlayer_lowered:
.L_overlay_start_2:
0xee: {  	(tag) =	ssettag $0x2  }
0xef: {  	s0 =	rddreg [dreg:$0x0];
	s2 =	stileid.u32  }
0xf0: {  	s1 =	rddreg [dreg:$0x1];
	p0 =	sne.s32 s2, $0x0  }
0xf1: {  	s3 =	rddreg [dreg:$0x2];
	[bflag:$0x3] =	sbarrier.arrive $0xFFFF;
	s2 =	simm.s32 @!p0 $0x1C03  }
0xf2: {  	[timem:s3], [sflag:s2] =	dma.local @!p0 [hbm:s0], s1  }
0xf3: {  	s0 =	simm.s32 @!p0 $0x3  }
0xf4: {  	_ =	swait.ge @!p0 [sflag:s0], s1  }
0xf5: {  	s1 =	ssub.s32 @!p0 $0x0, s1;
	[sflag:s0] =	ssyncset.done @!p0 $0x0  }
0xf6: {  	[sflag:s0] =	ssyncadd.s32 @!p0 s1  }
0xf7: {  	[bflag:$0x3] =	sbarrier.arrive $0xFFFF  }
0xf8: {  	_ =	shalt  }

</sc_bundles>
